<compile_context>
chip_gen: v7x
topology: tpu7x:2x2x1
jax: 0.10.2.dev20260603
libtpu: 0.0.44.dev20260713+nightly
codegen_flags: <defaults>
</compile_context>

<pallas_src>
import functools
import math

import jax
import jax.numpy as jnp
from jax import lax
from jax.experimental import pallas as pl
from jax.experimental.pallas import tpu as pltpu
from jax.experimental.pallas import tpu_sc as plsc

_N_BITS = 6
_BLOCK = 128



_WIDE = 512


def _hash_sort_body(q_ref, k_ref, rpad_ref, posq_ref, posk_ref,
                    iq_ref, ik_ref):
    b = pl.program_id(0)
    s = q_ref.shape[1]
    nblk = s // _WIDE
    nbkt = 1 << _N_BITS
    hiprec = lax.Precision.HIGHEST

    rpad = rpad_ref[...]
    rcol = lax.broadcasted_iota(jnp.int32, (128, 1), 0)
    wcol = jnp.where(rcol < _N_BITS, (jnp.int32(1) << rcol), 0)
    wcol = wcol.astype(jnp.float32)
    bkt_rowf = lax.broadcasted_iota(
        jnp.int32, (1, nbkt), 1).astype(jnp.float32)
    rw = lax.broadcasted_iota(jnp.int32, (_WIDE, _WIDE), 0)
    cw = lax.broadcasted_iota(jnp.int32, (_WIDE, _WIDE), 1)
    lstrict = (cw < rw).astype(jnp.bfloat16)
    idw = (cw == rw).astype(jnp.bfloat16)
    r64 = lax.broadcasted_iota(jnp.int32, (nbkt, nbkt), 0)
    c64 = lax.broadcasted_iota(jnp.int32, (nbkt, nbkt), 1)
    mtri = (r64 <= c64).astype(jnp.float32)

    x = jnp.concatenate([q_ref[0], k_ref[0]], axis=0)
    proj = lax.dot_general(x, rpad, (((1,), (0,)), ((), ())))
    bits = (proj > 0.0).astype(jnp.float32)
    bcol = lax.dot_general(bits, wcol, (((1,), (0,)), ((), ())))

    ohs = [(bcol[j * _WIDE:(j + 1) * _WIDE] == bkt_rowf).astype(jnp.bfloat16)
           for j in range(2 * nblk)]
    ohB = jnp.concatenate(ohs, axis=1)
    crunB = lax.dot_general(lstrict, ohB, (((1,), (0,)), ((), ())),
                            preferred_element_type=jnp.float32)
    lastc = (crunB[_WIDE - 1:_WIDE, :]
             + ohB[_WIDE - 1:_WIDE, :].astype(jnp.float32))
    cnt = [lastc[:, j * nbkt:(j + 1) * nbkt] for j in range(2 * nblk)]

    def tree_sum(parts):
        while len(parts) > 1:
            parts = [parts[i] + parts[i + 1] for i in range(0, len(parts), 2)]
        return parts[0]

    pos_cols = []
    for h, incl_ref in ((0, iq_ref), (1, ik_ref)):
        counts = tree_sum(cnt[h * nblk:(h + 1) * nblk])
        incl_row = lax.dot_general(counts, mtri, (((1,), (0,)), ((), ())),
                                   precision=hiprec)
        incl_ref[0] = incl_row.astype(jnp.int32)
        running = incl_row - counts
        for j in range(h * nblk, (h + 1) * nblk):
            t = jnp.where(ohs[j] > 0, crunB[:, j * nbkt:(j + 1) * nbkt]
                          + running, 0.0)
            pos_cols.append(jnp.sum(t, axis=1, keepdims=True))
            running = running + cnt[j]

    P = jnp.concatenate(pos_cols, axis=1)
    phi = jnp.floor(P * (1.0 / 128.0))
    plo = P - phi * 128.0
    pt_hi = lax.dot_general(phi.astype(jnp.bfloat16), idw,
                            (((0,), (0,)), ((), ())),
                            preferred_element_type=jnp.float32)
    pt_lo = lax.dot_general(plo.astype(jnp.bfloat16), idw,
                            (((0,), (0,)), ((), ())),
                            preferred_element_type=jnp.float32)
    PT = (pt_hi * 128.0 + pt_lo).astype(jnp.int32) + b * s
    posq_ref[0] = PT[:nblk]
    posk_ref[0] = PT[nblk:]


def _hash_positions(Q, K, rpad):
    B, S, dq = Q.shape
    nblk = S // _WIDE
    nbkt = 1 << _N_BITS
    o = jax.ShapeDtypeStruct((B, nblk, _WIDE), jnp.int32)
    oi = jax.ShapeDtypeStruct((B, 1, nbkt), jnp.int32)
    return pl.pallas_call(
        _hash_sort_body,
        grid=(B,),
        in_specs=[
            pl.BlockSpec((1, S, dq), lambda b: (b, 0, 0)),
            pl.BlockSpec((1, S, dq), lambda b: (b, 0, 0)),
            pl.BlockSpec((dq, 128), lambda b: (0, 0)),
        ],
        out_specs=[
            pl.BlockSpec((1, nblk, _WIDE), lambda b: (b, 0, 0)),
            pl.BlockSpec((1, nblk, _WIDE), lambda b: (b, 0, 0)),
            pl.BlockSpec((1, 1, nbkt), lambda b: (b, 0, 0)),
            pl.BlockSpec((1, 1, nbkt), lambda b: (b, 0, 0)),
        ],
        out_shape=[o, o, oi, oi],
    )(Q, K, rpad)



def _make_scatter(N, d):
    info = plsc.get_sparse_core_info()
    nw = info.num_cores * info.num_subcores
    rows_w = N // nw
    g = rows_w // 128
    mesh = plsc.VectorSubcoreMesh(core_axis_name="c", subcore_axis_name="s")
    of = jax.ShapeDtypeStruct((N, d), jnp.float32)

    @functools.partial(
        pl.kernel, mesh=mesh,
        out_type=[of, of, of],
        compiler_params=pltpu.CompilerParams(use_tc_tiling_on_sc=False),
        scratch_types=[
            pltpu.VMEM((g, 128), jnp.int32),
            pltpu.VMEM((rows_w, d), jnp.float32),
            pltpu.SemaphoreType.DMA,
        ],
    )
    def scatter3(qf, kf, vf, pq, pk, qs, ks, vs, idx_v, rows_v, sem):
        wid = lax.axis_index("s") * info.num_cores + lax.axis_index("c")
        base = wid * rows_w
        ib = wid * g
        pltpu.sync_copy(pq.at[pl.ds(ib, g)], idx_v)
        pltpu.sync_copy(qf.at[pl.ds(base, rows_w)], rows_v)
        for j in range(g):
            pltpu.async_copy(rows_v.at[pl.ds(j * 128, 128)],
                             qs.at[idx_v.at[j]], sem).wait()
        pltpu.sync_copy(pk.at[pl.ds(ib, g)], idx_v)
        pltpu.sync_copy(kf.at[pl.ds(base, rows_w)], rows_v)
        for j in range(g):
            pltpu.async_copy(rows_v.at[pl.ds(j * 128, 128)],
                             ks.at[idx_v.at[j]], sem).wait()
        pltpu.sync_copy(vf.at[pl.ds(base, rows_w)], rows_v)
        for j in range(g):
            pltpu.async_copy(rows_v.at[pl.ds(j * 128, 128)],
                             vs.at[idx_v.at[j]], sem).wait()

    return scatter3



_GRP = 16


def _attn_body(q_ref, kp_ref, kc_ref, vp_ref, vc_ref,
               iq_ref, ik_ref, o_ref):
    dq = q_ref.shape[-1]
    g = pl.program_id(1)
    scale = 1.0 / math.sqrt(dq)

    nbkt = iq_ref.shape[-1]
    rcol = lax.broadcasted_iota(jnp.int32, (128, 1), 0)
    lane = lax.broadcasted_iota(jnp.int32, (1, 128), 1)
    iq = iq_ref[0]
    r64 = lax.broadcasted_iota(jnp.int32, (nbkt, nbkt), 0)
    c64 = lax.broadcasted_iota(jnp.int32, (nbkt, nbkt), 1)
    id64 = (c64 == r64).astype(jnp.float32)
    ik_col = lax.dot_general(id64, ik_ref[0].astype(jnp.float32),
                             (((1,), (1,)), ((), ())),
                             precision=lax.Precision.HIGHEST)
    ik_col = ik_col.astype(jnp.int32)

    base = g * _GRP * 128
    for j in range(_GRP):
        q = q_ref[0, j].astype(jnp.bfloat16)
        kp = (kp_ref[0, 0] if j == 0 else kc_ref[0, j - 1]).astype(
            jnp.bfloat16)
        kc = kc_ref[0, j].astype(jnp.bfloat16)
        sp = lax.dot_general(q, kp, (((1,), (1,)), ((), ())),
                             preferred_element_type=jnp.float32) * scale
        sc = lax.dot_general(q, kc, (((1,), (1,)), ((), ())),
                             preferred_element_type=jnp.float32) * scale
        bq_col = jnp.sum((iq <= base + j * 128 + rcol).astype(jnp.int32),
                         axis=1, keepdims=True)
        pprev = (base + (j - 1) * 128) % (pl.num_programs(1) * _GRP * 128)
        bkp_row = jnp.sum((ik_col <= pprev + lane).astype(jnp.int32),
                          axis=0, keepdims=True)
        bkc_row = jnp.sum((ik_col <= base + j * 128 + lane).astype(jnp.int32),
                          axis=0, keepdims=True)
        mkp = bq_col == bkp_row
        mkc = bq_col == bkc_row
        s = jnp.concatenate([jnp.where(mkp, sp, jnp.float32(-1e9)),
                             jnp.where(mkc, sc, jnp.float32(-1e9))], axis=1)
        m = jnp.max(s, axis=1, keepdims=True)
        e = jnp.exp(s - m)
        attn = e / jnp.sum(e, axis=1, keepdims=True)
        anyv = jnp.max(
            jnp.concatenate([mkp, mkc], axis=1).astype(jnp.float32),
            axis=1, keepdims=True) > 0.0
        attn = jnp.where(anyv, attn, 0.0)
        vcat = jnp.concatenate(
            [vp_ref[0, 0] if j == 0 else vc_ref[0, j - 1], vc_ref[0, j]],
            axis=0).astype(jnp.bfloat16)
        o_ref[0, j] = lax.dot_general(attn.astype(jnp.bfloat16), vcat,
                                      (((1,), (0,)), ((), ())),
                                      preferred_element_type=jnp.float32)


def _block_attention(Qs4, Ks4, Vs4, inclq, inclk):
    B, nb, blk, dq = Qs4.shape
    dv = Vs4.shape[-1]
    nbkt = inclq.shape[-1]

    def cur4(b, g):
        return (b, g, 0, 0)

    def prev1(b, g):
        return (b, (g * _GRP + nb - 1) % nb, 0, 0)

    def incl3(b, g):
        return (b, 0, 0)

    bsq = pl.BlockSpec((1, _GRP, blk, dq), cur4)
    bskp = pl.BlockSpec((1, 1, blk, dq), prev1)
    bskc = pl.BlockSpec((1, _GRP, blk, dq), cur4)
    bsvp = pl.BlockSpec((1, 1, blk, dv), prev1)
    bsvc = pl.BlockSpec((1, _GRP, blk, dv), cur4)
    bsi = pl.BlockSpec((1, 1, nbkt), incl3)
    return pl.pallas_call(
        _attn_body,
        grid=(B, nb // _GRP),
        in_specs=[bsq, bskp, bskc, bsvp, bsvc, bsi, bsi],
        out_specs=pl.BlockSpec((1, _GRP, blk, dv), cur4),
        out_shape=jax.ShapeDtypeStruct((B, nb, blk, dv), jnp.float32),
    )(Qs4, Ks4, Ks4, Vs4, Vs4, inclq, inclk)



def _make_gather(N, d):
    info = plsc.get_sparse_core_info()
    nw = info.num_cores * info.num_subcores
    rows_w = N // nw
    g = rows_w // 128
    mesh = plsc.VectorSubcoreMesh(core_axis_name="c", subcore_axis_name="s")

    @functools.partial(
        pl.kernel, mesh=mesh,
        out_type=jax.ShapeDtypeStruct((N, d), jnp.float32),
        compiler_params=pltpu.CompilerParams(use_tc_tiling_on_sc=False),
        scratch_types=[
            pltpu.VMEM((g, 128), jnp.int32),
            pltpu.VMEM((rows_w, d), jnp.float32),
            pltpu.SemaphoreType.DMA,
        ],
    )
    def gather1(of, pq, out, idx_v, rows_v, sem):
        wid = lax.axis_index("s") * info.num_cores + lax.axis_index("c")
        base = wid * rows_w
        ib = wid * g
        pltpu.sync_copy(pq.at[pl.ds(ib, g)], idx_v)
        for j in range(g):
            pltpu.async_copy(of.at[idx_v.at[j]],
                             rows_v.at[pl.ds(j * 128, 128)], sem).wait()
        pltpu.sync_copy(rows_v, out.at[pl.ds(base, rows_w)])

    return gather1



def kernel(Q, K, V):
    B, S, dq = Q.shape
    dv = V.shape[-1]
    nb = S // _BLOCK
    N = B * S
    R = jax.random.normal(jax.random.key(42), (dq, _N_BITS),
                          dtype=jnp.float32)
    rpad = jnp.zeros((dq, 128), jnp.float32).at[:, :_N_BITS].set(R)

    posq, posk, inclq, inclk = _hash_positions(Q, K, rpad)
    pq2 = posq.reshape(N // 128, 128)
    pk2 = posk.reshape(N // 128, 128)

    Qs, Ks, Vs = _make_scatter(N, dq)(
        Q.reshape(N, dq), K.reshape(N, dq), V.reshape(N, dv), pq2, pk2)

    O4 = _block_attention(
        Qs.reshape(B, nb, _BLOCK, dq), Ks.reshape(B, nb, _BLOCK, dq),
        Vs.reshape(B, nb, _BLOCK, dv), inclq, inclk)

    out = _make_gather(N, dv)(O4.reshape(N, dv), pq2)
    return out.reshape(B, S, dv)

# --- scband reference (transcript-rebuilt; emitter-appended) ---
"""Pipeline reference for scband-locality-sensitive-hashing-attention-28080496181298 (READ-ONLY COPY).

The authoritative reference and input builder live on the scoring server;
editing this copy changes nothing except your own understanding.
"""

import jax, jax.numpy as jnp
import numpy as np

N_BITS = 6      # 2**6 = 64 hash buckets
BLOCK = 128     # sorted-bucket block size


def _hash(x, R):
    # x: [B, S, d], R: [d, n_bits] random hyperplanes -> bucket id [B, S]
    proj = jnp.einsum('bsd,dn->bsn', x, R)
    bits = (proj > 0).astype(jnp.int32)
    weights = (2 ** jnp.arange(N_BITS, dtype=jnp.int32))
    return jnp.sum(bits * weights, axis=-1)


def _lsh_attention(Q, K, V):
    B, S, dq = Q.shape
    dv = V.shape[-1]
    # fixed random projection (shared for Q and K so buckets are comparable)
    R = jax.random.normal(jax.random.key(42), (dq, N_BITS), dtype=jnp.float32)
    bq = _hash(Q, R)   # [B, S]
    bk = _hash(K, R)   # [B, S]
    # stable sort tokens by bucket id
    perm_q = jnp.argsort(bq, axis=-1)
    perm_k = jnp.argsort(bk, axis=-1)
    Qs = jnp.take_along_axis(Q, perm_q[..., None], axis=1)
    Ks = jnp.take_along_axis(K, perm_k[..., None], axis=1)
    Vs = jnp.take_along_axis(V, perm_k[..., None], axis=1)
    bqs = jnp.take_along_axis(bq, perm_q, axis=1)
    bks = jnp.take_along_axis(bk, perm_k, axis=1)
    nb = S // BLOCK
    Qb = Qs.reshape(B, nb, BLOCK, dq)
    Kb = Ks.reshape(B, nb, BLOCK, dq)
    Vb = Vs.reshape(B, nb, BLOCK, dv)
    bqb = bqs.reshape(B, nb, BLOCK)
    bkb = bks.reshape(B, nb, BLOCK)
    # each query block attends to its own key block plus the previous one (bucket spill-over)
    Kcat = jnp.concatenate([jnp.roll(Kb, 1, axis=1), Kb], axis=2)      # [B, nb, 2C, dq]
    Vcat = jnp.concatenate([jnp.roll(Vb, 1, axis=1), Vb], axis=2)      # [B, nb, 2C, dv]
    bkcat = jnp.concatenate([jnp.roll(bkb, 1, axis=1), bkb], axis=2)   # [B, nb, 2C]
    scores = jnp.einsum('bncd,bnkd->bnck', Qb, Kcat) / jnp.sqrt(jnp.float32(dq))
    mask = bqb[..., :, None] == bkcat[..., None, :]
    scores = jnp.where(mask, scores, jnp.float32(-1e9))
    attn = jax.nn.softmax(scores, axis=-1)
    any_valid = jnp.any(mask, axis=-1, keepdims=True)
    attn = jnp.where(any_valid, attn, 0.0)
    Ob = jnp.einsum('bnck,bnkd->bncd', attn, Vcat)
    Os = Ob.reshape(B, S, dv)
    # scatter back to original token order
    inv = jnp.argsort(perm_q, axis=-1)
    return jnp.take_along_axis(Os, inv[..., None], axis=1)


def setup_inputs(seed: int = 0) -> dict:
    key = jax.random.key(seed)
    kq, kk, kv = jax.random.split(key, 3)
    B, S, dq, dv = 4, 8192, 64, 64
    Q = jax.random.normal(kq, (B, S, dq), dtype=jnp.float32)
    K = jax.random.normal(kk, (B, S, dq), dtype=jnp.float32)
    V = jax.random.normal(kv, (B, S, dv), dtype=jnp.float32)
    return {"Q": Q, "K": K, "V": V}


def reference(Q, K, V):
    return _lsh_attention(Q, K, V)

if __name__ == "__main__":
    import jax
    _d = setup_inputs()
    print(jax.jit(kernel)(*tuple(_d.values())))

</pallas_src>

<mosaic_0001>
#map = affine_map<(d0, d1) -> (0, 0)>
module attributes {stable_mosaic.version = 14 : i64} {
  func.func @gather1(%arg0: i32, %arg1: i32, %arg2: memref<32768x64xf32, #tpu.memory_space<hbm>>, %arg3: memref<256x128xi32, #tpu.memory_space<hbm>>, %arg4: memref<32768x64xf32, #tpu.memory_space<hbm>>, %arg5: memref<8x128xi32, #tpu.memory_space<vmem>>, %arg6: memref<1024x64xf32, #tpu.memory_space<vmem>>, %arg7: memref<!tpu.dma_semaphore, #tpu.memory_space<semaphore_mem>>) attributes {dimension_semantics = [#tpu.dimension_semantics<core_parallel>, #tpu.dimension_semantics<subcore_parallel>], iteration_bounds = array<i64: 2, 16>, scalar_prefetch = 0 : i64, scratch_operands = 3 : i64, tpu.core_type = #tpu.core_type<sc_vector_subcore>, window_params = [{transform_indices = #map}, {transform_indices = #map}, {transform_indices = #map}]} {
    %mul3A = arith.constant 2 : i32
    %mul3A_0 = arith.muli %arg1, %mul3A : i32
    %add3A = arith.addi %mul3A_0, %arg0 : i32
    %mul3A_1 = arith.constant 1024 : i32
    %mul3A_2 = arith.muli %add3A, %mul3A_1 : i32
    %mul3A_3 = arith.constant 8 : i32
    %mul3A_4 = arith.muli %add3A, %mul3A_3 : i32
    "tpu.region"() ({
      %run_scoped3A = tpu.sem_alloc : memref<!tpu.dma_semaphore, #tpu.memory_space<semaphore_mem>>
      %dma_start3A_163 = arith.constant 0 : i32
      %dma_start3A_164 = tpu.memref_slice %arg3[%mul3A_4, %dma_start3A_163] : memref<256x128xi32, #tpu.memory_space<hbm>> -> memref<8x128xi32, #tpu.memory_space<hbm>>
      %dma_start3A_165 = arith.constant 0 : i32
      %dma_start3A_166 = tpu.memref_slice %arg3[%mul3A_4, %dma_start3A_165] : memref<256x128xi32, #tpu.memory_space<hbm>> -> memref<8x128xi32, #tpu.memory_space<hbm>>
      tpu.enqueue_dma source(%dma_start3A_166 : memref<8x128xi32, #tpu.memory_space<hbm>>) target(%arg5 : memref<8x128xi32, #tpu.memory_space<vmem>>) target_semaphore(%run_scoped3A : memref<!tpu.dma_semaphore, #tpu.memory_space<semaphore_mem>>)
      %dma_wait3A_167 = arith.constant 0 : i32
      %dma_wait3A_168 = tpu.memref_slice %arg3[%mul3A_4, %dma_wait3A_167] : memref<256x128xi32, #tpu.memory_space<hbm>> -> memref<8x128xi32, #tpu.memory_space<hbm>>
      %dma_wait3A_169 = arith.constant 0 : i32
      %dma_wait3A_170 = tpu.memref_slice %arg3[%mul3A_4, %dma_wait3A_169] : memref<256x128xi32, #tpu.memory_space<hbm>> -> memref<8x128xi32, #tpu.memory_space<hbm>>
      tpu.wait_dma2 semaphore(%run_scoped3A : memref<!tpu.dma_semaphore, #tpu.memory_space<semaphore_mem>>) src(%dma_wait3A_170 : memref<8x128xi32, #tpu.memory_space<hbm>>) dst(%arg5 : memref<8x128xi32, #tpu.memory_space<vmem>>)
      tpu.yield
    }) : () -> ()
    %dma_start3A = arith.constant 0 : i32
    %dma_start3A_5 = arith.constant 0 : i32
    %dma_start3A_6 = arith.constant 0 : i32
    %dma_start3A_7 = tpu.memref_slice %arg6[%dma_start3A_5, %dma_start3A_6] : memref<1024x64xf32, #tpu.memory_space<vmem>> -> memref<128x64xf32, #tpu.memory_space<vmem>>
    %dma_start3A_8 = arith.constant 0 : i32
    %dma_start3A_9 = tpu.memref_slice %arg5[%dma_start3A, %dma_start3A_8] : memref<8x128xi32, #tpu.memory_space<vmem>> -> memref<1x128xi32, #tpu.memory_space<vmem>>
    %dma_start3A_10 = tpu.memref_squeeze %dma_start3A_9 : memref<1x128xi32, #tpu.memory_space<vmem>> -> memref<128xi32, #tpu.memory_space<vmem>>
    %dma_start3A_11 = arith.constant 0 : i32
    %dma_start3A_12 = arith.constant 0 : i32
    %dma_start3A_13 = tpu.memref_slice %arg2[%dma_start3A_11, %dma_start3A_12] : memref<32768x64xf32, #tpu.memory_space<hbm>> -> memref<32768x64xf32, #tpu.memory_space<hbm>>
    tpu.enqueue_indirect_dma source(%dma_start3A_13 : memref<32768x64xf32, #tpu.memory_space<hbm>>) target(%dma_start3A_7 : memref<128x64xf32, #tpu.memory_space<vmem>>) offsets(%dma_start3A_10 : memref<128xi32, #tpu.memory_space<vmem>>) semaphore(%arg7 : memref<!tpu.dma_semaphore, #tpu.memory_space<semaphore_mem>>)
    %dma_wait3A = arith.constant 0 : i32
    %dma_wait3A_14 = arith.constant 0 : i32
    %dma_wait3A_15 = arith.constant 0 : i32
    %dma_wait3A_16 = tpu.memref_slice %arg6[%dma_wait3A_14, %dma_wait3A_15] : memref<1024x64xf32, #tpu.memory_space<vmem>> -> memref<128x64xf32, #tpu.memory_space<vmem>>
    %dma_wait3A_17 = arith.constant 0 : i32
    %dma_wait3A_18 = tpu.memref_slice %arg5[%dma_wait3A, %dma_wait3A_17] : memref<8x128xi32, #tpu.memory_space<vmem>> -> memref<1x128xi32, #tpu.memory_space<vmem>>
    %dma_wait3A_19 = tpu.memref_squeeze %dma_wait3A_18 : memref<1x128xi32, #tpu.memory_space<vmem>> -> memref<128xi32, #tpu.memory_space<vmem>>
    %dma_wait3A_20 = arith.constant 0 : i32
    %dma_wait3A_21 = arith.constant 0 : i32
    %dma_wait3A_22 = tpu.memref_slice %arg2[%dma_wait3A_20, %dma_wait3A_21] : memref<32768x64xf32, #tpu.memory_space<hbm>> -> memref<32768x64xf32, #tpu.memory_space<hbm>>
    tpu.wait_indirect_dma semaphore(%arg7 : memref<!tpu.dma_semaphore, #tpu.memory_space<semaphore_mem>>) src(%dma_wait3A_22 : memref<32768x64xf32, #tpu.memory_space<hbm>>) dst(%dma_wait3A_16 : memref<128x64xf32, #tpu.memory_space<vmem>>)
    %dma_start3A_23 = arith.constant 1 : i32
    %dma_start3A_24 = arith.constant 128 : i32
    %dma_start3A_25 = arith.constant 0 : i32
    %dma_start3A_26 = tpu.memref_slice %arg6[%dma_start3A_24, %dma_start3A_25] : memref<1024x64xf32, #tpu.memory_space<vmem>> -> memref<128x64xf32, #tpu.memory_space<vmem>>
    %dma_start3A_27 = arith.constant 0 : i32
    %dma_start3A_28 = tpu.memref_slice %arg5[%dma_start3A_23, %dma_start3A_27] : memref<8x128xi32, #tpu.memory_space<vmem>> -> memref<1x128xi32, #tpu.memory_space<vmem>>
    %dma_start3A_29 = tpu.memref_squeeze %dma_start3A_28 : memref<1x128xi32, #tpu.memory_space<vmem>> -> memref<128xi32, #tpu.memory_space<vmem>>
    %dma_start3A_30 = arith.constant 0 : i32
    %dma_start3A_31 = arith.constant 0 : i32
    %dma_start3A_32 = tpu.memref_slice %arg2[%dma_start3A_30, %dma_start3A_31] : memref<32768x64xf32, #tpu.memory_space<hbm>> -> memref<32768x64xf32, #tpu.memory_space<hbm>>
    tpu.enqueue_indirect_dma source(%dma_start3A_32 : memref<32768x64xf32, #tpu.memory_space<hbm>>) target(%dma_start3A_26 : memref<128x64xf32, #tpu.memory_space<vmem>>) offsets(%dma_start3A_29 : memref<128xi32, #tpu.memory_space<vmem>>) semaphore(%arg7 : memref<!tpu.dma_semaphore, #tpu.memory_space<semaphore_mem>>)
    %dma_wait3A_33 = arith.constant 1 : i32
    %dma_wait3A_34 = arith.constant 128 : i32
    %dma_wait3A_35 = arith.constant 0 : i32
    %dma_wait3A_36 = tpu.memref_slice %arg6[%dma_wait3A_34, %dma_wait3A_35] : memref<1024x64xf32, #tpu.memory_space<vmem>> -> memref<128x64xf32, #tpu.memory_space<vmem>>
    %dma_wait3A_37 = arith.constant 0 : i32
    %dma_wait3A_38 = tpu.memref_slice %arg5[%dma_wait3A_33, %dma_wait3A_37] : memref<8x128xi32, #tpu.memory_space<vmem>> -> memref<1x128xi32, #tpu.memory_space<vmem>>
    %dma_wait3A_39 = tpu.memref_squeeze %dma_wait3A_38 : memref<1x128xi32, #tpu.memory_space<vmem>> -> memref<128xi32, #tpu.memory_space<vmem>>
    %dma_wait3A_40 = arith.constant 0 : i32
    %dma_wait3A_41 = arith.constant 0 : i32
    %dma_wait3A_42 = tpu.memref_slice %arg2[%dma_wait3A_40, %dma_wait3A_41] : memref<32768x64xf32, #tpu.memory_space<hbm>> -> memref<32768x64xf32, #tpu.memory_space<hbm>>
    tpu.wait_indirect_dma semaphore(%arg7 : memref<!tpu.dma_semaphore, #tpu.memory_space<semaphore_mem>>) src(%dma_wait3A_42 : memref<32768x64xf32, #tpu.memory_space<hbm>>) dst(%dma_wait3A_36 : memref<128x64xf32, #tpu.memory_space<vmem>>)
    %dma_start3A_43 = arith.constant 2 : i32
    %dma_start3A_44 = arith.constant 256 : i32
    %dma_start3A_45 = arith.constant 0 : i32
    %dma_start3A_46 = tpu.memref_slice %arg6[%dma_start3A_44, %dma_start3A_45] : memref<1024x64xf32, #tpu.memory_space<vmem>> -> memref<128x64xf32, #tpu.memory_space<vmem>>
    %dma_start3A_47 = arith.constant 0 : i32
    %dma_start3A_48 = tpu.memref_slice %arg5[%dma_start3A_43, %dma_start3A_47] : memref<8x128xi32, #tpu.memory_space<vmem>> -> memref<1x128xi32, #tpu.memory_space<vmem>>
    %dma_start3A_49 = tpu.memref_squeeze %dma_start3A_48 : memref<1x128xi32, #tpu.memory_space<vmem>> -> memref<128xi32, #tpu.memory_space<vmem>>
    %dma_start3A_50 = arith.constant 0 : i32
    %dma_start3A_51 = arith.constant 0 : i32
    %dma_start3A_52 = tpu.memref_slice %arg2[%dma_start3A_50, %dma_start3A_51] : memref<32768x64xf32, #tpu.memory_space<hbm>> -> memref<32768x64xf32, #tpu.memory_space<hbm>>
    tpu.enqueue_indirect_dma source(%dma_start3A_52 : memref<32768x64xf32, #tpu.memory_space<hbm>>) target(%dma_start3A_46 : memref<128x64xf32, #tpu.memory_space<vmem>>) offsets(%dma_start3A_49 : memref<128xi32, #tpu.memory_space<vmem>>) semaphore(%arg7 : memref<!tpu.dma_semaphore, #tpu.memory_space<semaphore_mem>>)
    %dma_wait3A_53 = arith.constant 2 : i32
    %dma_wait3A_54 = arith.constant 256 : i32
    %dma_wait3A_55 = arith.constant 0 : i32
    %dma_wait3A_56 = tpu.memref_slice %arg6[%dma_wait3A_54, %dma_wait3A_55] : memref<1024x64xf32, #tpu.memory_space<vmem>> -> memref<128x64xf32, #tpu.memory_space<vmem>>
    %dma_wait3A_57 = arith.constant 0 : i32
    %dma_wait3A_58 = tpu.memref_slice %arg5[%dma_wait3A_53, %dma_wait3A_57] : memref<8x128xi32, #tpu.memory_space<vmem>> -> memref<1x128xi32, #tpu.memory_space<vmem>>
    %dma_wait3A_59 = tpu.memref_squeeze %dma_wait3A_58 : memref<1x128xi32, #tpu.memory_space<vmem>> -> memref<128xi32, #tpu.memory_space<vmem>>
    %dma_wait3A_60 = arith.constant 0 : i32
    %dma_wait3A_61 = arith.constant 0 : i32
    %dma_wait3A_62 = tpu.memref_slice %arg2[%dma_wait3A_60, %dma_wait3A_61] : memref<32768x64xf32, #tpu.memory_space<hbm>> -> memref<32768x64xf32, #tpu.memory_space<hbm>>
    tpu.wait_indirect_dma semaphore(%arg7 : memref<!tpu.dma_semaphore, #tpu.memory_space<semaphore_mem>>) src(%dma_wait3A_62 : memref<32768x64xf32, #tpu.memory_space<hbm>>) dst(%dma_wait3A_56 : memref<128x64xf32, #tpu.memory_space<vmem>>)
    %dma_start3A_63 = arith.constant 3 : i32
    %dma_start3A_64 = arith.constant 384 : i32
    %dma_start3A_65 = arith.constant 0 : i32
    %dma_start3A_66 = tpu.memref_slice %arg6[%dma_start3A_64, %dma_start3A_65] : memref<1024x64xf32, #tpu.memory_space<vmem>> -> memref<128x64xf32, #tpu.memory_space<vmem>>
    %dma_start3A_67 = arith.constant 0 : i32
    %dma_start3A_68 = tpu.memref_slice %arg5[%dma_start3A_63, %dma_start3A_67] : memref<8x128xi32, #tpu.memory_space<vmem>> -> memref<1x128xi32, #tpu.memory_space<vmem>>
    %dma_start3A_69 = tpu.memref_squeeze %dma_start3A_68 : memref<1x128xi32, #tpu.memory_space<vmem>> -> memref<128xi32, #tpu.memory_space<vmem>>
    %dma_start3A_70 = arith.constant 0 : i32
    %dma_start3A_71 = arith.constant 0 : i32
    %dma_start3A_72 = tpu.memref_slice %arg2[%dma_start3A_70, %dma_start3A_71] : memref<32768x64xf32, #tpu.memory_space<hbm>> -> memref<32768x64xf32, #tpu.memory_space<hbm>>
    tpu.enqueue_indirect_dma source(%dma_start3A_72 : memref<32768x64xf32, #tpu.memory_space<hbm>>) target(%dma_start3A_66 : memref<128x64xf32, #tpu.memory_space<vmem>>) offsets(%dma_start3A_69 : memref<128xi32, #tpu.memory_space<vmem>>) semaphore(%arg7 : memref<!tpu.dma_semaphore, #tpu.memory_space<semaphore_mem>>)
    %dma_wait3A_73 = arith.constant 3 : i32
    %dma_wait3A_74 = arith.constant 384 : i32
    %dma_wait3A_75 = arith.constant 0 : i32
    %dma_wait3A_76 = tpu.memref_slice %arg6[%dma_wait3A_74, %dma_wait3A_75] : memref<1024x64xf32, #tpu.memory_space<vmem>> -> memref<128x64xf32, #tpu.memory_space<vmem>>
    %dma_wait3A_77 = arith.constant 0 : i32
    %dma_wait3A_78 = tpu.memref_slice %arg5[%dma_wait3A_73, %dma_wait3A_77] : memref<8x128xi32, #tpu.memory_space<vmem>> -> memref<1x128xi32, #tpu.memory_space<vmem>>
    %dma_wait3A_79 = tpu.memref_squeeze %dma_wait3A_78 : memref<1x128xi32, #tpu.memory_space<vmem>> -> memref<128xi32, #tpu.memory_space<vmem>>
    %dma_wait3A_80 = arith.constant 0 : i32
    %dma_wait3A_81 = arith.constant 0 : i32
    %dma_wait3A_82 = tpu.memref_slice %arg2[%dma_wait3A_80, %dma_wait3A_81] : memref<32768x64xf32, #tpu.memory_space<hbm>> -> memref<32768x64xf32, #tpu.memory_space<hbm>>
    tpu.wait_indirect_dma semaphore(%arg7 : memref<!tpu.dma_semaphore, #tpu.memory_space<semaphore_mem>>) src(%dma_wait3A_82 : memref<32768x64xf32, #tpu.memory_space<hbm>>) dst(%dma_wait3A_76 : memref<128x64xf32, #tpu.memory_space<vmem>>)
    %dma_start3A_83 = arith.constant 4 : i32
    %dma_start3A_84 = arith.constant 512 : i32
    %dma_start3A_85 = arith.constant 0 : i32
    %dma_start3A_86 = tpu.memref_slice %arg6[%dma_start3A_84, %dma_start3A_85] : memref<1024x64xf32, #tpu.memory_space<vmem>> -> memref<128x64xf32, #tpu.memory_space<vmem>>
    %dma_start3A_87 = arith.constant 0 : i32
    %dma_start3A_88 = tpu.memref_slice %arg5[%dma_start3A_83, %dma_start3A_87] : memref<8x128xi32, #tpu.memory_space<vmem>> -> memref<1x128xi32, #tpu.memory_space<vmem>>
    %dma_start3A_89 = tpu.memref_squeeze %dma_start3A_88 : memref<1x128xi32, #tpu.memory_space<vmem>> -> memref<128xi32, #tpu.memory_space<vmem>>
    %dma_start3A_90 = arith.constant 0 : i32
    %dma_start3A_91 = arith.constant 0 : i32
    %dma_start3A_92 = tpu.memref_slice %arg2[%dma_start3A_90, %dma_start3A_91] : memref<32768x64xf32, #tpu.memory_space<hbm>> -> memref<32768x64xf32, #tpu.memory_space<hbm>>
    tpu.enqueue_indirect_dma source(%dma_start3A_92 : memref<32768x64xf32, #tpu.memory_space<hbm>>) target(%dma_start3A_86 : memref<128x64xf32, #tpu.memory_space<vmem>>) offsets(%dma_start3A_89 : memref<128xi32, #tpu.memory_space<vmem>>) semaphore(%arg7 : memref<!tpu.dma_semaphore, #tpu.memory_space<semaphore_mem>>)
    %dma_wait3A_93 = arith.constant 4 : i32
    %dma_wait3A_94 = arith.constant 512 : i32
    %dma_wait3A_95 = arith.constant 0 : i32
    %dma_wait3A_96 = tpu.memref_slice %arg6[%dma_wait3A_94, %dma_wait3A_95] : memref<1024x64xf32, #tpu.memory_space<vmem>> -> memref<128x64xf32, #tpu.memory_space<vmem>>
    %dma_wait3A_97 = arith.constant 0 : i32
    %dma_wait3A_98 = tpu.memref_slice %arg5[%dma_wait3A_93, %dma_wait3A_97] : memref<8x128xi32, #tpu.memory_space<vmem>> -> memref<1x128xi32, #tpu.memory_space<vmem>>
    %dma_wait3A_99 = tpu.memref_squeeze %dma_wait3A_98 : memref<1x128xi32, #tpu.memory_space<vmem>> -> memref<128xi32, #tpu.memory_space<vmem>>
    %dma_wait3A_100 = arith.constant 0 : i32
    %dma_wait3A_101 = arith.constant 0 : i32
    %dma_wait3A_102 = tpu.memref_slice %arg2[%dma_wait3A_100, %dma_wait3A_101] : memref<32768x64xf32, #tpu.memory_space<hbm>> -> memref<32768x64xf32, #tpu.memory_space<hbm>>
    tpu.wait_indirect_dma semaphore(%arg7 : memref<!tpu.dma_semaphore, #tpu.memory_space<semaphore_mem>>) src(%dma_wait3A_102 : memref<32768x64xf32, #tpu.memory_space<hbm>>) dst(%dma_wait3A_96 : memref<128x64xf32, #tpu.memory_space<vmem>>)
    %dma_start3A_103 = arith.constant 5 : i32
    %dma_start3A_104 = arith.constant 640 : i32
    %dma_start3A_105 = arith.constant 0 : i32
    %dma_start3A_106 = tpu.memref_slice %arg6[%dma_start3A_104, %dma_start3A_105] : memref<1024x64xf32, #tpu.memory_space<vmem>> -> memref<128x64xf32, #tpu.memory_space<vmem>>
    %dma_start3A_107 = arith.constant 0 : i32
    %dma_start3A_108 = tpu.memref_slice %arg5[%dma_start3A_103, %dma_start3A_107] : memref<8x128xi32, #tpu.memory_space<vmem>> -> memref<1x128xi32, #tpu.memory_space<vmem>>
    %dma_start3A_109 = tpu.memref_squeeze %dma_start3A_108 : memref<1x128xi32, #tpu.memory_space<vmem>> -> memref<128xi32, #tpu.memory_space<vmem>>
    %dma_start3A_110 = arith.constant 0 : i32
    %dma_start3A_111 = arith.constant 0 : i32
    %dma_start3A_112 = tpu.memref_slice %arg2[%dma_start3A_110, %dma_start3A_111] : memref<32768x64xf32, #tpu.memory_space<hbm>> -> memref<32768x64xf32, #tpu.memory_space<hbm>>
    tpu.enqueue_indirect_dma source(%dma_start3A_112 : memref<32768x64xf32, #tpu.memory_space<hbm>>) target(%dma_start3A_106 : memref<128x64xf32, #tpu.memory_space<vmem>>) offsets(%dma_start3A_109 : memref<128xi32, #tpu.memory_space<vmem>>) semaphore(%arg7 : memref<!tpu.dma_semaphore, #tpu.memory_space<semaphore_mem>>)
    %dma_wait3A_113 = arith.constant 5 : i32
    %dma_wait3A_114 = arith.constant 640 : i32
    %dma_wait3A_115 = arith.constant 0 : i32
    %dma_wait3A_116 = tpu.memref_slice %arg6[%dma_wait3A_114, %dma_wait3A_115] : memref<1024x64xf32, #tpu.memory_space<vmem>> -> memref<128x64xf32, #tpu.memory_space<vmem>>
    %dma_wait3A_117 = arith.constant 0 : i32
    %dma_wait3A_118 = tpu.memref_slice %arg5[%dma_wait3A_113, %dma_wait3A_117] : memref<8x128xi32, #tpu.memory_space<vmem>> -> memref<1x128xi32, #tpu.memory_space<vmem>>
    %dma_wait3A_119 = tpu.memref_squeeze %dma_wait3A_118 : memref<1x128xi32, #tpu.memory_space<vmem>> -> memref<128xi32, #tpu.memory_space<vmem>>
    %dma_wait3A_120 = arith.constant 0 : i32
    %dma_wait3A_121 = arith.constant 0 : i32
    %dma_wait3A_122 = tpu.memref_slice %arg2[%dma_wait3A_120, %dma_wait3A_121] : memref<32768x64xf32, #tpu.memory_space<hbm>> -> memref<32768x64xf32, #tpu.memory_space<hbm>>
    tpu.wait_indirect_dma semaphore(%arg7 : memref<!tpu.dma_semaphore, #tpu.memory_space<semaphore_mem>>) src(%dma_wait3A_122 : memref<32768x64xf32, #tpu.memory_space<hbm>>) dst(%dma_wait3A_116 : memref<128x64xf32, #tpu.memory_space<vmem>>)
    %dma_start3A_123 = arith.constant 6 : i32
    %dma_start3A_124 = arith.constant 768 : i32
    %dma_start3A_125 = arith.constant 0 : i32
    %dma_start3A_126 = tpu.memref_slice %arg6[%dma_start3A_124, %dma_start3A_125] : memref<1024x64xf32, #tpu.memory_space<vmem>> -> memref<128x64xf32, #tpu.memory_space<vmem>>
    %dma_start3A_127 = arith.constant 0 : i32
    %dma_start3A_128 = tpu.memref_slice %arg5[%dma_start3A_123, %dma_start3A_127] : memref<8x128xi32, #tpu.memory_space<vmem>> -> memref<1x128xi32, #tpu.memory_space<vmem>>
    %dma_start3A_129 = tpu.memref_squeeze %dma_start3A_128 : memref<1x128xi32, #tpu.memory_space<vmem>> -> memref<128xi32, #tpu.memory_space<vmem>>
    %dma_start3A_130 = arith.constant 0 : i32
    %dma_start3A_131 = arith.constant 0 : i32
    %dma_start3A_132 = tpu.memref_slice %arg2[%dma_start3A_130, %dma_start3A_131] : memref<32768x64xf32, #tpu.memory_space<hbm>> -> memref<32768x64xf32, #tpu.memory_space<hbm>>
    tpu.enqueue_indirect_dma source(%dma_start3A_132 : memref<32768x64xf32, #tpu.memory_space<hbm>>) target(%dma_start3A_126 : memref<128x64xf32, #tpu.memory_space<vmem>>) offsets(%dma_start3A_129 : memref<128xi32, #tpu.memory_space<vmem>>) semaphore(%arg7 : memref<!tpu.dma_semaphore, #tpu.memory_space<semaphore_mem>>)
    %dma_wait3A_133 = arith.constant 6 : i32
    %dma_wait3A_134 = arith.constant 768 : i32
    %dma_wait3A_135 = arith.constant 0 : i32
    %dma_wait3A_136 = tpu.memref_slice %arg6[%dma_wait3A_134, %dma_wait3A_135] : memref<1024x64xf32, #tpu.memory_space<vmem>> -> memref<128x64xf32, #tpu.memory_space<vmem>>
    %dma_wait3A_137 = arith.constant 0 : i32
    %dma_wait3A_138 = tpu.memref_slice %arg5[%dma_wait3A_133, %dma_wait3A_137] : memref<8x128xi32, #tpu.memory_space<vmem>> -> memref<1x128xi32, #tpu.memory_space<vmem>>
    %dma_wait3A_139 = tpu.memref_squeeze %dma_wait3A_138 : memref<1x128xi32, #tpu.memory_space<vmem>> -> memref<128xi32, #tpu.memory_space<vmem>>
    %dma_wait3A_140 = arith.constant 0 : i32
    %dma_wait3A_141 = arith.constant 0 : i32
    %dma_wait3A_142 = tpu.memref_slice %arg2[%dma_wait3A_140, %dma_wait3A_141] : memref<32768x64xf32, #tpu.memory_space<hbm>> -> memref<32768x64xf32, #tpu.memory_space<hbm>>
    tpu.wait_indirect_dma semaphore(%arg7 : memref<!tpu.dma_semaphore, #tpu.memory_space<semaphore_mem>>) src(%dma_wait3A_142 : memref<32768x64xf32, #tpu.memory_space<hbm>>) dst(%dma_wait3A_136 : memref<128x64xf32, #tpu.memory_space<vmem>>)
    %dma_start3A_143 = arith.constant 7 : i32
    %dma_start3A_144 = arith.constant 896 : i32
    %dma_start3A_145 = arith.constant 0 : i32
    %dma_start3A_146 = tpu.memref_slice %arg6[%dma_start3A_144, %dma_start3A_145] : memref<1024x64xf32, #tpu.memory_space<vmem>> -> memref<128x64xf32, #tpu.memory_space<vmem>>
    %dma_start3A_147 = arith.constant 0 : i32
    %dma_start3A_148 = tpu.memref_slice %arg5[%dma_start3A_143, %dma_start3A_147] : memref<8x128xi32, #tpu.memory_space<vmem>> -> memref<1x128xi32, #tpu.memory_space<vmem>>
    %dma_start3A_149 = tpu.memref_squeeze %dma_start3A_148 : memref<1x128xi32, #tpu.memory_space<vmem>> -> memref<128xi32, #tpu.memory_space<vmem>>
    %dma_start3A_150 = arith.constant 0 : i32
    %dma_start3A_151 = arith.constant 0 : i32
    %dma_start3A_152 = tpu.memref_slice %arg2[%dma_start3A_150, %dma_start3A_151] : memref<32768x64xf32, #tpu.memory_space<hbm>> -> memref<32768x64xf32, #tpu.memory_space<hbm>>
    tpu.enqueue_indirect_dma source(%dma_start3A_152 : memref<32768x64xf32, #tpu.memory_space<hbm>>) target(%dma_start3A_146 : memref<128x64xf32, #tpu.memory_space<vmem>>) offsets(%dma_start3A_149 : memref<128xi32, #tpu.memory_space<vmem>>) semaphore(%arg7 : memref<!tpu.dma_semaphore, #tpu.memory_space<semaphore_mem>>)
    %dma_wait3A_153 = arith.constant 7 : i32
    %dma_wait3A_154 = arith.constant 896 : i32
    %dma_wait3A_155 = arith.constant 0 : i32
    %dma_wait3A_156 = tpu.memref_slice %arg6[%dma_wait3A_154, %dma_wait3A_155] : memref<1024x64xf32, #tpu.memory_space<vmem>> -> memref<128x64xf32, #tpu.memory_space<vmem>>
    %dma_wait3A_157 = arith.constant 0 : i32
    %dma_wait3A_158 = tpu.memref_slice %arg5[%dma_wait3A_153, %dma_wait3A_157] : memref<8x128xi32, #tpu.memory_space<vmem>> -> memref<1x128xi32, #tpu.memory_space<vmem>>
    %dma_wait3A_159 = tpu.memref_squeeze %dma_wait3A_158 : memref<1x128xi32, #tpu.memory_space<vmem>> -> memref<128xi32, #tpu.memory_space<vmem>>
    %dma_wait3A_160 = arith.constant 0 : i32
    %dma_wait3A_161 = arith.constant 0 : i32
    %dma_wait3A_162 = tpu.memref_slice %arg2[%dma_wait3A_160, %dma_wait3A_161] : memref<32768x64xf32, #tpu.memory_space<hbm>> -> memref<32768x64xf32, #tpu.memory_space<hbm>>
    tpu.wait_indirect_dma semaphore(%arg7 : memref<!tpu.dma_semaphore, #tpu.memory_space<semaphore_mem>>) src(%dma_wait3A_162 : memref<32768x64xf32, #tpu.memory_space<hbm>>) dst(%dma_wait3A_156 : memref<128x64xf32, #tpu.memory_space<vmem>>)
    "tpu.region"() ({
      %run_scoped3A = tpu.sem_alloc : memref<!tpu.dma_semaphore, #tpu.memory_space<semaphore_mem>>
      %dma_start3A_163 = arith.constant 0 : i32
      %dma_start3A_164 = tpu.memref_slice %arg4[%mul3A_2, %dma_start3A_163] : memref<32768x64xf32, #tpu.memory_space<hbm>> -> memref<1024x64xf32, #tpu.memory_space<hbm>>
      %dma_start3A_165 = arith.constant 0 : i32
      %dma_start3A_166 = tpu.memref_slice %arg4[%mul3A_2, %dma_start3A_165] : memref<32768x64xf32, #tpu.memory_space<hbm>> -> memref<1024x64xf32, #tpu.memory_space<hbm>>
      tpu.enqueue_dma source(%arg6 : memref<1024x64xf32, #tpu.memory_space<vmem>>) target(%dma_start3A_166 : memref<1024x64xf32, #tpu.memory_space<hbm>>) target_semaphore(%run_scoped3A : memref<!tpu.dma_semaphore, #tpu.memory_space<semaphore_mem>>)
      %dma_wait3A_167 = arith.constant 0 : i32
      %dma_wait3A_168 = tpu.memref_slice %arg4[%mul3A_2, %dma_wait3A_167] : memref<32768x64xf32, #tpu.memory_space<hbm>> -> memref<1024x64xf32, #tpu.memory_space<hbm>>
      %dma_wait3A_169 = arith.constant 0 : i32
      %dma_wait3A_170 = tpu.memref_slice %arg4[%mul3A_2, %dma_wait3A_169] : memref<32768x64xf32, #tpu.memory_space<hbm>> -> memref<1024x64xf32, #tpu.memory_space<hbm>>
      tpu.wait_dma2 semaphore(%run_scoped3A : memref<!tpu.dma_semaphore, #tpu.memory_space<semaphore_mem>>) src(%arg6 : memref<1024x64xf32, #tpu.memory_space<vmem>>) dst(%dma_wait3A_170 : memref<1024x64xf32, #tpu.memory_space<hbm>>)
      tpu.yield
    }) : () -> ()
    return
  }
}

#map = affine_map<(d0, d1) -> (0, 0)>
module attributes {stable_mosaic.version = 14 : i64} {
  func.func @scatter3(%arg0: i32, %arg1: i32, %arg2: memref<32768x64xf32, #tpu.memory_space<hbm>>, %arg3: memref<32768x64xf32, #tpu.memory_space<hbm>>, %arg4: memref<32768x64xf32, #tpu.memory_space<hbm>>, %arg5: memref<256x128xi32, #tpu.memory_space<hbm>>, %arg6: memref<256x128xi32, #tpu.memory_space<hbm>>, %arg7: memref<32768x64xf32, #tpu.memory_space<hbm>>, %arg8: memref<32768x64xf32, #tpu.memory_space<hbm>>, %arg9: memref<32768x64xf32, #tpu.memory_space<hbm>>, %arg10: memref<8x128xi32, #tpu.memory_space<vmem>>, %arg11: memref<1024x64xf32, #tpu.memory_space<vmem>>, %arg12: memref<!tpu.dma_semaphore, #tpu.memory_space<semaphore_mem>>) attributes {dimension_semantics = [#tpu.dimension_semantics<core_parallel>, #tpu.dimension_semantics<subcore_parallel>], iteration_bounds = array<i64: 2, 16>, scalar_prefetch = 0 : i64, scratch_operands = 3 : i64, tpu.core_type = #tpu.core_type<sc_vector_subcore>, window_params = [{transform_indices = #map}, {transform_indices = #map}, {transform_indices = #map}, {transform_indices = #map}, {transform_indices = #map}, {transform_indices = #map}, {transform_indices = #map}, {transform_indices = #map}]} {
    %mul3A = arith.constant 2 : i32
    %mul3A_0 = arith.muli %arg1, %mul3A : i32
    %add3A = arith.addi %mul3A_0, %arg0 : i32
    %mul3A_1 = arith.constant 1024 : i32
    %mul3A_2 = arith.muli %add3A, %mul3A_1 : i32
    %mul3A_3 = arith.constant 8 : i32
    %mul3A_4 = arith.muli %add3A, %mul3A_3 : i32
    "tpu.region"() ({
      %run_scoped3A = tpu.sem_alloc : memref<!tpu.dma_semaphore, #tpu.memory_space<semaphore_mem>>
      %dma_start3A_483 = arith.constant 0 : i32
      %dma_start3A_484 = tpu.memref_slice %arg5[%mul3A_4, %dma_start3A_483] : memref<256x128xi32, #tpu.memory_space<hbm>> -> memref<8x128xi32, #tpu.memory_space<hbm>>
      %dma_start3A_485 = arith.constant 0 : i32
      %dma_start3A_486 = tpu.memref_slice %arg5[%mul3A_4, %dma_start3A_485] : memref<256x128xi32, #tpu.memory_space<hbm>> -> memref<8x128xi32, #tpu.memory_space<hbm>>
      tpu.enqueue_dma source(%dma_start3A_486 : memref<8x128xi32, #tpu.memory_space<hbm>>) target(%arg10 : memref<8x128xi32, #tpu.memory_space<vmem>>) target_semaphore(%run_scoped3A : memref<!tpu.dma_semaphore, #tpu.memory_space<semaphore_mem>>)
      %dma_wait3A_487 = arith.constant 0 : i32
      %dma_wait3A_488 = tpu.memref_slice %arg5[%mul3A_4, %dma_wait3A_487] : memref<256x128xi32, #tpu.memory_space<hbm>> -> memref<8x128xi32, #tpu.memory_space<hbm>>
      %dma_wait3A_489 = arith.constant 0 : i32
      %dma_wait3A_490 = tpu.memref_slice %arg5[%mul3A_4, %dma_wait3A_489] : memref<256x128xi32, #tpu.memory_space<hbm>> -> memref<8x128xi32, #tpu.memory_space<hbm>>
      tpu.wait_dma2 semaphore(%run_scoped3A : memref<!tpu.dma_semaphore, #tpu.memory_space<semaphore_mem>>) src(%dma_wait3A_490 : memref<8x128xi32, #tpu.memory_space<hbm>>) dst(%arg10 : memref<8x128xi32, #tpu.memory_space<vmem>>)
      tpu.yield
    }) : () -> ()
    "tpu.region"() ({
      %run_scoped3A = tpu.sem_alloc : memref<!tpu.dma_semaphore, #tpu.memory_space<semaphore_mem>>
      %dma_start3A_483 = arith.constant 0 : i32
      %dma_start3A_484 = tpu.memref_slice %arg2[%mul3A_2, %dma_start3A_483] : memref<32768x64xf32, #tpu.memory_space<hbm>> -> memref<1024x64xf32, #tpu.memory_space<hbm>>
      %dma_start3A_485 = arith.constant 0 : i32
      %dma_start3A_486 = tpu.memref_slice %arg2[%mul3A_2, %dma_start3A_485] : memref<32768x64xf32, #tpu.memory_space<hbm>> -> memref<1024x64xf32, #tpu.memory_space<hbm>>
      tpu.enqueue_dma source(%dma_start3A_486 : memref<1024x64xf32, #tpu.memory_space<hbm>>) target(%arg11 : memref<1024x64xf32, #tpu.memory_space<vmem>>) target_semaphore(%run_scoped3A : memref<!tpu.dma_semaphore, #tpu.memory_space<semaphore_mem>>)
      %dma_wait3A_487 = arith.constant 0 : i32
      %dma_wait3A_488 = tpu.memref_slice %arg2[%mul3A_2, %dma_wait3A_487] : memref<32768x64xf32, #tpu.memory_space<hbm>> -> memref<1024x64xf32, #tpu.memory_space<hbm>>
      %dma_wait3A_489 = arith.constant 0 : i32
      %dma_wait3A_490 = tpu.memref_slice %arg2[%mul3A_2, %dma_wait3A_489] : memref<32768x64xf32, #tpu.memory_space<hbm>> -> memref<1024x64xf32, #tpu.memory_space<hbm>>
      tpu.wait_dma2 semaphore(%run_scoped3A : memref<!tpu.dma_semaphore, #tpu.memory_space<semaphore_mem>>) src(%dma_wait3A_490 : memref<1024x64xf32, #tpu.memory_space<hbm>>) dst(%arg11 : memref<1024x64xf32, #tpu.memory_space<vmem>>)
      tpu.yield
    }) : () -> ()
    %dma_start3A = arith.constant 0 : i32
    %dma_start3A_5 = arith.constant 0 : i32
    %dma_start3A_6 = arith.constant 0 : i32
    %dma_start3A_7 = tpu.memref_slice %arg11[%dma_start3A_5, %dma_start3A_6] : memref<1024x64xf32, #tpu.memory_space<vmem>> -> memref<128x64xf32, #tpu.memory_space<vmem>>
    %dma_start3A_8 = arith.constant 0 : i32
    %dma_start3A_9 = tpu.memref_slice %arg10[%dma_start3A, %dma_start3A_8] : memref<8x128xi32, #tpu.memory_space<vmem>> -> memref<1x128xi32, #tpu.memory_space<vmem>>
    %dma_start3A_10 = tpu.memref_squeeze %dma_start3A_9 : memref<1x128xi32, #tpu.memory_space<vmem>> -> memref<128xi32, #tpu.memory_space<vmem>>
    %dma_start3A_11 = arith.constant 0 : i32
    %dma_start3A_12 = arith.constant 0 : i32
    %dma_start3A_13 = tpu.memref_slice %arg7[%dma_start3A_11, %dma_start3A_12] : memref<32768x64xf32, #tpu.memory_space<hbm>> -> memref<32768x64xf32, #tpu.memory_space<hbm>>
    tpu.enqueue_indirect_dma source(%dma_start3A_7 : memref<128x64xf32, #tpu.memory_space<vmem>>) target(%dma_start3A_13 : memref<32768x64xf32, #tpu.memory_space<hbm>>) offsets(%dma_start3A_10 : memref<128xi32, #tpu.memory_space<vmem>>) semaphore(%arg12 : memref<!tpu.dma_semaphore, #tpu.memory_space<semaphore_mem>>)
    %dma_wait3A = arith.constant 0 : i32
    %dma_wait3A_14 = arith.constant 0 : i32
    %dma_wait3A_15 = arith.constant 0 : i32
    %dma_wait3A_16 = tpu.memref_slice %arg11[%dma_wait3A_14, %dma_wait3A_15] : memref<1024x64xf32, #tpu.memory_space<vmem>> -> memref<128x64xf32, #tpu.memory_space<vmem>>
    %dma_wait3A_17 = arith.constant 0 : i32
    %dma_wait3A_18 = tpu.memref_slice %arg10[%dma_wait3A, %dma_wait3A_17] : memref<8x128xi32, #tpu.memory_space<vmem>> -> memref<1x128xi32, #tpu.memory_space<vmem>>
    %dma_wait3A_19 = tpu.memref_squeeze %dma_wait3A_18 : memref<1x128xi32, #tpu.memory_space<vmem>> -> memref<128xi32, #tpu.memory_space<vmem>>
    %dma_wait3A_20 = arith.constant 0 : i32
    %dma_wait3A_21 = arith.constant 0 : i32
    %dma_wait3A_22 = tpu.memref_slice %arg7[%dma_wait3A_20, %dma_wait3A_21] : memref<32768x64xf32, #tpu.memory_space<hbm>> -> memref<32768x64xf32, #tpu.memory_space<hbm>>
    tpu.wait_indirect_dma semaphore(%arg12 : memref<!tpu.dma_semaphore, #tpu.memory_space<semaphore_mem>>) src(%dma_wait3A_16 : memref<128x64xf32, #tpu.memory_space<vmem>>) dst(%dma_wait3A_22 : memref<32768x64xf32, #tpu.memory_space<hbm>>)
    %dma_start3A_23 = arith.constant 1 : i32
    %dma_start3A_24 = arith.constant 128 : i32
    %dma_start3A_25 = arith.constant 0 : i32
    %dma_start3A_26 = tpu.memref_slice %arg11[%dma_start3A_24, %dma_start3A_25] : memref<1024x64xf32, #tpu.memory_space<vmem>> -> memref<128x64xf32, #tpu.memory_space<vmem>>
    %dma_start3A_27 = arith.constant 0 : i32
    %dma_start3A_28 = tpu.memref_slice %arg10[%dma_start3A_23, %dma_start3A_27] : memref<8x128xi32, #tpu.memory_space<vmem>> -> memref<1x128xi32, #tpu.memory_space<vmem>>
    %dma_start3A_29 = tpu.memref_squeeze %dma_start3A_28 : memref<1x128xi32, #tpu.memory_space<vmem>> -> memref<128xi32, #tpu.memory_space<vmem>>
    %dma_start3A_30 = arith.constant 0 : i32
    %dma_start3A_31 = arith.constant 0 : i32
    %dma_start3A_32 = tpu.memref_slice %arg7[%dma_start3A_30, %dma_start3A_31] : memref<32768x64xf32, #tpu.memory_space<hbm>> -> memref<32768x64xf32, #tpu.memory_space<hbm>>
    tpu.enqueue_indirect_dma source(%dma_start3A_26 : memref<128x64xf32, #tpu.memory_space<vmem>>) target(%dma_start3A_32 : memref<32768x64xf32, #tpu.memory_space<hbm>>) offsets(%dma_start3A_29 : memref<128xi32, #tpu.memory_space<vmem>>) semaphore(%arg12 : memref<!tpu.dma_semaphore, #tpu.memory_space<semaphore_mem>>)
    %dma_wait3A_33 = arith.constant 1 : i32
    %dma_wait3A_34 = arith.constant 128 : i32
    %dma_wait3A_35 = arith.constant 0 : i32
    %dma_wait3A_36 = tpu.memref_slice %arg11[%dma_wait3A_34, %dma_wait3A_35] : memref<1024x64xf32, #tpu.memory_space<vmem>> -> memref<128x64xf32, #tpu.memory_space<vmem>>
    %dma_wait3A_37 = arith.constant 0 : i32
    %dma_wait3A_38 = tpu.memref_slice %arg10[%dma_wait3A_33, %dma_wait3A_37] : memref<8x128xi32, #tpu.memory_space<vmem>> -> memref<1x128xi32, #tpu.memory_space<vmem>>
    %dma_wait3A_39 = tpu.memref_squeeze %dma_wait3A_38 : memref<1x128xi32, #tpu.memory_space<vmem>> -> memref<128xi32, #tpu.memory_space<vmem>>
    %dma_wait3A_40 = arith.constant 0 : i32
    %dma_wait3A_41 = arith.constant 0 : i32
    %dma_wait3A_42 = tpu.memref_slice %arg7[%dma_wait3A_40, %dma_wait3A_41] : memref<32768x64xf32, #tpu.memory_space<hbm>> -> memref<32768x64xf32, #tpu.memory_space<hbm>>
    tpu.wait_indirect_dma semaphore(%arg12 : memref<!tpu.dma_semaphore, #tpu.memory_space<semaphore_mem>>) src(%dma_wait3A_36 : memref<128x64xf32, #tpu.memory_space<vmem>>) dst(%dma_wait3A_42 : memref<32768x64xf32, #tpu.memory_space<hbm>>)
    %dma_start3A_43 = arith.constant 2 : i32
    %dma_start3A_44 = arith.constant 256 : i32
    %dma_start3A_45 = arith.constant 0 : i32
    %dma_start3A_46 = tpu.memref_slice %arg11[%dma_start3A_44, %dma_start3A_45] : memref<1024x64xf32, #tpu.memory_space<vmem>> -> memref<128x64xf32, #tpu.memory_space<vmem>>
    %dma_start3A_47 = arith.constant 0 : i32
    %dma_start3A_48 = tpu.memref_slice %arg10[%dma_start3A_43, %dma_start3A_47] : memref<8x128xi32, #tpu.memory_space<vmem>> -> memref<1x128xi32, #tpu.memory_space<vmem>>
    %dma_start3A_49 = tpu.memref_squeeze %dma_start3A_48 : memref<1x128xi32, #tpu.memory_space<vmem>> -> memref<128xi32, #tpu.memory_space<vmem>>
    %dma_start3A_50 = arith.constant 0 : i32
    %dma_start3A_51 = arith.constant 0 : i32
    %dma_start3A_52 = tpu.memref_slice %arg7[%dma_start3A_50, %dma_start3A_51] : memref<32768x64xf32, #tpu.memory_space<hbm>> -> memref<32768x64xf32, #tpu.memory_space<hbm>>
    tpu.enqueue_indirect_dma source(%dma_start3A_46 : memref<128x64xf32, #tpu.memory_space<vmem>>) target(%dma_start3A_52 : memref<32768x64xf32, #tpu.memory_space<hbm>>) offsets(%dma_start3A_49 : memref<128xi32, #tpu.memory_space<vmem>>) semaphore(%arg12 : memref<!tpu.dma_semaphore, #tpu.memory_space<semaphore_mem>>)
    %dma_wait3A_53 = arith.constant 2 : i32
    %dma_wait3A_54 = arith.constant 256 : i32
    %dma_wait3A_55 = arith.constant 0 : i32
    %dma_wait3A_56 = tpu.memref_slice %arg11[%dma_wait3A_54, %dma_wait3A_55] : memref<1024x64xf32, #tpu.memory_space<vmem>> -> memref<128x64xf32, #tpu.memory_space<vmem>>
    %dma_wait3A_57 = arith.constant 0 : i32
    %dma_wait3A_58 = tpu.memref_slice %arg10[%dma_wait3A_53, %dma_wait3A_57] : memref<8x128xi32, #tpu.memory_space<vmem>> -> memref<1x128xi32, #tpu.memory_space<vmem>>
    %dma_wait3A_59 = tpu.memref_squeeze %dma_wait3A_58 : memref<1x128xi32, #tpu.memory_space<vmem>> -> memref<128xi32, #tpu.memory_space<vmem>>
    %dma_wait3A_60 = arith.constant 0 : i32
    %dma_wait3A_61 = arith.constant 0 : i32
    %dma_wait3A_62 = tpu.memref_slice %arg7[%dma_wait3A_60, %dma_wait3A_61] : memref<32768x64xf32, #tpu.memory_space<hbm>> -> memref<32768x64xf32, #tpu.memory_space<hbm>>
    tpu.wait_indirect_dma semaphore(%arg12 : memref<!tpu.dma_semaphore, #tpu.memory_space<semaphore_mem>>) src(%dma_wait3A_56 : memref<128x64xf32, #tpu.memory_space<vmem>>) dst(%dma_wait3A_62 : memref<32768x64xf32, #tpu.memory_space<hbm>>)
    %dma_start3A_63 = arith.constant 3 : i32
    %dma_start3A_64 = arith.constant 384 : i32
    %dma_start3A_65 = arith.constant 0 : i32
    %dma_start3A_66 = tpu.memref_slice %arg11[%dma_start3A_64, %dma_start3A_65] : memref<1024x64xf32, #tpu.memory_space<vmem>> -> memref<128x64xf32, #tpu.memory_space<vmem>>
    %dma_start3A_67 = arith.constant 0 : i32
    %dma_start3A_68 = tpu.memref_slice %arg10[%dma_start3A_63, %dma_start3A_67] : memref<8x128xi32, #tpu.memory_space<vmem>> -> memref<1x128xi32, #tpu.memory_space<vmem>>
    %dma_start3A_69 = tpu.memref_squeeze %dma_start3A_68 : memref<1x128xi32, #tpu.memory_space<vmem>> -> memref<128xi32, #tpu.memory_space<vmem>>
    %dma_start3A_70 = arith.constant 0 : i32
    %dma_start3A_71 = arith.constant 0 : i32
    %dma_start3A_72 = tpu.memref_slice %arg7[%dma_start3A_70, %dma_start3A_71] : memref<32768x64xf32, #tpu.memory_space<hbm>> -> memref<32768x64xf32, #tpu.memory_space<hbm>>
    tpu.enqueue_indirect_dma source(%dma_start3A_66 : memref<128x64xf32, #tpu.memory_space<vmem>>) target(%dma_start3A_72 : memref<32768x64xf32, #tpu.memory_space<hbm>>) offsets(%dma_start3A_69 : memref<128xi32, #tpu.memory_space<vmem>>) semaphore(%arg12 : memref<!tpu.dma_semaphore, #tpu.memory_space<semaphore_mem>>)
    %dma_wait3A_73 = arith.constant 3 : i32
    %dma_wait3A_74 = arith.constant 384 : i32
    %dma_wait3A_75 = arith.constant 0 : i32
    %dma_wait3A_76 = tpu.memref_slice %arg11[%dma_wait3A_74, %dma_wait3A_75] : memref<1024x64xf32, #tpu.memory_space<vmem>> -> memref<128x64xf32, #tpu.memory_space<vmem>>
    %dma_wait3A_77 = arith.constant 0 : i32
    %dma_wait3A_78 = tpu.memref_slice %arg10[%dma_wait3A_73, %dma_wait3A_77] : memref<8x128xi32, #tpu.memory_space<vmem>> -> memref<1x128xi32, #tpu.memory_space<vmem>>
    %dma_wait3A_79 = tpu.memref_squeeze %dma_wait3A_78 : memref<1x128xi32, #tpu.memory_space<vmem>> -> memref<128xi32, #tpu.memory_space<vmem>>
    %dma_wait3A_80 = arith.constant 0 : i32
    %dma_wait3A_81 = arith.constant 0 : i32
    %dma_wait3A_82 = tpu.memref_slice %arg7[%dma_wait3A_80, %dma_wait3A_81] : memref<32768x64xf32, #tpu.memory_space<hbm>> -> memref<32768x64xf32, #tpu.memory_space<hbm>>
    tpu.wait_indirect_dma semaphore(%arg12 : memref<!tpu.dma_semaphore, #tpu.memory_space<semaphore_mem>>) src(%dma_wait3A_76 : memref<128x64xf32, #tpu.memory_space<vmem>>) dst(%dma_wait3A_82 : memref<32768x64xf32, #tpu.memory_space<hbm>>)
    %dma_start3A_83 = arith.constant 4 : i32
    %dma_start3A_84 = arith.constant 512 : i32
    %dma_start3A_85 = arith.constant 0 : i32
    %dma_start3A_86 = tpu.memref_slice %arg11[%dma_start3A_84, %dma_start3A_85] : memref<1024x64xf32, #tpu.memory_space<vmem>> -> memref<128x64xf32, #tpu.memory_space<vmem>>
    %dma_start3A_87 = arith.constant 0 : i32
    %dma_start3A_88 = tpu.memref_slice %arg10[%dma_start3A_83, %dma_start3A_87] : memref<8x128xi32, #tpu.memory_space<vmem>> -> memref<1x128xi32, #tpu.memory_space<vmem>>
    %dma_start3A_89 = tpu.memref_squeeze %dma_start3A_88 : memref<1x128xi32, #tpu.memory_space<vmem>> -> memref<128xi32, #tpu.memory_space<vmem>>
    %dma_start3A_90 = arith.constant 0 : i32
    %dma_start3A_91 = arith.constant 0 : i32
    %dma_start3A_92 = tpu.memref_slice %arg7[%dma_start3A_90, %dma_start3A_91] : memref<32768x64xf32, #tpu.memory_space<hbm>> -> memref<32768x64xf32, #tpu.memory_space<hbm>>
    tpu.enqueue_indirect_dma source(%dma_start3A_86 : memref<128x64xf32, #tpu.memory_space<vmem>>) target(%dma_start3A_92 : memref<32768x64xf32, #tpu.memory_space<hbm>>) offsets(%dma_start3A_89 : memref<128xi32, #tpu.memory_space<vmem>>) semaphore(%arg12 : memref<!tpu.dma_semaphore, #tpu.memory_space<semaphore_mem>>)
    %dma_wait3A_93 = arith.constant 4 : i32
    %dma_wait3A_94 = arith.constant 512 : i32
    %dma_wait3A_95 = arith.constant 0 : i32
    %dma_wait3A_96 = tpu.memref_slice %arg11[%dma_wait3A_94, %dma_wait3A_95] : memref<1024x64xf32, #tpu.memory_space<vmem>> -> memref<128x64xf32, #tpu.memory_space<vmem>>
    %dma_wait3A_97 = arith.constant 0 : i32
    %dma_wait3A_98 = tpu.memref_slice %arg10[%dma_wait3A_93, %dma_wait3A_97] : memref<8x128xi32, #tpu.memory_space<vmem>> -> memref<1x128xi32, #tpu.memory_space<vmem>>
    %dma_wait3A_99 = tpu.memref_squeeze %dma_wait3A_98 : memref<1x128xi32, #tpu.memory_space<vmem>> -> memref<128xi32, #tpu.memory_space<vmem>>
    %dma_wait3A_100 = arith.constant 0 : i32
    %dma_wait3A_101 = arith.constant 0 : i32
    %dma_wait3A_102 = tpu.memref_slice %arg7[%dma_wait3A_100, %dma_wait3A_101] : memref<32768x64xf32, #tpu.memory_space<hbm>> -> memref<32768x64xf32, #tpu.memory_space<hbm>>
    tpu.wait_indirect_dma semaphore(%arg12 : memref<!tpu.dma_semaphore, #tpu.memory_space<semaphore_mem>>) src(%dma_wait3A_96 : memref<128x64xf32, #tpu.memory_space<vmem>>) dst(%dma_wait3A_102 : memref<32768x64xf32, #tpu.memory_space<hbm>>)
    %dma_start3A_103 = arith.constant 5 : i32
    %dma_start3A_104 = arith.constant 640 : i32
    %dma_start3A_105 = arith.constant 0 : i32
    %dma_start3A_106 = tpu.memref_slice %arg11[%dma_start3A_104, %dma_start3A_105] : memref<1024x64xf32, #tpu.memory_space<vmem>> -> memref<128x64xf32, #tpu.memory_space<vmem>>
    %dma_start3A_107 = arith.constant 0 : i32
    %dma_start3A_108 = tpu.memref_slice %arg10[%dma_start3A_103, %dma_start3A_107] : memref<8x128xi32, #tpu.memory_space<vmem>> -> memref<1x128xi32, #tpu.memory_space<vmem>>
    %dma_start3A_109 = tpu.memref_squeeze %dma_start3A_108 : memref<1x128xi32, #tpu.memory_space<vmem>> -> memref<128xi32, #tpu.memory_space<vmem>>
    %dma_start3A_110 = arith.constant 0 : i32
    %dma_start3A_111 = arith.constant 0 : i32
    %dma_start3A_112 = tpu.memref_slice %arg7[%dma_start3A_110, %dma_start3A_111] : memref<32768x64xf32, #tpu.memory_space<hbm>> -> memref<32768x64xf32, #tpu.memory_space<hbm>>
    tpu.enqueue_indirect_dma source(%dma_start3A_106 : memref<128x64xf32, #tpu.memory_space<vmem>>) target(%dma_start3A_112 : memref<32768x64xf32, #tpu.memory_space<hbm>>) offsets(%dma_start3A_109 : memref<128xi32, #tpu.memory_space<vmem>>) semaphore(%arg12 : memref<!tpu.dma_semaphore, #tpu.memory_space<semaphore_mem>>)
    %dma_wait3A_113 = arith.constant 5 : i32
    %dma_wait3A_114 = arith.constant 640 : i32
    %dma_wait3A_115 = arith.constant 0 : i32
    %dma_wait3A_116 = tpu.memref_slice %arg11[%dma_wait3A_114, %dma_wait3A_115] : memref<1024x64xf32, #tpu.memory_space<vmem>> -> memref<128x64xf32, #tpu.memory_space<vmem>>
    %dma_wait3A_117 = arith.constant 0 : i32
    %dma_wait3A_118 = tpu.memref_slice %arg10[%dma_wait3A_113, %dma_wait3A_117] : memref<8x128xi32, #tpu.memory_space<vmem>> -> memref<1x128xi32, #tpu.memory_space<vmem>>
    %dma_wait3A_119 = tpu.memref_squeeze %dma_wait3A_118 : memref<1x128xi32, #tpu.memory_space<vmem>> -> memref<128xi32, #tpu.memory_space<vmem>>
    %dma_wait3A_120 = arith.constant 0 : i32
    %dma_wait3A_121 = arith.constant 0 : i32
    %dma_wait3A_122 = tpu.memref_slice %arg7[%dma_wait3A_120, %dma_wait3A_121] : memref<32768x64xf32, #tpu.memory_space<hbm>> -> memref<32768x64xf32, #tpu.memory_space<hbm>>
    tpu.wait_indirect_dma semaphore(%arg12 : memref<!tpu.dma_semaphore, #tpu.memory_space<semaphore_mem>>) src(%dma_wait3A_116 : memref<128x64xf32, #tpu.memory_space<vmem>>) dst(%dma_wait3A_122 : memref<32768x64xf32, #tpu.memory_space<hbm>>)
    %dma_start3A_123 = arith.constant 6 : i32
    %dma_start3A_124 = arith.constant 768 : i32
    %dma_start3A_125 = arith.constant 0 : i32
    %dma_start3A_126 = tpu.memref_slice %arg11[%dma_start3A_124, %dma_start3A_125] : memref<1024x64xf32, #tpu.memory_space<vmem>> -> memref<128x64xf32, #tpu.memory_space<vmem>>
    %dma_start3A_127 = arith.constant 0 : i32
    %dma_start3A_128 = tpu.memref_slice %arg10[%dma_start3A_123, %dma_start3A_127] : memref<8x128xi32, #tpu.memory_space<vmem>> -> memref<1x128xi32, #tpu.memory_space<vmem>>
    %dma_start3A_129 = tpu.memref_squeeze %dma_start3A_128 : memref<1x128xi32, #tpu.memory_space<vmem>> -> memref<128xi32, #tpu.memory_space<vmem>>
    %dma_start3A_130 = arith.constant 0 : i32
    %dma_start3A_131 = arith.constant 0 : i32
    %dma_start3A_132 = tpu.memref_slice %arg7[%dma_start3A_130, %dma_start3A_131] : memref<32768x64xf32, #tpu.memory_space<hbm>> -> memref<32768x64xf32, #tpu.memory_space<hbm>>
    tpu.enqueue_indirect_dma source(%dma_start3A_126 : memref<128x64xf32, #tpu.memory_space<vmem>>) target(%dma_start3A_132 : memref<32768x64xf32, #tpu.memory_space<hbm>>) offsets(%dma_start3A_129 : memref<128xi32, #tpu.memory_space<vmem>>) semaphore(%arg12 : memref<!tpu.dma_semaphore, #tpu.memory_space<semaphore_mem>>)
    %dma_wait3A_133 = arith.constant 6 : i32
    %dma_wait3A_134 = arith.constant 768 : i32
    %dma_wait3A_135 = arith.constant 0 : i32
    %dma_wait3A_136 = tpu.memref_slice %arg11[%dma_wait3A_134, %dma_wait3A_135] : memref<1024x64xf32, #tpu.memory_space<vmem>> -> memref<128x64xf32, #tpu.memory_space<vmem>>
    %dma_wait3A_137 = arith.constant 0 : i32
    %dma_wait3A_138 = tpu.memref_slice %arg10[%dma_wait3A_133, %dma_wait3A_137] : memref<8x128xi32, #tpu.memory_space<vmem>> -> memref<1x128xi32, #tpu.memory_space<vmem>>
    %dma_wait3A_139 = tpu.memref_squeeze %dma_wait3A_138 : memref<1x128xi32, #tpu.memory_space<vmem>> -> memref<128xi32, #tpu.memory_space<vmem>>
    %dma_wait3A_140 = arith.constant 0 : i32
    %dma_wait3A_141 = arith.constant 0 : i32
    %dma_wait3A_142 = tpu.memref_slice %arg7[%dma_wait3A_140, %dma_wait3A_141] : memref<32768x64xf32, #tpu.memory_space<hbm>> -> memref<32768x64xf32, #tpu.memory_space<hbm>>
    tpu.wait_indirect_dma semaphore(%arg12 : memref<!tpu.dma_semaphore, #tpu.memory_space<semaphore_mem>>) src(%dma_wait3A_136 : memref<128x64xf32, #tpu.memory_space<vmem>>) dst(%dma_wait3A_142 : memref<32768x64xf32, #tpu.memory_space<hbm>>)
    %dma_start3A_143 = arith.constant 7 : i32
    %dma_start3A_144 = arith.constant 896 : i32
    %dma_start3A_145 = arith.constant 0 : i32
    %dma_start3A_146 = tpu.memref_slice %arg11[%dma_start3A_144, %dma_start3A_145] : memref<1024x64xf32, #tpu.memory_space<vmem>> -> memref<128x64xf32, #tpu.memory_space<vmem>>
    %dma_start3A_147 = arith.constant 0 : i32
    %dma_start3A_148 = tpu.memref_slice %arg10[%dma_start3A_143, %dma_start3A_147] : memref<8x128xi32, #tpu.memory_space<vmem>> -> memref<1x128xi32, #tpu.memory_space<vmem>>
    %dma_start3A_149 = tpu.memref_squeeze %dma_start3A_148 : memref<1x128xi32, #tpu.memory_space<vmem>> -> memref<128xi32, #tpu.memory_space<vmem>>
    %dma_start3A_150 = arith.constant 0 : i32
    %dma_start3A_151 = arith.constant 0 : i32
    %dma_start3A_152 = tpu.memref_slice %arg7[%dma_start3A_150, %dma_start3A_151] : memref<32768x64xf32, #tpu.memory_space<hbm>> -> memref<32768x64xf32, #tpu.memory_space<hbm>>
    tpu.enqueue_indirect_dma source(%dma_start3A_146 : memref<128x64xf32, #tpu.memory_space<vmem>>) target(%dma_start3A_152 : memref<32768x64xf32, #tpu.memory_space<hbm>>) offsets(%dma_start3A_149 : memref<128xi32, #tpu.memory_space<vmem>>) semaphore(%arg12 : memref<!tpu.dma_semaphore, #tpu.memory_space<semaphore_mem>>)
    %dma_wait3A_153 = arith.constant 7 : i32
    %dma_wait3A_154 = arith.constant 896 : i32
    %dma_wait3A_155 = arith.constant 0 : i32
    %dma_wait3A_156 = tpu.memref_slice %arg11[%dma_wait3A_154, %dma_wait3A_155] : memref<1024x64xf32, #tpu.memory_space<vmem>> -> memref<128x64xf32, #tpu.memory_space<vmem>>
    %dma_wait3A_157 = arith.constant 0 : i32
    %dma_wait3A_158 = tpu.memref_slice %arg10[%dma_wait3A_153, %dma_wait3A_157] : memref<8x128xi32, #tpu.memory_space<vmem>> -> memref<1x128xi32, #tpu.memory_space<vmem>>
    %dma_wait3A_159 = tpu.memref_squeeze %dma_wait3A_158 : memref<1x128xi32, #tpu.memory_space<vmem>> -> memref<128xi32, #tpu.memory_space<vmem>>
    %dma_wait3A_160 = arith.constant 0 : i32
    %dma_wait3A_161 = arith.constant 0 : i32
    %dma_wait3A_162 = tpu.memref_slice %arg7[%dma_wait3A_160, %dma_wait3A_161] : memref<32768x64xf32, #tpu.memory_space<hbm>> -> memref<32768x64xf32, #tpu.memory_space<hbm>>
    tpu.wait_indirect_dma semaphore(%arg12 : memref<!tpu.dma_semaphore, #tpu.memory_space<semaphore_mem>>) src(%dma_wait3A_156 : memref<128x64xf32, #tpu.memory_space<vmem>>) dst(%dma_wait3A_162 : memref<32768x64xf32, #tpu.memory_space<hbm>>)
    "tpu.region"() ({
      %run_scoped3A = tpu.sem_alloc : memref<!tpu.dma_semaphore, #tpu.memory_space<semaphore_mem>>
      %dma_start3A_483 = arith.constant 0 : i32
      %dma_start3A_484 = tpu.memref_slice %arg6[%mul3A_4, %dma_start3A_483] : memref<256x128xi32, #tpu.memory_space<hbm>> -> memref<8x128xi32, #tpu.memory_space<hbm>>
      %dma_start3A_485 = arith.constant 0 : i32
      %dma_start3A_486 = tpu.memref_slice %arg6[%mul3A_4, %dma_start3A_485] : memref<256x128xi32, #tpu.memory_space<hbm>> -> memref<8x128xi32, #tpu.memory_space<hbm>>
      tpu.enqueue_dma source(%dma_start3A_486 : memref<8x128xi32, #tpu.memory_space<hbm>>) target(%arg10 : memref<8x128xi32, #tpu.memory_space<vmem>>) target_semaphore(%run_scoped3A : memref<!tpu.dma_semaphore, #tpu.memory_space<semaphore_mem>>)
      %dma_wait3A_487 = arith.constant 0 : i32
      %dma_wait3A_488 = tpu.memref_slice %arg6[%mul3A_4, %dma_wait3A_487] : memref<256x128xi32, #tpu.memory_space<hbm>> -> memref<8x128xi32, #tpu.memory_space<hbm>>
      %dma_wait3A_489 = arith.constant 0 : i32
      %dma_wait3A_490 = tpu.memref_slice %arg6[%mul3A_4, %dma_wait3A_489] : memref<256x128xi32, #tpu.memory_space<hbm>> -> memref<8x128xi32, #tpu.memory_space<hbm>>
      tpu.wait_dma2 semaphore(%run_scoped3A : memref<!tpu.dma_semaphore, #tpu.memory_space<semaphore_mem>>) src(%dma_wait3A_490 : memref<8x128xi32, #tpu.memory_space<hbm>>) dst(%arg10 : memref<8x128xi32, #tpu.memory_space<vmem>>)
      tpu.yield
    }) : () -> ()
    "tpu.region"() ({
      %run_scoped3A = tpu.sem_alloc : memref<!tpu.dma_semaphore, #tpu.memory_space<semaphore_mem>>
      %dma_start3A_483 = arith.constant 0 : i32
      %dma_start3A_484 = tpu.memref_slice %arg3[%mul3A_2, %dma_start3A_483] : memref<32768x64xf32, #tpu.memory_space<hbm>> -> memref<1024x64xf32, #tpu.memory_space<hbm>>
      %dma_start3A_485 = arith.constant 0 : i32
      %dma_start3A_486 = tpu.memref_slice %arg3[%mul3A_2, %dma_start3A_485] : memref<32768x64xf32, #tpu.memory_space<hbm>> -> memref<1024x64xf32, #tpu.memory_space<hbm>>
      tpu.enqueue_dma source(%dma_start3A_486 : memref<1024x64xf32, #tpu.memory_space<hbm>>) target(%arg11 : memref<1024x64xf32, #tpu.memory_space<vmem>>) target_semaphore(%run_scoped3A : memref<!tpu.dma_semaphore, #tpu.memory_space<semaphore_mem>>)
      %dma_wait3A_487 = arith.constant 0 : i32
      %dma_wait3A_488 = tpu.memref_slice %arg3[%mul3A_2, %dma_wait3A_487] : memref<32768x64xf32, #tpu.memory_space<hbm>> -> memref<1024x64xf32, #tpu.memory_space<hbm>>
      %dma_wait3A_489 = arith.constant 0 : i32
      %dma_wait3A_490 = tpu.memref_slice %arg3[%mul3A_2, %dma_wait3A_489] : memref<32768x64xf32, #tpu.memory_space<hbm>> -> memref<1024x64xf32, #tpu.memory_space<hbm>>
      tpu.wait_dma2 semaphore(%run_scoped3A : memref<!tpu.dma_semaphore, #tpu.memory_space<semaphore_mem>>) src(%dma_wait3A_490 : memref<1024x64xf32, #tpu.memory_space<hbm>>) dst(%arg11 : memref<1024x64xf32, #tpu.memory_space<vmem>>)
      tpu.yield
    }) : () -> ()
    %dma_start3A_163 = arith.constant 0 : i32
    %dma_start3A_164 = arith.constant 0 : i32
    %dma_start3A_165 = arith.constant 0 : i32
    %dma_start3A_166 = tpu.memref_slice %arg11[%dma_start3A_164, %dma_start3A_165] : memref<1024x64xf32, #tpu.memory_space<vmem>> -> memref<128x64xf32, #tpu.memory_space<vmem>>
    %dma_start3A_167 = arith.constant 0 : i32
    %dma_start3A_168 = tpu.memref_slice %arg10[%dma_start3A_163, %dma_start3A_167] : memref<8x128xi32, #tpu.memory_space<vmem>> -> memref<1x128xi32, #tpu.memory_space<vmem>>
    %dma_start3A_169 = tpu.memref_squeeze %dma_start3A_168 : memref<1x128xi32, #tpu.memory_space<vmem>> -> memref<128xi32, #tpu.memory_space<vmem>>
    %dma_start3A_170 = arith.constant 0 : i32
    %dma_start3A_171 = arith.constant 0 : i32
    %dma_start3A_172 = tpu.memref_slice %arg8[%dma_start3A_170, %dma_start3A_171] : memref<32768x64xf32, #tpu.memory_space<hbm>> -> memref<32768x64xf32, #tpu.memory_space<hbm>>
    tpu.enqueue_indirect_dma source(%dma_start3A_166 : memref<128x64xf32, #tpu.memory_space<vmem>>) target(%dma_start3A_172 : memref<32768x64xf32, #tpu.memory_space<hbm>>) offsets(%dma_start3A_169 : memref<128xi32, #tpu.memory_space<vmem>>) semaphore(%arg12 : memref<!tpu.dma_semaphore, #tpu.memory_space<semaphore_mem>>)
    %dma_wait3A_173 = arith.constant 0 : i32
    %dma_wait3A_174 = arith.constant 0 : i32
    %dma_wait3A_175 = arith.constant 0 : i32
    %dma_wait3A_176 = tpu.memref_slice %arg11[%dma_wait3A_174, %dma_wait3A_175] : memref<1024x64xf32, #tpu.memory_space<vmem>> -> memref<128x64xf32, #tpu.memory_space<vmem>>
    %dma_wait3A_177 = arith.constant 0 : i32
    %dma_wait3A_178 = tpu.memref_slice %arg10[%dma_wait3A_173, %dma_wait3A_177] : memref<8x128xi32, #tpu.memory_space<vmem>> -> memref<1x128xi32, #tpu.memory_space<vmem>>
    %dma_wait3A_179 = tpu.memref_squeeze %dma_wait3A_178 : memref<1x128xi32, #tpu.memory_space<vmem>> -> memref<128xi32, #tpu.memory_space<vmem>>
    %dma_wait3A_180 = arith.constant 0 : i32
    %dma_wait3A_181 = arith.constant 0 : i32
    %dma_wait3A_182 = tpu.memref_slice %arg8[%dma_wait3A_180, %dma_wait3A_181] : memref<32768x64xf32, #tpu.memory_space<hbm>> -> memref<32768x64xf32, #tpu.memory_space<hbm>>
    tpu.wait_indirect_dma semaphore(%arg12 : memref<!tpu.dma_semaphore, #tpu.memory_space<semaphore_mem>>) src(%dma_wait3A_176 : memref<128x64xf32, #tpu.memory_space<vmem>>) dst(%dma_wait3A_182 : memref<32768x64xf32, #tpu.memory_space<hbm>>)
    %dma_start3A_183 = arith.constant 1 : i32
    %dma_start3A_184 = arith.constant 128 : i32
    %dma_start3A_185 = arith.constant 0 : i32
    %dma_start3A_186 = tpu.memref_slice %arg11[%dma_start3A_184, %dma_start3A_185] : memref<1024x64xf32, #tpu.memory_space<vmem>> -> memref<128x64xf32, #tpu.memory_space<vmem>>
    %dma_start3A_187 = arith.constant 0 : i32
    %dma_start3A_188 = tpu.memref_slice %arg10[%dma_start3A_183, %dma_start3A_187] : memref<8x128xi32, #tpu.memory_space<vmem>> -> memref<1x128xi32, #tpu.memory_space<vmem>>
    %dma_start3A_189 = tpu.memref_squeeze %dma_start3A_188 : memref<1x128xi32, #tpu.memory_space<vmem>> -> memref<128xi32, #tpu.memory_space<vmem>>
    %dma_start3A_190 = arith.constant 0 : i32
    %dma_start3A_191 = arith.constant 0 : i32
    %dma_start3A_192 = tpu.memref_slice %arg8[%dma_start3A_190, %dma_start3A_191] : memref<32768x64xf32, #tpu.memory_space<hbm>> -> memref<32768x64xf32, #tpu.memory_space<hbm>>
    tpu.enqueue_indirect_dma source(%dma_start3A_186 : memref<128x64xf32, #tpu.memory_space<vmem>>) target(%dma_start3A_192 : memref<32768x64xf32, #tpu.memory_space<hbm>>) offsets(%dma_start3A_189 : memref<128xi32, #tpu.memory_space<vmem>>) semaphore(%arg12 : memref<!tpu.dma_semaphore, #tpu.memory_space<semaphore_mem>>)
    %dma_wait3A_193 = arith.constant 1 : i32
    %dma_wait3A_194 = arith.constant 128 : i32
    %dma_wait3A_195 = arith.constant 0 : i32
    %dma_wait3A_196 = tpu.memref_slice %arg11[%dma_wait3A_194, %dma_wait3A_195] : memref<1024x64xf32, #tpu.memory_space<vmem>> -> memref<128x64xf32, #tpu.memory_space<vmem>>
    %dma_wait3A_197 = arith.constant 0 : i32
    %dma_wait3A_198 = tpu.memref_slice %arg10[%dma_wait3A_193, %dma_wait3A_197] : memref<8x128xi32, #tpu.memory_space<vmem>> -> memref<1x128xi32, #tpu.memory_space<vmem>>
    %dma_wait3A_199 = tpu.memref_squeeze %dma_wait3A_198 : memref<1x128xi32, #tpu.memory_space<vmem>> -> memref<128xi32, #tpu.memory_space<vmem>>
    %dma_wait3A_200 = arith.constant 0 : i32
    %dma_wait3A_201 = arith.constant 0 : i32
    %dma_wait3A_202 = tpu.memref_slice %arg8[%dma_wait3A_200, %dma_wait3A_201] : memref<32768x64xf32, #tpu.memory_space<hbm>> -> memref<32768x64xf32, #tpu.memory_space<hbm>>
    tpu.wait_indirect_dma semaphore(%arg12 : memref<!tpu.dma_semaphore, #tpu.memory_space<semaphore_mem>>) src(%dma_wait3A_196 : memref<128x64xf32, #tpu.memory_space<vmem>>) dst(%dma_wait3A_202 : memref<32768x64xf32, #tpu.memory_space<hbm>>)
    %dma_start3A_203 = arith.constant 2 : i32
    %dma_start3A_204 = arith.constant 256 : i32
    %dma_start3A_205 = arith.constant 0 : i32
    %dma_start3A_206 = tpu.memref_slice %arg11[%dma_start3A_204, %dma_start3A_205] : memref<1024x64xf32, #tpu.memory_space<vmem>> -> memref<128x64xf32, #tpu.memory_space<vmem>>
    %dma_start3A_207 = arith.constant 0 : i32
    %dma_start3A_208 = tpu.memref_slice %arg10[%dma_start3A_203, %dma_start3A_207] : memref<8x128xi32, #tpu.memory_space<vmem>> -> memref<1x128xi32, #tpu.memory_space<vmem>>
    %dma_start3A_209 = tpu.memref_squeeze %dma_start3A_208 : memref<1x128xi32, #tpu.memory_space<vmem>> -> memref<128xi32, #tpu.memory_space<vmem>>
    %dma_start3A_210 = arith.constant 0 : i32
    %dma_start3A_211 = arith.constant 0 : i32
    %dma_start3A_212 = tpu.memref_slice %arg8[%dma_start3A_210, %dma_start3A_211] : memref<32768x64xf32, #tpu.memory_space<hbm>> -> memref<32768x64xf32, #tpu.memory_space<hbm>>
    tpu.enqueue_indirect_dma source(%dma_start3A_206 : memref<128x64xf32, #tpu.memory_space<vmem>>) target(%dma_start3A_212 : memref<32768x64xf32, #tpu.memory_space<hbm>>) offsets(%dma_start3A_209 : memref<128xi32, #tpu.memory_space<vmem>>) semaphore(%arg12 : memref<!tpu.dma_semaphore, #tpu.memory_space<semaphore_mem>>)
    %dma_wait3A_213 = arith.constant 2 : i32
    %dma_wait3A_214 = arith.constant 256 : i32
    %dma_wait3A_215 = arith.constant 0 : i32
    %dma_wait3A_216 = tpu.memref_slice %arg11[%dma_wait3A_214, %dma_wait3A_215] : memref<1024x64xf32, #tpu.memory_space<vmem>> -> memref<128x64xf32, #tpu.memory_space<vmem>>
    %dma_wait3A_217 = arith.constant 0 : i32
    %dma_wait3A_218 = tpu.memref_slice %arg10[%dma_wait3A_213, %dma_wait3A_217] : memref<8x128xi32, #tpu.memory_space<vmem>> -> memref<1x128xi32, #tpu.memory_space<vmem>>
    %dma_wait3A_219 = tpu.memref_squeeze %dma_wait3A_218 : memref<1x128xi32, #tpu.memory_space<vmem>> -> memref<128xi32, #tpu.memory_space<vmem>>
    %dma_wait3A_220 = arith.constant 0 : i32
    %dma_wait3A_221 = arith.constant 0 : i32
    %dma_wait3A_222 = tpu.memref_slice %arg8[%dma_wait3A_220, %dma_wait3A_221] : memref<32768x64xf32, #tpu.memory_space<hbm>> -> memref<32768x64xf32, #tpu.memory_space<hbm>>
    tpu.wait_indirect_dma semaphore(%arg12 : memref<!tpu.dma_semaphore, #tpu.memory_space<semaphore_mem>>) src(%dma_wait3A_216 : memref<128x64xf32, #tpu.memory_space<vmem>>) dst(%dma_wait3A_222 : memref<32768x64xf32, #tpu.memory_space<hbm>>)
    %dma_start3A_223 = arith.constant 3 : i32
    %dma_start3A_224 = arith.constant 384 : i32
    %dma_start3A_225 = arith.constant 0 : i32
    %dma_start3A_226 = tpu.memref_slice %arg11[%dma_start3A_224, %dma_start3A_225] : memref<1024x64xf32, #tpu.memory_space<vmem>> -> memref<128x64xf32, #tpu.memory_space<vmem>>
    %dma_start3A_227 = arith.constant 0 : i32
    %dma_start3A_228 = tpu.memref_slice %arg10[%dma_start3A_223, %dma_start3A_227] : memref<8x128xi32, #tpu.memory_space<vmem>> -> memref<1x128xi32, #tpu.memory_space<vmem>>
    %dma_start3A_229 = tpu.memref_squeeze %dma_start3A_228 : memref<1x128xi32, #tpu.memory_space<vmem>> -> memref<128xi32, #tpu.memory_space<vmem>>
    %dma_start3A_230 = arith.constant 0 : i32
    %dma_start3A_231 = arith.constant 0 : i32
    %dma_start3A_232 = tpu.memref_slice %arg8[%dma_start3A_230, %dma_start3A_231] : memref<32768x64xf32, #tpu.memory_space<hbm>> -> memref<32768x64xf32, #tpu.memory_space<hbm>>
    tpu.enqueue_indirect_dma source(%dma_start3A_226 : memref<128x64xf32, #tpu.memory_space<vmem>>) target(%dma_start3A_232 : memref<32768x64xf32, #tpu.memory_space<hbm>>) offsets(%dma_start3A_229 : memref<128xi32, #tpu.memory_space<vmem>>) semaphore(%arg12 : memref<!tpu.dma_semaphore, #tpu.memory_space<semaphore_mem>>)
    %dma_wait3A_233 = arith.constant 3 : i32
    %dma_wait3A_234 = arith.constant 384 : i32
    %dma_wait3A_235 = arith.constant 0 : i32
    %dma_wait3A_236 = tpu.memref_slice %arg11[%dma_wait3A_234, %dma_wait3A_235] : memref<1024x64xf32, #tpu.memory_space<vmem>> -> memref<128x64xf32, #tpu.memory_space<vmem>>
    %dma_wait3A_237 = arith.constant 0 : i32
    %dma_wait3A_238 = tpu.memref_slice %arg10[%dma_wait3A_233, %dma_wait3A_237] : memref<8x128xi32, #tpu.memory_space<vmem>> -> memref<1x128xi32, #tpu.memory_space<vmem>>
    %dma_wait3A_239 = tpu.memref_squeeze %dma_wait3A_238 : memref<1x128xi32, #tpu.memory_space<vmem>> -> memref<128xi32, #tpu.memory_space<vmem>>
    %dma_wait3A_240 = arith.constant 0 : i32
    %dma_wait3A_241 = arith.constant 0 : i32
    %dma_wait3A_242 = tpu.memref_slice %arg8[%dma_wait3A_240, %dma_wait3A_241] : memref<32768x64xf32, #tpu.memory_space<hbm>> -> memref<32768x64xf32, #tpu.memory_space<hbm>>
    tpu.wait_indirect_dma semaphore(%arg12 : memref<!tpu.dma_semaphore, #tpu.memory_space<semaphore_mem>>) src(%dma_wait3A_236 : memref<128x64xf32, #tpu.memory_space<vmem>>) dst(%dma_wait3A_242 : memref<32768x64xf32, #tpu.memory_space<hbm>>)
    %dma_start3A_243 = arith.constant 4 : i32
    %dma_start3A_244 = arith.constant 512 : i32
    %dma_start3A_245 = arith.constant 0 : i32
    %dma_start3A_246 = tpu.memref_slice %arg11[%dma_start3A_244, %dma_start3A_245] : memref<1024x64xf32, #tpu.memory_space<vmem>> -> memref<128x64xf32, #tpu.memory_space<vmem>>
    %dma_start3A_247 = arith.constant 0 : i32
    %dma_start3A_248 = tpu.memref_slice %arg10[%dma_start3A_243, %dma_start3A_247] : memref<8x128xi32, #tpu.memory_space<vmem>> -> memref<1x128xi32, #tpu.memory_space<vmem>>
    %dma_start3A_249 = tpu.memref_squeeze %dma_start3A_248 : memref<1x128xi32, #tpu.memory_space<vmem>> -> memref<128xi32, #tpu.memory_space<vmem>>
    %dma_start3A_250 = arith.constant 0 : i32
    %dma_start3A_251 = arith.constant 0 : i32
    %dma_start3A_252 = tpu.memref_slice %arg8[%dma_start3A_250, %dma_start3A_251] : memref<32768x64xf32, #tpu.memory_space<hbm>> -> memref<32768x64xf32, #tpu.memory_space<hbm>>
    tpu.enqueue_indirect_dma source(%dma_start3A_246 : memref<128x64xf32, #tpu.memory_space<vmem>>) target(%dma_start3A_252 : memref<32768x64xf32, #tpu.memory_space<hbm>>) offsets(%dma_start3A_249 : memref<128xi32, #tpu.memory_space<vmem>>) semaphore(%arg12 : memref<!tpu.dma_semaphore, #tpu.memory_space<semaphore_mem>>)
    %dma_wait3A_253 = arith.constant 4 : i32
    %dma_wait3A_254 = arith.constant 512 : i32
    %dma_wait3A_255 = arith.constant 0 : i32
    %dma_wait3A_256 = tpu.memref_slice %arg11[%dma_wait3A_254, %dma_wait3A_255] : memref<1024x64xf32, #tpu.memory_space<vmem>> -> memref<128x64xf32, #tpu.memory_space<vmem>>
    %dma_wait3A_257 = arith.constant 0 : i32
    %dma_wait3A_258 = tpu.memref_slice %arg10[%dma_wait3A_253, %dma_wait3A_257] : memref<8x128xi32, #tpu.memory_space<vmem>> -> memref<1x128xi32, #tpu.memory_space<vmem>>
    %dma_wait3A_259 = tpu.memref_squeeze %dma_wait3A_258 : memref<1x128xi32, #tpu.memory_space<vmem>> -> memref<128xi32, #tpu.memory_space<vmem>>
    %dma_wait3A_260 = arith.constant 0 : i32
    %dma_wait3A_261 = arith.constant 0 : i32
    %dma_wait3A_262 = tpu.memref_slice %arg8[%dma_wait3A_260, %dma_wait3A_261] : memref<32768x64xf32, #tpu.memory_space<hbm>> -> memref<32768x64xf32, #tpu.memory_space<hbm>>
    tpu.wait_indirect_dma semaphore(%arg12 : memref<!tpu.dma_semaphore, #tpu.memory_space<semaphore_mem>>) src(%dma_wait3A_256 : memref<128x64xf32, #tpu.memory_space<vmem>>) dst(%dma_wait3A_262 : memref<32768x64xf32, #tpu.memory_space<hbm>>)
    %dma_start3A_263 = arith.constant 5 : i32
    %dma_start3A_264 = arith.constant 640 : i32
    %dma_start3A_265 = arith.constant 0 : i32
    %dma_start3A_266 = tpu.memref_slice %arg11[%dma_start3A_264, %dma_start3A_265] : memref<1024x64xf32, #tpu.memory_space<vmem>> -> memref<128x64xf32, #tpu.memory_space<vmem>>
    %dma_start3A_267 = arith.constant 0 : i32
    %dma_start3A_268 = tpu.memref_slice %arg10[%dma_start3A_263, %dma_start3A_267] : memref<8x128xi32, #tpu.memory_space<vmem>> -> memref<1x128xi32, #tpu.memory_space<vmem>>
    %dma_start3A_269 = tpu.memref_squeeze %dma_start3A_268 : memref<1x128xi32, #tpu.memory_space<vmem>> -> memref<128xi32, #tpu.memory_space<vmem>>
    %dma_start3A_270 = arith.constant 0 : i32
    %dma_start3A_271 = arith.constant 0 : i32
    %dma_start3A_272 = tpu.memref_slice %arg8[%dma_start3A_270, %dma_start3A_271] : memref<32768x64xf32, #tpu.memory_space<hbm>> -> memref<32768x64xf32, #tpu.memory_space<hbm>>
    tpu.enqueue_indirect_dma source(%dma_start3A_266 : memref<128x64xf32, #tpu.memory_space<vmem>>) target(%dma_start3A_272 : memref<32768x64xf32, #tpu.memory_space<hbm>>) offsets(%dma_start3A_269 : memref<128xi32, #tpu.memory_space<vmem>>) semaphore(%arg12 : memref<!tpu.dma_semaphore, #tpu.memory_space<semaphore_mem>>)
    %dma_wait3A_273 = arith.constant 5 : i32
    %dma_wait3A_274 = arith.constant 640 : i32
    %dma_wait3A_275 = arith.constant 0 : i32
    %dma_wait3A_276 = tpu.memref_slice %arg11[%dma_wait3A_274, %dma_wait3A_275] : memref<1024x64xf32, #tpu.memory_space<vmem>> -> memref<128x64xf32, #tpu.memory_space<vmem>>
    %dma_wait3A_277 = arith.constant 0 : i32
    %dma_wait3A_278 = tpu.memref_slice %arg10[%dma_wait3A_273, %dma_wait3A_277] : memref<8x128xi32, #tpu.memory_space<vmem>> -> memref<1x128xi32, #tpu.memory_space<vmem>>
    %dma_wait3A_279 = tpu.memref_squeeze %dma_wait3A_278 : memref<1x128xi32, #tpu.memory_space<vmem>> -> memref<128xi32, #tpu.memory_space<vmem>>
    %dma_wait3A_280 = arith.constant 0 : i32
    %dma_wait3A_281 = arith.constant 0 : i32
    %dma_wait3A_282 = tpu.memref_slice %arg8[%dma_wait3A_280, %dma_wait3A_281] : memref<32768x64xf32, #tpu.memory_space<hbm>> -> memref<32768x64xf32, #tpu.memory_space<hbm>>
    tpu.wait_indirect_dma semaphore(%arg12 : memref<!tpu.dma_semaphore, #tpu.memory_space<semaphore_mem>>) src(%dma_wait3A_276 : memref<128x64xf32, #tpu.memory_space<vmem>>) dst(%dma_wait3A_282 : memref<32768x64xf32, #tpu.memory_space<hbm>>)
    %dma_start3A_283 = arith.constant 6 : i32
    %dma_start3A_284 = arith.constant 768 : i32
    %dma_start3A_285 = arith.constant 0 : i32
    %dma_start3A_286 = tpu.memref_slice %arg11[%dma_start3A_284, %dma_start3A_285] : memref<1024x64xf32, #tpu.memory_space<vmem>> -> memref<128x64xf32, #tpu.memory_space<vmem>>
    %dma_start3A_287 = arith.constant 0 : i32
    %dma_start3A_288 = tpu.memref_slice %arg10[%dma_start3A_283, %dma_start3A_287] : memref<8x128xi32, #tpu.memory_space<vmem>> -> memref<1x128xi32, #tpu.memory_space<vmem>>
    %dma_start3A_289 = tpu.memref_squeeze %dma_start3A_288 : memref<1x128xi32, #tpu.memory_space<vmem>> -> memref<128xi32, #tpu.memory_space<vmem>>
    %dma_start3A_290 = arith.constant 0 : i32
    %dma_start3A_291 = arith.constant 0 : i32
    %dma_start3A_292 = tpu.memref_slice %arg8[%dma_start3A_290, %dma_start3A_291] : memref<32768x64xf32, #tpu.memory_space<hbm>> -> memref<32768x64xf32, #tpu.memory_space<hbm>>
    tpu.enqueue_indirect_dma source(%dma_start3A_286 : memref<128x64xf32, #tpu.memory_space<vmem>>) target(%dma_start3A_292 : memref<32768x64xf32, #tpu.memory_space<hbm>>) offsets(%dma_start3A_289 : memref<128xi32, #tpu.memory_space<vmem>>) semaphore(%arg12 : memref<!tpu.dma_semaphore, #tpu.memory_space<semaphore_mem>>)
    %dma_wait3A_293 = arith.constant 6 : i32
    %dma_wait3A_294 = arith.constant 768 : i32
    %dma_wait3A_295 = arith.constant 0 : i32
    %dma_wait3A_296 = tpu.memref_slice %arg11[%dma_wait3A_294, %dma_wait3A_295] : memref<1024x64xf32, #tpu.memory_space<vmem>> -> memref<128x64xf32, #tpu.memory_space<vmem>>
    %dma_wait3A_297 = arith.constant 0 : i32
    %dma_wait3A_298 = tpu.memref_slice %arg10[%dma_wait3A_293, %dma_wait3A_297] : memref<8x128xi32, #tpu.memory_space<vmem>> -> memref<1x128xi32, #tpu.memory_space<vmem>>
    %dma_wait3A_299 = tpu.memref_squeeze %dma_wait3A_298 : memref<1x128xi32, #tpu.memory_space<vmem>> -> memref<128xi32, #tpu.memory_space<vmem>>
    %dma_wait3A_300 = arith.constant 0 : i32
    %dma_wait3A_301 = arith.constant 0 : i32
    %dma_wait3A_302 = tpu.memref_slice %arg8[%dma_wait3A_300, %dma_wait3A_301] : memref<32768x64xf32, #tpu.memory_space<hbm>> -> memref<32768x64xf32, #tpu.memory_space<hbm>>
    tpu.wait_indirect_dma semaphore(%arg12 : memref<!tpu.dma_semaphore, #tpu.memory_space<semaphore_mem>>) src(%dma_wait3A_296 : memref<128x64xf32, #tpu.memory_space<vmem>>) dst(%dma_wait3A_302 : memref<32768x64xf32, #tpu.memory_space<hbm>>)
    %dma_start3A_303 = arith.constant 7 : i32
    %dma_start3A_304 = arith.constant 896 : i32
    %dma_start3A_305 = arith.constant 0 : i32
    %dma_start3A_306 = tpu.memref_slice %arg11[%dma_start3A_304, %dma_start3A_305] : memref<1024x64xf32, #tpu.memory_space<vmem>> -> memref<128x64xf32, #tpu.memory_space<vmem>>
    %dma_start3A_307 = arith.constant 0 : i32
    %dma_start3A_308 = tpu.memref_slice %arg10[%dma_start3A_303, %dma_start3A_307] : memref<8x128xi32, #tpu.memory_space<vmem>> -> memref<1x128xi32, #tpu.memory_space<vmem>>
    %dma_start3A_309 = tpu.memref_squeeze %dma_start3A_308 : memref<1x128xi32, #tpu.memory_space<vmem>> -> memref<128xi32, #tpu.memory_space<vmem>>
    %dma_start3A_310 = arith.constant 0 : i32
    %dma_start3A_311 = arith.constant 0 : i32
    %dma_start3A_312 = tpu.memref_slice %arg8[%dma_start3A_310, %dma_start3A_311] : memref<32768x64xf32, #tpu.memory_space<hbm>> -> memref<32768x64xf32, #tpu.memory_space<hbm>>
    tpu.enqueue_indirect_dma source(%dma_start3A_306 : memref<128x64xf32, #tpu.memory_space<vmem>>) target(%dma_start3A_312 : memref<32768x64xf32, #tpu.memory_space<hbm>>) offsets(%dma_start3A_309 : memref<128xi32, #tpu.memory_space<vmem>>) semaphore(%arg12 : memref<!tpu.dma_semaphore, #tpu.memory_space<semaphore_mem>>)
    %dma_wait3A_313 = arith.constant 7 : i32
    %dma_wait3A_314 = arith.constant 896 : i32
    %dma_wait3A_315 = arith.constant 0 : i32
    %dma_wait3A_316 = tpu.memref_slice %arg11[%dma_wait3A_314, %dma_wait3A_315] : memref<1024x64xf32, #tpu.memory_space<vmem>> -> memref<128x64xf32, #tpu.memory_space<vmem>>
    %dma_wait3A_317 = arith.constant 0 : i32
    %dma_wait3A_318 = tpu.memref_slice %arg10[%dma_wait3A_313, %dma_wait3A_317] : memref<8x128xi32, #tpu.memory_space<vmem>> -> memref<1x128xi32, #tpu.memory_space<vmem>>
    %dma_wait3A_319 = tpu.memref_squeeze %dma_wait3A_318 : memref<1x128xi32, #tpu.memory_space<vmem>> -> memref<128xi32, #tpu.memory_space<vmem>>
    %dma_wait3A_320 = arith.constant 0 : i32
    %dma_wait3A_321 = arith.constant 0 : i32
    %dma_wait3A_322 = tpu.memref_slice %arg8[%dma_wait3A_320, %dma_wait3A_321] : memref<32768x64xf32, #tpu.memory_space<hbm>> -> memref<32768x64xf32, #tpu.memory_space<hbm>>
    tpu.wait_indirect_dma semaphore(%arg12 : memref<!tpu.dma_semaphore, #tpu.memory_space<semaphore_mem>>) src(%dma_wait3A_316 : memref<128x64xf32, #tpu.memory_space<vmem>>) dst(%dma_wait3A_322 : memref<32768x64xf32, #tpu.memory_space<hbm>>)
    "tpu.region"() ({
      %run_scoped3A = tpu.sem_alloc : memref<!tpu.dma_semaphore, #tpu.memory_space<semaphore_mem>>
      %dma_start3A_483 = arith.constant 0 : i32
      %dma_start3A_484 = tpu.memref_slice %arg4[%mul3A_2, %dma_start3A_483] : memref<32768x64xf32, #tpu.memory_space<hbm>> -> memref<1024x64xf32, #tpu.memory_space<hbm>>
      %dma_start3A_485 = arith.constant 0 : i32
      %dma_start3A_486 = tpu.memref_slice %arg4[%mul3A_2, %dma_start3A_485] : memref<32768x64xf32, #tpu.memory_space<hbm>> -> memref<1024x64xf32, #tpu.memory_space<hbm>>
      tpu.enqueue_dma source(%dma_start3A_486 : memref<1024x64xf32, #tpu.memory_space<hbm>>) target(%arg11 : memref<1024x64xf32, #tpu.memory_space<vmem>>) target_semaphore(%run_scoped3A : memref<!tpu.dma_semaphore, #tpu.memory_space<semaphore_mem>>)
      %dma_wait3A_487 = arith.constant 0 : i32
      %dma_wait3A_488 = tpu.memref_slice %arg4[%mul3A_2, %dma_wait3A_487] : memref<32768x64xf32, #tpu.memory_space<hbm>> -> memref<1024x64xf32, #tpu.memory_space<hbm>>
      %dma_wait3A_489 = arith.constant 0 : i32
      %dma_wait3A_490 = tpu.memref_slice %arg4[%mul3A_2, %dma_wait3A_489] : memref<32768x64xf32, #tpu.memory_space<hbm>> -> memref<1024x64xf32, #tpu.memory_space<hbm>>
      tpu.wait_dma2 semaphore(%run_scoped3A : memref<!tpu.dma_semaphore, #tpu.memory_space<semaphore_mem>>) src(%dma_wait3A_490 : memref<1024x64xf32, #tpu.memory_space<hbm>>) dst(%arg11 : memref<1024x64xf32, #tpu.memory_space<vmem>>)
      tpu.yield
    }) : () -> ()
    %dma_start3A_323 = arith.constant 0 : i32
    %dma_start3A_324 = arith.constant 0 : i32
    %dma_start3A_325 = arith.constant 0 : i32
    %dma_start3A_326 = tpu.memref_slice %arg11[%dma_start3A_324, %dma_start3A_325] : memref<1024x64xf32, #tpu.memory_space<vmem>> -> memref<128x64xf32, #tpu.memory_space<vmem>>
    %dma_start3A_327 = arith.constant 0 : i32
    %dma_start3A_328 = tpu.memref_slice %arg10[%dma_start3A_323, %dma_start3A_327] : memref<8x128xi32, #tpu.memory_space<vmem>> -> memref<1x128xi32, #tpu.memory_space<vmem>>
    %dma_start3A_329 = tpu.memref_squeeze %dma_start3A_328 : memref<1x128xi32, #tpu.memory_space<vmem>> -> memref<128xi32, #tpu.memory_space<vmem>>
    %dma_start3A_330 = arith.constant 0 : i32
    %dma_start3A_331 = arith.constant 0 : i32
    %dma_start3A_332 = tpu.memref_slice %arg9[%dma_start3A_330, %dma_start3A_331] : memref<32768x64xf32, #tpu.memory_space<hbm>> -> memref<32768x64xf32, #tpu.memory_space<hbm>>
    tpu.enqueue_indirect_dma source(%dma_start3A_326 : memref<128x64xf32, #tpu.memory_space<vmem>>) target(%dma_start3A_332 : memref<32768x64xf32, #tpu.memory_space<hbm>>) offsets(%dma_start3A_329 : memref<128xi32, #tpu.memory_space<vmem>>) semaphore(%arg12 : memref<!tpu.dma_semaphore, #tpu.memory_space<semaphore_mem>>)
    %dma_wait3A_333 = arith.constant 0 : i32
    %dma_wait3A_334 = arith.constant 0 : i32
    %dma_wait3A_335 = arith.constant 0 : i32
    %dma_wait3A_336 = tpu.memref_slice %arg11[%dma_wait3A_334, %dma_wait3A_335] : memref<1024x64xf32, #tpu.memory_space<vmem>> -> memref<128x64xf32, #tpu.memory_space<vmem>>
    %dma_wait3A_337 = arith.constant 0 : i32
    %dma_wait3A_338 = tpu.memref_slice %arg10[%dma_wait3A_333, %dma_wait3A_337] : memref<8x128xi32, #tpu.memory_space<vmem>> -> memref<1x128xi32, #tpu.memory_space<vmem>>
    %dma_wait3A_339 = tpu.memref_squeeze %dma_wait3A_338 : memref<1x128xi32, #tpu.memory_space<vmem>> -> memref<128xi32, #tpu.memory_space<vmem>>
    %dma_wait3A_340 = arith.constant 0 : i32
    %dma_wait3A_341 = arith.constant 0 : i32
    %dma_wait3A_342 = tpu.memref_slice %arg9[%dma_wait3A_340, %dma_wait3A_341] : memref<32768x64xf32, #tpu.memory_space<hbm>> -> memref<32768x64xf32, #tpu.memory_space<hbm>>
    tpu.wait_indirect_dma semaphore(%arg12 : memref<!tpu.dma_semaphore, #tpu.memory_space<semaphore_mem>>) src(%dma_wait3A_336 : memref<128x64xf32, #tpu.memory_space<vmem>>) dst(%dma_wait3A_342 : memref<32768x64xf32, #tpu.memory_space<hbm>>)
    %dma_start3A_343 = arith.constant 1 : i32
    %dma_start3A_344 = arith.constant 128 : i32
    %dma_start3A_345 = arith.constant 0 : i32
    %dma_start3A_346 = tpu.memref_slice %arg11[%dma_start3A_344, %dma_start3A_345] : memref<1024x64xf32, #tpu.memory_space<vmem>> -> memref<128x64xf32, #tpu.memory_space<vmem>>
    %dma_start3A_347 = arith.constant 0 : i32
    %dma_start3A_348 = tpu.memref_slice %arg10[%dma_start3A_343, %dma_start3A_347] : memref<8x128xi32, #tpu.memory_space<vmem>> -> memref<1x128xi32, #tpu.memory_space<vmem>>
    %dma_start3A_349 = tpu.memref_squeeze %dma_start3A_348 : memref<1x128xi32, #tpu.memory_space<vmem>> -> memref<128xi32, #tpu.memory_space<vmem>>
    %dma_start3A_350 = arith.constant 0 : i32
    %dma_start3A_351 = arith.constant 0 : i32
    %dma_start3A_352 = tpu.memref_slice %arg9[%dma_start3A_350, %dma_start3A_351] : memref<32768x64xf32, #tpu.memory_space<hbm>> -> memref<32768x64xf32, #tpu.memory_space<hbm>>
    tpu.enqueue_indirect_dma source(%dma_start3A_346 : memref<128x64xf32, #tpu.memory_space<vmem>>) target(%dma_start3A_352 : memref<32768x64xf32, #tpu.memory_space<hbm>>) offsets(%dma_start3A_349 : memref<128xi32, #tpu.memory_space<vmem>>) semaphore(%arg12 : memref<!tpu.dma_semaphore, #tpu.memory_space<semaphore_mem>>)
    %dma_wait3A_353 = arith.constant 1 : i32
    %dma_wait3A_354 = arith.constant 128 : i32
    %dma_wait3A_355 = arith.constant 0 : i32
    %dma_wait3A_356 = tpu.memref_slice %arg11[%dma_wait3A_354, %dma_wait3A_355] : memref<1024x64xf32, #tpu.memory_space<vmem>> -> memref<128x64xf32, #tpu.memory_space<vmem>>
    %dma_wait3A_357 = arith.constant 0 : i32
    %dma_wait3A_358 = tpu.memref_slice %arg10[%dma_wait3A_353, %dma_wait3A_357] : memref<8x128xi32, #tpu.memory_space<vmem>> -> memref<1x128xi32, #tpu.memory_space<vmem>>
    %dma_wait3A_359 = tpu.memref_squeeze %dma_wait3A_358 : memref<1x128xi32, #tpu.memory_space<vmem>> -> memref<128xi32, #tpu.memory_space<vmem>>
    %dma_wait3A_360 = arith.constant 0 : i32
    %dma_wait3A_361 = arith.constant 0 : i32
    %dma_wait3A_362 = tpu.memref_slice %arg9[%dma_wait3A_360, %dma_wait3A_361] : memref<32768x64xf32, #tpu.memory_space<hbm>> -> memref<32768x64xf32, #tpu.memory_space<hbm>>
    tpu.wait_indirect_dma semaphore(%arg12 : memref<!tpu.dma_semaphore, #tpu.memory_space<semaphore_mem>>) src(%dma_wait3A_356 : memref<128x64xf32, #tpu.memory_space<vmem>>) dst(%dma_wait3A_362 : memref<32768x64xf32, #tpu.memory_space<hbm>>)
    %dma_start3A_363 = arith.constant 2 : i32
    %dma_start3A_364 = arith.constant 256 : i32
    %dma_start3A_365 = arith.constant 0 : i32
    %dma_start3A_366 = tpu.memref_slice %arg11[%dma_start3A_364, %dma_start3A_365] : memref<1024x64xf32, #tpu.memory_space<vmem>> -> memref<128x64xf32, #tpu.memory_space<vmem>>
    %dma_start3A_367 = arith.constant 0 : i32
    %dma_start3A_368 = tpu.memref_slice %arg10[%dma_start3A_363, %dma_start3A_367] : memref<8x128xi32, #tpu.memory_space<vmem>> -> memref<1x128xi32, #tpu.memory_space<vmem>>
    %dma_start3A_369 = tpu.memref_squeeze %dma_start3A_368 : memref<1x128xi32, #tpu.memory_space<vmem>> -> memref<128xi32, #tpu.memory_space<vmem>>
    %dma_start3A_370 = arith.constant 0 : i32
    %dma_start3A_371 = arith.constant 0 : i32
    %dma_start3A_372 = tpu.memref_slice %arg9[%dma_start3A_370, %dma_start3A_371] : memref<32768x64xf32, #tpu.memory_space<hbm>> -> memref<32768x64xf32, #tpu.memory_space<hbm>>
    tpu.enqueue_indirect_dma source(%dma_start3A_366 : memref<128x64xf32, #tpu.memory_space<vmem>>) target(%dma_start3A_372 : memref<32768x64xf32, #tpu.memory_space<hbm>>) offsets(%dma_start3A_369 : memref<128xi32, #tpu.memory_space<vmem>>) semaphore(%arg12 : memref<!tpu.dma_semaphore, #tpu.memory_space<semaphore_mem>>)
    %dma_wait3A_373 = arith.constant 2 : i32
    %dma_wait3A_374 = arith.constant 256 : i32
    %dma_wait3A_375 = arith.constant 0 : i32
    %dma_wait3A_376 = tpu.memref_slice %arg11[%dma_wait3A_374, %dma_wait3A_375] : memref<1024x64xf32, #tpu.memory_space<vmem>> -> memref<128x64xf32, #tpu.memory_space<vmem>>
    %dma_wait3A_377 = arith.constant 0 : i32
    %dma_wait3A_378 = tpu.memref_slice %arg10[%dma_wait3A_373, %dma_wait3A_377] : memref<8x128xi32, #tpu.memory_space<vmem>> -> memref<1x128xi32, #tpu.memory_space<vmem>>
    %dma_wait3A_379 = tpu.memref_squeeze %dma_wait3A_378 : memref<1x128xi32, #tpu.memory_space<vmem>> -> memref<128xi32, #tpu.memory_space<vmem>>
    %dma_wait3A_380 = arith.constant 0 : i32
    %dma_wait3A_381 = arith.constant 0 : i32
    %dma_wait3A_382 = tpu.memref_slice %arg9[%dma_wait3A_380, %dma_wait3A_381] : memref<32768x64xf32, #tpu.memory_space<hbm>> -> memref<32768x64xf32, #tpu.memory_space<hbm>>
    tpu.wait_indirect_dma semaphore(%arg12 : memref<!tpu.dma_semaphore, #tpu.memory_space<semaphore_mem>>) src(%dma_wait3A_376 : memref<128x64xf32, #tpu.memory_space<vmem>>) dst(%dma_wait3A_382 : memref<32768x64xf32, #tpu.memory_space<hbm>>)
    %dma_start3A_383 = arith.constant 3 : i32
    %dma_start3A_384 = arith.constant 384 : i32
    %dma_start3A_385 = arith.constant 0 : i32
    %dma_start3A_386 = tpu.memref_slice %arg11[%dma_start3A_384, %dma_start3A_385] : memref<1024x64xf32, #tpu.memory_space<vmem>> -> memref<128x64xf32, #tpu.memory_space<vmem>>
    %dma_start3A_387 = arith.constant 0 : i32
    %dma_start3A_388 = tpu.memref_slice %arg10[%dma_start3A_383, %dma_start3A_387] : memref<8x128xi32, #tpu.memory_space<vmem>> -> memref<1x128xi32, #tpu.memory_space<vmem>>
    %dma_start3A_389 = tpu.memref_squeeze %dma_start3A_388 : memref<1x128xi32, #tpu.memory_space<vmem>> -> memref<128xi32, #tpu.memory_space<vmem>>
    %dma_start3A_390 = arith.constant 0 : i32
    %dma_start3A_391 = arith.constant 0 : i32
    %dma_start3A_392 = tpu.memref_slice %arg9[%dma_start3A_390, %dma_start3A_391] : memref<32768x64xf32, #tpu.memory_space<hbm>> -> memref<32768x64xf32, #tpu.memory_space<hbm>>
    tpu.enqueue_indirect_dma source(%dma_start3A_386 : memref<128x64xf32, #tpu.memory_space<vmem>>) target(%dma_start3A_392 : memref<32768x64xf32, #tpu.memory_space<hbm>>) offsets(%dma_start3A_389 : memref<128xi32, #tpu.memory_space<vmem>>) semaphore(%arg12 : memref<!tpu.dma_semaphore, #tpu.memory_space<semaphore_mem>>)
    %dma_wait3A_393 = arith.constant 3 : i32
    %dma_wait3A_394 = arith.constant 384 : i32
    %dma_wait3A_395 = arith.constant 0 : i32
    %dma_wait3A_396 = tpu.memref_slice %arg11[%dma_wait3A_394, %dma_wait3A_395] : memref<1024x64xf32, #tpu.memory_space<vmem>> -> memref<128x64xf32, #tpu.memory_space<vmem>>
    %dma_wait3A_397 = arith.constant 0 : i32
    %dma_wait3A_398 = tpu.memref_slice %arg10[%dma_wait3A_393, %dma_wait3A_397] : memref<8x128xi32, #tpu.memory_space<vmem>> -> memref<1x128xi32, #tpu.memory_space<vmem>>
    %dma_wait3A_399 = tpu.memref_squeeze %dma_wait3A_398 : memref<1x128xi32, #tpu.memory_space<vmem>> -> memref<128xi32, #tpu.memory_space<vmem>>
    %dma_wait3A_400 = arith.constant 0 : i32
    %dma_wait3A_401 = arith.constant 0 : i32
    %dma_wait3A_402 = tpu.memref_slice %arg9[%dma_wait3A_400, %dma_wait3A_401] : memref<32768x64xf32, #tpu.memory_space<hbm>> -> memref<32768x64xf32, #tpu.memory_space<hbm>>
    tpu.wait_indirect_dma semaphore(%arg12 : memref<!tpu.dma_semaphore, #tpu.memory_space<semaphore_mem>>) src(%dma_wait3A_396 : memref<128x64xf32, #tpu.memory_space<vmem>>) dst(%dma_wait3A_402 : memref<32768x64xf32, #tpu.memory_space<hbm>>)
    %dma_start3A_403 = arith.constant 4 : i32
    %dma_start3A_404 = arith.constant 512 : i32
    %dma_start3A_405 = arith.constant 0 : i32
    %dma_start3A_406 = tpu.memref_slice %arg11[%dma_start3A_404, %dma_start3A_405] : memref<1024x64xf32, #tpu.memory_space<vmem>> -> memref<128x64xf32, #tpu.memory_space<vmem>>
    %dma_start3A_407 = arith.constant 0 : i32
    %dma_start3A_408 = tpu.memref_slice %arg10[%dma_start3A_403, %dma_start3A_407] : memref<8x128xi32, #tpu.memory_space<vmem>> -> memref<1x128xi32, #tpu.memory_space<vmem>>
    %dma_start3A_409 = tpu.memref_squeeze %dma_start3A_408 : memref<1x128xi32, #tpu.memory_space<vmem>> -> memref<128xi32, #tpu.memory_space<vmem>>
    %dma_start3A_410 = arith.constant 0 : i32
    %dma_start3A_411 = arith.constant 0 : i32
    %dma_start3A_412 = tpu.memref_slice %arg9[%dma_start3A_410, %dma_start3A_411] : memref<32768x64xf32, #tpu.memory_space<hbm>> -> memref<32768x64xf32, #tpu.memory_space<hbm>>
    tpu.enqueue_indirect_dma source(%dma_start3A_406 : memref<128x64xf32, #tpu.memory_space<vmem>>) target(%dma_start3A_412 : memref<32768x64xf32, #tpu.memory_space<hbm>>) offsets(%dma_start3A_409 : memref<128xi32, #tpu.memory_space<vmem>>) semaphore(%arg12 : memref<!tpu.dma_semaphore, #tpu.memory_space<semaphore_mem>>)
    %dma_wait3A_413 = arith.constant 4 : i32
    %dma_wait3A_414 = arith.constant 512 : i32
    %dma_wait3A_415 = arith.constant 0 : i32
    %dma_wait3A_416 = tpu.memref_slice %arg11[%dma_wait3A_414, %dma_wait3A_415] : memref<1024x64xf32, #tpu.memory_space<vmem>> -> memref<128x64xf32, #tpu.memory_space<vmem>>
    %dma_wait3A_417 = arith.constant 0 : i32
    %dma_wait3A_418 = tpu.memref_slice %arg10[%dma_wait3A_413, %dma_wait3A_417] : memref<8x128xi32, #tpu.memory_space<vmem>> -> memref<1x128xi32, #tpu.memory_space<vmem>>
    %dma_wait3A_419 = tpu.memref_squeeze %dma_wait3A_418 : memref<1x128xi32, #tpu.memory_space<vmem>> -> memref<128xi32, #tpu.memory_space<vmem>>
    %dma_wait3A_420 = arith.constant 0 : i32
    %dma_wait3A_421 = arith.constant 0 : i32
    %dma_wait3A_422 = tpu.memref_slice %arg9[%dma_wait3A_420, %dma_wait3A_421] : memref<32768x64xf32, #tpu.memory_space<hbm>> -> memref<32768x64xf32, #tpu.memory_space<hbm>>
    tpu.wait_indirect_dma semaphore(%arg12 : memref<!tpu.dma_semaphore, #tpu.memory_space<semaphore_mem>>) src(%dma_wait3A_416 : memref<128x64xf32, #tpu.memory_space<vmem>>) dst(%dma_wait3A_422 : memref<32768x64xf32, #tpu.memory_space<hbm>>)
    %dma_start3A_423 = arith.constant 5 : i32
    %dma_start3A_424 = arith.constant 640 : i32
    %dma_start3A_425 = arith.constant 0 : i32
    %dma_start3A_426 = tpu.memref_slice %arg11[%dma_start3A_424, %dma_start3A_425] : memref<1024x64xf32, #tpu.memory_space<vmem>> -> memref<128x64xf32, #tpu.memory_space<vmem>>
    %dma_start3A_427 = arith.constant 0 : i32
    %dma_start3A_428 = tpu.memref_slice %arg10[%dma_start3A_423, %dma_start3A_427] : memref<8x128xi32, #tpu.memory_space<vmem>> -> memref<1x128xi32, #tpu.memory_space<vmem>>
    %dma_start3A_429 = tpu.memref_squeeze %dma_start3A_428 : memref<1x128xi32, #tpu.memory_space<vmem>> -> memref<128xi32, #tpu.memory_space<vmem>>
    %dma_start3A_430 = arith.constant 0 : i32
    %dma_start3A_431 = arith.constant 0 : i32
    %dma_start3A_432 = tpu.memref_slice %arg9[%dma_start3A_430, %dma_start3A_431] : memref<32768x64xf32, #tpu.memory_space<hbm>> -> memref<32768x64xf32, #tpu.memory_space<hbm>>
    tpu.enqueue_indirect_dma source(%dma_start3A_426 : memref<128x64xf32, #tpu.memory_space<vmem>>) target(%dma_start3A_432 : memref<32768x64xf32, #tpu.memory_space<hbm>>) offsets(%dma_start3A_429 : memref<128xi32, #tpu.memory_space<vmem>>) semaphore(%arg12 : memref<!tpu.dma_semaphore, #tpu.memory_space<semaphore_mem>>)
    %dma_wait3A_433 = arith.constant 5 : i32
    %dma_wait3A_434 = arith.constant 640 : i32
    %dma_wait3A_435 = arith.constant 0 : i32
    %dma_wait3A_436 = tpu.memref_slice %arg11[%dma_wait3A_434, %dma_wait3A_435] : memref<1024x64xf32, #tpu.memory_space<vmem>> -> memref<128x64xf32, #tpu.memory_space<vmem>>
    %dma_wait3A_437 = arith.constant 0 : i32
    %dma_wait3A_438 = tpu.memref_slice %arg10[%dma_wait3A_433, %dma_wait3A_437] : memref<8x128xi32, #tpu.memory_space<vmem>> -> memref<1x128xi32, #tpu.memory_space<vmem>>
    %dma_wait3A_439 = tpu.memref_squeeze %dma_wait3A_438 : memref<1x128xi32, #tpu.memory_space<vmem>> -> memref<128xi32, #tpu.memory_space<vmem>>
    %dma_wait3A_440 = arith.constant 0 : i32
    %dma_wait3A_441 = arith.constant 0 : i32
    %dma_wait3A_442 = tpu.memref_slice %arg9[%dma_wait3A_440, %dma_wait3A_441] : memref<32768x64xf32, #tpu.memory_space<hbm>> -> memref<32768x64xf32, #tpu.memory_space<hbm>>
    tpu.wait_indirect_dma semaphore(%arg12 : memref<!tpu.dma_semaphore, #tpu.memory_space<semaphore_mem>>) src(%dma_wait3A_436 : memref<128x64xf32, #tpu.memory_space<vmem>>) dst(%dma_wait3A_442 : memref<32768x64xf32, #tpu.memory_space<hbm>>)
    %dma_start3A_443 = arith.constant 6 : i32
    %dma_start3A_444 = arith.constant 768 : i32
    %dma_start3A_445 = arith.constant 0 : i32
    %dma_start3A_446 = tpu.memref_slice %arg11[%dma_start3A_444, %dma_start3A_445] : memref<1024x64xf32, #tpu.memory_space<vmem>> -> memref<128x64xf32, #tpu.memory_space<vmem>>
    %dma_start3A_447 = arith.constant 0 : i32
    %dma_start3A_448 = tpu.memref_slice %arg10[%dma_start3A_443, %dma_start3A_447] : memref<8x128xi32, #tpu.memory_space<vmem>> -> memref<1x128xi32, #tpu.memory_space<vmem>>
    %dma_start3A_449 = tpu.memref_squeeze %dma_start3A_448 : memref<1x128xi32, #tpu.memory_space<vmem>> -> memref<128xi32, #tpu.memory_space<vmem>>
    %dma_start3A_450 = arith.constant 0 : i32
    %dma_start3A_451 = arith.constant 0 : i32
    %dma_start3A_452 = tpu.memref_slice %arg9[%dma_start3A_450, %dma_start3A_451] : memref<32768x64xf32, #tpu.memory_space<hbm>> -> memref<32768x64xf32, #tpu.memory_space<hbm>>
    tpu.enqueue_indirect_dma source(%dma_start3A_446 : memref<128x64xf32, #tpu.memory_space<vmem>>) target(%dma_start3A_452 : memref<32768x64xf32, #tpu.memory_space<hbm>>) offsets(%dma_start3A_449 : memref<128xi32, #tpu.memory_space<vmem>>) semaphore(%arg12 : memref<!tpu.dma_semaphore, #tpu.memory_space<semaphore_mem>>)
    %dma_wait3A_453 = arith.constant 6 : i32
    %dma_wait3A_454 = arith.constant 768 : i32
    %dma_wait3A_455 = arith.constant 0 : i32
    %dma_wait3A_456 = tpu.memref_slice %arg11[%dma_wait3A_454, %dma_wait3A_455] : memref<1024x64xf32, #tpu.memory_space<vmem>> -> memref<128x64xf32, #tpu.memory_space<vmem>>
    %dma_wait3A_457 = arith.constant 0 : i32
    %dma_wait3A_458 = tpu.memref_slice %arg10[%dma_wait3A_453, %dma_wait3A_457] : memref<8x128xi32, #tpu.memory_space<vmem>> -> memref<1x128xi32, #tpu.memory_space<vmem>>
    %dma_wait3A_459 = tpu.memref_squeeze %dma_wait3A_458 : memref<1x128xi32, #tpu.memory_space<vmem>> -> memref<128xi32, #tpu.memory_space<vmem>>
    %dma_wait3A_460 = arith.constant 0 : i32
    %dma_wait3A_461 = arith.constant 0 : i32
    %dma_wait3A_462 = tpu.memref_slice %arg9[%dma_wait3A_460, %dma_wait3A_461] : memref<32768x64xf32, #tpu.memory_space<hbm>> -> memref<32768x64xf32, #tpu.memory_space<hbm>>
    tpu.wait_indirect_dma semaphore(%arg12 : memref<!tpu.dma_semaphore, #tpu.memory_space<semaphore_mem>>) src(%dma_wait3A_456 : memref<128x64xf32, #tpu.memory_space<vmem>>) dst(%dma_wait3A_462 : memref<32768x64xf32, #tpu.memory_space<hbm>>)
    %dma_start3A_463 = arith.constant 7 : i32
    %dma_start3A_464 = arith.constant 896 : i32
    %dma_start3A_465 = arith.constant 0 : i32
    %dma_start3A_466 = tpu.memref_slice %arg11[%dma_start3A_464, %dma_start3A_465] : memref<1024x64xf32, #tpu.memory_space<vmem>> -> memref<128x64xf32, #tpu.memory_space<vmem>>
    %dma_start3A_467 = arith.constant 0 : i32
    %dma_start3A_468 = tpu.memref_slice %arg10[%dma_start3A_463, %dma_start3A_467] : memref<8x128xi32, #tpu.memory_space<vmem>> -> memref<1x128xi32, #tpu.memory_space<vmem>>
    %dma_start3A_469 = tpu.memref_squeeze %dma_start3A_468 : memref<1x128xi32, #tpu.memory_space<vmem>> -> memref<128xi32, #tpu.memory_space<vmem>>
    %dma_start3A_470 = arith.constant 0 : i32
    %dma_start3A_471 = arith.constant 0 : i32
    %dma_start3A_472 = tpu.memref_slice %arg9[%dma_start3A_470, %dma_start3A_471] : memref<32768x64xf32, #tpu.memory_space<hbm>> -> memref<32768x64xf32, #tpu.memory_space<hbm>>
    tpu.enqueue_indirect_dma source(%dma_start3A_466 : memref<128x64xf32, #tpu.memory_space<vmem>>) target(%dma_start3A_472 : memref<32768x64xf32, #tpu.memory_space<hbm>>) offsets(%dma_start3A_469 : memref<128xi32, #tpu.memory_space<vmem>>) semaphore(%arg12 : memref<!tpu.dma_semaphore, #tpu.memory_space<semaphore_mem>>)
    %dma_wait3A_473 = arith.constant 7 : i32
    %dma_wait3A_474 = arith.constant 896 : i32
    %dma_wait3A_475 = arith.constant 0 : i32
    %dma_wait3A_476 = tpu.memref_slice %arg11[%dma_wait3A_474, %dma_wait3A_475] : memref<1024x64xf32, #tpu.memory_space<vmem>> -> memref<128x64xf32, #tpu.memory_space<vmem>>
    %dma_wait3A_477 = arith.constant 0 : i32
    %dma_wait3A_478 = tpu.memref_slice %arg10[%dma_wait3A_473, %dma_wait3A_477] : memref<8x128xi32, #tpu.memory_space<vmem>> -> memref<1x128xi32, #tpu.memory_space<vmem>>
    %dma_wait3A_479 = tpu.memref_squeeze %dma_wait3A_478 : memref<1x128xi32, #tpu.memory_space<vmem>> -> memref<128xi32, #tpu.memory_space<vmem>>
    %dma_wait3A_480 = arith.constant 0 : i32
    %dma_wait3A_481 = arith.constant 0 : i32
    %dma_wait3A_482 = tpu.memref_slice %arg9[%dma_wait3A_480, %dma_wait3A_481] : memref<32768x64xf32, #tpu.memory_space<hbm>> -> memref<32768x64xf32, #tpu.memory_space<hbm>>
    tpu.wait_indirect_dma semaphore(%arg12 : memref<!tpu.dma_semaphore, #tpu.memory_space<semaphore_mem>>) src(%dma_wait3A_476 : memref<128x64xf32, #tpu.memory_space<vmem>>) dst(%dma_wait3A_482 : memref<32768x64xf32, #tpu.memory_space<hbm>>)
    return
  }
}

module attributes {stable_mosaic.version = 14 : i64} {
  func.func @_hash_sort_body(%arg0: i32, %arg1: memref<1x8192x64xf32, #tpu.memory_space<vmem>>, %arg2: memref<1x8192x64xf32, #tpu.memory_space<vmem>>, %arg3: memref<64x128xf32, #tpu.memory_space<vmem>>, %arg4: memref<1x16x512xi32, #tpu.memory_space<vmem>>, %arg5: memref<1x16x512xi32, #tpu.memory_space<vmem>>, %arg6: memref<1x1x64xi32, #tpu.memory_space<vmem>>, %arg7: memref<1x1x64xi32, #tpu.memory_space<vmem>>) attributes {dimension_semantics = [#tpu.dimension_semantics<arbitrary>], iteration_bounds = array<i64: 4>, scalar_prefetch = 0 : i64, scratch_operands = 0 : i64, tpu.core_type = #tpu.core_type<tc>, window_params = [{transform_indices = @transform_0, window_bounds = array<i64: 1, 8192, 64>}, {transform_indices = @transform_1, window_bounds = array<i64: 1, 8192, 64>}, {pipeline_mode = #tpu.pipeline_mode<synchronous>, transform_indices = @transform_2, window_bounds = array<i64: 64, 128>}, {transform_indices = @transform_3, window_bounds = array<i64: 1, 16, 512>}, {transform_indices = @transform_4, window_bounds = array<i64: 1, 16, 512>}, {transform_indices = @transform_5, window_bounds = array<i64: 1, 1, 64>}, {transform_indices = @transform_6, window_bounds = array<i64: 1, 1, 64>}]} {
    %get3A = arith.constant 0 : index
    %get3A_0 = arith.constant 0 : index
    %get3A_1 = vector.load %arg3[%get3A, %get3A_0] : memref<64x128xf32, #tpu.memory_space<vmem>>, vector<64x128xf32>
    %iota3A = tpu.iota {dimensions = array<i32: 0>} : vector<128x1xi32>
    %lt3A = arith.constant 6 : i32
    %lt3A_2 = vector.broadcast %lt3A : i32 to vector<128x1xi32>
    %lt3A_3 = arith.cmpi slt, %iota3A, %lt3A_2 : vector<128x1xi32>
    %shift_left3A = arith.constant 1 : i32
    %shift_left3A_4 = vector.broadcast %shift_left3A : i32 to vector<128x1xi32>
    %shift_left3A_5 = arith.shli %shift_left3A_4, %iota3A : vector<128x1xi32>
    %jit3A = arith.constant 0 : i32
    %broadcast_in_dim3A = vector.broadcast %jit3A : i32 to vector<128x1xi32>
    %select_n3A = arith.select %lt3A_3, %shift_left3A_5, %broadcast_in_dim3A : vector<128x1xi1>, vector<128x1xi32>
    %convert_element_type3A = arith.sitofp %select_n3A : vector<128x1xi32> to vector<128x1xf32>
    %iota3A_6 = tpu.iota {dimensions = array<i32: 1>} : vector<1x64xi32>
    %convert_element_type3A_7 = arith.sitofp %iota3A_6 : vector<1x64xi32> to vector<1x64xf32>
    %iota3A_8 = tpu.iota {dimensions = array<i32: 0>} : vector<512x512xi32>
    %iota3A_9 = tpu.iota {dimensions = array<i32: 1>} : vector<512x512xi32>
    %lt3A_10 = arith.cmpi slt, %iota3A_9, %iota3A_8 : vector<512x512xi32>
    %convert_element_type3A_11 = arith.extui %lt3A_10 : vector<512x512xi1> to vector<512x512xi32>
    %convert_element_type3A_12 = arith.sitofp %convert_element_type3A_11 : vector<512x512xi32> to vector<512x512xf32>
    %convert_element_type3A_13 = arith.truncf %convert_element_type3A_12 : vector<512x512xf32> to vector<512x512xbf16>
    %eq3A = arith.cmpi eq, %iota3A_9, %iota3A_8 : vector<512x512xi32>
    %convert_element_type3A_14 = arith.extui %eq3A : vector<512x512xi1> to vector<512x512xi32>
    %convert_element_type3A_15 = arith.sitofp %convert_element_type3A_14 : vector<512x512xi32> to vector<512x512xf32>
    %convert_element_type3A_16 = arith.truncf %convert_element_type3A_15 : vector<512x512xf32> to vector<512x512xbf16>
    %iota3A_17 = tpu.iota {dimensions = array<i32: 0>} : vector<64x64xi32>
    %iota3A_18 = tpu.iota {dimensions = array<i32: 1>} : vector<64x64xi32>
    %le3A = arith.cmpi sle, %iota3A_17, %iota3A_18 : vector<64x64xi32>
    %convert_element_type3A_19 = arith.extui %le3A : vector<64x64xi1> to vector<64x64xi32>
    %convert_element_type3A_20 = arith.sitofp %convert_element_type3A_19 : vector<64x64xi32> to vector<64x64xf32>
    %get3A_21 = arith.constant 0 : index
    %get3A_22 = arith.constant 0 : index
    %get3A_23 = arith.constant 0 : index
    %get3A_24 = vector.load %arg1[%get3A_21, %get3A_22, %get3A_23] : memref<1x8192x64xf32, #tpu.memory_space<vmem>>, vector<1x8192x64xf32>
    %get3A_25 = vector.shape_cast %get3A_24 : vector<1x8192x64xf32> to vector<8192x64xf32>
    %get3A_26 = arith.constant 0 : index
    %get3A_27 = arith.constant 0 : index
    %get3A_28 = arith.constant 0 : index
    %get3A_29 = vector.load %arg2[%get3A_26, %get3A_27, %get3A_28] : memref<1x8192x64xf32, #tpu.memory_space<vmem>>, vector<1x8192x64xf32>
    %get3A_30 = vector.shape_cast %get3A_29 : vector<1x8192x64xf32> to vector<8192x64xf32>
    %concatenate3A = tpu.concatenate %get3A_25, %get3A_30 in 0 : vector<8192x64xf32>, vector<8192x64xf32> -> vector<16384x64xf32>
    %dot_general3A = arith.constant dense<0.000000e+00> : vector<16384x128xf32>
    %dot_general3A_31 = tpu.matmul %concatenate3A, %get3A_1, %dot_general3A {dimension_numbers = #tpu.dot_dimension_numbers<[1], [0], [0], [1], [0, 0, 1, 1], [], []>, transpose_lhs_hint = false} : vector<16384x64xf32>, vector<64x128xf32>, vector<16384x128xf32> -> vector<16384x128xf32>
    %gt3A = arith.constant 0.000000e+00 : f32
    %gt3A_32 = vector.broadcast %gt3A : f32 to vector<16384x128xf32>
    %gt3A_33 = arith.cmpf ogt, %dot_general3A_31, %gt3A_32 : vector<16384x128xf32>
    %convert_element_type3A_34 = arith.extui %gt3A_33 : vector<16384x128xi1> to vector<16384x128xi32>
    %convert_element_type3A_35 = arith.sitofp %convert_element_type3A_34 : vector<16384x128xi32> to vector<16384x128xf32>
    %dot_general3A_36 = arith.constant dense<0.000000e+00> : vector<16384x1xf32>
    %dot_general3A_37 = tpu.matmul %convert_element_type3A_35, %convert_element_type3A, %dot_general3A_36 {dimension_numbers = #tpu.dot_dimension_numbers<[1], [0], [0], [1], [0, 0, 1, 1], [], []>, transpose_lhs_hint = false} : vector<16384x128xf32>, vector<128x1xf32>, vector<16384x1xf32> -> vector<16384x1xf32>
    %slice3A = vector.extract_strided_slice %dot_general3A_37 {offsets = [0, 0], sizes = [512, 1], strides = [1, 1]} : vector<16384x1xf32> to vector<512x1xf32>
    %eq3A_38 = vector.broadcast %slice3A : vector<512x1xf32> to vector<512x64xf32>
    %eq3A_39 = vector.broadcast %convert_element_type3A_7 : vector<1x64xf32> to vector<512x64xf32>
    %eq3A_40 = arith.cmpf oeq, %eq3A_38, %eq3A_39 : vector<512x64xf32>
    %convert_element_type3A_41 = arith.extui %eq3A_40 : vector<512x64xi1> to vector<512x64xi32>
    %convert_element_type3A_42 = arith.sitofp %convert_element_type3A_41 : vector<512x64xi32> to vector<512x64xf32>
    %convert_element_type3A_43 = arith.truncf %convert_element_type3A_42 : vector<512x64xf32> to vector<512x64xbf16>
    %slice3A_44 = vector.extract_strided_slice %dot_general3A_37 {offsets = [512, 0], sizes = [512, 1], strides = [1, 1]} : vector<16384x1xf32> to vector<512x1xf32>
    %eq3A_45 = vector.broadcast %slice3A_44 : vector<512x1xf32> to vector<512x64xf32>
    %eq3A_46 = vector.broadcast %convert_element_type3A_7 : vector<1x64xf32> to vector<512x64xf32>
    %eq3A_47 = arith.cmpf oeq, %eq3A_45, %eq3A_46 : vector<512x64xf32>
    %convert_element_type3A_48 = arith.extui %eq3A_47 : vector<512x64xi1> to vector<512x64xi32>
    %convert_element_type3A_49 = arith.sitofp %convert_element_type3A_48 : vector<512x64xi32> to vector<512x64xf32>
    %convert_element_type3A_50 = arith.truncf %convert_element_type3A_49 : vector<512x64xf32> to vector<512x64xbf16>
    %slice3A_51 = vector.extract_strided_slice %dot_general3A_37 {offsets = [1024, 0], sizes = [512, 1], strides = [1, 1]} : vector<16384x1xf32> to vector<512x1xf32>
    %eq3A_52 = vector.broadcast %slice3A_51 : vector<512x1xf32> to vector<512x64xf32>
    %eq3A_53 = vector.broadcast %convert_element_type3A_7 : vector<1x64xf32> to vector<512x64xf32>
    %eq3A_54 = arith.cmpf oeq, %eq3A_52, %eq3A_53 : vector<512x64xf32>
    %convert_element_type3A_55 = arith.extui %eq3A_54 : vector<512x64xi1> to vector<512x64xi32>
    %convert_element_type3A_56 = arith.sitofp %convert_element_type3A_55 : vector<512x64xi32> to vector<512x64xf32>
    %convert_element_type3A_57 = arith.truncf %convert_element_type3A_56 : vector<512x64xf32> to vector<512x64xbf16>
    %slice3A_58 = vector.extract_strided_slice %dot_general3A_37 {offsets = [1536, 0], sizes = [512, 1], strides = [1, 1]} : vector<16384x1xf32> to vector<512x1xf32>
    %eq3A_59 = vector.broadcast %slice3A_58 : vector<512x1xf32> to vector<512x64xf32>
    %eq3A_60 = vector.broadcast %convert_element_type3A_7 : vector<1x64xf32> to vector<512x64xf32>
    %eq3A_61 = arith.cmpf oeq, %eq3A_59, %eq3A_60 : vector<512x64xf32>
    %convert_element_type3A_62 = arith.extui %eq3A_61 : vector<512x64xi1> to vector<512x64xi32>
    %convert_element_type3A_63 = arith.sitofp %convert_element_type3A_62 : vector<512x64xi32> to vector<512x64xf32>
    %convert_element_type3A_64 = arith.truncf %convert_element_type3A_63 : vector<512x64xf32> to vector<512x64xbf16>
    %slice3A_65 = vector.extract_strided_slice %dot_general3A_37 {offsets = [2048, 0], sizes = [512, 1], strides = [1, 1]} : vector<16384x1xf32> to vector<512x1xf32>
    %eq3A_66 = vector.broadcast %slice3A_65 : vector<512x1xf32> to vector<512x64xf32>
    %eq3A_67 = vector.broadcast %convert_element_type3A_7 : vector<1x64xf32> to vector<512x64xf32>
    %eq3A_68 = arith.cmpf oeq, %eq3A_66, %eq3A_67 : vector<512x64xf32>
    %convert_element_type3A_69 = arith.extui %eq3A_68 : vector<512x64xi1> to vector<512x64xi32>
    %convert_element_type3A_70 = arith.sitofp %convert_element_type3A_69 : vector<512x64xi32> to vector<512x64xf32>
    %convert_element_type3A_71 = arith.truncf %convert_element_type3A_70 : vector<512x64xf32> to vector<512x64xbf16>
    %slice3A_72 = vector.extract_strided_slice %dot_general3A_37 {offsets = [2560, 0], sizes = [512, 1], strides = [1, 1]} : vector<16384x1xf32> to vector<512x1xf32>
    %eq3A_73 = vector.broadcast %slice3A_72 : vector<512x1xf32> to vector<512x64xf32>
    %eq3A_74 = vector.broadcast %convert_element_type3A_7 : vector<1x64xf32> to vector<512x64xf32>
    %eq3A_75 = arith.cmpf oeq, %eq3A_73, %eq3A_74 : vector<512x64xf32>
    %convert_element_type3A_76 = arith.extui %eq3A_75 : vector<512x64xi1> to vector<512x64xi32>
    %convert_element_type3A_77 = arith.sitofp %convert_element_type3A_76 : vector<512x64xi32> to vector<512x64xf32>
    %convert_element_type3A_78 = arith.truncf %convert_element_type3A_77 : vector<512x64xf32> to vector<512x64xbf16>
    %slice3A_79 = vector.extract_strided_slice %dot_general3A_37 {offsets = [3072, 0], sizes = [512, 1], strides = [1, 1]} : vector<16384x1xf32> to vector<512x1xf32>
    %eq3A_80 = vector.broadcast %slice3A_79 : vector<512x1xf32> to vector<512x64xf32>
    %eq3A_81 = vector.broadcast %convert_element_type3A_7 : vector<1x64xf32> to vector<512x64xf32>
    %eq3A_82 = arith.cmpf oeq, %eq3A_80, %eq3A_81 : vector<512x64xf32>
    %convert_element_type3A_83 = arith.extui %eq3A_82 : vector<512x64xi1> to vector<512x64xi32>
    %convert_element_type3A_84 = arith.sitofp %convert_element_type3A_83 : vector<512x64xi32> to vector<512x64xf32>
    %convert_element_type3A_85 = arith.truncf %convert_element_type3A_84 : vector<512x64xf32> to vector<512x64xbf16>
    %slice3A_86 = vector.extract_strided_slice %dot_general3A_37 {offsets = [3584, 0], sizes = [512, 1], strides = [1, 1]} : vector<16384x1xf32> to vector<512x1xf32>
    %eq3A_87 = vector.broadcast %slice3A_86 : vector<512x1xf32> to vector<512x64xf32>
    %eq3A_88 = vector.broadcast %convert_element_type3A_7 : vector<1x64xf32> to vector<512x64xf32>
    %eq3A_89 = arith.cmpf oeq, %eq3A_87, %eq3A_88 : vector<512x64xf32>
    %convert_element_type3A_90 = arith.extui %eq3A_89 : vector<512x64xi1> to vector<512x64xi32>
    %convert_element_type3A_91 = arith.sitofp %convert_element_type3A_90 : vector<512x64xi32> to vector<512x64xf32>
    %convert_element_type3A_92 = arith.truncf %convert_element_type3A_91 : vector<512x64xf32> to vector<512x64xbf16>
    %slice3A_93 = vector.extract_strided_slice %dot_general3A_37 {offsets = [4096, 0], sizes = [512, 1], strides = [1, 1]} : vector<16384x1xf32> to vector<512x1xf32>
    %eq3A_94 = vector.broadcast %slice3A_93 : vector<512x1xf32> to vector<512x64xf32>
    %eq3A_95 = vector.broadcast %convert_element_type3A_7 : vector<1x64xf32> to vector<512x64xf32>
    %eq3A_96 = arith.cmpf oeq, %eq3A_94, %eq3A_95 : vector<512x64xf32>
    %convert_element_type3A_97 = arith.extui %eq3A_96 : vector<512x64xi1> to vector<512x64xi32>
    %convert_element_type3A_98 = arith.sitofp %convert_element_type3A_97 : vector<512x64xi32> to vector<512x64xf32>
    %convert_element_type3A_99 = arith.truncf %convert_element_type3A_98 : vector<512x64xf32> to vector<512x64xbf16>
    %slice3A_100 = vector.extract_strided_slice %dot_general3A_37 {offsets = [4608, 0], sizes = [512, 1], strides = [1, 1]} : vector<16384x1xf32> to vector<512x1xf32>
    %eq3A_101 = vector.broadcast %slice3A_100 : vector<512x1xf32> to vector<512x64xf32>
    %eq3A_102 = vector.broadcast %convert_element_type3A_7 : vector<1x64xf32> to vector<512x64xf32>
    %eq3A_103 = arith.cmpf oeq, %eq3A_101, %eq3A_102 : vector<512x64xf32>
    %convert_element_type3A_104 = arith.extui %eq3A_103 : vector<512x64xi1> to vector<512x64xi32>
    %convert_element_type3A_105 = arith.sitofp %convert_element_type3A_104 : vector<512x64xi32> to vector<512x64xf32>
    %convert_element_type3A_106 = arith.truncf %convert_element_type3A_105 : vector<512x64xf32> to vector<512x64xbf16>
    %slice3A_107 = vector.extract_strided_slice %dot_general3A_37 {offsets = [5120, 0], sizes = [512, 1], strides = [1, 1]} : vector<16384x1xf32> to vector<512x1xf32>
    %eq3A_108 = vector.broadcast %slice3A_107 : vector<512x1xf32> to vector<512x64xf32>
    %eq3A_109 = vector.broadcast %convert_element_type3A_7 : vector<1x64xf32> to vector<512x64xf32>
    %eq3A_110 = arith.cmpf oeq, %eq3A_108, %eq3A_109 : vector<512x64xf32>
    %convert_element_type3A_111 = arith.extui %eq3A_110 : vector<512x64xi1> to vector<512x64xi32>
    %convert_element_type3A_112 = arith.sitofp %convert_element_type3A_111 : vector<512x64xi32> to vector<512x64xf32>
    %convert_element_type3A_113 = arith.truncf %convert_element_type3A_112 : vector<512x64xf32> to vector<512x64xbf16>
    %slice3A_114 = vector.extract_strided_slice %dot_general3A_37 {offsets = [5632, 0], sizes = [512, 1], strides = [1, 1]} : vector<16384x1xf32> to vector<512x1xf32>
    %eq3A_115 = vector.broadcast %slice3A_114 : vector<512x1xf32> to vector<512x64xf32>
    %eq3A_116 = vector.broadcast %convert_element_type3A_7 : vector<1x64xf32> to vector<512x64xf32>
    %eq3A_117 = arith.cmpf oeq, %eq3A_115, %eq3A_116 : vector<512x64xf32>
    %convert_element_type3A_118 = arith.extui %eq3A_117 : vector<512x64xi1> to vector<512x64xi32>
    %convert_element_type3A_119 = arith.sitofp %convert_element_type3A_118 : vector<512x64xi32> to vector<512x64xf32>
    %convert_element_type3A_120 = arith.truncf %convert_element_type3A_119 : vector<512x64xf32> to vector<512x64xbf16>
    %slice3A_121 = vector.extract_strided_slice %dot_general3A_37 {offsets = [6144, 0], sizes = [512, 1], strides = [1, 1]} : vector<16384x1xf32> to vector<512x1xf32>
    %eq3A_122 = vector.broadcast %slice3A_121 : vector<512x1xf32> to vector<512x64xf32>
    %eq3A_123 = vector.broadcast %convert_element_type3A_7 : vector<1x64xf32> to vector<512x64xf32>
    %eq3A_124 = arith.cmpf oeq, %eq3A_122, %eq3A_123 : vector<512x64xf32>
    %convert_element_type3A_125 = arith.extui %eq3A_124 : vector<512x64xi1> to vector<512x64xi32>
    %convert_element_type3A_126 = arith.sitofp %convert_element_type3A_125 : vector<512x64xi32> to vector<512x64xf32>
    %convert_element_type3A_127 = arith.truncf %convert_element_type3A_126 : vector<512x64xf32> to vector<512x64xbf16>
    %slice3A_128 = vector.extract_strided_slice %dot_general3A_37 {offsets = [6656, 0], sizes = [512, 1], strides = [1, 1]} : vector<16384x1xf32> to vector<512x1xf32>
    %eq3A_129 = vector.broadcast %slice3A_128 : vector<512x1xf32> to vector<512x64xf32>
    %eq3A_130 = vector.broadcast %convert_element_type3A_7 : vector<1x64xf32> to vector<512x64xf32>
    %eq3A_131 = arith.cmpf oeq, %eq3A_129, %eq3A_130 : vector<512x64xf32>
    %convert_element_type3A_132 = arith.extui %eq3A_131 : vector<512x64xi1> to vector<512x64xi32>
    %convert_element_type3A_133 = arith.sitofp %convert_element_type3A_132 : vector<512x64xi32> to vector<512x64xf32>
    %convert_element_type3A_134 = arith.truncf %convert_element_type3A_133 : vector<512x64xf32> to vector<512x64xbf16>
    %slice3A_135 = vector.extract_strided_slice %dot_general3A_37 {offsets = [7168, 0], sizes = [512, 1], strides = [1, 1]} : vector<16384x1xf32> to vector<512x1xf32>
    %eq3A_136 = vector.broadcast %slice3A_135 : vector<512x1xf32> to vector<512x64xf32>
    %eq3A_137 = vector.broadcast %convert_element_type3A_7 : vector<1x64xf32> to vector<512x64xf32>
    %eq3A_138 = arith.cmpf oeq, %eq3A_136, %eq3A_137 : vector<512x64xf32>
    %convert_element_type3A_139 = arith.extui %eq3A_138 : vector<512x64xi1> to vector<512x64xi32>
    %convert_element_type3A_140 = arith.sitofp %convert_element_type3A_139 : vector<512x64xi32> to vector<512x64xf32>
    %convert_element_type3A_141 = arith.truncf %convert_element_type3A_140 : vector<512x64xf32> to vector<512x64xbf16>
    %slice3A_142 = vector.extract_strided_slice %dot_general3A_37 {offsets = [7680, 0], sizes = [512, 1], strides = [1, 1]} : vector<16384x1xf32> to vector<512x1xf32>
    %eq3A_143 = vector.broadcast %slice3A_142 : vector<512x1xf32> to vector<512x64xf32>
    %eq3A_144 = vector.broadcast %convert_element_type3A_7 : vector<1x64xf32> to vector<512x64xf32>
    %eq3A_145 = arith.cmpf oeq, %eq3A_143, %eq3A_144 : vector<512x64xf32>
    %convert_element_type3A_146 = arith.extui %eq3A_145 : vector<512x64xi1> to vector<512x64xi32>
    %convert_element_type3A_147 = arith.sitofp %convert_element_type3A_146 : vector<512x64xi32> to vector<512x64xf32>
    %convert_element_type3A_148 = arith.truncf %convert_element_type3A_147 : vector<512x64xf32> to vector<512x64xbf16>
    %slice3A_149 = vector.extract_strided_slice %dot_general3A_37 {offsets = [8192, 0], sizes = [512, 1], strides = [1, 1]} : vector<16384x1xf32> to vector<512x1xf32>
    %eq3A_150 = vector.broadcast %slice3A_149 : vector<512x1xf32> to vector<512x64xf32>
    %eq3A_151 = vector.broadcast %convert_element_type3A_7 : vector<1x64xf32> to vector<512x64xf32>
    %eq3A_152 = arith.cmpf oeq, %eq3A_150, %eq3A_151 : vector<512x64xf32>
    %convert_element_type3A_153 = arith.extui %eq3A_152 : vector<512x64xi1> to vector<512x64xi32>
    %convert_element_type3A_154 = arith.sitofp %convert_element_type3A_153 : vector<512x64xi32> to vector<512x64xf32>
    %convert_element_type3A_155 = arith.truncf %convert_element_type3A_154 : vector<512x64xf32> to vector<512x64xbf16>
    %slice3A_156 = vector.extract_strided_slice %dot_general3A_37 {offsets = [8704, 0], sizes = [512, 1], strides = [1, 1]} : vector<16384x1xf32> to vector<512x1xf32>
    %eq3A_157 = vector.broadcast %slice3A_156 : vector<512x1xf32> to vector<512x64xf32>
    %eq3A_158 = vector.broadcast %convert_element_type3A_7 : vector<1x64xf32> to vector<512x64xf32>
    %eq3A_159 = arith.cmpf oeq, %eq3A_157, %eq3A_158 : vector<512x64xf32>
    %convert_element_type3A_160 = arith.extui %eq3A_159 : vector<512x64xi1> to vector<512x64xi32>
    %convert_element_type3A_161 = arith.sitofp %convert_element_type3A_160 : vector<512x64xi32> to vector<512x64xf32>
    %convert_element_type3A_162 = arith.truncf %convert_element_type3A_161 : vector<512x64xf32> to vector<512x64xbf16>
    %slice3A_163 = vector.extract_strided_slice %dot_general3A_37 {offsets = [9216, 0], sizes = [512, 1], strides = [1, 1]} : vector<16384x1xf32> to vector<512x1xf32>
    %eq3A_164 = vector.broadcast %slice3A_163 : vector<512x1xf32> to vector<512x64xf32>
    %eq3A_165 = vector.broadcast %convert_element_type3A_7 : vector<1x64xf32> to vector<512x64xf32>
    %eq3A_166 = arith.cmpf oeq, %eq3A_164, %eq3A_165 : vector<512x64xf32>
    %convert_element_type3A_167 = arith.extui %eq3A_166 : vector<512x64xi1> to vector<512x64xi32>
    %convert_element_type3A_168 = arith.sitofp %convert_element_type3A_167 : vector<512x64xi32> to vector<512x64xf32>
    %convert_element_type3A_169 = arith.truncf %convert_element_type3A_168 : vector<512x64xf32> to vector<512x64xbf16>
    %slice3A_170 = vector.extract_strided_slice %dot_general3A_37 {offsets = [9728, 0], sizes = [512, 1], strides = [1, 1]} : vector<16384x1xf32> to vector<512x1xf32>
    %eq3A_171 = vector.broadcast %slice3A_170 : vector<512x1xf32> to vector<512x64xf32>
    %eq3A_172 = vector.broadcast %convert_element_type3A_7 : vector<1x64xf32> to vector<512x64xf32>
    %eq3A_173 = arith.cmpf oeq, %eq3A_171, %eq3A_172 : vector<512x64xf32>
    %convert_element_type3A_174 = arith.extui %eq3A_173 : vector<512x64xi1> to vector<512x64xi32>
    %convert_element_type3A_175 = arith.sitofp %convert_element_type3A_174 : vector<512x64xi32> to vector<512x64xf32>
    %convert_element_type3A_176 = arith.truncf %convert_element_type3A_175 : vector<512x64xf32> to vector<512x64xbf16>
    %slice3A_177 = vector.extract_strided_slice %dot_general3A_37 {offsets = [10240, 0], sizes = [512, 1], strides = [1, 1]} : vector<16384x1xf32> to vector<512x1xf32>
    %eq3A_178 = vector.broadcast %slice3A_177 : vector<512x1xf32> to vector<512x64xf32>
    %eq3A_179 = vector.broadcast %convert_element_type3A_7 : vector<1x64xf32> to vector<512x64xf32>
    %eq3A_180 = arith.cmpf oeq, %eq3A_178, %eq3A_179 : vector<512x64xf32>
    %convert_element_type3A_181 = arith.extui %eq3A_180 : vector<512x64xi1> to vector<512x64xi32>
    %convert_element_type3A_182 = arith.sitofp %convert_element_type3A_181 : vector<512x64xi32> to vector<512x64xf32>
    %convert_element_type3A_183 = arith.truncf %convert_element_type3A_182 : vector<512x64xf32> to vector<512x64xbf16>
    %slice3A_184 = vector.extract_strided_slice %dot_general3A_37 {offsets = [10752, 0], sizes = [512, 1], strides = [1, 1]} : vector<16384x1xf32> to vector<512x1xf32>
    %eq3A_185 = vector.broadcast %slice3A_184 : vector<512x1xf32> to vector<512x64xf32>
    %eq3A_186 = vector.broadcast %convert_element_type3A_7 : vector<1x64xf32> to vector<512x64xf32>
    %eq3A_187 = arith.cmpf oeq, %eq3A_185, %eq3A_186 : vector<512x64xf32>
    %convert_element_type3A_188 = arith.extui %eq3A_187 : vector<512x64xi1> to vector<512x64xi32>
    %convert_element_type3A_189 = arith.sitofp %convert_element_type3A_188 : vector<512x64xi32> to vector<512x64xf32>
    %convert_element_type3A_190 = arith.truncf %convert_element_type3A_189 : vector<512x64xf32> to vector<512x64xbf16>
    %slice3A_191 = vector.extract_strided_slice %dot_general3A_37 {offsets = [11264, 0], sizes = [512, 1], strides = [1, 1]} : vector<16384x1xf32> to vector<512x1xf32>
    %eq3A_192 = vector.broadcast %slice3A_191 : vector<512x1xf32> to vector<512x64xf32>
    %eq3A_193 = vector.broadcast %convert_element_type3A_7 : vector<1x64xf32> to vector<512x64xf32>
    %eq3A_194 = arith.cmpf oeq, %eq3A_192, %eq3A_193 : vector<512x64xf32>
    %convert_element_type3A_195 = arith.extui %eq3A_194 : vector<512x64xi1> to vector<512x64xi32>
    %convert_element_type3A_196 = arith.sitofp %convert_element_type3A_195 : vector<512x64xi32> to vector<512x64xf32>
    %convert_element_type3A_197 = arith.truncf %convert_element_type3A_196 : vector<512x64xf32> to vector<512x64xbf16>
    %slice3A_198 = vector.extract_strided_slice %dot_general3A_37 {offsets = [11776, 0], sizes = [512, 1], strides = [1, 1]} : vector<16384x1xf32> to vector<512x1xf32>
    %eq3A_199 = vector.broadcast %slice3A_198 : vector<512x1xf32> to vector<512x64xf32>
    %eq3A_200 = vector.broadcast %convert_element_type3A_7 : vector<1x64xf32> to vector<512x64xf32>
    %eq3A_201 = arith.cmpf oeq, %eq3A_199, %eq3A_200 : vector<512x64xf32>
    %convert_element_type3A_202 = arith.extui %eq3A_201 : vector<512x64xi1> to vector<512x64xi32>
    %convert_element_type3A_203 = arith.sitofp %convert_element_type3A_202 : vector<512x64xi32> to vector<512x64xf32>
    %convert_element_type3A_204 = arith.truncf %convert_element_type3A_203 : vector<512x64xf32> to vector<512x64xbf16>
    %slice3A_205 = vector.extract_strided_slice %dot_general3A_37 {offsets = [12288, 0], sizes = [512, 1], strides = [1, 1]} : vector<16384x1xf32> to vector<512x1xf32>
    %eq3A_206 = vector.broadcast %slice3A_205 : vector<512x1xf32> to vector<512x64xf32>
    %eq3A_207 = vector.broadcast %convert_element_type3A_7 : vector<1x64xf32> to vector<512x64xf32>
    %eq3A_208 = arith.cmpf oeq, %eq3A_206, %eq3A_207 : vector<512x64xf32>
    %convert_element_type3A_209 = arith.extui %eq3A_208 : vector<512x64xi1> to vector<512x64xi32>
    %convert_element_type3A_210 = arith.sitofp %convert_element_type3A_209 : vector<512x64xi32> to vector<512x64xf32>
    %convert_element_type3A_211 = arith.truncf %convert_element_type3A_210 : vector<512x64xf32> to vector<512x64xbf16>
    %slice3A_212 = vector.extract_strided_slice %dot_general3A_37 {offsets = [12800, 0], sizes = [512, 1], strides = [1, 1]} : vector<16384x1xf32> to vector<512x1xf32>
    %eq3A_213 = vector.broadcast %slice3A_212 : vector<512x1xf32> to vector<512x64xf32>
    %eq3A_214 = vector.broadcast %convert_element_type3A_7 : vector<1x64xf32> to vector<512x64xf32>
    %eq3A_215 = arith.cmpf oeq, %eq3A_213, %eq3A_214 : vector<512x64xf32>
    %convert_element_type3A_216 = arith.extui %eq3A_215 : vector<512x64xi1> to vector<512x64xi32>
    %convert_element_type3A_217 = arith.sitofp %convert_element_type3A_216 : vector<512x64xi32> to vector<512x64xf32>
    %convert_element_type3A_218 = arith.truncf %convert_element_type3A_217 : vector<512x64xf32> to vector<512x64xbf16>
    %slice3A_219 = vector.extract_strided_slice %dot_general3A_37 {offsets = [13312, 0], sizes = [512, 1], strides = [1, 1]} : vector<16384x1xf32> to vector<512x1xf32>
    %eq3A_220 = vector.broadcast %slice3A_219 : vector<512x1xf32> to vector<512x64xf32>
    %eq3A_221 = vector.broadcast %convert_element_type3A_7 : vector<1x64xf32> to vector<512x64xf32>
    %eq3A_222 = arith.cmpf oeq, %eq3A_220, %eq3A_221 : vector<512x64xf32>
    %convert_element_type3A_223 = arith.extui %eq3A_222 : vector<512x64xi1> to vector<512x64xi32>
    %convert_element_type3A_224 = arith.sitofp %convert_element_type3A_223 : vector<512x64xi32> to vector<512x64xf32>
    %convert_element_type3A_225 = arith.truncf %convert_element_type3A_224 : vector<512x64xf32> to vector<512x64xbf16>
    %slice3A_226 = vector.extract_strided_slice %dot_general3A_37 {offsets = [13824, 0], sizes = [512, 1], strides = [1, 1]} : vector<16384x1xf32> to vector<512x1xf32>
    %eq3A_227 = vector.broadcast %slice3A_226 : vector<512x1xf32> to vector<512x64xf32>
    %eq3A_228 = vector.broadcast %convert_element_type3A_7 : vector<1x64xf32> to vector<512x64xf32>
    %eq3A_229 = arith.cmpf oeq, %eq3A_227, %eq3A_228 : vector<512x64xf32>
    %convert_element_type3A_230 = arith.extui %eq3A_229 : vector<512x64xi1> to vector<512x64xi32>
    %convert_element_type3A_231 = arith.sitofp %convert_element_type3A_230 : vector<512x64xi32> to vector<512x64xf32>
    %convert_element_type3A_232 = arith.truncf %convert_element_type3A_231 : vector<512x64xf32> to vector<512x64xbf16>
    %slice3A_233 = vector.extract_strided_slice %dot_general3A_37 {offsets = [14336, 0], sizes = [512, 1], strides = [1, 1]} : vector<16384x1xf32> to vector<512x1xf32>
    %eq3A_234 = vector.broadcast %slice3A_233 : vector<512x1xf32> to vector<512x64xf32>
    %eq3A_235 = vector.broadcast %convert_element_type3A_7 : vector<1x64xf32> to vector<512x64xf32>
    %eq3A_236 = arith.cmpf oeq, %eq3A_234, %eq3A_235 : vector<512x64xf32>
    %convert_element_type3A_237 = arith.extui %eq3A_236 : vector<512x64xi1> to vector<512x64xi32>
    %convert_element_type3A_238 = arith.sitofp %convert_element_type3A_237 : vector<512x64xi32> to vector<512x64xf32>
    %convert_element_type3A_239 = arith.truncf %convert_element_type3A_238 : vector<512x64xf32> to vector<512x64xbf16>
    %slice3A_240 = vector.extract_strided_slice %dot_general3A_37 {offsets = [14848, 0], sizes = [512, 1], strides = [1, 1]} : vector<16384x1xf32> to vector<512x1xf32>
    %eq3A_241 = vector.broadcast %slice3A_240 : vector<512x1xf32> to vector<512x64xf32>
    %eq3A_242 = vector.broadcast %convert_element_type3A_7 : vector<1x64xf32> to vector<512x64xf32>
    %eq3A_243 = arith.cmpf oeq, %eq3A_241, %eq3A_242 : vector<512x64xf32>
    %convert_element_type3A_244 = arith.extui %eq3A_243 : vector<512x64xi1> to vector<512x64xi32>
    %convert_element_type3A_245 = arith.sitofp %convert_element_type3A_244 : vector<512x64xi32> to vector<512x64xf32>
    %convert_element_type3A_246 = arith.truncf %convert_element_type3A_245 : vector<512x64xf32> to vector<512x64xbf16>
    %slice3A_247 = vector.extract_strided_slice %dot_general3A_37 {offsets = [15360, 0], sizes = [512, 1], strides = [1, 1]} : vector<16384x1xf32> to vector<512x1xf32>
    %eq3A_248 = vector.broadcast %slice3A_247 : vector<512x1xf32> to vector<512x64xf32>
    %eq3A_249 = vector.broadcast %convert_element_type3A_7 : vector<1x64xf32> to vector<512x64xf32>
    %eq3A_250 = arith.cmpf oeq, %eq3A_248, %eq3A_249 : vector<512x64xf32>
    %convert_element_type3A_251 = arith.extui %eq3A_250 : vector<512x64xi1> to vector<512x64xi32>
    %convert_element_type3A_252 = arith.sitofp %convert_element_type3A_251 : vector<512x64xi32> to vector<512x64xf32>
    %convert_element_type3A_253 = arith.truncf %convert_element_type3A_252 : vector<512x64xf32> to vector<512x64xbf16>
    %slice3A_254 = vector.extract_strided_slice %dot_general3A_37 {offsets = [15872, 0], sizes = [512, 1], strides = [1, 1]} : vector<16384x1xf32> to vector<512x1xf32>
    %eq3A_255 = vector.broadcast %slice3A_254 : vector<512x1xf32> to vector<512x64xf32>
    %eq3A_256 = vector.broadcast %convert_element_type3A_7 : vector<1x64xf32> to vector<512x64xf32>
    %eq3A_257 = arith.cmpf oeq, %eq3A_255, %eq3A_256 : vector<512x64xf32>
    %convert_element_type3A_258 = arith.extui %eq3A_257 : vector<512x64xi1> to vector<512x64xi32>
    %convert_element_type3A_259 = arith.sitofp %convert_element_type3A_258 : vector<512x64xi32> to vector<512x64xf32>
    %convert_element_type3A_260 = arith.truncf %convert_element_type3A_259 : vector<512x64xf32> to vector<512x64xbf16>
    %concatenate3A_261 = tpu.concatenate %convert_element_type3A_43, %convert_element_type3A_50, %convert_element_type3A_57, %convert_element_type3A_64, %convert_element_type3A_71, %convert_element_type3A_78, %convert_element_type3A_85, %convert_element_type3A_92, %convert_element_type3A_99, %convert_element_type3A_106, %convert_element_type3A_113, %convert_element_type3A_120, %convert_element_type3A_127, %convert_element_type3A_134, %convert_element_type3A_141, %convert_element_type3A_148, %convert_element_type3A_155, %convert_element_type3A_162, %convert_element_type3A_169, %convert_element_type3A_176, %convert_element_type3A_183, %convert_element_type3A_190, %convert_element_type3A_197, %convert_element_type3A_204, %convert_element_type3A_211, %convert_element_type3A_218, %convert_element_type3A_225, %convert_element_type3A_232, %convert_element_type3A_239, %convert_element_type3A_246, %convert_element_type3A_253, %convert_element_type3A_260 in 1 : vector<512x64xbf16>, vector<512x64xbf16>, vector<512x64xbf16>, vector<512x64xbf16>, vector<512x64xbf16>, vector<512x64xbf16>, vector<512x64xbf16>, vector<512x64xbf16>, vector<512x64xbf16>, vector<512x64xbf16>, vector<512x64xbf16>, vector<512x64xbf16>, vector<512x64xbf16>, vector<512x64xbf16>, vector<512x64xbf16>, vector<512x64xbf16>, vector<512x64xbf16>, vector<512x64xbf16>, vector<512x64xbf16>, vector<512x64xbf16>, vector<512x64xbf16>, vector<512x64xbf16>, vector<512x64xbf16>, vector<512x64xbf16>, vector<512x64xbf16>, vector<512x64xbf16>, vector<512x64xbf16>, vector<512x64xbf16>, vector<512x64xbf16>, vector<512x64xbf16>, vector<512x64xbf16>, vector<512x64xbf16> -> vector<512x2048xbf16>
    %dot_general3A_262 = arith.constant dense<0.000000e+00> : vector<512x2048xf32>
    %dot_general3A_263 = tpu.matmul %convert_element_type3A_13, %concatenate3A_261, %dot_general3A_262 {dimension_numbers = #tpu.dot_dimension_numbers<[1], [0], [0], [1], [0, 0, 1, 1], [], []>, transpose_lhs_hint = false} : vector<512x512xbf16>, vector<512x2048xbf16>, vector<512x2048xf32> -> vector<512x2048xf32>
    %slice3A_264 = vector.extract_strided_slice %dot_general3A_263 {offsets = [511, 0], sizes = [1, 2048], strides = [1, 1]} : vector<512x2048xf32> to vector<1x2048xf32>
    %slice3A_265 = vector.extract_strided_slice %concatenate3A_261 {offsets = [511, 0], sizes = [1, 2048], strides = [1, 1]} : vector<512x2048xbf16> to vector<1x2048xbf16>
    %convert_element_type3A_266 = arith.extf %slice3A_265 : vector<1x2048xbf16> to vector<1x2048xf32>
    %add3A = arith.addf %slice3A_264, %convert_element_type3A_266 : vector<1x2048xf32>
    %slice3A_267 = vector.extract_strided_slice %add3A {offsets = [0, 0], sizes = [1, 64], strides = [1, 1]} : vector<1x2048xf32> to vector<1x64xf32>
    %slice3A_268 = vector.extract_strided_slice %add3A {offsets = [0, 64], sizes = [1, 64], strides = [1, 1]} : vector<1x2048xf32> to vector<1x64xf32>
    %slice3A_269 = vector.extract_strided_slice %add3A {offsets = [0, 128], sizes = [1, 64], strides = [1, 1]} : vector<1x2048xf32> to vector<1x64xf32>
    %slice3A_270 = vector.extract_strided_slice %add3A {offsets = [0, 192], sizes = [1, 64], strides = [1, 1]} : vector<1x2048xf32> to vector<1x64xf32>
    %slice3A_271 = vector.extract_strided_slice %add3A {offsets = [0, 256], sizes = [1, 64], strides = [1, 1]} : vector<1x2048xf32> to vector<1x64xf32>
    %slice3A_272 = vector.extract_strided_slice %add3A {offsets = [0, 320], sizes = [1, 64], strides = [1, 1]} : vector<1x2048xf32> to vector<1x64xf32>
    %slice3A_273 = vector.extract_strided_slice %add3A {offsets = [0, 384], sizes = [1, 64], strides = [1, 1]} : vector<1x2048xf32> to vector<1x64xf32>
    %slice3A_274 = vector.extract_strided_slice %add3A {offsets = [0, 448], sizes = [1, 64], strides = [1, 1]} : vector<1x2048xf32> to vector<1x64xf32>
    %slice3A_275 = vector.extract_strided_slice %add3A {offsets = [0, 512], sizes = [1, 64], strides = [1, 1]} : vector<1x2048xf32> to vector<1x64xf32>
    %slice3A_276 = vector.extract_strided_slice %add3A {offsets = [0, 576], sizes = [1, 64], strides = [1, 1]} : vector<1x2048xf32> to vector<1x64xf32>
    %slice3A_277 = vector.extract_strided_slice %add3A {offsets = [0, 640], sizes = [1, 64], strides = [1, 1]} : vector<1x2048xf32> to vector<1x64xf32>
    %slice3A_278 = vector.extract_strided_slice %add3A {offsets = [0, 704], sizes = [1, 64], strides = [1, 1]} : vector<1x2048xf32> to vector<1x64xf32>
    %slice3A_279 = vector.extract_strided_slice %add3A {offsets = [0, 768], sizes = [1, 64], strides = [1, 1]} : vector<1x2048xf32> to vector<1x64xf32>
    %slice3A_280 = vector.extract_strided_slice %add3A {offsets = [0, 832], sizes = [1, 64], strides = [1, 1]} : vector<1x2048xf32> to vector<1x64xf32>
    %slice3A_281 = vector.extract_strided_slice %add3A {offsets = [0, 896], sizes = [1, 64], strides = [1, 1]} : vector<1x2048xf32> to vector<1x64xf32>
    %slice3A_282 = vector.extract_strided_slice %add3A {offsets = [0, 960], sizes = [1, 64], strides = [1, 1]} : vector<1x2048xf32> to vector<1x64xf32>
    %slice3A_283 = vector.extract_strided_slice %add3A {offsets = [0, 1024], sizes = [1, 64], strides = [1, 1]} : vector<1x2048xf32> to vector<1x64xf32>
    %slice3A_284 = vector.extract_strided_slice %add3A {offsets = [0, 1088], sizes = [1, 64], strides = [1, 1]} : vector<1x2048xf32> to vector<1x64xf32>
    %slice3A_285 = vector.extract_strided_slice %add3A {offsets = [0, 1152], sizes = [1, 64], strides = [1, 1]} : vector<1x2048xf32> to vector<1x64xf32>
    %slice3A_286 = vector.extract_strided_slice %add3A {offsets = [0, 1216], sizes = [1, 64], strides = [1, 1]} : vector<1x2048xf32> to vector<1x64xf32>
    %slice3A_287 = vector.extract_strided_slice %add3A {offsets = [0, 1280], sizes = [1, 64], strides = [1, 1]} : vector<1x2048xf32> to vector<1x64xf32>
    %slice3A_288 = vector.extract_strided_slice %add3A {offsets = [0, 1344], sizes = [1, 64], strides = [1, 1]} : vector<1x2048xf32> to vector<1x64xf32>
    %slice3A_289 = vector.extract_strided_slice %add3A {offsets = [0, 1408], sizes = [1, 64], strides = [1, 1]} : vector<1x2048xf32> to vector<1x64xf32>
    %slice3A_290 = vector.extract_strided_slice %add3A {offsets = [0, 1472], sizes = [1, 64], strides = [1, 1]} : vector<1x2048xf32> to vector<1x64xf32>
    %slice3A_291 = vector.extract_strided_slice %add3A {offsets = [0, 1536], sizes = [1, 64], strides = [1, 1]} : vector<1x2048xf32> to vector<1x64xf32>
    %slice3A_292 = vector.extract_strided_slice %add3A {offsets = [0, 1600], sizes = [1, 64], strides = [1, 1]} : vector<1x2048xf32> to vector<1x64xf32>
    %slice3A_293 = vector.extract_strided_slice %add3A {offsets = [0, 1664], sizes = [1, 64], strides = [1, 1]} : vector<1x2048xf32> to vector<1x64xf32>
    %slice3A_294 = vector.extract_strided_slice %add3A {offsets = [0, 1728], sizes = [1, 64], strides = [1, 1]} : vector<1x2048xf32> to vector<1x64xf32>
    %slice3A_295 = vector.extract_strided_slice %add3A {offsets = [0, 1792], sizes = [1, 64], strides = [1, 1]} : vector<1x2048xf32> to vector<1x64xf32>
    %slice3A_296 = vector.extract_strided_slice %add3A {offsets = [0, 1856], sizes = [1, 64], strides = [1, 1]} : vector<1x2048xf32> to vector<1x64xf32>
    %slice3A_297 = vector.extract_strided_slice %add3A {offsets = [0, 1920], sizes = [1, 64], strides = [1, 1]} : vector<1x2048xf32> to vector<1x64xf32>
    %slice3A_298 = vector.extract_strided_slice %add3A {offsets = [0, 1984], sizes = [1, 64], strides = [1, 1]} : vector<1x2048xf32> to vector<1x64xf32>
    %add3A_299 = arith.addf %slice3A_267, %slice3A_268 : vector<1x64xf32>
    %add3A_300 = arith.addf %slice3A_269, %slice3A_270 : vector<1x64xf32>
    %add3A_301 = arith.addf %slice3A_271, %slice3A_272 : vector<1x64xf32>
    %add3A_302 = arith.addf %slice3A_273, %slice3A_274 : vector<1x64xf32>
    %add3A_303 = arith.addf %slice3A_275, %slice3A_276 : vector<1x64xf32>
    %add3A_304 = arith.addf %slice3A_277, %slice3A_278 : vector<1x64xf32>
    %add3A_305 = arith.addf %slice3A_279, %slice3A_280 : vector<1x64xf32>
    %add3A_306 = arith.addf %slice3A_281, %slice3A_282 : vector<1x64xf32>
    %add3A_307 = arith.addf %add3A_299, %add3A_300 : vector<1x64xf32>
    %add3A_308 = arith.addf %add3A_301, %add3A_302 : vector<1x64xf32>
    %add3A_309 = arith.addf %add3A_303, %add3A_304 : vector<1x64xf32>
    %add3A_310 = arith.addf %add3A_305, %add3A_306 : vector<1x64xf32>
    %add3A_311 = arith.addf %add3A_307, %add3A_308 : vector<1x64xf32>
    %add3A_312 = arith.addf %add3A_309, %add3A_310 : vector<1x64xf32>
    %add3A_313 = arith.addf %add3A_311, %add3A_312 : vector<1x64xf32>
    %dot_general3A_314 = arith.constant dense<0.000000e+00> : vector<1x64xf32>
    %dot_general3A_315 = tpu.matmul %add3A_313, %convert_element_type3A_20, %dot_general3A_314 {dimension_numbers = #tpu.dot_dimension_numbers<[1], [0], [0], [1], [0, 0, 1, 1], [], []>, precision = #tpu.contract_precision<fp32>, transpose_lhs_hint = false} : vector<1x64xf32>, vector<64x64xf32>, vector<1x64xf32> -> vector<1x64xf32>
    %convert_element_type3A_316 = arith.fptosi %dot_general3A_315 : vector<1x64xf32> to vector<1x64xi32>
    %swap3A = arith.constant 0 : index
    %swap3A_317 = arith.constant 0 : index
    %swap3A_318 = arith.constant 0 : index
    %swap3A_319 = vector.load %arg6[%swap3A, %swap3A_317, %swap3A_318] : memref<1x1x64xi32, #tpu.memory_space<vmem>>, vector<1x1x64xi32>
    %swap3A_320 = vector.shape_cast %swap3A_319 : vector<1x1x64xi32> to vector<1x64xi32>
    %swap3A_321 = vector.shape_cast %convert_element_type3A_316 : vector<1x64xi32> to vector<1x1x64xi32>
    tpu.vector_store %arg6[%swap3A, %swap3A_317, %swap3A_318], %swap3A_321 {strides = array<i32>} : memref<1x1x64xi32, #tpu.memory_space<vmem>>, vector<1x1x64xi32>,
    %sub3A = arith.subf %dot_general3A_315, %add3A_313 : vector<1x64xf32>
    %gt3A_322 = arith.constant 0.000000e+00 : bf16
    %gt3A_323 = vector.broadcast %gt3A_322 : bf16 to vector<512x64xbf16>
    %gt3A_324 = arith.cmpf ogt, %convert_element_type3A_43, %gt3A_323 : vector<512x64xbf16>
    %slice3A_325 = vector.extract_strided_slice %dot_general3A_263 {offsets = [0, 0], sizes = [512, 64], strides = [1, 1]} : vector<512x2048xf32> to vector<512x64xf32>
    %add3A_326 = vector.broadcast %sub3A : vector<1x64xf32> to vector<512x64xf32>
    %add3A_327 = arith.addf %slice3A_325, %add3A_326 : vector<512x64xf32>
    %jit3A_328 = arith.constant 0.000000e+00 : f32
    %broadcast_in_dim3A_329 = vector.broadcast %jit3A_328 : f32 to vector<512x64xf32>
    %select_n3A_330 = arith.select %gt3A_324, %add3A_327, %broadcast_in_dim3A_329 : vector<512x64xi1>, vector<512x64xf32>
    %reduce_sum3A = arith.constant dense<0.000000e+00> : vector<512xf32>
    %reduce_sum3A_331 = vector.multi_reduction <add>, %select_n3A_330, %reduce_sum3A [1] : vector<512x64xf32> to vector<512xf32>
    %broadcast_in_dim3A_332 = vector.shape_cast %reduce_sum3A_331 : vector<512xf32> to vector<512x1xf32>
    %add3A_333 = arith.addf %sub3A, %slice3A_267 : vector<1x64xf32>
    %gt3A_334 = arith.constant 0.000000e+00 : bf16
    %gt3A_335 = vector.broadcast %gt3A_334 : bf16 to vector<512x64xbf16>
    %gt3A_336 = arith.cmpf ogt, %convert_element_type3A_50, %gt3A_335 : vector<512x64xbf16>
    %slice3A_337 = vector.extract_strided_slice %dot_general3A_263 {offsets = [0, 64], sizes = [512, 64], strides = [1, 1]} : vector<512x2048xf32> to vector<512x64xf32>
    %add3A_338 = vector.broadcast %add3A_333 : vector<1x64xf32> to vector<512x64xf32>
    %add3A_339 = arith.addf %slice3A_337, %add3A_338 : vector<512x64xf32>
    %jit3A_340 = arith.constant 0.000000e+00 : f32
    %broadcast_in_dim3A_341 = vector.broadcast %jit3A_340 : f32 to vector<512x64xf32>
    %select_n3A_342 = arith.select %gt3A_336, %add3A_339, %broadcast_in_dim3A_341 : vector<512x64xi1>, vector<512x64xf32>
    %reduce_sum3A_343 = arith.constant dense<0.000000e+00> : vector<512xf32>
    %reduce_sum3A_344 = vector.multi_reduction <add>, %select_n3A_342, %reduce_sum3A_343 [1] : vector<512x64xf32> to vector<512xf32>
    %broadcast_in_dim3A_345 = vector.shape_cast %reduce_sum3A_344 : vector<512xf32> to vector<512x1xf32>
    %add3A_346 = arith.addf %add3A_333, %slice3A_268 : vector<1x64xf32>
    %gt3A_347 = arith.constant 0.000000e+00 : bf16
    %gt3A_348 = vector.broadcast %gt3A_347 : bf16 to vector<512x64xbf16>
    %gt3A_349 = arith.cmpf ogt, %convert_element_type3A_57, %gt3A_348 : vector<512x64xbf16>
    %slice3A_350 = vector.extract_strided_slice %dot_general3A_263 {offsets = [0, 128], sizes = [512, 64], strides = [1, 1]} : vector<512x2048xf32> to vector<512x64xf32>
    %add3A_351 = vector.broadcast %add3A_346 : vector<1x64xf32> to vector<512x64xf32>
    %add3A_352 = arith.addf %slice3A_350, %add3A_351 : vector<512x64xf32>
    %jit3A_353 = arith.constant 0.000000e+00 : f32
    %broadcast_in_dim3A_354 = vector.broadcast %jit3A_353 : f32 to vector<512x64xf32>
    %select_n3A_355 = arith.select %gt3A_349, %add3A_352, %broadcast_in_dim3A_354 : vector<512x64xi1>, vector<512x64xf32>
    %reduce_sum3A_356 = arith.constant dense<0.000000e+00> : vector<512xf32>
    %reduce_sum3A_357 = vector.multi_reduction <add>, %select_n3A_355, %reduce_sum3A_356 [1] : vector<512x64xf32> to vector<512xf32>
    %broadcast_in_dim3A_358 = vector.shape_cast %reduce_sum3A_357 : vector<512xf32> to vector<512x1xf32>
    %add3A_359 = arith.addf %add3A_346, %slice3A_269 : vector<1x64xf32>
    %gt3A_360 = arith.constant 0.000000e+00 : bf16
    %gt3A_361 = vector.broadcast %gt3A_360 : bf16 to vector<512x64xbf16>
    %gt3A_362 = arith.cmpf ogt, %convert_element_type3A_64, %gt3A_361 : vector<512x64xbf16>
    %slice3A_363 = vector.extract_strided_slice %dot_general3A_263 {offsets = [0, 192], sizes = [512, 64], strides = [1, 1]} : vector<512x2048xf32> to vector<512x64xf32>
    %add3A_364 = vector.broadcast %add3A_359 : vector<1x64xf32> to vector<512x64xf32>
    %add3A_365 = arith.addf %slice3A_363, %add3A_364 : vector<512x64xf32>
    %jit3A_366 = arith.constant 0.000000e+00 : f32
    %broadcast_in_dim3A_367 = vector.broadcast %jit3A_366 : f32 to vector<512x64xf32>
    %select_n3A_368 = arith.select %gt3A_362, %add3A_365, %broadcast_in_dim3A_367 : vector<512x64xi1>, vector<512x64xf32>
    %reduce_sum3A_369 = arith.constant dense<0.000000e+00> : vector<512xf32>
    %reduce_sum3A_370 = vector.multi_reduction <add>, %select_n3A_368, %reduce_sum3A_369 [1] : vector<512x64xf32> to vector<512xf32>
    %broadcast_in_dim3A_371 = vector.shape_cast %reduce_sum3A_370 : vector<512xf32> to vector<512x1xf32>
    %add3A_372 = arith.addf %add3A_359, %slice3A_270 : vector<1x64xf32>
    %gt3A_373 = arith.constant 0.000000e+00 : bf16
    %gt3A_374 = vector.broadcast %gt3A_373 : bf16 to vector<512x64xbf16>
    %gt3A_375 = arith.cmpf ogt, %convert_element_type3A_71, %gt3A_374 : vector<512x64xbf16>
    %slice3A_376 = vector.extract_strided_slice %dot_general3A_263 {offsets = [0, 256], sizes = [512, 64], strides = [1, 1]} : vector<512x2048xf32> to vector<512x64xf32>
    %add3A_377 = vector.broadcast %add3A_372 : vector<1x64xf32> to vector<512x64xf32>
    %add3A_378 = arith.addf %slice3A_376, %add3A_377 : vector<512x64xf32>
    %jit3A_379 = arith.constant 0.000000e+00 : f32
    %broadcast_in_dim3A_380 = vector.broadcast %jit3A_379 : f32 to vector<512x64xf32>
    %select_n3A_381 = arith.select %gt3A_375, %add3A_378, %broadcast_in_dim3A_380 : vector<512x64xi1>, vector<512x64xf32>
    %reduce_sum3A_382 = arith.constant dense<0.000000e+00> : vector<512xf32>
    %reduce_sum3A_383 = vector.multi_reduction <add>, %select_n3A_381, %reduce_sum3A_382 [1] : vector<512x64xf32> to vector<512xf32>
    %broadcast_in_dim3A_384 = vector.shape_cast %reduce_sum3A_383 : vector<512xf32> to vector<512x1xf32>
    %add3A_385 = arith.addf %add3A_372, %slice3A_271 : vector<1x64xf32>
    %gt3A_386 = arith.constant 0.000000e+00 : bf16
    %gt3A_387 = vector.broadcast %gt3A_386 : bf16 to vector<512x64xbf16>
    %gt3A_388 = arith.cmpf ogt, %convert_element_type3A_78, %gt3A_387 : vector<512x64xbf16>
    %slice3A_389 = vector.extract_strided_slice %dot_general3A_263 {offsets = [0, 320], sizes = [512, 64], strides = [1, 1]} : vector<512x2048xf32> to vector<512x64xf32>
    %add3A_390 = vector.broadcast %add3A_385 : vector<1x64xf32> to vector<512x64xf32>
    %add3A_391 = arith.addf %slice3A_389, %add3A_390 : vector<512x64xf32>
    %jit3A_392 = arith.constant 0.000000e+00 : f32
    %broadcast_in_dim3A_393 = vector.broadcast %jit3A_392 : f32 to vector<512x64xf32>
    %select_n3A_394 = arith.select %gt3A_388, %add3A_391, %broadcast_in_dim3A_393 : vector<512x64xi1>, vector<512x64xf32>
    %reduce_sum3A_395 = arith.constant dense<0.000000e+00> : vector<512xf32>
    %reduce_sum3A_396 = vector.multi_reduction <add>, %select_n3A_394, %reduce_sum3A_395 [1] : vector<512x64xf32> to vector<512xf32>
    %broadcast_in_dim3A_397 = vector.shape_cast %reduce_sum3A_396 : vector<512xf32> to vector<512x1xf32>
    %add3A_398 = arith.addf %add3A_385, %slice3A_272 : vector<1x64xf32>
    %gt3A_399 = arith.constant 0.000000e+00 : bf16
    %gt3A_400 = vector.broadcast %gt3A_399 : bf16 to vector<512x64xbf16>
    %gt3A_401 = arith.cmpf ogt, %convert_element_type3A_85, %gt3A_400 : vector<512x64xbf16>
    %slice3A_402 = vector.extract_strided_slice %dot_general3A_263 {offsets = [0, 384], sizes = [512, 64], strides = [1, 1]} : vector<512x2048xf32> to vector<512x64xf32>
    %add3A_403 = vector.broadcast %add3A_398 : vector<1x64xf32> to vector<512x64xf32>
    %add3A_404 = arith.addf %slice3A_402, %add3A_403 : vector<512x64xf32>
    %jit3A_405 = arith.constant 0.000000e+00 : f32
    %broadcast_in_dim3A_406 = vector.broadcast %jit3A_405 : f32 to vector<512x64xf32>
    %select_n3A_407 = arith.select %gt3A_401, %add3A_404, %broadcast_in_dim3A_406 : vector<512x64xi1>, vector<512x64xf32>
    %reduce_sum3A_408 = arith.constant dense<0.000000e+00> : vector<512xf32>
    %reduce_sum3A_409 = vector.multi_reduction <add>, %select_n3A_407, %reduce_sum3A_408 [1] : vector<512x64xf32> to vector<512xf32>
    %broadcast_in_dim3A_410 = vector.shape_cast %reduce_sum3A_409 : vector<512xf32> to vector<512x1xf32>
    %add3A_411 = arith.addf %add3A_398, %slice3A_273 : vector<1x64xf32>
    %gt3A_412 = arith.constant 0.000000e+00 : bf16
    %gt3A_413 = vector.broadcast %gt3A_412 : bf16 to vector<512x64xbf16>
    %gt3A_414 = arith.cmpf ogt, %convert_element_type3A_92, %gt3A_413 : vector<512x64xbf16>
    %slice3A_415 = vector.extract_strided_slice %dot_general3A_263 {offsets = [0, 448], sizes = [512, 64], strides = [1, 1]} : vector<512x2048xf32> to vector<512x64xf32>
    %add3A_416 = vector.broadcast %add3A_411 : vector<1x64xf32> to vector<512x64xf32>
    %add3A_417 = arith.addf %slice3A_415, %add3A_416 : vector<512x64xf32>
    %jit3A_418 = arith.constant 0.000000e+00 : f32
    %broadcast_in_dim3A_419 = vector.broadcast %jit3A_418 : f32 to vector<512x64xf32>
    %select_n3A_420 = arith.select %gt3A_414, %add3A_417, %broadcast_in_dim3A_419 : vector<512x64xi1>, vector<512x64xf32>
    %reduce_sum3A_421 = arith.constant dense<0.000000e+00> : vector<512xf32>
    %reduce_sum3A_422 = vector.multi_reduction <add>, %select_n3A_420, %reduce_sum3A_421 [1] : vector<512x64xf32> to vector<512xf32>
    %broadcast_in_dim3A_423 = vector.shape_cast %reduce_sum3A_422 : vector<512xf32> to vector<512x1xf32>
    %add3A_424 = arith.addf %add3A_411, %slice3A_274 : vector<1x64xf32>
    %gt3A_425 = arith.constant 0.000000e+00 : bf16
    %gt3A_426 = vector.broadcast %gt3A_425 : bf16 to vector<512x64xbf16>
    %gt3A_427 = arith.cmpf ogt, %convert_element_type3A_99, %gt3A_426 : vector<512x64xbf16>
    %slice3A_428 = vector.extract_strided_slice %dot_general3A_263 {offsets = [0, 512], sizes = [512, 64], strides = [1, 1]} : vector<512x2048xf32> to vector<512x64xf32>
    %add3A_429 = vector.broadcast %add3A_424 : vector<1x64xf32> to vector<512x64xf32>
    %add3A_430 = arith.addf %slice3A_428, %add3A_429 : vector<512x64xf32>
    %jit3A_431 = arith.constant 0.000000e+00 : f32
    %broadcast_in_dim3A_432 = vector.broadcast %jit3A_431 : f32 to vector<512x64xf32>
    %select_n3A_433 = arith.select %gt3A_427, %add3A_430, %broadcast_in_dim3A_432 : vector<512x64xi1>, vector<512x64xf32>
    %reduce_sum3A_434 = arith.constant dense<0.000000e+00> : vector<512xf32>
    %reduce_sum3A_435 = vector.multi_reduction <add>, %select_n3A_433, %reduce_sum3A_434 [1] : vector<512x64xf32> to vector<512xf32>
    %broadcast_in_dim3A_436 = vector.shape_cast %reduce_sum3A_435 : vector<512xf32> to vector<512x1xf32>
    %add3A_437 = arith.addf %add3A_424, %slice3A_275 : vector<1x64xf32>
    %gt3A_438 = arith.constant 0.000000e+00 : bf16
    %gt3A_439 = vector.broadcast %gt3A_438 : bf16 to vector<512x64xbf16>
    %gt3A_440 = arith.cmpf ogt, %convert_element_type3A_106, %gt3A_439 : vector<512x64xbf16>
    %slice3A_441 = vector.extract_strided_slice %dot_general3A_263 {offsets = [0, 576], sizes = [512, 64], strides = [1, 1]} : vector<512x2048xf32> to vector<512x64xf32>
    %add3A_442 = vector.broadcast %add3A_437 : vector<1x64xf32> to vector<512x64xf32>
    %add3A_443 = arith.addf %slice3A_441, %add3A_442 : vector<512x64xf32>
    %jit3A_444 = arith.constant 0.000000e+00 : f32
    %broadcast_in_dim3A_445 = vector.broadcast %jit3A_444 : f32 to vector<512x64xf32>
    %select_n3A_446 = arith.select %gt3A_440, %add3A_443, %broadcast_in_dim3A_445 : vector<512x64xi1>, vector<512x64xf32>
    %reduce_sum3A_447 = arith.constant dense<0.000000e+00> : vector<512xf32>
    %reduce_sum3A_448 = vector.multi_reduction <add>, %select_n3A_446, %reduce_sum3A_447 [1] : vector<512x64xf32> to vector<512xf32>
    %broadcast_in_dim3A_449 = vector.shape_cast %reduce_sum3A_448 : vector<512xf32> to vector<512x1xf32>
    %add3A_450 = arith.addf %add3A_437, %slice3A_276 : vector<1x64xf32>
    %gt3A_451 = arith.constant 0.000000e+00 : bf16
    %gt3A_452 = vector.broadcast %gt3A_451 : bf16 to vector<512x64xbf16>
    %gt3A_453 = arith.cmpf ogt, %convert_element_type3A_113, %gt3A_452 : vector<512x64xbf16>
    %slice3A_454 = vector.extract_strided_slice %dot_general3A_263 {offsets = [0, 640], sizes = [512, 64], strides = [1, 1]} : vector<512x2048xf32> to vector<512x64xf32>
    %add3A_455 = vector.broadcast %add3A_450 : vector<1x64xf32> to vector<512x64xf32>
    %add3A_456 = arith.addf %slice3A_454, %add3A_455 : vector<512x64xf32>
    %jit3A_457 = arith.constant 0.000000e+00 : f32
    %broadcast_in_dim3A_458 = vector.broadcast %jit3A_457 : f32 to vector<512x64xf32>
    %select_n3A_459 = arith.select %gt3A_453, %add3A_456, %broadcast_in_dim3A_458 : vector<512x64xi1>, vector<512x64xf32>
    %reduce_sum3A_460 = arith.constant dense<0.000000e+00> : vector<512xf32>
    %reduce_sum3A_461 = vector.multi_reduction <add>, %select_n3A_459, %reduce_sum3A_460 [1] : vector<512x64xf32> to vector<512xf32>
    %broadcast_in_dim3A_462 = vector.shape_cast %reduce_sum3A_461 : vector<512xf32> to vector<512x1xf32>
    %add3A_463 = arith.addf %add3A_450, %slice3A_277 : vector<1x64xf32>
    %gt3A_464 = arith.constant 0.000000e+00 : bf16
    %gt3A_465 = vector.broadcast %gt3A_464 : bf16 to vector<512x64xbf16>
    %gt3A_466 = arith.cmpf ogt, %convert_element_type3A_120, %gt3A_465 : vector<512x64xbf16>
    %slice3A_467 = vector.extract_strided_slice %dot_general3A_263 {offsets = [0, 704], sizes = [512, 64], strides = [1, 1]} : vector<512x2048xf32> to vector<512x64xf32>
    %add3A_468 = vector.broadcast %add3A_463 : vector<1x64xf32> to vector<512x64xf32>
    %add3A_469 = arith.addf %slice3A_467, %add3A_468 : vector<512x64xf32>
    %jit3A_470 = arith.constant 0.000000e+00 : f32
    %broadcast_in_dim3A_471 = vector.broadcast %jit3A_470 : f32 to vector<512x64xf32>
    %select_n3A_472 = arith.select %gt3A_466, %add3A_469, %broadcast_in_dim3A_471 : vector<512x64xi1>, vector<512x64xf32>
    %reduce_sum3A_473 = arith.constant dense<0.000000e+00> : vector<512xf32>
    %reduce_sum3A_474 = vector.multi_reduction <add>, %select_n3A_472, %reduce_sum3A_473 [1] : vector<512x64xf32> to vector<512xf32>
    %broadcast_in_dim3A_475 = vector.shape_cast %reduce_sum3A_474 : vector<512xf32> to vector<512x1xf32>
    %add3A_476 = arith.addf %add3A_463, %slice3A_278 : vector<1x64xf32>
    %gt3A_477 = arith.constant 0.000000e+00 : bf16
    %gt3A_478 = vector.broadcast %gt3A_477 : bf16 to vector<512x64xbf16>
    %gt3A_479 = arith.cmpf ogt, %convert_element_type3A_127, %gt3A_478 : vector<512x64xbf16>
    %slice3A_480 = vector.extract_strided_slice %dot_general3A_263 {offsets = [0, 768], sizes = [512, 64], strides = [1, 1]} : vector<512x2048xf32> to vector<512x64xf32>
    %add3A_481 = vector.broadcast %add3A_476 : vector<1x64xf32> to vector<512x64xf32>
    %add3A_482 = arith.addf %slice3A_480, %add3A_481 : vector<512x64xf32>
    %jit3A_483 = arith.constant 0.000000e+00 : f32
    %broadcast_in_dim3A_484 = vector.broadcast %jit3A_483 : f32 to vector<512x64xf32>
    %select_n3A_485 = arith.select %gt3A_479, %add3A_482, %broadcast_in_dim3A_484 : vector<512x64xi1>, vector<512x64xf32>
    %reduce_sum3A_486 = arith.constant dense<0.000000e+00> : vector<512xf32>
    %reduce_sum3A_487 = vector.multi_reduction <add>, %select_n3A_485, %reduce_sum3A_486 [1] : vector<512x64xf32> to vector<512xf32>
    %broadcast_in_dim3A_488 = vector.shape_cast %reduce_sum3A_487 : vector<512xf32> to vector<512x1xf32>
    %add3A_489 = arith.addf %add3A_476, %slice3A_279 : vector<1x64xf32>
    %gt3A_490 = arith.constant 0.000000e+00 : bf16
    %gt3A_491 = vector.broadcast %gt3A_490 : bf16 to vector<512x64xbf16>
    %gt3A_492 = arith.cmpf ogt, %convert_element_type3A_134, %gt3A_491 : vector<512x64xbf16>
    %slice3A_493 = vector.extract_strided_slice %dot_general3A_263 {offsets = [0, 832], sizes = [512, 64], strides = [1, 1]} : vector<512x2048xf32> to vector<512x64xf32>
    %add3A_494 = vector.broadcast %add3A_489 : vector<1x64xf32> to vector<512x64xf32>
    %add3A_495 = arith.addf %slice3A_493, %add3A_494 : vector<512x64xf32>
    %jit3A_496 = arith.constant 0.000000e+00 : f32
    %broadcast_in_dim3A_497 = vector.broadcast %jit3A_496 : f32 to vector<512x64xf32>
    %select_n3A_498 = arith.select %gt3A_492, %add3A_495, %broadcast_in_dim3A_497 : vector<512x64xi1>, vector<512x64xf32>
    %reduce_sum3A_499 = arith.constant dense<0.000000e+00> : vector<512xf32>
    %reduce_sum3A_500 = vector.multi_reduction <add>, %select_n3A_498, %reduce_sum3A_499 [1] : vector<512x64xf32> to vector<512xf32>
    %broadcast_in_dim3A_501 = vector.shape_cast %reduce_sum3A_500 : vector<512xf32> to vector<512x1xf32>
    %add3A_502 = arith.addf %add3A_489, %slice3A_280 : vector<1x64xf32>
    %gt3A_503 = arith.constant 0.000000e+00 : bf16
    %gt3A_504 = vector.broadcast %gt3A_503 : bf16 to vector<512x64xbf16>
    %gt3A_505 = arith.cmpf ogt, %convert_element_type3A_141, %gt3A_504 : vector<512x64xbf16>
    %slice3A_506 = vector.extract_strided_slice %dot_general3A_263 {offsets = [0, 896], sizes = [512, 64], strides = [1, 1]} : vector<512x2048xf32> to vector<512x64xf32>
    %add3A_507 = vector.broadcast %add3A_502 : vector<1x64xf32> to vector<512x64xf32>
    %add3A_508 = arith.addf %slice3A_506, %add3A_507 : vector<512x64xf32>
    %jit3A_509 = arith.constant 0.000000e+00 : f32
    %broadcast_in_dim3A_510 = vector.broadcast %jit3A_509 : f32 to vector<512x64xf32>
    %select_n3A_511 = arith.select %gt3A_505, %add3A_508, %broadcast_in_dim3A_510 : vector<512x64xi1>, vector<512x64xf32>
    %reduce_sum3A_512 = arith.constant dense<0.000000e+00> : vector<512xf32>
    %reduce_sum3A_513 = vector.multi_reduction <add>, %select_n3A_511, %reduce_sum3A_512 [1] : vector<512x64xf32> to vector<512xf32>
    %broadcast_in_dim3A_514 = vector.shape_cast %reduce_sum3A_513 : vector<512xf32> to vector<512x1xf32>
    %add3A_515 = arith.addf %add3A_502, %slice3A_281 : vector<1x64xf32>
    %gt3A_516 = arith.constant 0.000000e+00 : bf16
    %gt3A_517 = vector.broadcast %gt3A_516 : bf16 to vector<512x64xbf16>
    %gt3A_518 = arith.cmpf ogt, %convert_element_type3A_148, %gt3A_517 : vector<512x64xbf16>
    %slice3A_519 = vector.extract_strided_slice %dot_general3A_263 {offsets = [0, 960], sizes = [512, 64], strides = [1, 1]} : vector<512x2048xf32> to vector<512x64xf32>
    %add3A_520 = vector.broadcast %add3A_515 : vector<1x64xf32> to vector<512x64xf32>
    %add3A_521 = arith.addf %slice3A_519, %add3A_520 : vector<512x64xf32>
    %jit3A_522 = arith.constant 0.000000e+00 : f32
    %broadcast_in_dim3A_523 = vector.broadcast %jit3A_522 : f32 to vector<512x64xf32>
    %select_n3A_524 = arith.select %gt3A_518, %add3A_521, %broadcast_in_dim3A_523 : vector<512x64xi1>, vector<512x64xf32>
    %reduce_sum3A_525 = arith.constant dense<0.000000e+00> : vector<512xf32>
    %reduce_sum3A_526 = vector.multi_reduction <add>, %select_n3A_524, %reduce_sum3A_525 [1] : vector<512x64xf32> to vector<512xf32>
    %broadcast_in_dim3A_527 = vector.shape_cast %reduce_sum3A_526 : vector<512xf32> to vector<512x1xf32>
    %add3A_528 = arith.addf %slice3A_283, %slice3A_284 : vector<1x64xf32>
    %add3A_529 = arith.addf %slice3A_285, %slice3A_286 : vector<1x64xf32>
    %add3A_530 = arith.addf %slice3A_287, %slice3A_288 : vector<1x64xf32>
    %add3A_531 = arith.addf %slice3A_289, %slice3A_290 : vector<1x64xf32>
    %add3A_532 = arith.addf %slice3A_291, %slice3A_292 : vector<1x64xf32>
    %add3A_533 = arith.addf %slice3A_293, %slice3A_294 : vector<1x64xf32>
    %add3A_534 = arith.addf %slice3A_295, %slice3A_296 : vector<1x64xf32>
    %add3A_535 = arith.addf %slice3A_297, %slice3A_298 : vector<1x64xf32>
    %add3A_536 = arith.addf %add3A_528, %add3A_529 : vector<1x64xf32>
    %add3A_537 = arith.addf %add3A_530, %add3A_531 : vector<1x64xf32>
    %add3A_538 = arith.addf %add3A_532, %add3A_533 : vector<1x64xf32>
    %add3A_539 = arith.addf %add3A_534, %add3A_535 : vector<1x64xf32>
    %add3A_540 = arith.addf %add3A_536, %add3A_537 : vector<1x64xf32>
    %add3A_541 = arith.addf %add3A_538, %add3A_539 : vector<1x64xf32>
    %add3A_542 = arith.addf %add3A_540, %add3A_541 : vector<1x64xf32>
    %dot_general3A_543 = arith.constant dense<0.000000e+00> : vector<1x64xf32>
    %dot_general3A_544 = tpu.matmul %add3A_542, %convert_element_type3A_20, %dot_general3A_543 {dimension_numbers = #tpu.dot_dimension_numbers<[1], [0], [0], [1], [0, 0, 1, 1], [], []>, precision = #tpu.contract_precision<fp32>, transpose_lhs_hint = false} : vector<1x64xf32>, vector<64x64xf32>, vector<1x64xf32> -> vector<1x64xf32>
    %convert_element_type3A_545 = arith.fptosi %dot_general3A_544 : vector<1x64xf32> to vector<1x64xi32>
    %swap3A_546 = arith.constant 0 : index
    %swap3A_547 = arith.constant 0 : index
    %swap3A_548 = arith.constant 0 : index
    %swap3A_549 = vector.load %arg7[%swap3A_546, %swap3A_547, %swap3A_548] : memref<1x1x64xi32, #tpu.memory_space<vmem>>, vector<1x1x64xi32>
    %swap3A_550 = vector.shape_cast %swap3A_549 : vector<1x1x64xi32> to vector<1x64xi32>
    %swap3A_551 = vector.shape_cast %convert_element_type3A_545 : vector<1x64xi32> to vector<1x1x64xi32>
    tpu.vector_store %arg7[%swap3A_546, %swap3A_547, %swap3A_548], %swap3A_551 {strides = array<i32>} : memref<1x1x64xi32, #tpu.memory_space<vmem>>, vector<1x1x64xi32>,
    %sub3A_552 = arith.subf %dot_general3A_544, %add3A_542 : vector<1x64xf32>
    %gt3A_553 = arith.constant 0.000000e+00 : bf16
    %gt3A_554 = vector.broadcast %gt3A_553 : bf16 to vector<512x64xbf16>
    %gt3A_555 = arith.cmpf ogt, %convert_element_type3A_155, %gt3A_554 : vector<512x64xbf16>
    %slice3A_556 = vector.extract_strided_slice %dot_general3A_263 {offsets = [0, 1024], sizes = [512, 64], strides = [1, 1]} : vector<512x2048xf32> to vector<512x64xf32>
    %add3A_557 = vector.broadcast %sub3A_552 : vector<1x64xf32> to vector<512x64xf32>
    %add3A_558 = arith.addf %slice3A_556, %add3A_557 : vector<512x64xf32>
    %jit3A_559 = arith.constant 0.000000e+00 : f32
    %broadcast_in_dim3A_560 = vector.broadcast %jit3A_559 : f32 to vector<512x64xf32>
    %select_n3A_561 = arith.select %gt3A_555, %add3A_558, %broadcast_in_dim3A_560 : vector<512x64xi1>, vector<512x64xf32>
    %reduce_sum3A_562 = arith.constant dense<0.000000e+00> : vector<512xf32>
    %reduce_sum3A_563 = vector.multi_reduction <add>, %select_n3A_561, %reduce_sum3A_562 [1] : vector<512x64xf32> to vector<512xf32>
    %broadcast_in_dim3A_564 = vector.shape_cast %reduce_sum3A_563 : vector<512xf32> to vector<512x1xf32>
    %add3A_565 = arith.addf %sub3A_552, %slice3A_283 : vector<1x64xf32>
    %gt3A_566 = arith.constant 0.000000e+00 : bf16
    %gt3A_567 = vector.broadcast %gt3A_566 : bf16 to vector<512x64xbf16>
    %gt3A_568 = arith.cmpf ogt, %convert_element_type3A_162, %gt3A_567 : vector<512x64xbf16>
    %slice3A_569 = vector.extract_strided_slice %dot_general3A_263 {offsets = [0, 1088], sizes = [512, 64], strides = [1, 1]} : vector<512x2048xf32> to vector<512x64xf32>
    %add3A_570 = vector.broadcast %add3A_565 : vector<1x64xf32> to vector<512x64xf32>
    %add3A_571 = arith.addf %slice3A_569, %add3A_570 : vector<512x64xf32>
    %jit3A_572 = arith.constant 0.000000e+00 : f32
    %broadcast_in_dim3A_573 = vector.broadcast %jit3A_572 : f32 to vector<512x64xf32>
    %select_n3A_574 = arith.select %gt3A_568, %add3A_571, %broadcast_in_dim3A_573 : vector<512x64xi1>, vector<512x64xf32>
    %reduce_sum3A_575 = arith.constant dense<0.000000e+00> : vector<512xf32>
    %reduce_sum3A_576 = vector.multi_reduction <add>, %select_n3A_574, %reduce_sum3A_575 [1] : vector<512x64xf32> to vector<512xf32>
    %broadcast_in_dim3A_577 = vector.shape_cast %reduce_sum3A_576 : vector<512xf32> to vector<512x1xf32>
    %add3A_578 = arith.addf %add3A_565, %slice3A_284 : vector<1x64xf32>
    %gt3A_579 = arith.constant 0.000000e+00 : bf16
    %gt3A_580 = vector.broadcast %gt3A_579 : bf16 to vector<512x64xbf16>
    %gt3A_581 = arith.cmpf ogt, %convert_element_type3A_169, %gt3A_580 : vector<512x64xbf16>
    %slice3A_582 = vector.extract_strided_slice %dot_general3A_263 {offsets = [0, 1152], sizes = [512, 64], strides = [1, 1]} : vector<512x2048xf32> to vector<512x64xf32>
    %add3A_583 = vector.broadcast %add3A_578 : vector<1x64xf32> to vector<512x64xf32>
    %add3A_584 = arith.addf %slice3A_582, %add3A_583 : vector<512x64xf32>
    %jit3A_585 = arith.constant 0.000000e+00 : f32
    %broadcast_in_dim3A_586 = vector.broadcast %jit3A_585 : f32 to vector<512x64xf32>
    %select_n3A_587 = arith.select %gt3A_581, %add3A_584, %broadcast_in_dim3A_586 : vector<512x64xi1>, vector<512x64xf32>
    %reduce_sum3A_588 = arith.constant dense<0.000000e+00> : vector<512xf32>
    %reduce_sum3A_589 = vector.multi_reduction <add>, %select_n3A_587, %reduce_sum3A_588 [1] : vector<512x64xf32> to vector<512xf32>
    %broadcast_in_dim3A_590 = vector.shape_cast %reduce_sum3A_589 : vector<512xf32> to vector<512x1xf32>
    %add3A_591 = arith.addf %add3A_578, %slice3A_285 : vector<1x64xf32>
    %gt3A_592 = arith.constant 0.000000e+00 : bf16
    %gt3A_593 = vector.broadcast %gt3A_592 : bf16 to vector<512x64xbf16>
    %gt3A_594 = arith.cmpf ogt, %convert_element_type3A_176, %gt3A_593 : vector<512x64xbf16>
    %slice3A_595 = vector.extract_strided_slice %dot_general3A_263 {offsets = [0, 1216], sizes = [512, 64], strides = [1, 1]} : vector<512x2048xf32> to vector<512x64xf32>
    %add3A_596 = vector.broadcast %add3A_591 : vector<1x64xf32> to vector<512x64xf32>
    %add3A_597 = arith.addf %slice3A_595, %add3A_596 : vector<512x64xf32>
    %jit3A_598 = arith.constant 0.000000e+00 : f32
    %broadcast_in_dim3A_599 = vector.broadcast %jit3A_598 : f32 to vector<512x64xf32>
    %select_n3A_600 = arith.select %gt3A_594, %add3A_597, %broadcast_in_dim3A_599 : vector<512x64xi1>, vector<512x64xf32>
    %reduce_sum3A_601 = arith.constant dense<0.000000e+00> : vector<512xf32>
    %reduce_sum3A_602 = vector.multi_reduction <add>, %select_n3A_600, %reduce_sum3A_601 [1] : vector<512x64xf32> to vector<512xf32>
    %broadcast_in_dim3A_603 = vector.shape_cast %reduce_sum3A_602 : vector<512xf32> to vector<512x1xf32>
    %add3A_604 = arith.addf %add3A_591, %slice3A_286 : vector<1x64xf32>
    %gt3A_605 = arith.constant 0.000000e+00 : bf16
    %gt3A_606 = vector.broadcast %gt3A_605 : bf16 to vector<512x64xbf16>
    %gt3A_607 = arith.cmpf ogt, %convert_element_type3A_183, %gt3A_606 : vector<512x64xbf16>
    %slice3A_608 = vector.extract_strided_slice %dot_general3A_263 {offsets = [0, 1280], sizes = [512, 64], strides = [1, 1]} : vector<512x2048xf32> to vector<512x64xf32>
    %add3A_609 = vector.broadcast %add3A_604 : vector<1x64xf32> to vector<512x64xf32>
    %add3A_610 = arith.addf %slice3A_608, %add3A_609 : vector<512x64xf32>
    %jit3A_611 = arith.constant 0.000000e+00 : f32
    %broadcast_in_dim3A_612 = vector.broadcast %jit3A_611 : f32 to vector<512x64xf32>
    %select_n3A_613 = arith.select %gt3A_607, %add3A_610, %broadcast_in_dim3A_612 : vector<512x64xi1>, vector<512x64xf32>
    %reduce_sum3A_614 = arith.constant dense<0.000000e+00> : vector<512xf32>
    %reduce_sum3A_615 = vector.multi_reduction <add>, %select_n3A_613, %reduce_sum3A_614 [1] : vector<512x64xf32> to vector<512xf32>
    %broadcast_in_dim3A_616 = vector.shape_cast %reduce_sum3A_615 : vector<512xf32> to vector<512x1xf32>
    %add3A_617 = arith.addf %add3A_604, %slice3A_287 : vector<1x64xf32>
    %gt3A_618 = arith.constant 0.000000e+00 : bf16
    %gt3A_619 = vector.broadcast %gt3A_618 : bf16 to vector<512x64xbf16>
    %gt3A_620 = arith.cmpf ogt, %convert_element_type3A_190, %gt3A_619 : vector<512x64xbf16>
    %slice3A_621 = vector.extract_strided_slice %dot_general3A_263 {offsets = [0, 1344], sizes = [512, 64], strides = [1, 1]} : vector<512x2048xf32> to vector<512x64xf32>
    %add3A_622 = vector.broadcast %add3A_617 : vector<1x64xf32> to vector<512x64xf32>
    %add3A_623 = arith.addf %slice3A_621, %add3A_622 : vector<512x64xf32>
    %jit3A_624 = arith.constant 0.000000e+00 : f32
    %broadcast_in_dim3A_625 = vector.broadcast %jit3A_624 : f32 to vector<512x64xf32>
    %select_n3A_626 = arith.select %gt3A_620, %add3A_623, %broadcast_in_dim3A_625 : vector<512x64xi1>, vector<512x64xf32>
    %reduce_sum3A_627 = arith.constant dense<0.000000e+00> : vector<512xf32>
    %reduce_sum3A_628 = vector.multi_reduction <add>, %select_n3A_626, %reduce_sum3A_627 [1] : vector<512x64xf32> to vector<512xf32>
    %broadcast_in_dim3A_629 = vector.shape_cast %reduce_sum3A_628 : vector<512xf32> to vector<512x1xf32>
    %add3A_630 = arith.addf %add3A_617, %slice3A_288 : vector<1x64xf32>
    %gt3A_631 = arith.constant 0.000000e+00 : bf16
    %gt3A_632 = vector.broadcast %gt3A_631 : bf16 to vector<512x64xbf16>
    %gt3A_633 = arith.cmpf ogt, %convert_element_type3A_197, %gt3A_632 : vector<512x64xbf16>
    %slice3A_634 = vector.extract_strided_slice %dot_general3A_263 {offsets = [0, 1408], sizes = [512, 64], strides = [1, 1]} : vector<512x2048xf32> to vector<512x64xf32>
    %add3A_635 = vector.broadcast %add3A_630 : vector<1x64xf32> to vector<512x64xf32>
    %add3A_636 = arith.addf %slice3A_634, %add3A_635 : vector<512x64xf32>
    %jit3A_637 = arith.constant 0.000000e+00 : f32
    %broadcast_in_dim3A_638 = vector.broadcast %jit3A_637 : f32 to vector<512x64xf32>
    %select_n3A_639 = arith.select %gt3A_633, %add3A_636, %broadcast_in_dim3A_638 : vector<512x64xi1>, vector<512x64xf32>
    %reduce_sum3A_640 = arith.constant dense<0.000000e+00> : vector<512xf32>
    %reduce_sum3A_641 = vector.multi_reduction <add>, %select_n3A_639, %reduce_sum3A_640 [1] : vector<512x64xf32> to vector<512xf32>
    %broadcast_in_dim3A_642 = vector.shape_cast %reduce_sum3A_641 : vector<512xf32> to vector<512x1xf32>
    %add3A_643 = arith.addf %add3A_630, %slice3A_289 : vector<1x64xf32>
    %gt3A_644 = arith.constant 0.000000e+00 : bf16
    %gt3A_645 = vector.broadcast %gt3A_644 : bf16 to vector<512x64xbf16>
    %gt3A_646 = arith.cmpf ogt, %convert_element_type3A_204, %gt3A_645 : vector<512x64xbf16>
    %slice3A_647 = vector.extract_strided_slice %dot_general3A_263 {offsets = [0, 1472], sizes = [512, 64], strides = [1, 1]} : vector<512x2048xf32> to vector<512x64xf32>
    %add3A_648 = vector.broadcast %add3A_643 : vector<1x64xf32> to vector<512x64xf32>
    %add3A_649 = arith.addf %slice3A_647, %add3A_648 : vector<512x64xf32>
    %jit3A_650 = arith.constant 0.000000e+00 : f32
    %broadcast_in_dim3A_651 = vector.broadcast %jit3A_650 : f32 to vector<512x64xf32>
    %select_n3A_652 = arith.select %gt3A_646, %add3A_649, %broadcast_in_dim3A_651 : vector<512x64xi1>, vector<512x64xf32>
    %reduce_sum3A_653 = arith.constant dense<0.000000e+00> : vector<512xf32>
    %reduce_sum3A_654 = vector.multi_reduction <add>, %select_n3A_652, %reduce_sum3A_653 [1] : vector<512x64xf32> to vector<512xf32>
    %broadcast_in_dim3A_655 = vector.shape_cast %reduce_sum3A_654 : vector<512xf32> to vector<512x1xf32>
    %add3A_656 = arith.addf %add3A_643, %slice3A_290 : vector<1x64xf32>
    %gt3A_657 = arith.constant 0.000000e+00 : bf16
    %gt3A_658 = vector.broadcast %gt3A_657 : bf16 to vector<512x64xbf16>
    %gt3A_659 = arith.cmpf ogt, %convert_element_type3A_211, %gt3A_658 : vector<512x64xbf16>
    %slice3A_660 = vector.extract_strided_slice %dot_general3A_263 {offsets = [0, 1536], sizes = [512, 64], strides = [1, 1]} : vector<512x2048xf32> to vector<512x64xf32>
    %add3A_661 = vector.broadcast %add3A_656 : vector<1x64xf32> to vector<512x64xf32>
    %add3A_662 = arith.addf %slice3A_660, %add3A_661 : vector<512x64xf32>
    %jit3A_663 = arith.constant 0.000000e+00 : f32
    %broadcast_in_dim3A_664 = vector.broadcast %jit3A_663 : f32 to vector<512x64xf32>
    %select_n3A_665 = arith.select %gt3A_659, %add3A_662, %broadcast_in_dim3A_664 : vector<512x64xi1>, vector<512x64xf32>
    %reduce_sum3A_666 = arith.constant dense<0.000000e+00> : vector<512xf32>
    %reduce_sum3A_667 = vector.multi_reduction <add>, %select_n3A_665, %reduce_sum3A_666 [1] : vector<512x64xf32> to vector<512xf32>
    %broadcast_in_dim3A_668 = vector.shape_cast %reduce_sum3A_667 : vector<512xf32> to vector<512x1xf32>
    %add3A_669 = arith.addf %add3A_656, %slice3A_291 : vector<1x64xf32>
    %gt3A_670 = arith.constant 0.000000e+00 : bf16
    %gt3A_671 = vector.broadcast %gt3A_670 : bf16 to vector<512x64xbf16>
    %gt3A_672 = arith.cmpf ogt, %convert_element_type3A_218, %gt3A_671 : vector<512x64xbf16>
    %slice3A_673 = vector.extract_strided_slice %dot_general3A_263 {offsets = [0, 1600], sizes = [512, 64], strides = [1, 1]} : vector<512x2048xf32> to vector<512x64xf32>
    %add3A_674 = vector.broadcast %add3A_669 : vector<1x64xf32> to vector<512x64xf32>
    %add3A_675 = arith.addf %slice3A_673, %add3A_674 : vector<512x64xf32>
    %jit3A_676 = arith.constant 0.000000e+00 : f32
    %broadcast_in_dim3A_677 = vector.broadcast %jit3A_676 : f32 to vector<512x64xf32>
    %select_n3A_678 = arith.select %gt3A_672, %add3A_675, %broadcast_in_dim3A_677 : vector<512x64xi1>, vector<512x64xf32>
    %reduce_sum3A_679 = arith.constant dense<0.000000e+00> : vector<512xf32>
    %reduce_sum3A_680 = vector.multi_reduction <add>, %select_n3A_678, %reduce_sum3A_679 [1] : vector<512x64xf32> to vector<512xf32>
    %broadcast_in_dim3A_681 = vector.shape_cast %reduce_sum3A_680 : vector<512xf32> to vector<512x1xf32>
    %add3A_682 = arith.addf %add3A_669, %slice3A_292 : vector<1x64xf32>
    %gt3A_683 = arith.constant 0.000000e+00 : bf16
    %gt3A_684 = vector.broadcast %gt3A_683 : bf16 to vector<512x64xbf16>
    %gt3A_685 = arith.cmpf ogt, %convert_element_type3A_225, %gt3A_684 : vector<512x64xbf16>
    %slice3A_686 = vector.extract_strided_slice %dot_general3A_263 {offsets = [0, 1664], sizes = [512, 64], strides = [1, 1]} : vector<512x2048xf32> to vector<512x64xf32>
    %add3A_687 = vector.broadcast %add3A_682 : vector<1x64xf32> to vector<512x64xf32>
    %add3A_688 = arith.addf %slice3A_686, %add3A_687 : vector<512x64xf32>
    %jit3A_689 = arith.constant 0.000000e+00 : f32
    %broadcast_in_dim3A_690 = vector.broadcast %jit3A_689 : f32 to vector<512x64xf32>
    %select_n3A_691 = arith.select %gt3A_685, %add3A_688, %broadcast_in_dim3A_690 : vector<512x64xi1>, vector<512x64xf32>
    %reduce_sum3A_692 = arith.constant dense<0.000000e+00> : vector<512xf32>
    %reduce_sum3A_693 = vector.multi_reduction <add>, %select_n3A_691, %reduce_sum3A_692 [1] : vector<512x64xf32> to vector<512xf32>
    %broadcast_in_dim3A_694 = vector.shape_cast %reduce_sum3A_693 : vector<512xf32> to vector<512x1xf32>
    %add3A_695 = arith.addf %add3A_682, %slice3A_293 : vector<1x64xf32>
    %gt3A_696 = arith.constant 0.000000e+00 : bf16
    %gt3A_697 = vector.broadcast %gt3A_696 : bf16 to vector<512x64xbf16>
    %gt3A_698 = arith.cmpf ogt, %convert_element_type3A_232, %gt3A_697 : vector<512x64xbf16>
    %slice3A_699 = vector.extract_strided_slice %dot_general3A_263 {offsets = [0, 1728], sizes = [512, 64], strides = [1, 1]} : vector<512x2048xf32> to vector<512x64xf32>
    %add3A_700 = vector.broadcast %add3A_695 : vector<1x64xf32> to vector<512x64xf32>
    %add3A_701 = arith.addf %slice3A_699, %add3A_700 : vector<512x64xf32>
    %jit3A_702 = arith.constant 0.000000e+00 : f32
    %broadcast_in_dim3A_703 = vector.broadcast %jit3A_702 : f32 to vector<512x64xf32>
    %select_n3A_704 = arith.select %gt3A_698, %add3A_701, %broadcast_in_dim3A_703 : vector<512x64xi1>, vector<512x64xf32>
    %reduce_sum3A_705 = arith.constant dense<0.000000e+00> : vector<512xf32>
    %reduce_sum3A_706 = vector.multi_reduction <add>, %select_n3A_704, %reduce_sum3A_705 [1] : vector<512x64xf32> to vector<512xf32>
    %broadcast_in_dim3A_707 = vector.shape_cast %reduce_sum3A_706 : vector<512xf32> to vector<512x1xf32>
    %add3A_708 = arith.addf %add3A_695, %slice3A_294 : vector<1x64xf32>
    %gt3A_709 = arith.constant 0.000000e+00 : bf16
    %gt3A_710 = vector.broadcast %gt3A_709 : bf16 to vector<512x64xbf16>
    %gt3A_711 = arith.cmpf ogt, %convert_element_type3A_239, %gt3A_710 : vector<512x64xbf16>
    %slice3A_712 = vector.extract_strided_slice %dot_general3A_263 {offsets = [0, 1792], sizes = [512, 64], strides = [1, 1]} : vector<512x2048xf32> to vector<512x64xf32>
    %add3A_713 = vector.broadcast %add3A_708 : vector<1x64xf32> to vector<512x64xf32>
    %add3A_714 = arith.addf %slice3A_712, %add3A_713 : vector<512x64xf32>
    %jit3A_715 = arith.constant 0.000000e+00 : f32
    %broadcast_in_dim3A_716 = vector.broadcast %jit3A_715 : f32 to vector<512x64xf32>
    %select_n3A_717 = arith.select %gt3A_711, %add3A_714, %broadcast_in_dim3A_716 : vector<512x64xi1>, vector<512x64xf32>
    %reduce_sum3A_718 = arith.constant dense<0.000000e+00> : vector<512xf32>
    %reduce_sum3A_719 = vector.multi_reduction <add>, %select_n3A_717, %reduce_sum3A_718 [1] : vector<512x64xf32> to vector<512xf32>
    %broadcast_in_dim3A_720 = vector.shape_cast %reduce_sum3A_719 : vector<512xf32> to vector<512x1xf32>
    %add3A_721 = arith.addf %add3A_708, %slice3A_295 : vector<1x64xf32>
    %gt3A_722 = arith.constant 0.000000e+00 : bf16
    %gt3A_723 = vector.broadcast %gt3A_722 : bf16 to vector<512x64xbf16>
    %gt3A_724 = arith.cmpf ogt, %convert_element_type3A_246, %gt3A_723 : vector<512x64xbf16>
    %slice3A_725 = vector.extract_strided_slice %dot_general3A_263 {offsets = [0, 1856], sizes = [512, 64], strides = [1, 1]} : vector<512x2048xf32> to vector<512x64xf32>
    %add3A_726 = vector.broadcast %add3A_721 : vector<1x64xf32> to vector<512x64xf32>
    %add3A_727 = arith.addf %slice3A_725, %add3A_726 : vector<512x64xf32>
    %jit3A_728 = arith.constant 0.000000e+00 : f32
    %broadcast_in_dim3A_729 = vector.broadcast %jit3A_728 : f32 to vector<512x64xf32>
    %select_n3A_730 = arith.select %gt3A_724, %add3A_727, %broadcast_in_dim3A_729 : vector<512x64xi1>, vector<512x64xf32>
    %reduce_sum3A_731 = arith.constant dense<0.000000e+00> : vector<512xf32>
    %reduce_sum3A_732 = vector.multi_reduction <add>, %select_n3A_730, %reduce_sum3A_731 [1] : vector<512x64xf32> to vector<512xf32>
    %broadcast_in_dim3A_733 = vector.shape_cast %reduce_sum3A_732 : vector<512xf32> to vector<512x1xf32>
    %add3A_734 = arith.addf %add3A_721, %slice3A_296 : vector<1x64xf32>
    %gt3A_735 = arith.constant 0.000000e+00 : bf16
    %gt3A_736 = vector.broadcast %gt3A_735 : bf16 to vector<512x64xbf16>
    %gt3A_737 = arith.cmpf ogt, %convert_element_type3A_253, %gt3A_736 : vector<512x64xbf16>
    %slice3A_738 = vector.extract_strided_slice %dot_general3A_263 {offsets = [0, 1920], sizes = [512, 64], strides = [1, 1]} : vector<512x2048xf32> to vector<512x64xf32>
    %add3A_739 = vector.broadcast %add3A_734 : vector<1x64xf32> to vector<512x64xf32>
    %add3A_740 = arith.addf %slice3A_738, %add3A_739 : vector<512x64xf32>
    %jit3A_741 = arith.constant 0.000000e+00 : f32
    %broadcast_in_dim3A_742 = vector.broadcast %jit3A_741 : f32 to vector<512x64xf32>
    %select_n3A_743 = arith.select %gt3A_737, %add3A_740, %broadcast_in_dim3A_742 : vector<512x64xi1>, vector<512x64xf32>
    %reduce_sum3A_744 = arith.constant dense<0.000000e+00> : vector<512xf32>
    %reduce_sum3A_745 = vector.multi_reduction <add>, %select_n3A_743, %reduce_sum3A_744 [1] : vector<512x64xf32> to vector<512xf32>
    %broadcast_in_dim3A_746 = vector.shape_cast %reduce_sum3A_745 : vector<512xf32> to vector<512x1xf32>
    %add3A_747 = arith.addf %add3A_734, %slice3A_297 : vector<1x64xf32>
    %gt3A_748 = arith.constant 0.000000e+00 : bf16
    %gt3A_749 = vector.broadcast %gt3A_748 : bf16 to vector<512x64xbf16>
    %gt3A_750 = arith.cmpf ogt, %convert_element_type3A_260, %gt3A_749 : vector<512x64xbf16>
    %slice3A_751 = vector.extract_strided_slice %dot_general3A_263 {offsets = [0, 1984], sizes = [512, 64], strides = [1, 1]} : vector<512x2048xf32> to vector<512x64xf32>
    %add3A_752 = vector.broadcast %add3A_747 : vector<1x64xf32> to vector<512x64xf32>
    %add3A_753 = arith.addf %slice3A_751, %add3A_752 : vector<512x64xf32>
    %jit3A_754 = arith.constant 0.000000e+00 : f32
    %broadcast_in_dim3A_755 = vector.broadcast %jit3A_754 : f32 to vector<512x64xf32>
    %select_n3A_756 = arith.select %gt3A_750, %add3A_753, %broadcast_in_dim3A_755 : vector<512x64xi1>, vector<512x64xf32>
    %reduce_sum3A_757 = arith.constant dense<0.000000e+00> : vector<512xf32>
    %reduce_sum3A_758 = vector.multi_reduction <add>, %select_n3A_756, %reduce_sum3A_757 [1] : vector<512x64xf32> to vector<512xf32>
    %broadcast_in_dim3A_759 = vector.shape_cast %reduce_sum3A_758 : vector<512xf32> to vector<512x1xf32>
    %concatenate3A_760 = tpu.concatenate %broadcast_in_dim3A_332, %broadcast_in_dim3A_345, %broadcast_in_dim3A_358, %broadcast_in_dim3A_371, %broadcast_in_dim3A_384, %broadcast_in_dim3A_397, %broadcast_in_dim3A_410, %broadcast_in_dim3A_423, %broadcast_in_dim3A_436, %broadcast_in_dim3A_449, %broadcast_in_dim3A_462, %broadcast_in_dim3A_475, %broadcast_in_dim3A_488, %broadcast_in_dim3A_501, %broadcast_in_dim3A_514, %broadcast_in_dim3A_527, %broadcast_in_dim3A_564, %broadcast_in_dim3A_577, %broadcast_in_dim3A_590, %broadcast_in_dim3A_603, %broadcast_in_dim3A_616, %broadcast_in_dim3A_629, %broadcast_in_dim3A_642, %broadcast_in_dim3A_655, %broadcast_in_dim3A_668, %broadcast_in_dim3A_681, %broadcast_in_dim3A_694, %broadcast_in_dim3A_707, %broadcast_in_dim3A_720, %broadcast_in_dim3A_733, %broadcast_in_dim3A_746, %broadcast_in_dim3A_759 in 1 : vector<512x1xf32>, vector<512x1xf32>, vector<512x1xf32>, vector<512x1xf32>, vector<512x1xf32>, vector<512x1xf32>, vector<512x1xf32>, vector<512x1xf32>, vector<512x1xf32>, vector<512x1xf32>, vector<512x1xf32>, vector<512x1xf32>, vector<512x1xf32>, vector<512x1xf32>, vector<512x1xf32>, vector<512x1xf32>, vector<512x1xf32>, vector<512x1xf32>, vector<512x1xf32>, vector<512x1xf32>, vector<512x1xf32>, vector<512x1xf32>, vector<512x1xf32>, vector<512x1xf32>, vector<512x1xf32>, vector<512x1xf32>, vector<512x1xf32>, vector<512x1xf32>, vector<512x1xf32>, vector<512x1xf32>, vector<512x1xf32>, vector<512x1xf32> -> vector<512x32xf32>
    %mul3A = arith.constant 7.812500e-03 : f32
    %mul3A_761 = vector.broadcast %mul3A : f32 to vector<512x32xf32>
    %mul3A_762 = arith.mulf %concatenate3A_760, %mul3A_761 : vector<512x32xf32>
    %floor3A = math.floor %mul3A_762 : vector<512x32xf32>
    %mul3A_763 = arith.constant 1.280000e+02 : f32
    %mul3A_764 = vector.broadcast %mul3A_763 : f32 to vector<512x32xf32>
    %mul3A_765 = arith.mulf %floor3A, %mul3A_764 : vector<512x32xf32>
    %sub3A_766 = arith.subf %concatenate3A_760, %mul3A_765 : vector<512x32xf32>
    %convert_element_type3A_767 = arith.truncf %floor3A : vector<512x32xf32> to vector<512x32xbf16>
    %dot_general3A_768 = arith.constant dense<0.000000e+00> : vector<32x512xf32>
    %dot_general3A_769 = tpu.matmul %convert_element_type3A_767, %convert_element_type3A_16, %dot_general3A_768 {dimension_numbers = #tpu.dot_dimension_numbers<[0], [0], [1], [1], [0, 1, 1, 1], [], []>, transpose_lhs_hint = false} : vector<512x32xbf16>, vector<512x512xbf16>, vector<32x512xf32> -> vector<32x512xf32>
    %convert_element_type3A_770 = arith.truncf %sub3A_766 : vector<512x32xf32> to vector<512x32xbf16>
    %dot_general3A_771 = arith.constant dense<0.000000e+00> : vector<32x512xf32>
    %dot_general3A_772 = tpu.matmul %convert_element_type3A_770, %convert_element_type3A_16, %dot_general3A_771 {dimension_numbers = #tpu.dot_dimension_numbers<[0], [0], [1], [1], [0, 1, 1, 1], [], []>, transpose_lhs_hint = false} : vector<512x32xbf16>, vector<512x512xbf16>, vector<32x512xf32> -> vector<32x512xf32>
    %mul3A_773 = arith.constant 1.280000e+02 : f32
    %mul3A_774 = vector.broadcast %mul3A_773 : f32 to vector<32x512xf32>
    %mul3A_775 = arith.mulf %dot_general3A_769, %mul3A_774 : vector<32x512xf32>
    %add3A_776 = arith.addf %mul3A_775, %dot_general3A_772 : vector<32x512xf32>
    %convert_element_type3A_777 = arith.fptosi %add3A_776 : vector<32x512xf32> to vector<32x512xi32>
    %mul3A_778 = arith.constant 8192 : i32
    %mul3A_779 = arith.muli %arg0, %mul3A_778 : i32
    %add3A_780 = vector.broadcast %mul3A_779 : i32 to vector<32x512xi32>
    %add3A_781 = arith.addi %convert_element_type3A_777, %add3A_780 : vector<32x512xi32>
    %slice3A_782 = vector.extract_strided_slice %add3A_781 {offsets = [0, 0], sizes = [16, 512], strides = [1, 1]} : vector<32x512xi32> to vector<16x512xi32>
    %swap3A_783 = arith.constant 0 : index
    %swap3A_784 = arith.constant 0 : index
    %swap3A_785 = arith.constant 0 : index
    %swap3A_786 = vector.load %arg4[%swap3A_783, %swap3A_784, %swap3A_785] : memref<1x16x512xi32, #tpu.memory_space<vmem>>, vector<1x16x512xi32>
    %swap3A_787 = vector.shape_cast %swap3A_786 : vector<1x16x512xi32> to vector<16x512xi32>
    %swap3A_788 = vector.shape_cast %slice3A_782 : vector<16x512xi32> to vector<1x16x512xi32>
    tpu.vector_store %arg4[%swap3A_783, %swap3A_784, %swap3A_785], %swap3A_788 {strides = array<i32>} : memref<1x16x512xi32, #tpu.memory_space<vmem>>, vector<1x16x512xi32>,
    %slice3A_789 = vector.extract_strided_slice %add3A_781 {offsets = [16, 0], sizes = [16, 512], strides = [1, 1]} : vector<32x512xi32> to vector<16x512xi32>
    %swap3A_790 = arith.constant 0 : index
    %swap3A_791 = arith.constant 0 : index
    %swap3A_792 = arith.constant 0 : index
    %swap3A_793 = vector.load %arg5[%swap3A_790, %swap3A_791, %swap3A_792] : memref<1x16x512xi32, #tpu.memory_space<vmem>>, vector<1x16x512xi32>
    %swap3A_794 = vector.shape_cast %swap3A_793 : vector<1x16x512xi32> to vector<16x512xi32>
    %swap3A_795 = vector.shape_cast %slice3A_789 : vector<16x512xi32> to vector<1x16x512xi32>
    tpu.vector_store %arg5[%swap3A_790, %swap3A_791, %swap3A_792], %swap3A_795 {strides = array<i32>} : memref<1x16x512xi32, #tpu.memory_space<vmem>>, vector<1x16x512xi32>,
    return
  }
  func.func @transform_0(%arg0: i32) -> (i32, i32, i32) {
    %c0_i32 = arith.constant 0 : i32
    %c0_i32_0 = arith.constant 0 : i32
    %c0_i32_1 = arith.constant 0 : i32
    return %arg0, %c0_i32, %c0_i32_0 : i32, i32, i32
  }
  func.func @transform_1(%arg0: i32) -> (i32, i32, i32) {
    %c0_i32 = arith.constant 0 : i32
    %c0_i32_0 = arith.constant 0 : i32
    %c0_i32_1 = arith.constant 0 : i32
    return %arg0, %c0_i32, %c0_i32_0 : i32, i32, i32
  }
  func.func @transform_2(%arg0: i32) -> (i32, i32) {
    %c0_i32 = arith.constant 0 : i32
    %c0_i32_0 = arith.constant 0 : i32
    %c0_i32_1 = arith.constant 0 : i32
    return %c0_i32, %c0_i32_0 : i32, i32
  }
  func.func @transform_3(%arg0: i32) -> (i32, i32, i32) {
    %c0_i32 = arith.constant 0 : i32
    %c0_i32_0 = arith.constant 0 : i32
    %c0_i32_1 = arith.constant 0 : i32
    return %arg0, %c0_i32, %c0_i32_0 : i32, i32, i32
  }
  func.func @transform_4(%arg0: i32) -> (i32, i32, i32) {
    %c0_i32 = arith.constant 0 : i32
    %c0_i32_0 = arith.constant 0 : i32
    %c0_i32_1 = arith.constant 0 : i32
    return %arg0, %c0_i32, %c0_i32_0 : i32, i32, i32
  }
  func.func @transform_5(%arg0: i32) -> (i32, i32, i32) {
    %c0_i32 = arith.constant 0 : i32
    %c0_i32_0 = arith.constant 0 : i32
    %c0_i32_1 = arith.constant 0 : i32
    return %arg0, %c0_i32, %c0_i32_0 : i32, i32, i32
  }
  func.func @transform_6(%arg0: i32) -> (i32, i32, i32) {
    %c0_i32 = arith.constant 0 : i32
    %c0_i32_0 = arith.constant 0 : i32
    %c0_i32_1 = arith.constant 0 : i32
    return %arg0, %c0_i32, %c0_i32_0 : i32, i32, i32
  }
}

module attributes {stable_mosaic.version = 14 : i64} {
  func.func @_attn_body(%arg0: i32, %arg1: i32, %arg2: memref<1x16x128x64xf32, #tpu.memory_space<vmem>>, %arg3: memref<1x1x128x64xf32, #tpu.memory_space<vmem>>, %arg4: memref<1x16x128x64xf32, #tpu.memory_space<vmem>>, %arg5: memref<1x1x128x64xf32, #tpu.memory_space<vmem>>, %arg6: memref<1x16x128x64xf32, #tpu.memory_space<vmem>>, %arg7: memref<1x1x64xi32, #tpu.memory_space<vmem>>, %arg8: memref<1x1x64xi32, #tpu.memory_space<vmem>>, %arg9: memref<1x16x128x64xf32, #tpu.memory_space<vmem>>) attributes {dimension_semantics = [#tpu.dimension_semantics<arbitrary>, #tpu.dimension_semantics<arbitrary>], iteration_bounds = array<i64: 4, 4>, scalar_prefetch = 0 : i64, scratch_operands = 0 : i64, tpu.core_type = #tpu.core_type<tc>, window_params = [{transform_indices = @transform_0, window_bounds = array<i64: 1, 16, 128, 64>}, {transform_indices = @transform_1, window_bounds = array<i64: 1, 1, 128, 64>}, {transform_indices = @transform_2, window_bounds = array<i64: 1, 16, 128, 64>}, {transform_indices = @transform_3, window_bounds = array<i64: 1, 1, 128, 64>}, {transform_indices = @transform_4, window_bounds = array<i64: 1, 16, 128, 64>}, {transform_indices = @transform_5, window_bounds = array<i64: 1, 1, 64>}, {transform_indices = @transform_6, window_bounds = array<i64: 1, 1, 64>}, {transform_indices = @transform_7, window_bounds = array<i64: 1, 16, 128, 64>}]} {
    %iota3A = tpu.iota {dimensions = array<i32: 0>} : vector<128x1xi32>
    %iota3A_0 = tpu.iota {dimensions = array<i32: 1>} : vector<1x128xi32>
    %get3A = arith.constant 0 : index
    %get3A_1 = arith.constant 0 : index
    %get3A_2 = arith.constant 0 : index
    %get3A_3 = vector.load %arg7[%get3A, %get3A_1, %get3A_2] : memref<1x1x64xi32, #tpu.memory_space<vmem>>, vector<1x1x64xi32>
    %get3A_4 = vector.shape_cast %get3A_3 : vector<1x1x64xi32> to vector<1x64xi32>
    %iota3A_5 = tpu.iota {dimensions = array<i32: 0>} : vector<64x64xi32>
    %iota3A_6 = tpu.iota {dimensions = array<i32: 1>} : vector<64x64xi32>
    %eq3A = arith.cmpi eq, %iota3A_6, %iota3A_5 : vector<64x64xi32>
    %convert_element_type3A = arith.extui %eq3A : vector<64x64xi1> to vector<64x64xi32>
    %convert_element_type3A_7 = arith.sitofp %convert_element_type3A : vector<64x64xi32> to vector<64x64xf32>
    %get3A_8 = arith.constant 0 : index
    %get3A_9 = arith.constant 0 : index
    %get3A_10 = arith.constant 0 : index
    %get3A_11 = vector.load %arg8[%get3A_8, %get3A_9, %get3A_10] : memref<1x1x64xi32, #tpu.memory_space<vmem>>, vector<1x1x64xi32>
    %get3A_12 = vector.shape_cast %get3A_11 : vector<1x1x64xi32> to vector<1x64xi32>
    %convert_element_type3A_13 = arith.sitofp %get3A_12 : vector<1x64xi32> to vector<1x64xf32>
    %dot_general3A = arith.constant dense<0.000000e+00> : vector<64x1xf32>
    %dot_general3A_14 = tpu.matmul %convert_element_type3A_7, %convert_element_type3A_13, %dot_general3A {dimension_numbers = #tpu.dot_dimension_numbers<[1], [1], [0], [0], [0, 0, 1, 0], [], []>, precision = #tpu.contract_precision<fp32>, transpose_lhs_hint = false} : vector<64x64xf32>, vector<1x64xf32>, vector<64x1xf32> -> vector<64x1xf32>
    %convert_element_type3A_15 = arith.fptosi %dot_general3A_14 : vector<64x1xf32> to vector<64x1xi32>
    %mul3A = arith.constant 16 : i32
    %mul3A_16 = arith.muli %arg1, %mul3A : i32
    %mul3A_17 = arith.constant 128 : i32
    %mul3A_18 = arith.muli %mul3A_16, %mul3A_17 : i32
    %get3A_19 = arith.constant 0 : index
    %get3A_20 = arith.constant 0 : index
    %get3A_21 = arith.constant 0 : index
    %get3A_22 = arith.constant 0 : index
    %get3A_23 = vector.load %arg2[%get3A_19, %get3A_20, %get3A_21, %get3A_22] : memref<1x16x128x64xf32, #tpu.memory_space<vmem>>, vector<1x1x128x64xf32>
    %get3A_24 = vector.shape_cast %get3A_23 : vector<1x1x128x64xf32> to vector<128x64xf32>
    %convert_element_type3A_25 = arith.truncf %get3A_24 : vector<128x64xf32> to vector<128x64xbf16>
    %get3A_26 = arith.constant 0 : index
    %get3A_27 = arith.constant 0 : index
    %get3A_28 = arith.constant 0 : index
    %get3A_29 = arith.constant 0 : index
    %get3A_30 = vector.load %arg3[%get3A_26, %get3A_27, %get3A_28, %get3A_29] : memref<1x1x128x64xf32, #tpu.memory_space<vmem>>, vector<1x1x128x64xf32>
    %get3A_31 = vector.shape_cast %get3A_30 : vector<1x1x128x64xf32> to vector<128x64xf32>
    %convert_element_type3A_32 = arith.truncf %get3A_31 : vector<128x64xf32> to vector<128x64xbf16>
    %get3A_33 = arith.constant 0 : index
    %get3A_34 = arith.constant 0 : index
    %get3A_35 = arith.constant 0 : index
    %get3A_36 = arith.constant 0 : index
    %get3A_37 = vector.load %arg4[%get3A_33, %get3A_34, %get3A_35, %get3A_36] : memref<1x16x128x64xf32, #tpu.memory_space<vmem>>, vector<1x1x128x64xf32>
    %get3A_38 = vector.shape_cast %get3A_37 : vector<1x1x128x64xf32> to vector<128x64xf32>
    %convert_element_type3A_39 = arith.truncf %get3A_38 : vector<128x64xf32> to vector<128x64xbf16>
    %dot_general3A_40 = arith.constant dense<0.000000e+00> : vector<128x128xf32>
    %dot_general3A_41 = tpu.matmul %convert_element_type3A_25, %convert_element_type3A_32, %dot_general3A_40 {dimension_numbers = #tpu.dot_dimension_numbers<[1], [1], [0], [0], [0, 0, 1, 0], [], []>, transpose_lhs_hint = false} : vector<128x64xbf16>, vector<128x64xbf16>, vector<128x128xf32> -> vector<128x128xf32>
    %mul3A_42 = arith.constant 1.250000e-01 : f32
    %mul3A_43 = vector.broadcast %mul3A_42 : f32 to vector<128x128xf32>
    %mul3A_44 = arith.mulf %dot_general3A_41, %mul3A_43 : vector<128x128xf32>
    %dot_general3A_45 = arith.constant dense<0.000000e+00> : vector<128x128xf32>
    %dot_general3A_46 = tpu.matmul %convert_element_type3A_25, %convert_element_type3A_39, %dot_general3A_45 {dimension_numbers = #tpu.dot_dimension_numbers<[1], [1], [0], [0], [0, 0, 1, 0], [], []>, transpose_lhs_hint = false} : vector<128x64xbf16>, vector<128x64xbf16>, vector<128x128xf32> -> vector<128x128xf32>
    %mul3A_47 = arith.constant 1.250000e-01 : f32
    %mul3A_48 = vector.broadcast %mul3A_47 : f32 to vector<128x128xf32>
    %mul3A_49 = arith.mulf %dot_general3A_46, %mul3A_48 : vector<128x128xf32>
    %add3A = arith.constant 0 : i32
    %add3A_50 = arith.addi %mul3A_18, %add3A : i32
    %add3A_51 = vector.broadcast %add3A_50 : i32 to vector<128x1xi32>
    %add3A_52 = arith.addi %add3A_51, %iota3A : vector<128x1xi32>
    %le3A = vector.broadcast %get3A_4 : vector<1x64xi32> to vector<128x64xi32>
    %le3A_53 = vector.broadcast %add3A_52 : vector<128x1xi32> to vector<128x64xi32>
    %le3A_54 = arith.cmpi sle, %le3A, %le3A_53 : vector<128x64xi32>
    %convert_element_type3A_55 = arith.extui %le3A_54 : vector<128x64xi1> to vector<128x64xi32>
    %reduce_sum3A = arith.constant dense<0> : vector<128xi32>
    %reduce_sum3A_56 = vector.multi_reduction <add>, %convert_element_type3A_55, %reduce_sum3A [1] : vector<128x64xi32> to vector<128xi32>
    %broadcast_in_dim3A = vector.shape_cast %reduce_sum3A_56 : vector<128xi32> to vector<128x1xi32>
    %add3A_57 = arith.constant -128 : i32
    %add3A_58 = arith.addi %mul3A_18, %add3A_57 : i32
    %jit3A = arith.constant 8192 : i32
    %eq3A_59 = arith.constant 0 : i32
    %eq3A_60 = arith.cmpi eq, %jit3A, %eq3A_59 : i32
    %jit3A_61 = arith.constant 1 : i32
    %select_n3A = arith.select %eq3A_60, %jit3A_61, %jit3A : i32
    %rem3A = arith.remsi %add3A_58, %select_n3A : i32
    %ne3A = arith.constant 0 : i32
    %ne3A_62 = arith.cmpi ne, %rem3A, %ne3A : i32
    %lt3A = arith.constant 0 : i32
    %lt3A_63 = arith.cmpi slt, %rem3A, %lt3A : i32
    %lt3A_64 = arith.constant 0 : i32
    %lt3A_65 = arith.cmpi slt, %select_n3A, %lt3A_64 : i32
    %ne3A_66 = arith.xori %lt3A_63, %lt3A_65 : i1
    %and3A = arith.andi %ne3A_66, %ne3A_62 : i1
    %add3A_67 = arith.addi %rem3A, %select_n3A : i32
    %select_n3A_68 = arith.select %and3A, %add3A_67, %rem3A : i32
    %add3A_69 = vector.broadcast %select_n3A_68 : i32 to vector<1x128xi32>
    %add3A_70 = arith.addi %add3A_69, %iota3A_0 : vector<1x128xi32>
    %le3A_71 = vector.broadcast %convert_element_type3A_15 : vector<64x1xi32> to vector<64x128xi32>
    %le3A_72 = vector.broadcast %add3A_70 : vector<1x128xi32> to vector<64x128xi32>
    %le3A_73 = arith.cmpi sle, %le3A_71, %le3A_72 : vector<64x128xi32>
    %convert_element_type3A_74 = arith.extui %le3A_73 : vector<64x128xi1> to vector<64x128xi32>
    %reduce_sum3A_75 = arith.constant dense<0> : vector<128xi32>
    %reduce_sum3A_76 = vector.multi_reduction <add>, %convert_element_type3A_74, %reduce_sum3A_75 [0] : vector<64x128xi32> to vector<128xi32>
    %broadcast_in_dim3A_77 = vector.shape_cast %reduce_sum3A_76 : vector<128xi32> to vector<1x128xi32>
    %add3A_78 = arith.constant 0 : i32
    %add3A_79 = arith.addi %mul3A_18, %add3A_78 : i32
    %add3A_80 = vector.broadcast %add3A_79 : i32 to vector<1x128xi32>
    %add3A_81 = arith.addi %add3A_80, %iota3A_0 : vector<1x128xi32>
    %le3A_82 = vector.broadcast %convert_element_type3A_15 : vector<64x1xi32> to vector<64x128xi32>
    %le3A_83 = vector.broadcast %add3A_81 : vector<1x128xi32> to vector<64x128xi32>
    %le3A_84 = arith.cmpi sle, %le3A_82, %le3A_83 : vector<64x128xi32>
    %convert_element_type3A_85 = arith.extui %le3A_84 : vector<64x128xi1> to vector<64x128xi32>
    %reduce_sum3A_86 = arith.constant dense<0> : vector<128xi32>
    %reduce_sum3A_87 = vector.multi_reduction <add>, %convert_element_type3A_85, %reduce_sum3A_86 [0] : vector<64x128xi32> to vector<128xi32>
    %broadcast_in_dim3A_88 = vector.shape_cast %reduce_sum3A_87 : vector<128xi32> to vector<1x128xi32>
    %eq3A_89 = vector.broadcast %broadcast_in_dim3A : vector<128x1xi32> to vector<128x128xi32>
    %eq3A_90 = vector.broadcast %broadcast_in_dim3A_77 : vector<1x128xi32> to vector<128x128xi32>
    %eq3A_91 = arith.cmpi eq, %eq3A_89, %eq3A_90 : vector<128x128xi32>
    %eq3A_92 = vector.broadcast %broadcast_in_dim3A : vector<128x1xi32> to vector<128x128xi32>
    %eq3A_93 = vector.broadcast %broadcast_in_dim3A_88 : vector<1x128xi32> to vector<128x128xi32>
    %eq3A_94 = arith.cmpi eq, %eq3A_92, %eq3A_93 : vector<128x128xi32>
    %jit3A_95 = arith.constant -1.000000e+09 : f32
    %broadcast_in_dim3A_96 = vector.broadcast %jit3A_95 : f32 to vector<128x128xf32>
    %select_n3A_97 = arith.select %eq3A_91, %mul3A_44, %broadcast_in_dim3A_96 : vector<128x128xi1>, vector<128x128xf32>
    %jit3A_98 = arith.constant -1.000000e+09 : f32
    %broadcast_in_dim3A_99 = vector.broadcast %jit3A_98 : f32 to vector<128x128xf32>
    %select_n3A_100 = arith.select %eq3A_94, %mul3A_49, %broadcast_in_dim3A_99 : vector<128x128xi1>, vector<128x128xf32>
    %concatenate3A = tpu.concatenate %select_n3A_97, %select_n3A_100 in 1 : vector<128x128xf32>, vector<128x128xf32> -> vector<128x256xf32>
    %reduce_max3A = arith.constant dense<0xFF800000> : vector<128xf32>
    %reduce_max3A_101 = vector.multi_reduction <maximumf>, %concatenate3A, %reduce_max3A [1] : vector<128x256xf32> to vector<128xf32>
    %broadcast_in_dim3A_102 = vector.shape_cast %reduce_max3A_101 : vector<128xf32> to vector<128x1xf32>
    %sub3A = vector.broadcast %broadcast_in_dim3A_102 : vector<128x1xf32> to vector<128x256xf32>
    %sub3A_103 = arith.subf %concatenate3A, %sub3A : vector<128x256xf32>
    %exp3A = math.exp %sub3A_103 : vector<128x256xf32>
    %reduce_sum3A_104 = arith.constant dense<0.000000e+00> : vector<128xf32>
    %reduce_sum3A_105 = vector.multi_reduction <add>, %exp3A, %reduce_sum3A_104 [1] : vector<128x256xf32> to vector<128xf32>
    %broadcast_in_dim3A_106 = vector.shape_cast %reduce_sum3A_105 : vector<128xf32> to vector<128x1xf32>
    %div3A = vector.broadcast %broadcast_in_dim3A_106 : vector<128x1xf32> to vector<128x256xf32>
    %div3A_107 = arith.divf %exp3A, %div3A : vector<128x256xf32>
    %concatenate3A_108 = tpu.concatenate %eq3A_91, %eq3A_94 in 1 : vector<128x128xi1>, vector<128x128xi1> -> vector<128x256xi1>
    %convert_element_type3A_109 = arith.extui %concatenate3A_108 : vector<128x256xi1> to vector<128x256xi32>
    %convert_element_type3A_110 = arith.sitofp %convert_element_type3A_109 : vector<128x256xi32> to vector<128x256xf32>
    %reduce_max3A_111 = arith.constant dense<0xFF800000> : vector<128xf32>
    %reduce_max3A_112 = vector.multi_reduction <maximumf>, %convert_element_type3A_110, %reduce_max3A_111 [1] : vector<128x256xf32> to vector<128xf32>
    %broadcast_in_dim3A_113 = vector.shape_cast %reduce_max3A_112 : vector<128xf32> to vector<128x1xf32>
    %gt3A = arith.constant 0.000000e+00 : f32
    %gt3A_114 = vector.broadcast %gt3A : f32 to vector<128x1xf32>
    %gt3A_115 = arith.cmpf ogt, %broadcast_in_dim3A_113, %gt3A_114 : vector<128x1xf32>
    %jit3A_116 = arith.constant 0.000000e+00 : f32
    %broadcast_in_dim3A_117 = vector.shape_cast %gt3A_115 : vector<128x1xi1> to vector<128x1xi1>
    %broadcast_in_dim3A_118 = vector.broadcast %broadcast_in_dim3A_117 : vector<128x1xi1> to vector<128x256xi1>
    %broadcast_in_dim3A_119 = vector.broadcast %jit3A_116 : f32 to vector<128x256xf32>
    %select_n3A_120 = arith.select %broadcast_in_dim3A_118, %div3A_107, %broadcast_in_dim3A_119 : vector<128x256xi1>, vector<128x256xf32>
    %get3A_121 = arith.constant 0 : index
    %get3A_122 = arith.constant 0 : index
    %get3A_123 = arith.constant 0 : index
    %get3A_124 = arith.constant 0 : index
    %get3A_125 = vector.load %arg5[%get3A_121, %get3A_122, %get3A_123, %get3A_124] : memref<1x1x128x64xf32, #tpu.memory_space<vmem>>, vector<1x1x128x64xf32>
    %get3A_126 = vector.shape_cast %get3A_125 : vector<1x1x128x64xf32> to vector<128x64xf32>
    %get3A_127 = arith.constant 0 : index
    %get3A_128 = arith.constant 0 : index
    %get3A_129 = arith.constant 0 : index
    %get3A_130 = arith.constant 0 : index
    %get3A_131 = vector.load %arg6[%get3A_127, %get3A_128, %get3A_129, %get3A_130] : memref<1x16x128x64xf32, #tpu.memory_space<vmem>>, vector<1x1x128x64xf32>
    %get3A_132 = vector.shape_cast %get3A_131 : vector<1x1x128x64xf32> to vector<128x64xf32>
    %concatenate3A_133 = tpu.concatenate %get3A_126, %get3A_132 in 0 : vector<128x64xf32>, vector<128x64xf32> -> vector<256x64xf32>
    %convert_element_type3A_134 = arith.truncf %concatenate3A_133 : vector<256x64xf32> to vector<256x64xbf16>
    %convert_element_type3A_135 = arith.truncf %select_n3A_120 : vector<128x256xf32> to vector<128x256xbf16>
    %dot_general3A_136 = arith.constant dense<0.000000e+00> : vector<128x64xf32>
    %dot_general3A_137 = tpu.matmul %convert_element_type3A_135, %convert_element_type3A_134, %dot_general3A_136 {dimension_numbers = #tpu.dot_dimension_numbers<[1], [0], [0], [1], [0, 0, 1, 1], [], []>, transpose_lhs_hint = false} : vector<128x256xbf16>, vector<256x64xbf16>, vector<128x64xf32> -> vector<128x64xf32>
    %swap3A = arith.constant 0 : index
    %swap3A_138 = arith.constant 0 : index
    %swap3A_139 = arith.constant 0 : index
    %swap3A_140 = arith.constant 0 : index
    %swap3A_141 = vector.load %arg9[%swap3A, %swap3A_138, %swap3A_139, %swap3A_140] : memref<1x16x128x64xf32, #tpu.memory_space<vmem>>, vector<1x1x128x64xf32>
    %swap3A_142 = vector.shape_cast %swap3A_141 : vector<1x1x128x64xf32> to vector<128x64xf32>
    %swap3A_143 = vector.shape_cast %dot_general3A_137 : vector<128x64xf32> to vector<1x1x128x64xf32>
    tpu.vector_store %arg9[%swap3A, %swap3A_138, %swap3A_139, %swap3A_140], %swap3A_143 {strides = array<i32>} : memref<1x16x128x64xf32, #tpu.memory_space<vmem>>, vector<1x1x128x64xf32>,
    %get3A_144 = arith.constant 0 : index
    %get3A_145 = arith.constant 1 : index
    %get3A_146 = arith.constant 0 : index
    %get3A_147 = arith.constant 0 : index
    %get3A_148 = vector.load %arg2[%get3A_144, %get3A_145, %get3A_146, %get3A_147] : memref<1x16x128x64xf32, #tpu.memory_space<vmem>>, vector<1x1x128x64xf32>
    %get3A_149 = vector.shape_cast %get3A_148 : vector<1x1x128x64xf32> to vector<128x64xf32>
    %convert_element_type3A_150 = arith.truncf %get3A_149 : vector<128x64xf32> to vector<128x64xbf16>
    %get3A_151 = arith.constant 0 : index
    %get3A_152 = arith.constant 0 : index
    %get3A_153 = arith.constant 0 : index
    %get3A_154 = arith.constant 0 : index
    %get3A_155 = vector.load %arg4[%get3A_151, %get3A_152, %get3A_153, %get3A_154] : memref<1x16x128x64xf32, #tpu.memory_space<vmem>>, vector<1x1x128x64xf32>
    %get3A_156 = vector.shape_cast %get3A_155 : vector<1x1x128x64xf32> to vector<128x64xf32>
    %convert_element_type3A_157 = arith.truncf %get3A_156 : vector<128x64xf32> to vector<128x64xbf16>
    %get3A_158 = arith.constant 0 : index
    %get3A_159 = arith.constant 1 : index
    %get3A_160 = arith.constant 0 : index
    %get3A_161 = arith.constant 0 : index
    %get3A_162 = vector.load %arg4[%get3A_158, %get3A_159, %get3A_160, %get3A_161] : memref<1x16x128x64xf32, #tpu.memory_space<vmem>>, vector<1x1x128x64xf32>
    %get3A_163 = vector.shape_cast %get3A_162 : vector<1x1x128x64xf32> to vector<128x64xf32>
    %convert_element_type3A_164 = arith.truncf %get3A_163 : vector<128x64xf32> to vector<128x64xbf16>
    %dot_general3A_165 = arith.constant dense<0.000000e+00> : vector<128x128xf32>
    %dot_general3A_166 = tpu.matmul %convert_element_type3A_150, %convert_element_type3A_157, %dot_general3A_165 {dimension_numbers = #tpu.dot_dimension_numbers<[1], [1], [0], [0], [0, 0, 1, 0], [], []>, transpose_lhs_hint = false} : vector<128x64xbf16>, vector<128x64xbf16>, vector<128x128xf32> -> vector<128x128xf32>
    %mul3A_167 = arith.constant 1.250000e-01 : f32
    %mul3A_168 = vector.broadcast %mul3A_167 : f32 to vector<128x128xf32>
    %mul3A_169 = arith.mulf %dot_general3A_166, %mul3A_168 : vector<128x128xf32>
    %dot_general3A_170 = arith.constant dense<0.000000e+00> : vector<128x128xf32>
    %dot_general3A_171 = tpu.matmul %convert_element_type3A_150, %convert_element_type3A_164, %dot_general3A_170 {dimension_numbers = #tpu.dot_dimension_numbers<[1], [1], [0], [0], [0, 0, 1, 0], [], []>, transpose_lhs_hint = false} : vector<128x64xbf16>, vector<128x64xbf16>, vector<128x128xf32> -> vector<128x128xf32>
    %mul3A_172 = arith.constant 1.250000e-01 : f32
    %mul3A_173 = vector.broadcast %mul3A_172 : f32 to vector<128x128xf32>
    %mul3A_174 = arith.mulf %dot_general3A_171, %mul3A_173 : vector<128x128xf32>
    %add3A_175 = arith.constant 128 : i32
    %add3A_176 = arith.addi %mul3A_18, %add3A_175 : i32
    %add3A_177 = vector.broadcast %add3A_176 : i32 to vector<128x1xi32>
    %add3A_178 = arith.addi %add3A_177, %iota3A : vector<128x1xi32>
    %le3A_179 = vector.broadcast %get3A_4 : vector<1x64xi32> to vector<128x64xi32>
    %le3A_180 = vector.broadcast %add3A_178 : vector<128x1xi32> to vector<128x64xi32>
    %le3A_181 = arith.cmpi sle, %le3A_179, %le3A_180 : vector<128x64xi32>
    %convert_element_type3A_182 = arith.extui %le3A_181 : vector<128x64xi1> to vector<128x64xi32>
    %reduce_sum3A_183 = arith.constant dense<0> : vector<128xi32>
    %reduce_sum3A_184 = vector.multi_reduction <add>, %convert_element_type3A_182, %reduce_sum3A_183 [1] : vector<128x64xi32> to vector<128xi32>
    %broadcast_in_dim3A_185 = vector.shape_cast %reduce_sum3A_184 : vector<128xi32> to vector<128x1xi32>
    %add3A_186 = arith.constant 0 : i32
    %add3A_187 = arith.addi %mul3A_18, %add3A_186 : i32
    %jit3A_188 = arith.constant 8192 : i32
    %eq3A_189 = arith.constant 0 : i32
    %eq3A_190 = arith.cmpi eq, %jit3A_188, %eq3A_189 : i32
    %jit3A_191 = arith.constant 1 : i32
    %select_n3A_192 = arith.select %eq3A_190, %jit3A_191, %jit3A_188 : i32
    %rem3A_193 = arith.remsi %add3A_187, %select_n3A_192 : i32
    %ne3A_194 = arith.constant 0 : i32
    %ne3A_195 = arith.cmpi ne, %rem3A_193, %ne3A_194 : i32
    %lt3A_196 = arith.constant 0 : i32
    %lt3A_197 = arith.cmpi slt, %rem3A_193, %lt3A_196 : i32
    %lt3A_198 = arith.constant 0 : i32
    %lt3A_199 = arith.cmpi slt, %select_n3A_192, %lt3A_198 : i32
    %ne3A_200 = arith.xori %lt3A_197, %lt3A_199 : i1
    %and3A_201 = arith.andi %ne3A_200, %ne3A_195 : i1
    %add3A_202 = arith.addi %rem3A_193, %select_n3A_192 : i32
    %select_n3A_203 = arith.select %and3A_201, %add3A_202, %rem3A_193 : i32
    %add3A_204 = vector.broadcast %select_n3A_203 : i32 to vector<1x128xi32>
    %add3A_205 = arith.addi %add3A_204, %iota3A_0 : vector<1x128xi32>
    %le3A_206 = vector.broadcast %convert_element_type3A_15 : vector<64x1xi32> to vector<64x128xi32>
    %le3A_207 = vector.broadcast %add3A_205 : vector<1x128xi32> to vector<64x128xi32>
    %le3A_208 = arith.cmpi sle, %le3A_206, %le3A_207 : vector<64x128xi32>
    %convert_element_type3A_209 = arith.extui %le3A_208 : vector<64x128xi1> to vector<64x128xi32>
    %reduce_sum3A_210 = arith.constant dense<0> : vector<128xi32>
    %reduce_sum3A_211 = vector.multi_reduction <add>, %convert_element_type3A_209, %reduce_sum3A_210 [0] : vector<64x128xi32> to vector<128xi32>
    %broadcast_in_dim3A_212 = vector.shape_cast %reduce_sum3A_211 : vector<128xi32> to vector<1x128xi32>
    %add3A_213 = arith.constant 128 : i32
    %add3A_214 = arith.addi %mul3A_18, %add3A_213 : i32
    %add3A_215 = vector.broadcast %add3A_214 : i32 to vector<1x128xi32>
    %add3A_216 = arith.addi %add3A_215, %iota3A_0 : vector<1x128xi32>
    %le3A_217 = vector.broadcast %convert_element_type3A_15 : vector<64x1xi32> to vector<64x128xi32>
    %le3A_218 = vector.broadcast %add3A_216 : vector<1x128xi32> to vector<64x128xi32>
    %le3A_219 = arith.cmpi sle, %le3A_217, %le3A_218 : vector<64x128xi32>
    %convert_element_type3A_220 = arith.extui %le3A_219 : vector<64x128xi1> to vector<64x128xi32>
    %reduce_sum3A_221 = arith.constant dense<0> : vector<128xi32>
    %reduce_sum3A_222 = vector.multi_reduction <add>, %convert_element_type3A_220, %reduce_sum3A_221 [0] : vector<64x128xi32> to vector<128xi32>
    %broadcast_in_dim3A_223 = vector.shape_cast %reduce_sum3A_222 : vector<128xi32> to vector<1x128xi32>
    %eq3A_224 = vector.broadcast %broadcast_in_dim3A_185 : vector<128x1xi32> to vector<128x128xi32>
    %eq3A_225 = vector.broadcast %broadcast_in_dim3A_212 : vector<1x128xi32> to vector<128x128xi32>
    %eq3A_226 = arith.cmpi eq, %eq3A_224, %eq3A_225 : vector<128x128xi32>
    %eq3A_227 = vector.broadcast %broadcast_in_dim3A_185 : vector<128x1xi32> to vector<128x128xi32>
    %eq3A_228 = vector.broadcast %broadcast_in_dim3A_223 : vector<1x128xi32> to vector<128x128xi32>
    %eq3A_229 = arith.cmpi eq, %eq3A_227, %eq3A_228 : vector<128x128xi32>
    %jit3A_230 = arith.constant -1.000000e+09 : f32
    %broadcast_in_dim3A_231 = vector.broadcast %jit3A_230 : f32 to vector<128x128xf32>
    %select_n3A_232 = arith.select %eq3A_226, %mul3A_169, %broadcast_in_dim3A_231 : vector<128x128xi1>, vector<128x128xf32>
    %jit3A_233 = arith.constant -1.000000e+09 : f32
    %broadcast_in_dim3A_234 = vector.broadcast %jit3A_233 : f32 to vector<128x128xf32>
    %select_n3A_235 = arith.select %eq3A_229, %mul3A_174, %broadcast_in_dim3A_234 : vector<128x128xi1>, vector<128x128xf32>
    %concatenate3A_236 = tpu.concatenate %select_n3A_232, %select_n3A_235 in 1 : vector<128x128xf32>, vector<128x128xf32> -> vector<128x256xf32>
    %reduce_max3A_237 = arith.constant dense<0xFF800000> : vector<128xf32>
    %reduce_max3A_238 = vector.multi_reduction <maximumf>, %concatenate3A_236, %reduce_max3A_237 [1] : vector<128x256xf32> to vector<128xf32>
    %broadcast_in_dim3A_239 = vector.shape_cast %reduce_max3A_238 : vector<128xf32> to vector<128x1xf32>
    %sub3A_240 = vector.broadcast %broadcast_in_dim3A_239 : vector<128x1xf32> to vector<128x256xf32>
    %sub3A_241 = arith.subf %concatenate3A_236, %sub3A_240 : vector<128x256xf32>
    %exp3A_242 = math.exp %sub3A_241 : vector<128x256xf32>
    %reduce_sum3A_243 = arith.constant dense<0.000000e+00> : vector<128xf32>
    %reduce_sum3A_244 = vector.multi_reduction <add>, %exp3A_242, %reduce_sum3A_243 [1] : vector<128x256xf32> to vector<128xf32>
    %broadcast_in_dim3A_245 = vector.shape_cast %reduce_sum3A_244 : vector<128xf32> to vector<128x1xf32>
    %div3A_246 = vector.broadcast %broadcast_in_dim3A_245 : vector<128x1xf32> to vector<128x256xf32>
    %div3A_247 = arith.divf %exp3A_242, %div3A_246 : vector<128x256xf32>
    %concatenate3A_248 = tpu.concatenate %eq3A_226, %eq3A_229 in 1 : vector<128x128xi1>, vector<128x128xi1> -> vector<128x256xi1>
    %convert_element_type3A_249 = arith.extui %concatenate3A_248 : vector<128x256xi1> to vector<128x256xi32>
    %convert_element_type3A_250 = arith.sitofp %convert_element_type3A_249 : vector<128x256xi32> to vector<128x256xf32>
    %reduce_max3A_251 = arith.constant dense<0xFF800000> : vector<128xf32>
    %reduce_max3A_252 = vector.multi_reduction <maximumf>, %convert_element_type3A_250, %reduce_max3A_251 [1] : vector<128x256xf32> to vector<128xf32>
    %broadcast_in_dim3A_253 = vector.shape_cast %reduce_max3A_252 : vector<128xf32> to vector<128x1xf32>
    %gt3A_254 = arith.constant 0.000000e+00 : f32
    %gt3A_255 = vector.broadcast %gt3A_254 : f32 to vector<128x1xf32>
    %gt3A_256 = arith.cmpf ogt, %broadcast_in_dim3A_253, %gt3A_255 : vector<128x1xf32>
    %jit3A_257 = arith.constant 0.000000e+00 : f32
    %broadcast_in_dim3A_258 = vector.shape_cast %gt3A_256 : vector<128x1xi1> to vector<128x1xi1>
    %broadcast_in_dim3A_259 = vector.broadcast %broadcast_in_dim3A_258 : vector<128x1xi1> to vector<128x256xi1>
    %broadcast_in_dim3A_260 = vector.broadcast %jit3A_257 : f32 to vector<128x256xf32>
    %select_n3A_261 = arith.select %broadcast_in_dim3A_259, %div3A_247, %broadcast_in_dim3A_260 : vector<128x256xi1>, vector<128x256xf32>
    %get3A_262 = arith.constant 0 : index
    %get3A_263 = arith.constant 0 : index
    %get3A_264 = arith.constant 0 : index
    %get3A_265 = arith.constant 0 : index
    %get3A_266 = vector.load %arg6[%get3A_262, %get3A_263, %get3A_264, %get3A_265] : memref<1x16x128x64xf32, #tpu.memory_space<vmem>>, vector<1x1x128x64xf32>
    %get3A_267 = vector.shape_cast %get3A_266 : vector<1x1x128x64xf32> to vector<128x64xf32>
    %get3A_268 = arith.constant 0 : index
    %get3A_269 = arith.constant 1 : index
    %get3A_270 = arith.constant 0 : index
    %get3A_271 = arith.constant 0 : index
    %get3A_272 = vector.load %arg6[%get3A_268, %get3A_269, %get3A_270, %get3A_271] : memref<1x16x128x64xf32, #tpu.memory_space<vmem>>, vector<1x1x128x64xf32>
    %get3A_273 = vector.shape_cast %get3A_272 : vector<1x1x128x64xf32> to vector<128x64xf32>
    %concatenate3A_274 = tpu.concatenate %get3A_267, %get3A_273 in 0 : vector<128x64xf32>, vector<128x64xf32> -> vector<256x64xf32>
    %convert_element_type3A_275 = arith.truncf %concatenate3A_274 : vector<256x64xf32> to vector<256x64xbf16>
    %convert_element_type3A_276 = arith.truncf %select_n3A_261 : vector<128x256xf32> to vector<128x256xbf16>
    %dot_general3A_277 = arith.constant dense<0.000000e+00> : vector<128x64xf32>
    %dot_general3A_278 = tpu.matmul %convert_element_type3A_276, %convert_element_type3A_275, %dot_general3A_277 {dimension_numbers = #tpu.dot_dimension_numbers<[1], [0], [0], [1], [0, 0, 1, 1], [], []>, transpose_lhs_hint = false} : vector<128x256xbf16>, vector<256x64xbf16>, vector<128x64xf32> -> vector<128x64xf32>
    %swap3A_279 = arith.constant 0 : index
    %swap3A_280 = arith.constant 1 : index
    %swap3A_281 = arith.constant 0 : index
    %swap3A_282 = arith.constant 0 : index
    %swap3A_283 = vector.load %arg9[%swap3A_279, %swap3A_280, %swap3A_281, %swap3A_282] : memref<1x16x128x64xf32, #tpu.memory_space<vmem>>, vector<1x1x128x64xf32>
    %swap3A_284 = vector.shape_cast %swap3A_283 : vector<1x1x128x64xf32> to vector<128x64xf32>
    %swap3A_285 = vector.shape_cast %dot_general3A_278 : vector<128x64xf32> to vector<1x1x128x64xf32>
    tpu.vector_store %arg9[%swap3A_279, %swap3A_280, %swap3A_281, %swap3A_282], %swap3A_285 {strides = array<i32>} : memref<1x16x128x64xf32, #tpu.memory_space<vmem>>, vector<1x1x128x64xf32>,
    %get3A_286 = arith.constant 0 : index
    %get3A_287 = arith.constant 2 : index
    %get3A_288 = arith.constant 0 : index
    %get3A_289 = arith.constant 0 : index
    %get3A_290 = vector.load %arg2[%get3A_286, %get3A_287, %get3A_288, %get3A_289] : memref<1x16x128x64xf32, #tpu.memory_space<vmem>>, vector<1x1x128x64xf32>
    %get3A_291 = vector.shape_cast %get3A_290 : vector<1x1x128x64xf32> to vector<128x64xf32>
    %convert_element_type3A_292 = arith.truncf %get3A_291 : vector<128x64xf32> to vector<128x64xbf16>
    %get3A_293 = arith.constant 0 : index
    %get3A_294 = arith.constant 1 : index
    %get3A_295 = arith.constant 0 : index
    %get3A_296 = arith.constant 0 : index
    %get3A_297 = vector.load %arg4[%get3A_293, %get3A_294, %get3A_295, %get3A_296] : memref<1x16x128x64xf32, #tpu.memory_space<vmem>>, vector<1x1x128x64xf32>
    %get3A_298 = vector.shape_cast %get3A_297 : vector<1x1x128x64xf32> to vector<128x64xf32>
    %convert_element_type3A_299 = arith.truncf %get3A_298 : vector<128x64xf32> to vector<128x64xbf16>
    %get3A_300 = arith.constant 0 : index
    %get3A_301 = arith.constant 2 : index
    %get3A_302 = arith.constant 0 : index
    %get3A_303 = arith.constant 0 : index
    %get3A_304 = vector.load %arg4[%get3A_300, %get3A_301, %get3A_302, %get3A_303] : memref<1x16x128x64xf32, #tpu.memory_space<vmem>>, vector<1x1x128x64xf32>
    %get3A_305 = vector.shape_cast %get3A_304 : vector<1x1x128x64xf32> to vector<128x64xf32>
    %convert_element_type3A_306 = arith.truncf %get3A_305 : vector<128x64xf32> to vector<128x64xbf16>
    %dot_general3A_307 = arith.constant dense<0.000000e+00> : vector<128x128xf32>
    %dot_general3A_308 = tpu.matmul %convert_element_type3A_292, %convert_element_type3A_299, %dot_general3A_307 {dimension_numbers = #tpu.dot_dimension_numbers<[1], [1], [0], [0], [0, 0, 1, 0], [], []>, transpose_lhs_hint = false} : vector<128x64xbf16>, vector<128x64xbf16>, vector<128x128xf32> -> vector<128x128xf32>
    %mul3A_309 = arith.constant 1.250000e-01 : f32
    %mul3A_310 = vector.broadcast %mul3A_309 : f32 to vector<128x128xf32>
    %mul3A_311 = arith.mulf %dot_general3A_308, %mul3A_310 : vector<128x128xf32>
    %dot_general3A_312 = arith.constant dense<0.000000e+00> : vector<128x128xf32>
    %dot_general3A_313 = tpu.matmul %convert_element_type3A_292, %convert_element_type3A_306, %dot_general3A_312 {dimension_numbers = #tpu.dot_dimension_numbers<[1], [1], [0], [0], [0, 0, 1, 0], [], []>, transpose_lhs_hint = false} : vector<128x64xbf16>, vector<128x64xbf16>, vector<128x128xf32> -> vector<128x128xf32>
    %mul3A_314 = arith.constant 1.250000e-01 : f32
    %mul3A_315 = vector.broadcast %mul3A_314 : f32 to vector<128x128xf32>
    %mul3A_316 = arith.mulf %dot_general3A_313, %mul3A_315 : vector<128x128xf32>
    %add3A_317 = arith.constant 256 : i32
    %add3A_318 = arith.addi %mul3A_18, %add3A_317 : i32
    %add3A_319 = vector.broadcast %add3A_318 : i32 to vector<128x1xi32>
    %add3A_320 = arith.addi %add3A_319, %iota3A : vector<128x1xi32>
    %le3A_321 = vector.broadcast %get3A_4 : vector<1x64xi32> to vector<128x64xi32>
    %le3A_322 = vector.broadcast %add3A_320 : vector<128x1xi32> to vector<128x64xi32>
    %le3A_323 = arith.cmpi sle, %le3A_321, %le3A_322 : vector<128x64xi32>
    %convert_element_type3A_324 = arith.extui %le3A_323 : vector<128x64xi1> to vector<128x64xi32>
    %reduce_sum3A_325 = arith.constant dense<0> : vector<128xi32>
    %reduce_sum3A_326 = vector.multi_reduction <add>, %convert_element_type3A_324, %reduce_sum3A_325 [1] : vector<128x64xi32> to vector<128xi32>
    %broadcast_in_dim3A_327 = vector.shape_cast %reduce_sum3A_326 : vector<128xi32> to vector<128x1xi32>
    %add3A_328 = arith.constant 128 : i32
    %add3A_329 = arith.addi %mul3A_18, %add3A_328 : i32
    %jit3A_330 = arith.constant 8192 : i32
    %eq3A_331 = arith.constant 0 : i32
    %eq3A_332 = arith.cmpi eq, %jit3A_330, %eq3A_331 : i32
    %jit3A_333 = arith.constant 1 : i32
    %select_n3A_334 = arith.select %eq3A_332, %jit3A_333, %jit3A_330 : i32
    %rem3A_335 = arith.remsi %add3A_329, %select_n3A_334 : i32
    %ne3A_336 = arith.constant 0 : i32
    %ne3A_337 = arith.cmpi ne, %rem3A_335, %ne3A_336 : i32
    %lt3A_338 = arith.constant 0 : i32
    %lt3A_339 = arith.cmpi slt, %rem3A_335, %lt3A_338 : i32
    %lt3A_340 = arith.constant 0 : i32
    %lt3A_341 = arith.cmpi slt, %select_n3A_334, %lt3A_340 : i32
    %ne3A_342 = arith.xori %lt3A_339, %lt3A_341 : i1
    %and3A_343 = arith.andi %ne3A_342, %ne3A_337 : i1
    %add3A_344 = arith.addi %rem3A_335, %select_n3A_334 : i32
    %select_n3A_345 = arith.select %and3A_343, %add3A_344, %rem3A_335 : i32
    %add3A_346 = vector.broadcast %select_n3A_345 : i32 to vector<1x128xi32>
    %add3A_347 = arith.addi %add3A_346, %iota3A_0 : vector<1x128xi32>
    %le3A_348 = vector.broadcast %convert_element_type3A_15 : vector<64x1xi32> to vector<64x128xi32>
    %le3A_349 = vector.broadcast %add3A_347 : vector<1x128xi32> to vector<64x128xi32>
    %le3A_350 = arith.cmpi sle, %le3A_348, %le3A_349 : vector<64x128xi32>
    %convert_element_type3A_351 = arith.extui %le3A_350 : vector<64x128xi1> to vector<64x128xi32>
    %reduce_sum3A_352 = arith.constant dense<0> : vector<128xi32>
    %reduce_sum3A_353 = vector.multi_reduction <add>, %convert_element_type3A_351, %reduce_sum3A_352 [0] : vector<64x128xi32> to vector<128xi32>
    %broadcast_in_dim3A_354 = vector.shape_cast %reduce_sum3A_353 : vector<128xi32> to vector<1x128xi32>
    %add3A_355 = arith.constant 256 : i32
    %add3A_356 = arith.addi %mul3A_18, %add3A_355 : i32
    %add3A_357 = vector.broadcast %add3A_356 : i32 to vector<1x128xi32>
    %add3A_358 = arith.addi %add3A_357, %iota3A_0 : vector<1x128xi32>
    %le3A_359 = vector.broadcast %convert_element_type3A_15 : vector<64x1xi32> to vector<64x128xi32>
    %le3A_360 = vector.broadcast %add3A_358 : vector<1x128xi32> to vector<64x128xi32>
    %le3A_361 = arith.cmpi sle, %le3A_359, %le3A_360 : vector<64x128xi32>
    %convert_element_type3A_362 = arith.extui %le3A_361 : vector<64x128xi1> to vector<64x128xi32>
    %reduce_sum3A_363 = arith.constant dense<0> : vector<128xi32>
    %reduce_sum3A_364 = vector.multi_reduction <add>, %convert_element_type3A_362, %reduce_sum3A_363 [0] : vector<64x128xi32> to vector<128xi32>
    %broadcast_in_dim3A_365 = vector.shape_cast %reduce_sum3A_364 : vector<128xi32> to vector<1x128xi32>
    %eq3A_366 = vector.broadcast %broadcast_in_dim3A_327 : vector<128x1xi32> to vector<128x128xi32>
    %eq3A_367 = vector.broadcast %broadcast_in_dim3A_354 : vector<1x128xi32> to vector<128x128xi32>
    %eq3A_368 = arith.cmpi eq, %eq3A_366, %eq3A_367 : vector<128x128xi32>
    %eq3A_369 = vector.broadcast %broadcast_in_dim3A_327 : vector<128x1xi32> to vector<128x128xi32>
    %eq3A_370 = vector.broadcast %broadcast_in_dim3A_365 : vector<1x128xi32> to vector<128x128xi32>
    %eq3A_371 = arith.cmpi eq, %eq3A_369, %eq3A_370 : vector<128x128xi32>
    %jit3A_372 = arith.constant -1.000000e+09 : f32
    %broadcast_in_dim3A_373 = vector.broadcast %jit3A_372 : f32 to vector<128x128xf32>
    %select_n3A_374 = arith.select %eq3A_368, %mul3A_311, %broadcast_in_dim3A_373 : vector<128x128xi1>, vector<128x128xf32>
    %jit3A_375 = arith.constant -1.000000e+09 : f32
    %broadcast_in_dim3A_376 = vector.broadcast %jit3A_375 : f32 to vector<128x128xf32>
    %select_n3A_377 = arith.select %eq3A_371, %mul3A_316, %broadcast_in_dim3A_376 : vector<128x128xi1>, vector<128x128xf32>
    %concatenate3A_378 = tpu.concatenate %select_n3A_374, %select_n3A_377 in 1 : vector<128x128xf32>, vector<128x128xf32> -> vector<128x256xf32>
    %reduce_max3A_379 = arith.constant dense<0xFF800000> : vector<128xf32>
    %reduce_max3A_380 = vector.multi_reduction <maximumf>, %concatenate3A_378, %reduce_max3A_379 [1] : vector<128x256xf32> to vector<128xf32>
    %broadcast_in_dim3A_381 = vector.shape_cast %reduce_max3A_380 : vector<128xf32> to vector<128x1xf32>
    %sub3A_382 = vector.broadcast %broadcast_in_dim3A_381 : vector<128x1xf32> to vector<128x256xf32>
    %sub3A_383 = arith.subf %concatenate3A_378, %sub3A_382 : vector<128x256xf32>
    %exp3A_384 = math.exp %sub3A_383 : vector<128x256xf32>
    %reduce_sum3A_385 = arith.constant dense<0.000000e+00> : vector<128xf32>
    %reduce_sum3A_386 = vector.multi_reduction <add>, %exp3A_384, %reduce_sum3A_385 [1] : vector<128x256xf32> to vector<128xf32>
    %broadcast_in_dim3A_387 = vector.shape_cast %reduce_sum3A_386 : vector<128xf32> to vector<128x1xf32>
    %div3A_388 = vector.broadcast %broadcast_in_dim3A_387 : vector<128x1xf32> to vector<128x256xf32>
    %div3A_389 = arith.divf %exp3A_384, %div3A_388 : vector<128x256xf32>
    %concatenate3A_390 = tpu.concatenate %eq3A_368, %eq3A_371 in 1 : vector<128x128xi1>, vector<128x128xi1> -> vector<128x256xi1>
    %convert_element_type3A_391 = arith.extui %concatenate3A_390 : vector<128x256xi1> to vector<128x256xi32>
    %convert_element_type3A_392 = arith.sitofp %convert_element_type3A_391 : vector<128x256xi32> to vector<128x256xf32>
    %reduce_max3A_393 = arith.constant dense<0xFF800000> : vector<128xf32>
    %reduce_max3A_394 = vector.multi_reduction <maximumf>, %convert_element_type3A_392, %reduce_max3A_393 [1] : vector<128x256xf32> to vector<128xf32>
    %broadcast_in_dim3A_395 = vector.shape_cast %reduce_max3A_394 : vector<128xf32> to vector<128x1xf32>
    %gt3A_396 = arith.constant 0.000000e+00 : f32
    %gt3A_397 = vector.broadcast %gt3A_396 : f32 to vector<128x1xf32>
    %gt3A_398 = arith.cmpf ogt, %broadcast_in_dim3A_395, %gt3A_397 : vector<128x1xf32>
    %jit3A_399 = arith.constant 0.000000e+00 : f32
    %broadcast_in_dim3A_400 = vector.shape_cast %gt3A_398 : vector<128x1xi1> to vector<128x1xi1>
    %broadcast_in_dim3A_401 = vector.broadcast %broadcast_in_dim3A_400 : vector<128x1xi1> to vector<128x256xi1>
    %broadcast_in_dim3A_402 = vector.broadcast %jit3A_399 : f32 to vector<128x256xf32>
    %select_n3A_403 = arith.select %broadcast_in_dim3A_401, %div3A_389, %broadcast_in_dim3A_402 : vector<128x256xi1>, vector<128x256xf32>
    %get3A_404 = arith.constant 0 : index
    %get3A_405 = arith.constant 1 : index
    %get3A_406 = arith.constant 0 : index
    %get3A_407 = arith.constant 0 : index
    %get3A_408 = vector.load %arg6[%get3A_404, %get3A_405, %get3A_406, %get3A_407] : memref<1x16x128x64xf32, #tpu.memory_space<vmem>>, vector<1x1x128x64xf32>
    %get3A_409 = vector.shape_cast %get3A_408 : vector<1x1x128x64xf32> to vector<128x64xf32>
    %get3A_410 = arith.constant 0 : index
    %get3A_411 = arith.constant 2 : index
    %get3A_412 = arith.constant 0 : index
    %get3A_413 = arith.constant 0 : index
    %get3A_414 = vector.load %arg6[%get3A_410, %get3A_411, %get3A_412, %get3A_413] : memref<1x16x128x64xf32, #tpu.memory_space<vmem>>, vector<1x1x128x64xf32>
    %get3A_415 = vector.shape_cast %get3A_414 : vector<1x1x128x64xf32> to vector<128x64xf32>
    %concatenate3A_416 = tpu.concatenate %get3A_409, %get3A_415 in 0 : vector<128x64xf32>, vector<128x64xf32> -> vector<256x64xf32>
    %convert_element_type3A_417 = arith.truncf %concatenate3A_416 : vector<256x64xf32> to vector<256x64xbf16>
    %convert_element_type3A_418 = arith.truncf %select_n3A_403 : vector<128x256xf32> to vector<128x256xbf16>
    %dot_general3A_419 = arith.constant dense<0.000000e+00> : vector<128x64xf32>
    %dot_general3A_420 = tpu.matmul %convert_element_type3A_418, %convert_element_type3A_417, %dot_general3A_419 {dimension_numbers = #tpu.dot_dimension_numbers<[1], [0], [0], [1], [0, 0, 1, 1], [], []>, transpose_lhs_hint = false} : vector<128x256xbf16>, vector<256x64xbf16>, vector<128x64xf32> -> vector<128x64xf32>
    %swap3A_421 = arith.constant 0 : index
    %swap3A_422 = arith.constant 2 : index
    %swap3A_423 = arith.constant 0 : index
    %swap3A_424 = arith.constant 0 : index
    %swap3A_425 = vector.load %arg9[%swap3A_421, %swap3A_422, %swap3A_423, %swap3A_424] : memref<1x16x128x64xf32, #tpu.memory_space<vmem>>, vector<1x1x128x64xf32>
    %swap3A_426 = vector.shape_cast %swap3A_425 : vector<1x1x128x64xf32> to vector<128x64xf32>
    %swap3A_427 = vector.shape_cast %dot_general3A_420 : vector<128x64xf32> to vector<1x1x128x64xf32>
    tpu.vector_store %arg9[%swap3A_421, %swap3A_422, %swap3A_423, %swap3A_424], %swap3A_427 {strides = array<i32>} : memref<1x16x128x64xf32, #tpu.memory_space<vmem>>, vector<1x1x128x64xf32>,
    %get3A_428 = arith.constant 0 : index
    %get3A_429 = arith.constant 3 : index
    %get3A_430 = arith.constant 0 : index
    %get3A_431 = arith.constant 0 : index
    %get3A_432 = vector.load %arg2[%get3A_428, %get3A_429, %get3A_430, %get3A_431] : memref<1x16x128x64xf32, #tpu.memory_space<vmem>>, vector<1x1x128x64xf32>
    %get3A_433 = vector.shape_cast %get3A_432 : vector<1x1x128x64xf32> to vector<128x64xf32>
    %convert_element_type3A_434 = arith.truncf %get3A_433 : vector<128x64xf32> to vector<128x64xbf16>
    %get3A_435 = arith.constant 0 : index
    %get3A_436 = arith.constant 2 : index
    %get3A_437 = arith.constant 0 : index
    %get3A_438 = arith.constant 0 : index
    %get3A_439 = vector.load %arg4[%get3A_435, %get3A_436, %get3A_437, %get3A_438] : memref<1x16x128x64xf32, #tpu.memory_space<vmem>>, vector<1x1x128x64xf32>
    %get3A_440 = vector.shape_cast %get3A_439 : vector<1x1x128x64xf32> to vector<128x64xf32>
    %convert_element_type3A_441 = arith.truncf %get3A_440 : vector<128x64xf32> to vector<128x64xbf16>
    %get3A_442 = arith.constant 0 : index
    %get3A_443 = arith.constant 3 : index
    %get3A_444 = arith.constant 0 : index
    %get3A_445 = arith.constant 0 : index
    %get3A_446 = vector.load %arg4[%get3A_442, %get3A_443, %get3A_444, %get3A_445] : memref<1x16x128x64xf32, #tpu.memory_space<vmem>>, vector<1x1x128x64xf32>
    %get3A_447 = vector.shape_cast %get3A_446 : vector<1x1x128x64xf32> to vector<128x64xf32>
    %convert_element_type3A_448 = arith.truncf %get3A_447 : vector<128x64xf32> to vector<128x64xbf16>
    %dot_general3A_449 = arith.constant dense<0.000000e+00> : vector<128x128xf32>
    %dot_general3A_450 = tpu.matmul %convert_element_type3A_434, %convert_element_type3A_441, %dot_general3A_449 {dimension_numbers = #tpu.dot_dimension_numbers<[1], [1], [0], [0], [0, 0, 1, 0], [], []>, transpose_lhs_hint = false} : vector<128x64xbf16>, vector<128x64xbf16>, vector<128x128xf32> -> vector<128x128xf32>
    %mul3A_451 = arith.constant 1.250000e-01 : f32
    %mul3A_452 = vector.broadcast %mul3A_451 : f32 to vector<128x128xf32>
    %mul3A_453 = arith.mulf %dot_general3A_450, %mul3A_452 : vector<128x128xf32>
    %dot_general3A_454 = arith.constant dense<0.000000e+00> : vector<128x128xf32>
    %dot_general3A_455 = tpu.matmul %convert_element_type3A_434, %convert_element_type3A_448, %dot_general3A_454 {dimension_numbers = #tpu.dot_dimension_numbers<[1], [1], [0], [0], [0, 0, 1, 0], [], []>, transpose_lhs_hint = false} : vector<128x64xbf16>, vector<128x64xbf16>, vector<128x128xf32> -> vector<128x128xf32>
    %mul3A_456 = arith.constant 1.250000e-01 : f32
    %mul3A_457 = vector.broadcast %mul3A_456 : f32 to vector<128x128xf32>
    %mul3A_458 = arith.mulf %dot_general3A_455, %mul3A_457 : vector<128x128xf32>
    %add3A_459 = arith.constant 384 : i32
    %add3A_460 = arith.addi %mul3A_18, %add3A_459 : i32
    %add3A_461 = vector.broadcast %add3A_460 : i32 to vector<128x1xi32>
    %add3A_462 = arith.addi %add3A_461, %iota3A : vector<128x1xi32>
    %le3A_463 = vector.broadcast %get3A_4 : vector<1x64xi32> to vector<128x64xi32>
    %le3A_464 = vector.broadcast %add3A_462 : vector<128x1xi32> to vector<128x64xi32>
    %le3A_465 = arith.cmpi sle, %le3A_463, %le3A_464 : vector<128x64xi32>
    %convert_element_type3A_466 = arith.extui %le3A_465 : vector<128x64xi1> to vector<128x64xi32>
    %reduce_sum3A_467 = arith.constant dense<0> : vector<128xi32>
    %reduce_sum3A_468 = vector.multi_reduction <add>, %convert_element_type3A_466, %reduce_sum3A_467 [1] : vector<128x64xi32> to vector<128xi32>
    %broadcast_in_dim3A_469 = vector.shape_cast %reduce_sum3A_468 : vector<128xi32> to vector<128x1xi32>
    %add3A_470 = arith.constant 256 : i32
    %add3A_471 = arith.addi %mul3A_18, %add3A_470 : i32
    %jit3A_472 = arith.constant 8192 : i32
    %eq3A_473 = arith.constant 0 : i32
    %eq3A_474 = arith.cmpi eq, %jit3A_472, %eq3A_473 : i32
    %jit3A_475 = arith.constant 1 : i32
    %select_n3A_476 = arith.select %eq3A_474, %jit3A_475, %jit3A_472 : i32
    %rem3A_477 = arith.remsi %add3A_471, %select_n3A_476 : i32
    %ne3A_478 = arith.constant 0 : i32
    %ne3A_479 = arith.cmpi ne, %rem3A_477, %ne3A_478 : i32
    %lt3A_480 = arith.constant 0 : i32
    %lt3A_481 = arith.cmpi slt, %rem3A_477, %lt3A_480 : i32
    %lt3A_482 = arith.constant 0 : i32
    %lt3A_483 = arith.cmpi slt, %select_n3A_476, %lt3A_482 : i32
    %ne3A_484 = arith.xori %lt3A_481, %lt3A_483 : i1
    %and3A_485 = arith.andi %ne3A_484, %ne3A_479 : i1
    %add3A_486 = arith.addi %rem3A_477, %select_n3A_476 : i32
    %select_n3A_487 = arith.select %and3A_485, %add3A_486, %rem3A_477 : i32
    %add3A_488 = vector.broadcast %select_n3A_487 : i32 to vector<1x128xi32>
    %add3A_489 = arith.addi %add3A_488, %iota3A_0 : vector<1x128xi32>
    %le3A_490 = vector.broadcast %convert_element_type3A_15 : vector<64x1xi32> to vector<64x128xi32>
    %le3A_491 = vector.broadcast %add3A_489 : vector<1x128xi32> to vector<64x128xi32>
    %le3A_492 = arith.cmpi sle, %le3A_490, %le3A_491 : vector<64x128xi32>
    %convert_element_type3A_493 = arith.extui %le3A_492 : vector<64x128xi1> to vector<64x128xi32>
    %reduce_sum3A_494 = arith.constant dense<0> : vector<128xi32>
    %reduce_sum3A_495 = vector.multi_reduction <add>, %convert_element_type3A_493, %reduce_sum3A_494 [0] : vector<64x128xi32> to vector<128xi32>
    %broadcast_in_dim3A_496 = vector.shape_cast %reduce_sum3A_495 : vector<128xi32> to vector<1x128xi32>
    %add3A_497 = arith.constant 384 : i32
    %add3A_498 = arith.addi %mul3A_18, %add3A_497 : i32
    %add3A_499 = vector.broadcast %add3A_498 : i32 to vector<1x128xi32>
    %add3A_500 = arith.addi %add3A_499, %iota3A_0 : vector<1x128xi32>
    %le3A_501 = vector.broadcast %convert_element_type3A_15 : vector<64x1xi32> to vector<64x128xi32>
    %le3A_502 = vector.broadcast %add3A_500 : vector<1x128xi32> to vector<64x128xi32>
    %le3A_503 = arith.cmpi sle, %le3A_501, %le3A_502 : vector<64x128xi32>
    %convert_element_type3A_504 = arith.extui %le3A_503 : vector<64x128xi1> to vector<64x128xi32>
    %reduce_sum3A_505 = arith.constant dense<0> : vector<128xi32>
    %reduce_sum3A_506 = vector.multi_reduction <add>, %convert_element_type3A_504, %reduce_sum3A_505 [0] : vector<64x128xi32> to vector<128xi32>
    %broadcast_in_dim3A_507 = vector.shape_cast %reduce_sum3A_506 : vector<128xi32> to vector<1x128xi32>
    %eq3A_508 = vector.broadcast %broadcast_in_dim3A_469 : vector<128x1xi32> to vector<128x128xi32>
    %eq3A_509 = vector.broadcast %broadcast_in_dim3A_496 : vector<1x128xi32> to vector<128x128xi32>
    %eq3A_510 = arith.cmpi eq, %eq3A_508, %eq3A_509 : vector<128x128xi32>
    %eq3A_511 = vector.broadcast %broadcast_in_dim3A_469 : vector<128x1xi32> to vector<128x128xi32>
    %eq3A_512 = vector.broadcast %broadcast_in_dim3A_507 : vector<1x128xi32> to vector<128x128xi32>
    %eq3A_513 = arith.cmpi eq, %eq3A_511, %eq3A_512 : vector<128x128xi32>
    %jit3A_514 = arith.constant -1.000000e+09 : f32
    %broadcast_in_dim3A_515 = vector.broadcast %jit3A_514 : f32 to vector<128x128xf32>
    %select_n3A_516 = arith.select %eq3A_510, %mul3A_453, %broadcast_in_dim3A_515 : vector<128x128xi1>, vector<128x128xf32>
    %jit3A_517 = arith.constant -1.000000e+09 : f32
    %broadcast_in_dim3A_518 = vector.broadcast %jit3A_517 : f32 to vector<128x128xf32>
    %select_n3A_519 = arith.select %eq3A_513, %mul3A_458, %broadcast_in_dim3A_518 : vector<128x128xi1>, vector<128x128xf32>
    %concatenate3A_520 = tpu.concatenate %select_n3A_516, %select_n3A_519 in 1 : vector<128x128xf32>, vector<128x128xf32> -> vector<128x256xf32>
    %reduce_max3A_521 = arith.constant dense<0xFF800000> : vector<128xf32>
    %reduce_max3A_522 = vector.multi_reduction <maximumf>, %concatenate3A_520, %reduce_max3A_521 [1] : vector<128x256xf32> to vector<128xf32>
    %broadcast_in_dim3A_523 = vector.shape_cast %reduce_max3A_522 : vector<128xf32> to vector<128x1xf32>
    %sub3A_524 = vector.broadcast %broadcast_in_dim3A_523 : vector<128x1xf32> to vector<128x256xf32>
    %sub3A_525 = arith.subf %concatenate3A_520, %sub3A_524 : vector<128x256xf32>
    %exp3A_526 = math.exp %sub3A_525 : vector<128x256xf32>
    %reduce_sum3A_527 = arith.constant dense<0.000000e+00> : vector<128xf32>
    %reduce_sum3A_528 = vector.multi_reduction <add>, %exp3A_526, %reduce_sum3A_527 [1] : vector<128x256xf32> to vector<128xf32>
    %broadcast_in_dim3A_529 = vector.shape_cast %reduce_sum3A_528 : vector<128xf32> to vector<128x1xf32>
    %div3A_530 = vector.broadcast %broadcast_in_dim3A_529 : vector<128x1xf32> to vector<128x256xf32>
    %div3A_531 = arith.divf %exp3A_526, %div3A_530 : vector<128x256xf32>
    %concatenate3A_532 = tpu.concatenate %eq3A_510, %eq3A_513 in 1 : vector<128x128xi1>, vector<128x128xi1> -> vector<128x256xi1>
    %convert_element_type3A_533 = arith.extui %concatenate3A_532 : vector<128x256xi1> to vector<128x256xi32>
    %convert_element_type3A_534 = arith.sitofp %convert_element_type3A_533 : vector<128x256xi32> to vector<128x256xf32>
    %reduce_max3A_535 = arith.constant dense<0xFF800000> : vector<128xf32>
    %reduce_max3A_536 = vector.multi_reduction <maximumf>, %convert_element_type3A_534, %reduce_max3A_535 [1] : vector<128x256xf32> to vector<128xf32>
    %broadcast_in_dim3A_537 = vector.shape_cast %reduce_max3A_536 : vector<128xf32> to vector<128x1xf32>
    %gt3A_538 = arith.constant 0.000000e+00 : f32
    %gt3A_539 = vector.broadcast %gt3A_538 : f32 to vector<128x1xf32>
    %gt3A_540 = arith.cmpf ogt, %broadcast_in_dim3A_537, %gt3A_539 : vector<128x1xf32>
    %jit3A_541 = arith.constant 0.000000e+00 : f32
    %broadcast_in_dim3A_542 = vector.shape_cast %gt3A_540 : vector<128x1xi1> to vector<128x1xi1>
    %broadcast_in_dim3A_543 = vector.broadcast %broadcast_in_dim3A_542 : vector<128x1xi1> to vector<128x256xi1>
    %broadcast_in_dim3A_544 = vector.broadcast %jit3A_541 : f32 to vector<128x256xf32>
    %select_n3A_545 = arith.select %broadcast_in_dim3A_543, %div3A_531, %broadcast_in_dim3A_544 : vector<128x256xi1>, vector<128x256xf32>
    %get3A_546 = arith.constant 0 : index
    %get3A_547 = arith.constant 2 : index
    %get3A_548 = arith.constant 0 : index
    %get3A_549 = arith.constant 0 : index
    %get3A_550 = vector.load %arg6[%get3A_546, %get3A_547, %get3A_548, %get3A_549] : memref<1x16x128x64xf32, #tpu.memory_space<vmem>>, vector<1x1x128x64xf32>
    %get3A_551 = vector.shape_cast %get3A_550 : vector<1x1x128x64xf32> to vector<128x64xf32>
    %get3A_552 = arith.constant 0 : index
    %get3A_553 = arith.constant 3 : index
    %get3A_554 = arith.constant 0 : index
    %get3A_555 = arith.constant 0 : index
    %get3A_556 = vector.load %arg6[%get3A_552, %get3A_553, %get3A_554, %get3A_555] : memref<1x16x128x64xf32, #tpu.memory_space<vmem>>, vector<1x1x128x64xf32>
    %get3A_557 = vector.shape_cast %get3A_556 : vector<1x1x128x64xf32> to vector<128x64xf32>
    %concatenate3A_558 = tpu.concatenate %get3A_551, %get3A_557 in 0 : vector<128x64xf32>, vector<128x64xf32> -> vector<256x64xf32>
    %convert_element_type3A_559 = arith.truncf %concatenate3A_558 : vector<256x64xf32> to vector<256x64xbf16>
    %convert_element_type3A_560 = arith.truncf %select_n3A_545 : vector<128x256xf32> to vector<128x256xbf16>
    %dot_general3A_561 = arith.constant dense<0.000000e+00> : vector<128x64xf32>
    %dot_general3A_562 = tpu.matmul %convert_element_type3A_560, %convert_element_type3A_559, %dot_general3A_561 {dimension_numbers = #tpu.dot_dimension_numbers<[1], [0], [0], [1], [0, 0, 1, 1], [], []>, transpose_lhs_hint = false} : vector<128x256xbf16>, vector<256x64xbf16>, vector<128x64xf32> -> vector<128x64xf32>
    %swap3A_563 = arith.constant 0 : index
    %swap3A_564 = arith.constant 3 : index
    %swap3A_565 = arith.constant 0 : index
    %swap3A_566 = arith.constant 0 : index
    %swap3A_567 = vector.load %arg9[%swap3A_563, %swap3A_564, %swap3A_565, %swap3A_566] : memref<1x16x128x64xf32, #tpu.memory_space<vmem>>, vector<1x1x128x64xf32>
    %swap3A_568 = vector.shape_cast %swap3A_567 : vector<1x1x128x64xf32> to vector<128x64xf32>
    %swap3A_569 = vector.shape_cast %dot_general3A_562 : vector<128x64xf32> to vector<1x1x128x64xf32>
    tpu.vector_store %arg9[%swap3A_563, %swap3A_564, %swap3A_565, %swap3A_566], %swap3A_569 {strides = array<i32>} : memref<1x16x128x64xf32, #tpu.memory_space<vmem>>, vector<1x1x128x64xf32>,
    %get3A_570 = arith.constant 0 : index
    %get3A_571 = arith.constant 4 : index
    %get3A_572 = arith.constant 0 : index
    %get3A_573 = arith.constant 0 : index
    %get3A_574 = vector.load %arg2[%get3A_570, %get3A_571, %get3A_572, %get3A_573] : memref<1x16x128x64xf32, #tpu.memory_space<vmem>>, vector<1x1x128x64xf32>
    %get3A_575 = vector.shape_cast %get3A_574 : vector<1x1x128x64xf32> to vector<128x64xf32>
    %convert_element_type3A_576 = arith.truncf %get3A_575 : vector<128x64xf32> to vector<128x64xbf16>
    %get3A_577 = arith.constant 0 : index
    %get3A_578 = arith.constant 3 : index
    %get3A_579 = arith.constant 0 : index
    %get3A_580 = arith.constant 0 : index
    %get3A_581 = vector.load %arg4[%get3A_577, %get3A_578, %get3A_579, %get3A_580] : memref<1x16x128x64xf32, #tpu.memory_space<vmem>>, vector<1x1x128x64xf32>
    %get3A_582 = vector.shape_cast %get3A_581 : vector<1x1x128x64xf32> to vector<128x64xf32>
    %convert_element_type3A_583 = arith.truncf %get3A_582 : vector<128x64xf32> to vector<128x64xbf16>
    %get3A_584 = arith.constant 0 : index
    %get3A_585 = arith.constant 4 : index
    %get3A_586 = arith.constant 0 : index
    %get3A_587 = arith.constant 0 : index
    %get3A_588 = vector.load %arg4[%get3A_584, %get3A_585, %get3A_586, %get3A_587] : memref<1x16x128x64xf32, #tpu.memory_space<vmem>>, vector<1x1x128x64xf32>
    %get3A_589 = vector.shape_cast %get3A_588 : vector<1x1x128x64xf32> to vector<128x64xf32>
    %convert_element_type3A_590 = arith.truncf %get3A_589 : vector<128x64xf32> to vector<128x64xbf16>
    %dot_general3A_591 = arith.constant dense<0.000000e+00> : vector<128x128xf32>
    %dot_general3A_592 = tpu.matmul %convert_element_type3A_576, %convert_element_type3A_583, %dot_general3A_591 {dimension_numbers = #tpu.dot_dimension_numbers<[1], [1], [0], [0], [0, 0, 1, 0], [], []>, transpose_lhs_hint = false} : vector<128x64xbf16>, vector<128x64xbf16>, vector<128x128xf32> -> vector<128x128xf32>
    %mul3A_593 = arith.constant 1.250000e-01 : f32
    %mul3A_594 = vector.broadcast %mul3A_593 : f32 to vector<128x128xf32>
    %mul3A_595 = arith.mulf %dot_general3A_592, %mul3A_594 : vector<128x128xf32>
    %dot_general3A_596 = arith.constant dense<0.000000e+00> : vector<128x128xf32>
    %dot_general3A_597 = tpu.matmul %convert_element_type3A_576, %convert_element_type3A_590, %dot_general3A_596 {dimension_numbers = #tpu.dot_dimension_numbers<[1], [1], [0], [0], [0, 0, 1, 0], [], []>, transpose_lhs_hint = false} : vector<128x64xbf16>, vector<128x64xbf16>, vector<128x128xf32> -> vector<128x128xf32>
    %mul3A_598 = arith.constant 1.250000e-01 : f32
    %mul3A_599 = vector.broadcast %mul3A_598 : f32 to vector<128x128xf32>
    %mul3A_600 = arith.mulf %dot_general3A_597, %mul3A_599 : vector<128x128xf32>
    %add3A_601 = arith.constant 512 : i32
    %add3A_602 = arith.addi %mul3A_18, %add3A_601 : i32
    %add3A_603 = vector.broadcast %add3A_602 : i32 to vector<128x1xi32>
    %add3A_604 = arith.addi %add3A_603, %iota3A : vector<128x1xi32>
    %le3A_605 = vector.broadcast %get3A_4 : vector<1x64xi32> to vector<128x64xi32>
    %le3A_606 = vector.broadcast %add3A_604 : vector<128x1xi32> to vector<128x64xi32>
    %le3A_607 = arith.cmpi sle, %le3A_605, %le3A_606 : vector<128x64xi32>
    %convert_element_type3A_608 = arith.extui %le3A_607 : vector<128x64xi1> to vector<128x64xi32>
    %reduce_sum3A_609 = arith.constant dense<0> : vector<128xi32>
    %reduce_sum3A_610 = vector.multi_reduction <add>, %convert_element_type3A_608, %reduce_sum3A_609 [1] : vector<128x64xi32> to vector<128xi32>
    %broadcast_in_dim3A_611 = vector.shape_cast %reduce_sum3A_610 : vector<128xi32> to vector<128x1xi32>
    %add3A_612 = arith.constant 384 : i32
    %add3A_613 = arith.addi %mul3A_18, %add3A_612 : i32
    %jit3A_614 = arith.constant 8192 : i32
    %eq3A_615 = arith.constant 0 : i32
    %eq3A_616 = arith.cmpi eq, %jit3A_614, %eq3A_615 : i32
    %jit3A_617 = arith.constant 1 : i32
    %select_n3A_618 = arith.select %eq3A_616, %jit3A_617, %jit3A_614 : i32
    %rem3A_619 = arith.remsi %add3A_613, %select_n3A_618 : i32
    %ne3A_620 = arith.constant 0 : i32
    %ne3A_621 = arith.cmpi ne, %rem3A_619, %ne3A_620 : i32
    %lt3A_622 = arith.constant 0 : i32
    %lt3A_623 = arith.cmpi slt, %rem3A_619, %lt3A_622 : i32
    %lt3A_624 = arith.constant 0 : i32
    %lt3A_625 = arith.cmpi slt, %select_n3A_618, %lt3A_624 : i32
    %ne3A_626 = arith.xori %lt3A_623, %lt3A_625 : i1
    %and3A_627 = arith.andi %ne3A_626, %ne3A_621 : i1
    %add3A_628 = arith.addi %rem3A_619, %select_n3A_618 : i32
    %select_n3A_629 = arith.select %and3A_627, %add3A_628, %rem3A_619 : i32
    %add3A_630 = vector.broadcast %select_n3A_629 : i32 to vector<1x128xi32>
    %add3A_631 = arith.addi %add3A_630, %iota3A_0 : vector<1x128xi32>
    %le3A_632 = vector.broadcast %convert_element_type3A_15 : vector<64x1xi32> to vector<64x128xi32>
    %le3A_633 = vector.broadcast %add3A_631 : vector<1x128xi32> to vector<64x128xi32>
    %le3A_634 = arith.cmpi sle, %le3A_632, %le3A_633 : vector<64x128xi32>
    %convert_element_type3A_635 = arith.extui %le3A_634 : vector<64x128xi1> to vector<64x128xi32>
    %reduce_sum3A_636 = arith.constant dense<0> : vector<128xi32>
    %reduce_sum3A_637 = vector.multi_reduction <add>, %convert_element_type3A_635, %reduce_sum3A_636 [0] : vector<64x128xi32> to vector<128xi32>
    %broadcast_in_dim3A_638 = vector.shape_cast %reduce_sum3A_637 : vector<128xi32> to vector<1x128xi32>
    %add3A_639 = arith.constant 512 : i32
    %add3A_640 = arith.addi %mul3A_18, %add3A_639 : i32
    %add3A_641 = vector.broadcast %add3A_640 : i32 to vector<1x128xi32>
    %add3A_642 = arith.addi %add3A_641, %iota3A_0 : vector<1x128xi32>
    %le3A_643 = vector.broadcast %convert_element_type3A_15 : vector<64x1xi32> to vector<64x128xi32>
    %le3A_644 = vector.broadcast %add3A_642 : vector<1x128xi32> to vector<64x128xi32>
    %le3A_645 = arith.cmpi sle, %le3A_643, %le3A_644 : vector<64x128xi32>
    %convert_element_type3A_646 = arith.extui %le3A_645 : vector<64x128xi1> to vector<64x128xi32>
    %reduce_sum3A_647 = arith.constant dense<0> : vector<128xi32>
    %reduce_sum3A_648 = vector.multi_reduction <add>, %convert_element_type3A_646, %reduce_sum3A_647 [0] : vector<64x128xi32> to vector<128xi32>
    %broadcast_in_dim3A_649 = vector.shape_cast %reduce_sum3A_648 : vector<128xi32> to vector<1x128xi32>
    %eq3A_650 = vector.broadcast %broadcast_in_dim3A_611 : vector<128x1xi32> to vector<128x128xi32>
    %eq3A_651 = vector.broadcast %broadcast_in_dim3A_638 : vector<1x128xi32> to vector<128x128xi32>
    %eq3A_652 = arith.cmpi eq, %eq3A_650, %eq3A_651 : vector<128x128xi32>
    %eq3A_653 = vector.broadcast %broadcast_in_dim3A_611 : vector<128x1xi32> to vector<128x128xi32>
    %eq3A_654 = vector.broadcast %broadcast_in_dim3A_649 : vector<1x128xi32> to vector<128x128xi32>
    %eq3A_655 = arith.cmpi eq, %eq3A_653, %eq3A_654 : vector<128x128xi32>
    %jit3A_656 = arith.constant -1.000000e+09 : f32
    %broadcast_in_dim3A_657 = vector.broadcast %jit3A_656 : f32 to vector<128x128xf32>
    %select_n3A_658 = arith.select %eq3A_652, %mul3A_595, %broadcast_in_dim3A_657 : vector<128x128xi1>, vector<128x128xf32>
    %jit3A_659 = arith.constant -1.000000e+09 : f32
    %broadcast_in_dim3A_660 = vector.broadcast %jit3A_659 : f32 to vector<128x128xf32>
    %select_n3A_661 = arith.select %eq3A_655, %mul3A_600, %broadcast_in_dim3A_660 : vector<128x128xi1>, vector<128x128xf32>
    %concatenate3A_662 = tpu.concatenate %select_n3A_658, %select_n3A_661 in 1 : vector<128x128xf32>, vector<128x128xf32> -> vector<128x256xf32>
    %reduce_max3A_663 = arith.constant dense<0xFF800000> : vector<128xf32>
    %reduce_max3A_664 = vector.multi_reduction <maximumf>, %concatenate3A_662, %reduce_max3A_663 [1] : vector<128x256xf32> to vector<128xf32>
    %broadcast_in_dim3A_665 = vector.shape_cast %reduce_max3A_664 : vector<128xf32> to vector<128x1xf32>
    %sub3A_666 = vector.broadcast %broadcast_in_dim3A_665 : vector<128x1xf32> to vector<128x256xf32>
    %sub3A_667 = arith.subf %concatenate3A_662, %sub3A_666 : vector<128x256xf32>
    %exp3A_668 = math.exp %sub3A_667 : vector<128x256xf32>
    %reduce_sum3A_669 = arith.constant dense<0.000000e+00> : vector<128xf32>
    %reduce_sum3A_670 = vector.multi_reduction <add>, %exp3A_668, %reduce_sum3A_669 [1] : vector<128x256xf32> to vector<128xf32>
    %broadcast_in_dim3A_671 = vector.shape_cast %reduce_sum3A_670 : vector<128xf32> to vector<128x1xf32>
    %div3A_672 = vector.broadcast %broadcast_in_dim3A_671 : vector<128x1xf32> to vector<128x256xf32>
    %div3A_673 = arith.divf %exp3A_668, %div3A_672 : vector<128x256xf32>
    %concatenate3A_674 = tpu.concatenate %eq3A_652, %eq3A_655 in 1 : vector<128x128xi1>, vector<128x128xi1> -> vector<128x256xi1>
    %convert_element_type3A_675 = arith.extui %concatenate3A_674 : vector<128x256xi1> to vector<128x256xi32>
    %convert_element_type3A_676 = arith.sitofp %convert_element_type3A_675 : vector<128x256xi32> to vector<128x256xf32>
    %reduce_max3A_677 = arith.constant dense<0xFF800000> : vector<128xf32>
    %reduce_max3A_678 = vector.multi_reduction <maximumf>, %convert_element_type3A_676, %reduce_max3A_677 [1] : vector<128x256xf32> to vector<128xf32>
    %broadcast_in_dim3A_679 = vector.shape_cast %reduce_max3A_678 : vector<128xf32> to vector<128x1xf32>
    %gt3A_680 = arith.constant 0.000000e+00 : f32
    %gt3A_681 = vector.broadcast %gt3A_680 : f32 to vector<128x1xf32>
    %gt3A_682 = arith.cmpf ogt, %broadcast_in_dim3A_679, %gt3A_681 : vector<128x1xf32>
    %jit3A_683 = arith.constant 0.000000e+00 : f32
    %broadcast_in_dim3A_684 = vector.shape_cast %gt3A_682 : vector<128x1xi1> to vector<128x1xi1>
    %broadcast_in_dim3A_685 = vector.broadcast %broadcast_in_dim3A_684 : vector<128x1xi1> to vector<128x256xi1>
    %broadcast_in_dim3A_686 = vector.broadcast %jit3A_683 : f32 to vector<128x256xf32>
    %select_n3A_687 = arith.select %broadcast_in_dim3A_685, %div3A_673, %broadcast_in_dim3A_686 : vector<128x256xi1>, vector<128x256xf32>
    %get3A_688 = arith.constant 0 : index
    %get3A_689 = arith.constant 3 : index
    %get3A_690 = arith.constant 0 : index
    %get3A_691 = arith.constant 0 : index
    %get3A_692 = vector.load %arg6[%get3A_688, %get3A_689, %get3A_690, %get3A_691] : memref<1x16x128x64xf32, #tpu.memory_space<vmem>>, vector<1x1x128x64xf32>
    %get3A_693 = vector.shape_cast %get3A_692 : vector<1x1x128x64xf32> to vector<128x64xf32>
    %get3A_694 = arith.constant 0 : index
    %get3A_695 = arith.constant 4 : index
    %get3A_696 = arith.constant 0 : index
    %get3A_697 = arith.constant 0 : index
    %get3A_698 = vector.load %arg6[%get3A_694, %get3A_695, %get3A_696, %get3A_697] : memref<1x16x128x64xf32, #tpu.memory_space<vmem>>, vector<1x1x128x64xf32>
    %get3A_699 = vector.shape_cast %get3A_698 : vector<1x1x128x64xf32> to vector<128x64xf32>
    %concatenate3A_700 = tpu.concatenate %get3A_693, %get3A_699 in 0 : vector<128x64xf32>, vector<128x64xf32> -> vector<256x64xf32>
    %convert_element_type3A_701 = arith.truncf %concatenate3A_700 : vector<256x64xf32> to vector<256x64xbf16>
    %convert_element_type3A_702 = arith.truncf %select_n3A_687 : vector<128x256xf32> to vector<128x256xbf16>
    %dot_general3A_703 = arith.constant dense<0.000000e+00> : vector<128x64xf32>
    %dot_general3A_704 = tpu.matmul %convert_element_type3A_702, %convert_element_type3A_701, %dot_general3A_703 {dimension_numbers = #tpu.dot_dimension_numbers<[1], [0], [0], [1], [0, 0, 1, 1], [], []>, transpose_lhs_hint = false} : vector<128x256xbf16>, vector<256x64xbf16>, vector<128x64xf32> -> vector<128x64xf32>
    %swap3A_705 = arith.constant 0 : index
    %swap3A_706 = arith.constant 4 : index
    %swap3A_707 = arith.constant 0 : index
    %swap3A_708 = arith.constant 0 : index
    %swap3A_709 = vector.load %arg9[%swap3A_705, %swap3A_706, %swap3A_707, %swap3A_708] : memref<1x16x128x64xf32, #tpu.memory_space<vmem>>, vector<1x1x128x64xf32>
    %swap3A_710 = vector.shape_cast %swap3A_709 : vector<1x1x128x64xf32> to vector<128x64xf32>
    %swap3A_711 = vector.shape_cast %dot_general3A_704 : vector<128x64xf32> to vector<1x1x128x64xf32>
    tpu.vector_store %arg9[%swap3A_705, %swap3A_706, %swap3A_707, %swap3A_708], %swap3A_711 {strides = array<i32>} : memref<1x16x128x64xf32, #tpu.memory_space<vmem>>, vector<1x1x128x64xf32>,
    %get3A_712 = arith.constant 0 : index
    %get3A_713 = arith.constant 5 : index
    %get3A_714 = arith.constant 0 : index
    %get3A_715 = arith.constant 0 : index
    %get3A_716 = vector.load %arg2[%get3A_712, %get3A_713, %get3A_714, %get3A_715] : memref<1x16x128x64xf32, #tpu.memory_space<vmem>>, vector<1x1x128x64xf32>
    %get3A_717 = vector.shape_cast %get3A_716 : vector<1x1x128x64xf32> to vector<128x64xf32>
    %convert_element_type3A_718 = arith.truncf %get3A_717 : vector<128x64xf32> to vector<128x64xbf16>
    %get3A_719 = arith.constant 0 : index
    %get3A_720 = arith.constant 4 : index
    %get3A_721 = arith.constant 0 : index
    %get3A_722 = arith.constant 0 : index
    %get3A_723 = vector.load %arg4[%get3A_719, %get3A_720, %get3A_721, %get3A_722] : memref<1x16x128x64xf32, #tpu.memory_space<vmem>>, vector<1x1x128x64xf32>
    %get3A_724 = vector.shape_cast %get3A_723 : vector<1x1x128x64xf32> to vector<128x64xf32>
    %convert_element_type3A_725 = arith.truncf %get3A_724 : vector<128x64xf32> to vector<128x64xbf16>
    %get3A_726 = arith.constant 0 : index
    %get3A_727 = arith.constant 5 : index
    %get3A_728 = arith.constant 0 : index
    %get3A_729 = arith.constant 0 : index
    %get3A_730 = vector.load %arg4[%get3A_726, %get3A_727, %get3A_728, %get3A_729] : memref<1x16x128x64xf32, #tpu.memory_space<vmem>>, vector<1x1x128x64xf32>
    %get3A_731 = vector.shape_cast %get3A_730 : vector<1x1x128x64xf32> to vector<128x64xf32>
    %convert_element_type3A_732 = arith.truncf %get3A_731 : vector<128x64xf32> to vector<128x64xbf16>
    %dot_general3A_733 = arith.constant dense<0.000000e+00> : vector<128x128xf32>
    %dot_general3A_734 = tpu.matmul %convert_element_type3A_718, %convert_element_type3A_725, %dot_general3A_733 {dimension_numbers = #tpu.dot_dimension_numbers<[1], [1], [0], [0], [0, 0, 1, 0], [], []>, transpose_lhs_hint = false} : vector<128x64xbf16>, vector<128x64xbf16>, vector<128x128xf32> -> vector<128x128xf32>
    %mul3A_735 = arith.constant 1.250000e-01 : f32
    %mul3A_736 = vector.broadcast %mul3A_735 : f32 to vector<128x128xf32>
    %mul3A_737 = arith.mulf %dot_general3A_734, %mul3A_736 : vector<128x128xf32>
    %dot_general3A_738 = arith.constant dense<0.000000e+00> : vector<128x128xf32>
    %dot_general3A_739 = tpu.matmul %convert_element_type3A_718, %convert_element_type3A_732, %dot_general3A_738 {dimension_numbers = #tpu.dot_dimension_numbers<[1], [1], [0], [0], [0, 0, 1, 0], [], []>, transpose_lhs_hint = false} : vector<128x64xbf16>, vector<128x64xbf16>, vector<128x128xf32> -> vector<128x128xf32>
    %mul3A_740 = arith.constant 1.250000e-01 : f32
    %mul3A_741 = vector.broadcast %mul3A_740 : f32 to vector<128x128xf32>
    %mul3A_742 = arith.mulf %dot_general3A_739, %mul3A_741 : vector<128x128xf32>
    %add3A_743 = arith.constant 640 : i32
    %add3A_744 = arith.addi %mul3A_18, %add3A_743 : i32
    %add3A_745 = vector.broadcast %add3A_744 : i32 to vector<128x1xi32>
    %add3A_746 = arith.addi %add3A_745, %iota3A : vector<128x1xi32>
    %le3A_747 = vector.broadcast %get3A_4 : vector<1x64xi32> to vector<128x64xi32>
    %le3A_748 = vector.broadcast %add3A_746 : vector<128x1xi32> to vector<128x64xi32>
    %le3A_749 = arith.cmpi sle, %le3A_747, %le3A_748 : vector<128x64xi32>
    %convert_element_type3A_750 = arith.extui %le3A_749 : vector<128x64xi1> to vector<128x64xi32>
    %reduce_sum3A_751 = arith.constant dense<0> : vector<128xi32>
    %reduce_sum3A_752 = vector.multi_reduction <add>, %convert_element_type3A_750, %reduce_sum3A_751 [1] : vector<128x64xi32> to vector<128xi32>
    %broadcast_in_dim3A_753 = vector.shape_cast %reduce_sum3A_752 : vector<128xi32> to vector<128x1xi32>
    %add3A_754 = arith.constant 512 : i32
    %add3A_755 = arith.addi %mul3A_18, %add3A_754 : i32
    %jit3A_756 = arith.constant 8192 : i32
    %eq3A_757 = arith.constant 0 : i32
    %eq3A_758 = arith.cmpi eq, %jit3A_756, %eq3A_757 : i32
    %jit3A_759 = arith.constant 1 : i32
    %select_n3A_760 = arith.select %eq3A_758, %jit3A_759, %jit3A_756 : i32
    %rem3A_761 = arith.remsi %add3A_755, %select_n3A_760 : i32
    %ne3A_762 = arith.constant 0 : i32
    %ne3A_763 = arith.cmpi ne, %rem3A_761, %ne3A_762 : i32
    %lt3A_764 = arith.constant 0 : i32
    %lt3A_765 = arith.cmpi slt, %rem3A_761, %lt3A_764 : i32
    %lt3A_766 = arith.constant 0 : i32
    %lt3A_767 = arith.cmpi slt, %select_n3A_760, %lt3A_766 : i32
    %ne3A_768 = arith.xori %lt3A_765, %lt3A_767 : i1
    %and3A_769 = arith.andi %ne3A_768, %ne3A_763 : i1
    %add3A_770 = arith.addi %rem3A_761, %select_n3A_760 : i32
    %select_n3A_771 = arith.select %and3A_769, %add3A_770, %rem3A_761 : i32
    %add3A_772 = vector.broadcast %select_n3A_771 : i32 to vector<1x128xi32>
    %add3A_773 = arith.addi %add3A_772, %iota3A_0 : vector<1x128xi32>
    %le3A_774 = vector.broadcast %convert_element_type3A_15 : vector<64x1xi32> to vector<64x128xi32>
    %le3A_775 = vector.broadcast %add3A_773 : vector<1x128xi32> to vector<64x128xi32>
    %le3A_776 = arith.cmpi sle, %le3A_774, %le3A_775 : vector<64x128xi32>
    %convert_element_type3A_777 = arith.extui %le3A_776 : vector<64x128xi1> to vector<64x128xi32>
    %reduce_sum3A_778 = arith.constant dense<0> : vector<128xi32>
    %reduce_sum3A_779 = vector.multi_reduction <add>, %convert_element_type3A_777, %reduce_sum3A_778 [0] : vector<64x128xi32> to vector<128xi32>
    %broadcast_in_dim3A_780 = vector.shape_cast %reduce_sum3A_779 : vector<128xi32> to vector<1x128xi32>
    %add3A_781 = arith.constant 640 : i32
    %add3A_782 = arith.addi %mul3A_18, %add3A_781 : i32
    %add3A_783 = vector.broadcast %add3A_782 : i32 to vector<1x128xi32>
    %add3A_784 = arith.addi %add3A_783, %iota3A_0 : vector<1x128xi32>
    %le3A_785 = vector.broadcast %convert_element_type3A_15 : vector<64x1xi32> to vector<64x128xi32>
    %le3A_786 = vector.broadcast %add3A_784 : vector<1x128xi32> to vector<64x128xi32>
    %le3A_787 = arith.cmpi sle, %le3A_785, %le3A_786 : vector<64x128xi32>
    %convert_element_type3A_788 = arith.extui %le3A_787 : vector<64x128xi1> to vector<64x128xi32>
    %reduce_sum3A_789 = arith.constant dense<0> : vector<128xi32>
    %reduce_sum3A_790 = vector.multi_reduction <add>, %convert_element_type3A_788, %reduce_sum3A_789 [0] : vector<64x128xi32> to vector<128xi32>
    %broadcast_in_dim3A_791 = vector.shape_cast %reduce_sum3A_790 : vector<128xi32> to vector<1x128xi32>
    %eq3A_792 = vector.broadcast %broadcast_in_dim3A_753 : vector<128x1xi32> to vector<128x128xi32>
    %eq3A_793 = vector.broadcast %broadcast_in_dim3A_780 : vector<1x128xi32> to vector<128x128xi32>
    %eq3A_794 = arith.cmpi eq, %eq3A_792, %eq3A_793 : vector<128x128xi32>
    %eq3A_795 = vector.broadcast %broadcast_in_dim3A_753 : vector<128x1xi32> to vector<128x128xi32>
    %eq3A_796 = vector.broadcast %broadcast_in_dim3A_791 : vector<1x128xi32> to vector<128x128xi32>
    %eq3A_797 = arith.cmpi eq, %eq3A_795, %eq3A_796 : vector<128x128xi32>
    %jit3A_798 = arith.constant -1.000000e+09 : f32
    %broadcast_in_dim3A_799 = vector.broadcast %jit3A_798 : f32 to vector<128x128xf32>
    %select_n3A_800 = arith.select %eq3A_794, %mul3A_737, %broadcast_in_dim3A_799 : vector<128x128xi1>, vector<128x128xf32>
    %jit3A_801 = arith.constant -1.000000e+09 : f32
    %broadcast_in_dim3A_802 = vector.broadcast %jit3A_801 : f32 to vector<128x128xf32>
    %select_n3A_803 = arith.select %eq3A_797, %mul3A_742, %broadcast_in_dim3A_802 : vector<128x128xi1>, vector<128x128xf32>
    %concatenate3A_804 = tpu.concatenate %select_n3A_800, %select_n3A_803 in 1 : vector<128x128xf32>, vector<128x128xf32> -> vector<128x256xf32>
    %reduce_max3A_805 = arith.constant dense<0xFF800000> : vector<128xf32>
    %reduce_max3A_806 = vector.multi_reduction <maximumf>, %concatenate3A_804, %reduce_max3A_805 [1] : vector<128x256xf32> to vector<128xf32>
    %broadcast_in_dim3A_807 = vector.shape_cast %reduce_max3A_806 : vector<128xf32> to vector<128x1xf32>
    %sub3A_808 = vector.broadcast %broadcast_in_dim3A_807 : vector<128x1xf32> to vector<128x256xf32>
    %sub3A_809 = arith.subf %concatenate3A_804, %sub3A_808 : vector<128x256xf32>
    %exp3A_810 = math.exp %sub3A_809 : vector<128x256xf32>
    %reduce_sum3A_811 = arith.constant dense<0.000000e+00> : vector<128xf32>
    %reduce_sum3A_812 = vector.multi_reduction <add>, %exp3A_810, %reduce_sum3A_811 [1] : vector<128x256xf32> to vector<128xf32>
    %broadcast_in_dim3A_813 = vector.shape_cast %reduce_sum3A_812 : vector<128xf32> to vector<128x1xf32>
    %div3A_814 = vector.broadcast %broadcast_in_dim3A_813 : vector<128x1xf32> to vector<128x256xf32>
    %div3A_815 = arith.divf %exp3A_810, %div3A_814 : vector<128x256xf32>
    %concatenate3A_816 = tpu.concatenate %eq3A_794, %eq3A_797 in 1 : vector<128x128xi1>, vector<128x128xi1> -> vector<128x256xi1>
    %convert_element_type3A_817 = arith.extui %concatenate3A_816 : vector<128x256xi1> to vector<128x256xi32>
    %convert_element_type3A_818 = arith.sitofp %convert_element_type3A_817 : vector<128x256xi32> to vector<128x256xf32>
    %reduce_max3A_819 = arith.constant dense<0xFF800000> : vector<128xf32>
    %reduce_max3A_820 = vector.multi_reduction <maximumf>, %convert_element_type3A_818, %reduce_max3A_819 [1] : vector<128x256xf32> to vector<128xf32>
    %broadcast_in_dim3A_821 = vector.shape_cast %reduce_max3A_820 : vector<128xf32> to vector<128x1xf32>
    %gt3A_822 = arith.constant 0.000000e+00 : f32
    %gt3A_823 = vector.broadcast %gt3A_822 : f32 to vector<128x1xf32>
    %gt3A_824 = arith.cmpf ogt, %broadcast_in_dim3A_821, %gt3A_823 : vector<128x1xf32>
    %jit3A_825 = arith.constant 0.000000e+00 : f32
    %broadcast_in_dim3A_826 = vector.shape_cast %gt3A_824 : vector<128x1xi1> to vector<128x1xi1>
    %broadcast_in_dim3A_827 = vector.broadcast %broadcast_in_dim3A_826 : vector<128x1xi1> to vector<128x256xi1>
    %broadcast_in_dim3A_828 = vector.broadcast %jit3A_825 : f32 to vector<128x256xf32>
    %select_n3A_829 = arith.select %broadcast_in_dim3A_827, %div3A_815, %broadcast_in_dim3A_828 : vector<128x256xi1>, vector<128x256xf32>
    %get3A_830 = arith.constant 0 : index
    %get3A_831 = arith.constant 4 : index
    %get3A_832 = arith.constant 0 : index
    %get3A_833 = arith.constant 0 : index
    %get3A_834 = vector.load %arg6[%get3A_830, %get3A_831, %get3A_832, %get3A_833] : memref<1x16x128x64xf32, #tpu.memory_space<vmem>>, vector<1x1x128x64xf32>
    %get3A_835 = vector.shape_cast %get3A_834 : vector<1x1x128x64xf32> to vector<128x64xf32>
    %get3A_836 = arith.constant 0 : index
    %get3A_837 = arith.constant 5 : index
    %get3A_838 = arith.constant 0 : index
    %get3A_839 = arith.constant 0 : index
    %get3A_840 = vector.load %arg6[%get3A_836, %get3A_837, %get3A_838, %get3A_839] : memref<1x16x128x64xf32, #tpu.memory_space<vmem>>, vector<1x1x128x64xf32>
    %get3A_841 = vector.shape_cast %get3A_840 : vector<1x1x128x64xf32> to vector<128x64xf32>
    %concatenate3A_842 = tpu.concatenate %get3A_835, %get3A_841 in 0 : vector<128x64xf32>, vector<128x64xf32> -> vector<256x64xf32>
    %convert_element_type3A_843 = arith.truncf %concatenate3A_842 : vector<256x64xf32> to vector<256x64xbf16>
    %convert_element_type3A_844 = arith.truncf %select_n3A_829 : vector<128x256xf32> to vector<128x256xbf16>
    %dot_general3A_845 = arith.constant dense<0.000000e+00> : vector<128x64xf32>
    %dot_general3A_846 = tpu.matmul %convert_element_type3A_844, %convert_element_type3A_843, %dot_general3A_845 {dimension_numbers = #tpu.dot_dimension_numbers<[1], [0], [0], [1], [0, 0, 1, 1], [], []>, transpose_lhs_hint = false} : vector<128x256xbf16>, vector<256x64xbf16>, vector<128x64xf32> -> vector<128x64xf32>
    %swap3A_847 = arith.constant 0 : index
    %swap3A_848 = arith.constant 5 : index
    %swap3A_849 = arith.constant 0 : index
    %swap3A_850 = arith.constant 0 : index
    %swap3A_851 = vector.load %arg9[%swap3A_847, %swap3A_848, %swap3A_849, %swap3A_850] : memref<1x16x128x64xf32, #tpu.memory_space<vmem>>, vector<1x1x128x64xf32>
    %swap3A_852 = vector.shape_cast %swap3A_851 : vector<1x1x128x64xf32> to vector<128x64xf32>
    %swap3A_853 = vector.shape_cast %dot_general3A_846 : vector<128x64xf32> to vector<1x1x128x64xf32>
    tpu.vector_store %arg9[%swap3A_847, %swap3A_848, %swap3A_849, %swap3A_850], %swap3A_853 {strides = array<i32>} : memref<1x16x128x64xf32, #tpu.memory_space<vmem>>, vector<1x1x128x64xf32>,
    %get3A_854 = arith.constant 0 : index
    %get3A_855 = arith.constant 6 : index
    %get3A_856 = arith.constant 0 : index
    %get3A_857 = arith.constant 0 : index
    %get3A_858 = vector.load %arg2[%get3A_854, %get3A_855, %get3A_856, %get3A_857] : memref<1x16x128x64xf32, #tpu.memory_space<vmem>>, vector<1x1x128x64xf32>
    %get3A_859 = vector.shape_cast %get3A_858 : vector<1x1x128x64xf32> to vector<128x64xf32>
    %convert_element_type3A_860 = arith.truncf %get3A_859 : vector<128x64xf32> to vector<128x64xbf16>
    %get3A_861 = arith.constant 0 : index
    %get3A_862 = arith.constant 5 : index
    %get3A_863 = arith.constant 0 : index
    %get3A_864 = arith.constant 0 : index
    %get3A_865 = vector.load %arg4[%get3A_861, %get3A_862, %get3A_863, %get3A_864] : memref<1x16x128x64xf32, #tpu.memory_space<vmem>>, vector<1x1x128x64xf32>
    %get3A_866 = vector.shape_cast %get3A_865 : vector<1x1x128x64xf32> to vector<128x64xf32>
    %convert_element_type3A_867 = arith.truncf %get3A_866 : vector<128x64xf32> to vector<128x64xbf16>
    %get3A_868 = arith.constant 0 : index
    %get3A_869 = arith.constant 6 : index
    %get3A_870 = arith.constant 0 : index
    %get3A_871 = arith.constant 0 : index
    %get3A_872 = vector.load %arg4[%get3A_868, %get3A_869, %get3A_870, %get3A_871] : memref<1x16x128x64xf32, #tpu.memory_space<vmem>>, vector<1x1x128x64xf32>
    %get3A_873 = vector.shape_cast %get3A_872 : vector<1x1x128x64xf32> to vector<128x64xf32>
    %convert_element_type3A_874 = arith.truncf %get3A_873 : vector<128x64xf32> to vector<128x64xbf16>
    %dot_general3A_875 = arith.constant dense<0.000000e+00> : vector<128x128xf32>
    %dot_general3A_876 = tpu.matmul %convert_element_type3A_860, %convert_element_type3A_867, %dot_general3A_875 {dimension_numbers = #tpu.dot_dimension_numbers<[1], [1], [0], [0], [0, 0, 1, 0], [], []>, transpose_lhs_hint = false} : vector<128x64xbf16>, vector<128x64xbf16>, vector<128x128xf32> -> vector<128x128xf32>
    %mul3A_877 = arith.constant 1.250000e-01 : f32
    %mul3A_878 = vector.broadcast %mul3A_877 : f32 to vector<128x128xf32>
    %mul3A_879 = arith.mulf %dot_general3A_876, %mul3A_878 : vector<128x128xf32>
    %dot_general3A_880 = arith.constant dense<0.000000e+00> : vector<128x128xf32>
    %dot_general3A_881 = tpu.matmul %convert_element_type3A_860, %convert_element_type3A_874, %dot_general3A_880 {dimension_numbers = #tpu.dot_dimension_numbers<[1], [1], [0], [0], [0, 0, 1, 0], [], []>, transpose_lhs_hint = false} : vector<128x64xbf16>, vector<128x64xbf16>, vector<128x128xf32> -> vector<128x128xf32>
    %mul3A_882 = arith.constant 1.250000e-01 : f32
    %mul3A_883 = vector.broadcast %mul3A_882 : f32 to vector<128x128xf32>
    %mul3A_884 = arith.mulf %dot_general3A_881, %mul3A_883 : vector<128x128xf32>
    %add3A_885 = arith.constant 768 : i32
    %add3A_886 = arith.addi %mul3A_18, %add3A_885 : i32
    %add3A_887 = vector.broadcast %add3A_886 : i32 to vector<128x1xi32>
    %add3A_888 = arith.addi %add3A_887, %iota3A : vector<128x1xi32>
    %le3A_889 = vector.broadcast %get3A_4 : vector<1x64xi32> to vector<128x64xi32>
    %le3A_890 = vector.broadcast %add3A_888 : vector<128x1xi32> to vector<128x64xi32>
    %le3A_891 = arith.cmpi sle, %le3A_889, %le3A_890 : vector<128x64xi32>
    %convert_element_type3A_892 = arith.extui %le3A_891 : vector<128x64xi1> to vector<128x64xi32>
    %reduce_sum3A_893 = arith.constant dense<0> : vector<128xi32>
    %reduce_sum3A_894 = vector.multi_reduction <add>, %convert_element_type3A_892, %reduce_sum3A_893 [1] : vector<128x64xi32> to vector<128xi32>
    %broadcast_in_dim3A_895 = vector.shape_cast %reduce_sum3A_894 : vector<128xi32> to vector<128x1xi32>
    %add3A_896 = arith.constant 640 : i32
    %add3A_897 = arith.addi %mul3A_18, %add3A_896 : i32
    %jit3A_898 = arith.constant 8192 : i32
    %eq3A_899 = arith.constant 0 : i32
    %eq3A_900 = arith.cmpi eq, %jit3A_898, %eq3A_899 : i32
    %jit3A_901 = arith.constant 1 : i32
    %select_n3A_902 = arith.select %eq3A_900, %jit3A_901, %jit3A_898 : i32
    %rem3A_903 = arith.remsi %add3A_897, %select_n3A_902 : i32
    %ne3A_904 = arith.constant 0 : i32
    %ne3A_905 = arith.cmpi ne, %rem3A_903, %ne3A_904 : i32
    %lt3A_906 = arith.constant 0 : i32
    %lt3A_907 = arith.cmpi slt, %rem3A_903, %lt3A_906 : i32
    %lt3A_908 = arith.constant 0 : i32
    %lt3A_909 = arith.cmpi slt, %select_n3A_902, %lt3A_908 : i32
    %ne3A_910 = arith.xori %lt3A_907, %lt3A_909 : i1
    %and3A_911 = arith.andi %ne3A_910, %ne3A_905 : i1
    %add3A_912 = arith.addi %rem3A_903, %select_n3A_902 : i32
    %select_n3A_913 = arith.select %and3A_911, %add3A_912, %rem3A_903 : i32
    %add3A_914 = vector.broadcast %select_n3A_913 : i32 to vector<1x128xi32>
    %add3A_915 = arith.addi %add3A_914, %iota3A_0 : vector<1x128xi32>
    %le3A_916 = vector.broadcast %convert_element_type3A_15 : vector<64x1xi32> to vector<64x128xi32>
    %le3A_917 = vector.broadcast %add3A_915 : vector<1x128xi32> to vector<64x128xi32>
    %le3A_918 = arith.cmpi sle, %le3A_916, %le3A_917 : vector<64x128xi32>
    %convert_element_type3A_919 = arith.extui %le3A_918 : vector<64x128xi1> to vector<64x128xi32>
    %reduce_sum3A_920 = arith.constant dense<0> : vector<128xi32>
    %reduce_sum3A_921 = vector.multi_reduction <add>, %convert_element_type3A_919, %reduce_sum3A_920 [0] : vector<64x128xi32> to vector<128xi32>
    %broadcast_in_dim3A_922 = vector.shape_cast %reduce_sum3A_921 : vector<128xi32> to vector<1x128xi32>
    %add3A_923 = arith.constant 768 : i32
    %add3A_924 = arith.addi %mul3A_18, %add3A_923 : i32
    %add3A_925 = vector.broadcast %add3A_924 : i32 to vector<1x128xi32>
    %add3A_926 = arith.addi %add3A_925, %iota3A_0 : vector<1x128xi32>
    %le3A_927 = vector.broadcast %convert_element_type3A_15 : vector<64x1xi32> to vector<64x128xi32>
    %le3A_928 = vector.broadcast %add3A_926 : vector<1x128xi32> to vector<64x128xi32>
    %le3A_929 = arith.cmpi sle, %le3A_927, %le3A_928 : vector<64x128xi32>
    %convert_element_type3A_930 = arith.extui %le3A_929 : vector<64x128xi1> to vector<64x128xi32>
    %reduce_sum3A_931 = arith.constant dense<0> : vector<128xi32>
    %reduce_sum3A_932 = vector.multi_reduction <add>, %convert_element_type3A_930, %reduce_sum3A_931 [0] : vector<64x128xi32> to vector<128xi32>
    %broadcast_in_dim3A_933 = vector.shape_cast %reduce_sum3A_932 : vector<128xi32> to vector<1x128xi32>
    %eq3A_934 = vector.broadcast %broadcast_in_dim3A_895 : vector<128x1xi32> to vector<128x128xi32>
    %eq3A_935 = vector.broadcast %broadcast_in_dim3A_922 : vector<1x128xi32> to vector<128x128xi32>
    %eq3A_936 = arith.cmpi eq, %eq3A_934, %eq3A_935 : vector<128x128xi32>
    %eq3A_937 = vector.broadcast %broadcast_in_dim3A_895 : vector<128x1xi32> to vector<128x128xi32>
    %eq3A_938 = vector.broadcast %broadcast_in_dim3A_933 : vector<1x128xi32> to vector<128x128xi32>
    %eq3A_939 = arith.cmpi eq, %eq3A_937, %eq3A_938 : vector<128x128xi32>
    %jit3A_940 = arith.constant -1.000000e+09 : f32
    %broadcast_in_dim3A_941 = vector.broadcast %jit3A_940 : f32 to vector<128x128xf32>
    %select_n3A_942 = arith.select %eq3A_936, %mul3A_879, %broadcast_in_dim3A_941 : vector<128x128xi1>, vector<128x128xf32>
    %jit3A_943 = arith.constant -1.000000e+09 : f32
    %broadcast_in_dim3A_944 = vector.broadcast %jit3A_943 : f32 to vector<128x128xf32>
    %select_n3A_945 = arith.select %eq3A_939, %mul3A_884, %broadcast_in_dim3A_944 : vector<128x128xi1>, vector<128x128xf32>
    %concatenate3A_946 = tpu.concatenate %select_n3A_942, %select_n3A_945 in 1 : vector<128x128xf32>, vector<128x128xf32> -> vector<128x256xf32>
    %reduce_max3A_947 = arith.constant dense<0xFF800000> : vector<128xf32>
    %reduce_max3A_948 = vector.multi_reduction <maximumf>, %concatenate3A_946, %reduce_max3A_947 [1] : vector<128x256xf32> to vector<128xf32>
    %broadcast_in_dim3A_949 = vector.shape_cast %reduce_max3A_948 : vector<128xf32> to vector<128x1xf32>
    %sub3A_950 = vector.broadcast %broadcast_in_dim3A_949 : vector<128x1xf32> to vector<128x256xf32>
    %sub3A_951 = arith.subf %concatenate3A_946, %sub3A_950 : vector<128x256xf32>
    %exp3A_952 = math.exp %sub3A_951 : vector<128x256xf32>
    %reduce_sum3A_953 = arith.constant dense<0.000000e+00> : vector<128xf32>
    %reduce_sum3A_954 = vector.multi_reduction <add>, %exp3A_952, %reduce_sum3A_953 [1] : vector<128x256xf32> to vector<128xf32>
    %broadcast_in_dim3A_955 = vector.shape_cast %reduce_sum3A_954 : vector<128xf32> to vector<128x1xf32>
    %div3A_956 = vector.broadcast %broadcast_in_dim3A_955 : vector<128x1xf32> to vector<128x256xf32>
    %div3A_957 = arith.divf %exp3A_952, %div3A_956 : vector<128x256xf32>
    %concatenate3A_958 = tpu.concatenate %eq3A_936, %eq3A_939 in 1 : vector<128x128xi1>, vector<128x128xi1> -> vector<128x256xi1>
    %convert_element_type3A_959 = arith.extui %concatenate3A_958 : vector<128x256xi1> to vector<128x256xi32>
    %convert_element_type3A_960 = arith.sitofp %convert_element_type3A_959 : vector<128x256xi32> to vector<128x256xf32>
    %reduce_max3A_961 = arith.constant dense<0xFF800000> : vector<128xf32>
    %reduce_max3A_962 = vector.multi_reduction <maximumf>, %convert_element_type3A_960, %reduce_max3A_961 [1] : vector<128x256xf32> to vector<128xf32>
    %broadcast_in_dim3A_963 = vector.shape_cast %reduce_max3A_962 : vector<128xf32> to vector<128x1xf32>
    %gt3A_964 = arith.constant 0.000000e+00 : f32
    %gt3A_965 = vector.broadcast %gt3A_964 : f32 to vector<128x1xf32>
    %gt3A_966 = arith.cmpf ogt, %broadcast_in_dim3A_963, %gt3A_965 : vector<128x1xf32>
    %jit3A_967 = arith.constant 0.000000e+00 : f32
    %broadcast_in_dim3A_968 = vector.shape_cast %gt3A_966 : vector<128x1xi1> to vector<128x1xi1>
    %broadcast_in_dim3A_969 = vector.broadcast %broadcast_in_dim3A_968 : vector<128x1xi1> to vector<128x256xi1>
    %broadcast_in_dim3A_970 = vector.broadcast %jit3A_967 : f32 to vector<128x256xf32>
    %select_n3A_971 = arith.select %broadcast_in_dim3A_969, %div3A_957, %broadcast_in_dim3A_970 : vector<128x256xi1>, vector<128x256xf32>
    %get3A_972 = arith.constant 0 : index
    %get3A_973 = arith.constant 5 : index
    %get3A_974 = arith.constant 0 : index
    %get3A_975 = arith.constant 0 : index
    %get3A_976 = vector.load %arg6[%get3A_972, %get3A_973, %get3A_974, %get3A_975] : memref<1x16x128x64xf32, #tpu.memory_space<vmem>>, vector<1x1x128x64xf32>
    %get3A_977 = vector.shape_cast %get3A_976 : vector<1x1x128x64xf32> to vector<128x64xf32>
    %get3A_978 = arith.constant 0 : index
    %get3A_979 = arith.constant 6 : index
    %get3A_980 = arith.constant 0 : index
    %get3A_981 = arith.constant 0 : index
    %get3A_982 = vector.load %arg6[%get3A_978, %get3A_979, %get3A_980, %get3A_981] : memref<1x16x128x64xf32, #tpu.memory_space<vmem>>, vector<1x1x128x64xf32>
    %get3A_983 = vector.shape_cast %get3A_982 : vector<1x1x128x64xf32> to vector<128x64xf32>
    %concatenate3A_984 = tpu.concatenate %get3A_977, %get3A_983 in 0 : vector<128x64xf32>, vector<128x64xf32> -> vector<256x64xf32>
    %convert_element_type3A_985 = arith.truncf %concatenate3A_984 : vector<256x64xf32> to vector<256x64xbf16>
    %convert_element_type3A_986 = arith.truncf %select_n3A_971 : vector<128x256xf32> to vector<128x256xbf16>
    %dot_general3A_987 = arith.constant dense<0.000000e+00> : vector<128x64xf32>
    %dot_general3A_988 = tpu.matmul %convert_element_type3A_986, %convert_element_type3A_985, %dot_general3A_987 {dimension_numbers = #tpu.dot_dimension_numbers<[1], [0], [0], [1], [0, 0, 1, 1], [], []>, transpose_lhs_hint = false} : vector<128x256xbf16>, vector<256x64xbf16>, vector<128x64xf32> -> vector<128x64xf32>
    %swap3A_989 = arith.constant 0 : index
    %swap3A_990 = arith.constant 6 : index
    %swap3A_991 = arith.constant 0 : index
    %swap3A_992 = arith.constant 0 : index
    %swap3A_993 = vector.load %arg9[%swap3A_989, %swap3A_990, %swap3A_991, %swap3A_992] : memref<1x16x128x64xf32, #tpu.memory_space<vmem>>, vector<1x1x128x64xf32>
    %swap3A_994 = vector.shape_cast %swap3A_993 : vector<1x1x128x64xf32> to vector<128x64xf32>
    %swap3A_995 = vector.shape_cast %dot_general3A_988 : vector<128x64xf32> to vector<1x1x128x64xf32>
    tpu.vector_store %arg9[%swap3A_989, %swap3A_990, %swap3A_991, %swap3A_992], %swap3A_995 {strides = array<i32>} : memref<1x16x128x64xf32, #tpu.memory_space<vmem>>, vector<1x1x128x64xf32>,
    %get3A_996 = arith.constant 0 : index
    %get3A_997 = arith.constant 7 : index
    %get3A_998 = arith.constant 0 : index
    %get3A_999 = arith.constant 0 : index
    %get3A_1000 = vector.load %arg2[%get3A_996, %get3A_997, %get3A_998, %get3A_999] : memref<1x16x128x64xf32, #tpu.memory_space<vmem>>, vector<1x1x128x64xf32>
    %get3A_1001 = vector.shape_cast %get3A_1000 : vector<1x1x128x64xf32> to vector<128x64xf32>
    %convert_element_type3A_1002 = arith.truncf %get3A_1001 : vector<128x64xf32> to vector<128x64xbf16>
    %get3A_1003 = arith.constant 0 : index
    %get3A_1004 = arith.constant 6 : index
    %get3A_1005 = arith.constant 0 : index
    %get3A_1006 = arith.constant 0 : index
    %get3A_1007 = vector.load %arg4[%get3A_1003, %get3A_1004, %get3A_1005, %get3A_1006] : memref<1x16x128x64xf32, #tpu.memory_space<vmem>>, vector<1x1x128x64xf32>
    %get3A_1008 = vector.shape_cast %get3A_1007 : vector<1x1x128x64xf32> to vector<128x64xf32>
    %convert_element_type3A_1009 = arith.truncf %get3A_1008 : vector<128x64xf32> to vector<128x64xbf16>
    %get3A_1010 = arith.constant 0 : index
    %get3A_1011 = arith.constant 7 : index
    %get3A_1012 = arith.constant 0 : index
    %get3A_1013 = arith.constant 0 : index
    %get3A_1014 = vector.load %arg4[%get3A_1010, %get3A_1011, %get3A_1012, %get3A_1013] : memref<1x16x128x64xf32, #tpu.memory_space<vmem>>, vector<1x1x128x64xf32>
    %get3A_1015 = vector.shape_cast %get3A_1014 : vector<1x1x128x64xf32> to vector<128x64xf32>
    %convert_element_type3A_1016 = arith.truncf %get3A_1015 : vector<128x64xf32> to vector<128x64xbf16>
    %dot_general3A_1017 = arith.constant dense<0.000000e+00> : vector<128x128xf32>
    %dot_general3A_1018 = tpu.matmul %convert_element_type3A_1002, %convert_element_type3A_1009, %dot_general3A_1017 {dimension_numbers = #tpu.dot_dimension_numbers<[1], [1], [0], [0], [0, 0, 1, 0], [], []>, transpose_lhs_hint = false} : vector<128x64xbf16>, vector<128x64xbf16>, vector<128x128xf32> -> vector<128x128xf32>
    %mul3A_1019 = arith.constant 1.250000e-01 : f32
    %mul3A_1020 = vector.broadcast %mul3A_1019 : f32 to vector<128x128xf32>
    %mul3A_1021 = arith.mulf %dot_general3A_1018, %mul3A_1020 : vector<128x128xf32>
    %dot_general3A_1022 = arith.constant dense<0.000000e+00> : vector<128x128xf32>
    %dot_general3A_1023 = tpu.matmul %convert_element_type3A_1002, %convert_element_type3A_1016, %dot_general3A_1022 {dimension_numbers = #tpu.dot_dimension_numbers<[1], [1], [0], [0], [0, 0, 1, 0], [], []>, transpose_lhs_hint = false} : vector<128x64xbf16>, vector<128x64xbf16>, vector<128x128xf32> -> vector<128x128xf32>
    %mul3A_1024 = arith.constant 1.250000e-01 : f32
    %mul3A_1025 = vector.broadcast %mul3A_1024 : f32 to vector<128x128xf32>
    %mul3A_1026 = arith.mulf %dot_general3A_1023, %mul3A_1025 : vector<128x128xf32>
    %add3A_1027 = arith.constant 896 : i32
    %add3A_1028 = arith.addi %mul3A_18, %add3A_1027 : i32
    %add3A_1029 = vector.broadcast %add3A_1028 : i32 to vector<128x1xi32>
    %add3A_1030 = arith.addi %add3A_1029, %iota3A : vector<128x1xi32>
    %le3A_1031 = vector.broadcast %get3A_4 : vector<1x64xi32> to vector<128x64xi32>
    %le3A_1032 = vector.broadcast %add3A_1030 : vector<128x1xi32> to vector<128x64xi32>
    %le3A_1033 = arith.cmpi sle, %le3A_1031, %le3A_1032 : vector<128x64xi32>
    %convert_element_type3A_1034 = arith.extui %le3A_1033 : vector<128x64xi1> to vector<128x64xi32>
    %reduce_sum3A_1035 = arith.constant dense<0> : vector<128xi32>
    %reduce_sum3A_1036 = vector.multi_reduction <add>, %convert_element_type3A_1034, %reduce_sum3A_1035 [1] : vector<128x64xi32> to vector<128xi32>
    %broadcast_in_dim3A_1037 = vector.shape_cast %reduce_sum3A_1036 : vector<128xi32> to vector<128x1xi32>
    %add3A_1038 = arith.constant 768 : i32
    %add3A_1039 = arith.addi %mul3A_18, %add3A_1038 : i32
    %jit3A_1040 = arith.constant 8192 : i32
    %eq3A_1041 = arith.constant 0 : i32
    %eq3A_1042 = arith.cmpi eq, %jit3A_1040, %eq3A_1041 : i32
    %jit3A_1043 = arith.constant 1 : i32
    %select_n3A_1044 = arith.select %eq3A_1042, %jit3A_1043, %jit3A_1040 : i32
    %rem3A_1045 = arith.remsi %add3A_1039, %select_n3A_1044 : i32
    %ne3A_1046 = arith.constant 0 : i32
    %ne3A_1047 = arith.cmpi ne, %rem3A_1045, %ne3A_1046 : i32
    %lt3A_1048 = arith.constant 0 : i32
    %lt3A_1049 = arith.cmpi slt, %rem3A_1045, %lt3A_1048 : i32
    %lt3A_1050 = arith.constant 0 : i32
    %lt3A_1051 = arith.cmpi slt, %select_n3A_1044, %lt3A_1050 : i32
    %ne3A_1052 = arith.xori %lt3A_1049, %lt3A_1051 : i1
    %and3A_1053 = arith.andi %ne3A_1052, %ne3A_1047 : i1
    %add3A_1054 = arith.addi %rem3A_1045, %select_n3A_1044 : i32
    %select_n3A_1055 = arith.select %and3A_1053, %add3A_1054, %rem3A_1045 : i32
    %add3A_1056 = vector.broadcast %select_n3A_1055 : i32 to vector<1x128xi32>
    %add3A_1057 = arith.addi %add3A_1056, %iota3A_0 : vector<1x128xi32>
    %le3A_1058 = vector.broadcast %convert_element_type3A_15 : vector<64x1xi32> to vector<64x128xi32>
    %le3A_1059 = vector.broadcast %add3A_1057 : vector<1x128xi32> to vector<64x128xi32>
    %le3A_1060 = arith.cmpi sle, %le3A_1058, %le3A_1059 : vector<64x128xi32>
    %convert_element_type3A_1061 = arith.extui %le3A_1060 : vector<64x128xi1> to vector<64x128xi32>
    %reduce_sum3A_1062 = arith.constant dense<0> : vector<128xi32>
    %reduce_sum3A_1063 = vector.multi_reduction <add>, %convert_element_type3A_1061, %reduce_sum3A_1062 [0] : vector<64x128xi32> to vector<128xi32>
    %broadcast_in_dim3A_1064 = vector.shape_cast %reduce_sum3A_1063 : vector<128xi32> to vector<1x128xi32>
    %add3A_1065 = arith.constant 896 : i32
    %add3A_1066 = arith.addi %mul3A_18, %add3A_1065 : i32
    %add3A_1067 = vector.broadcast %add3A_1066 : i32 to vector<1x128xi32>
    %add3A_1068 = arith.addi %add3A_1067, %iota3A_0 : vector<1x128xi32>
    %le3A_1069 = vector.broadcast %convert_element_type3A_15 : vector<64x1xi32> to vector<64x128xi32>
    %le3A_1070 = vector.broadcast %add3A_1068 : vector<1x128xi32> to vector<64x128xi32>
    %le3A_1071 = arith.cmpi sle, %le3A_1069, %le3A_1070 : vector<64x128xi32>
    %convert_element_type3A_1072 = arith.extui %le3A_1071 : vector<64x128xi1> to vector<64x128xi32>
    %reduce_sum3A_1073 = arith.constant dense<0> : vector<128xi32>
    %reduce_sum3A_1074 = vector.multi_reduction <add>, %convert_element_type3A_1072, %reduce_sum3A_1073 [0] : vector<64x128xi32> to vector<128xi32>
    %broadcast_in_dim3A_1075 = vector.shape_cast %reduce_sum3A_1074 : vector<128xi32> to vector<1x128xi32>
    %eq3A_1076 = vector.broadcast %broadcast_in_dim3A_1037 : vector<128x1xi32> to vector<128x128xi32>
    %eq3A_1077 = vector.broadcast %broadcast_in_dim3A_1064 : vector<1x128xi32> to vector<128x128xi32>
    %eq3A_1078 = arith.cmpi eq, %eq3A_1076, %eq3A_1077 : vector<128x128xi32>
    %eq3A_1079 = vector.broadcast %broadcast_in_dim3A_1037 : vector<128x1xi32> to vector<128x128xi32>
    %eq3A_1080 = vector.broadcast %broadcast_in_dim3A_1075 : vector<1x128xi32> to vector<128x128xi32>
    %eq3A_1081 = arith.cmpi eq, %eq3A_1079, %eq3A_1080 : vector<128x128xi32>
    %jit3A_1082 = arith.constant -1.000000e+09 : f32
    %broadcast_in_dim3A_1083 = vector.broadcast %jit3A_1082 : f32 to vector<128x128xf32>
    %select_n3A_1084 = arith.select %eq3A_1078, %mul3A_1021, %broadcast_in_dim3A_1083 : vector<128x128xi1>, vector<128x128xf32>
    %jit3A_1085 = arith.constant -1.000000e+09 : f32
    %broadcast_in_dim3A_1086 = vector.broadcast %jit3A_1085 : f32 to vector<128x128xf32>
    %select_n3A_1087 = arith.select %eq3A_1081, %mul3A_1026, %broadcast_in_dim3A_1086 : vector<128x128xi1>, vector<128x128xf32>
    %concatenate3A_1088 = tpu.concatenate %select_n3A_1084, %select_n3A_1087 in 1 : vector<128x128xf32>, vector<128x128xf32> -> vector<128x256xf32>
    %reduce_max3A_1089 = arith.constant dense<0xFF800000> : vector<128xf32>
    %reduce_max3A_1090 = vector.multi_reduction <maximumf>, %concatenate3A_1088, %reduce_max3A_1089 [1] : vector<128x256xf32> to vector<128xf32>
    %broadcast_in_dim3A_1091 = vector.shape_cast %reduce_max3A_1090 : vector<128xf32> to vector<128x1xf32>
    %sub3A_1092 = vector.broadcast %broadcast_in_dim3A_1091 : vector<128x1xf32> to vector<128x256xf32>
    %sub3A_1093 = arith.subf %concatenate3A_1088, %sub3A_1092 : vector<128x256xf32>
    %exp3A_1094 = math.exp %sub3A_1093 : vector<128x256xf32>
    %reduce_sum3A_1095 = arith.constant dense<0.000000e+00> : vector<128xf32>
    %reduce_sum3A_1096 = vector.multi_reduction <add>, %exp3A_1094, %reduce_sum3A_1095 [1] : vector<128x256xf32> to vector<128xf32>
    %broadcast_in_dim3A_1097 = vector.shape_cast %reduce_sum3A_1096 : vector<128xf32> to vector<128x1xf32>
    %div3A_1098 = vector.broadcast %broadcast_in_dim3A_1097 : vector<128x1xf32> to vector<128x256xf32>
    %div3A_1099 = arith.divf %exp3A_1094, %div3A_1098 : vector<128x256xf32>
    %concatenate3A_1100 = tpu.concatenate %eq3A_1078, %eq3A_1081 in 1 : vector<128x128xi1>, vector<128x128xi1> -> vector<128x256xi1>
    %convert_element_type3A_1101 = arith.extui %concatenate3A_1100 : vector<128x256xi1> to vector<128x256xi32>
    %convert_element_type3A_1102 = arith.sitofp %convert_element_type3A_1101 : vector<128x256xi32> to vector<128x256xf32>
    %reduce_max3A_1103 = arith.constant dense<0xFF800000> : vector<128xf32>
    %reduce_max3A_1104 = vector.multi_reduction <maximumf>, %convert_element_type3A_1102, %reduce_max3A_1103 [1] : vector<128x256xf32> to vector<128xf32>
    %broadcast_in_dim3A_1105 = vector.shape_cast %reduce_max3A_1104 : vector<128xf32> to vector<128x1xf32>
    %gt3A_1106 = arith.constant 0.000000e+00 : f32
    %gt3A_1107 = vector.broadcast %gt3A_1106 : f32 to vector<128x1xf32>
    %gt3A_1108 = arith.cmpf ogt, %broadcast_in_dim3A_1105, %gt3A_1107 : vector<128x1xf32>
    %jit3A_1109 = arith.constant 0.000000e+00 : f32
    %broadcast_in_dim3A_1110 = vector.shape_cast %gt3A_1108 : vector<128x1xi1> to vector<128x1xi1>
    %broadcast_in_dim3A_1111 = vector.broadcast %broadcast_in_dim3A_1110 : vector<128x1xi1> to vector<128x256xi1>
    %broadcast_in_dim3A_1112 = vector.broadcast %jit3A_1109 : f32 to vector<128x256xf32>
    %select_n3A_1113 = arith.select %broadcast_in_dim3A_1111, %div3A_1099, %broadcast_in_dim3A_1112 : vector<128x256xi1>, vector<128x256xf32>
    %get3A_1114 = arith.constant 0 : index
    %get3A_1115 = arith.constant 6 : index
    %get3A_1116 = arith.constant 0 : index
    %get3A_1117 = arith.constant 0 : index
    %get3A_1118 = vector.load %arg6[%get3A_1114, %get3A_1115, %get3A_1116, %get3A_1117] : memref<1x16x128x64xf32, #tpu.memory_space<vmem>>, vector<1x1x128x64xf32>
    %get3A_1119 = vector.shape_cast %get3A_1118 : vector<1x1x128x64xf32> to vector<128x64xf32>
    %get3A_1120 = arith.constant 0 : index
    %get3A_1121 = arith.constant 7 : index
    %get3A_1122 = arith.constant 0 : index
    %get3A_1123 = arith.constant 0 : index
    %get3A_1124 = vector.load %arg6[%get3A_1120, %get3A_1121, %get3A_1122, %get3A_1123] : memref<1x16x128x64xf32, #tpu.memory_space<vmem>>, vector<1x1x128x64xf32>
    %get3A_1125 = vector.shape_cast %get3A_1124 : vector<1x1x128x64xf32> to vector<128x64xf32>
    %concatenate3A_1126 = tpu.concatenate %get3A_1119, %get3A_1125 in 0 : vector<128x64xf32>, vector<128x64xf32> -> vector<256x64xf32>
    %convert_element_type3A_1127 = arith.truncf %concatenate3A_1126 : vector<256x64xf32> to vector<256x64xbf16>
    %convert_element_type3A_1128 = arith.truncf %select_n3A_1113 : vector<128x256xf32> to vector<128x256xbf16>
    %dot_general3A_1129 = arith.constant dense<0.000000e+00> : vector<128x64xf32>
    %dot_general3A_1130 = tpu.matmul %convert_element_type3A_1128, %convert_element_type3A_1127, %dot_general3A_1129 {dimension_numbers = #tpu.dot_dimension_numbers<[1], [0], [0], [1], [0, 0, 1, 1], [], []>, transpose_lhs_hint = false} : vector<128x256xbf16>, vector<256x64xbf16>, vector<128x64xf32> -> vector<128x64xf32>
    %swap3A_1131 = arith.constant 0 : index
    %swap3A_1132 = arith.constant 7 : index
    %swap3A_1133 = arith.constant 0 : index
    %swap3A_1134 = arith.constant 0 : index
    %swap3A_1135 = vector.load %arg9[%swap3A_1131, %swap3A_1132, %swap3A_1133, %swap3A_1134] : memref<1x16x128x64xf32, #tpu.memory_space<vmem>>, vector<1x1x128x64xf32>
    %swap3A_1136 = vector.shape_cast %swap3A_1135 : vector<1x1x128x64xf32> to vector<128x64xf32>
    %swap3A_1137 = vector.shape_cast %dot_general3A_1130 : vector<128x64xf32> to vector<1x1x128x64xf32>
    tpu.vector_store %arg9[%swap3A_1131, %swap3A_1132, %swap3A_1133, %swap3A_1134], %swap3A_1137 {strides = array<i32>} : memref<1x16x128x64xf32, #tpu.memory_space<vmem>>, vector<1x1x128x64xf32>,
    %get3A_1138 = arith.constant 0 : index
    %get3A_1139 = arith.constant 8 : index
    %get3A_1140 = arith.constant 0 : index
    %get3A_1141 = arith.constant 0 : index
    %get3A_1142 = vector.load %arg2[%get3A_1138, %get3A_1139, %get3A_1140, %get3A_1141] : memref<1x16x128x64xf32, #tpu.memory_space<vmem>>, vector<1x1x128x64xf32>
    %get3A_1143 = vector.shape_cast %get3A_1142 : vector<1x1x128x64xf32> to vector<128x64xf32>
    %convert_element_type3A_1144 = arith.truncf %get3A_1143 : vector<128x64xf32> to vector<128x64xbf16>
    %get3A_1145 = arith.constant 0 : index
    %get3A_1146 = arith.constant 7 : index
    %get3A_1147 = arith.constant 0 : index
    %get3A_1148 = arith.constant 0 : index
    %get3A_1149 = vector.load %arg4[%get3A_1145, %get3A_1146, %get3A_1147, %get3A_1148] : memref<1x16x128x64xf32, #tpu.memory_space<vmem>>, vector<1x1x128x64xf32>
    %get3A_1150 = vector.shape_cast %get3A_1149 : vector<1x1x128x64xf32> to vector<128x64xf32>
    %convert_element_type3A_1151 = arith.truncf %get3A_1150 : vector<128x64xf32> to vector<128x64xbf16>
    %get3A_1152 = arith.constant 0 : index
    %get3A_1153 = arith.constant 8 : index
    %get3A_1154 = arith.constant 0 : index
    %get3A_1155 = arith.constant 0 : index
    %get3A_1156 = vector.load %arg4[%get3A_1152, %get3A_1153, %get3A_1154, %get3A_1155] : memref<1x16x128x64xf32, #tpu.memory_space<vmem>>, vector<1x1x128x64xf32>
    %get3A_1157 = vector.shape_cast %get3A_1156 : vector<1x1x128x64xf32> to vector<128x64xf32>
    %convert_element_type3A_1158 = arith.truncf %get3A_1157 : vector<128x64xf32> to vector<128x64xbf16>
    %dot_general3A_1159 = arith.constant dense<0.000000e+00> : vector<128x128xf32>
    %dot_general3A_1160 = tpu.matmul %convert_element_type3A_1144, %convert_element_type3A_1151, %dot_general3A_1159 {dimension_numbers = #tpu.dot_dimension_numbers<[1], [1], [0], [0], [0, 0, 1, 0], [], []>, transpose_lhs_hint = false} : vector<128x64xbf16>, vector<128x64xbf16>, vector<128x128xf32> -> vector<128x128xf32>
    %mul3A_1161 = arith.constant 1.250000e-01 : f32
    %mul3A_1162 = vector.broadcast %mul3A_1161 : f32 to vector<128x128xf32>
    %mul3A_1163 = arith.mulf %dot_general3A_1160, %mul3A_1162 : vector<128x128xf32>
    %dot_general3A_1164 = arith.constant dense<0.000000e+00> : vector<128x128xf32>
    %dot_general3A_1165 = tpu.matmul %convert_element_type3A_1144, %convert_element_type3A_1158, %dot_general3A_1164 {dimension_numbers = #tpu.dot_dimension_numbers<[1], [1], [0], [0], [0, 0, 1, 0], [], []>, transpose_lhs_hint = false} : vector<128x64xbf16>, vector<128x64xbf16>, vector<128x128xf32> -> vector<128x128xf32>
    %mul3A_1166 = arith.constant 1.250000e-01 : f32
    %mul3A_1167 = vector.broadcast %mul3A_1166 : f32 to vector<128x128xf32>
    %mul3A_1168 = arith.mulf %dot_general3A_1165, %mul3A_1167 : vector<128x128xf32>
    %add3A_1169 = arith.constant 1024 : i32
    %add3A_1170 = arith.addi %mul3A_18, %add3A_1169 : i32
    %add3A_1171 = vector.broadcast %add3A_1170 : i32 to vector<128x1xi32>
    %add3A_1172 = arith.addi %add3A_1171, %iota3A : vector<128x1xi32>
    %le3A_1173 = vector.broadcast %get3A_4 : vector<1x64xi32> to vector<128x64xi32>
    %le3A_1174 = vector.broadcast %add3A_1172 : vector<128x1xi32> to vector<128x64xi32>
    %le3A_1175 = arith.cmpi sle, %le3A_1173, %le3A_1174 : vector<128x64xi32>
    %convert_element_type3A_1176 = arith.extui %le3A_1175 : vector<128x64xi1> to vector<128x64xi32>
    %reduce_sum3A_1177 = arith.constant dense<0> : vector<128xi32>
    %reduce_sum3A_1178 = vector.multi_reduction <add>, %convert_element_type3A_1176, %reduce_sum3A_1177 [1] : vector<128x64xi32> to vector<128xi32>
    %broadcast_in_dim3A_1179 = vector.shape_cast %reduce_sum3A_1178 : vector<128xi32> to vector<128x1xi32>
    %add3A_1180 = arith.constant 896 : i32
    %add3A_1181 = arith.addi %mul3A_18, %add3A_1180 : i32
    %jit3A_1182 = arith.constant 8192 : i32
    %eq3A_1183 = arith.constant 0 : i32
    %eq3A_1184 = arith.cmpi eq, %jit3A_1182, %eq3A_1183 : i32
    %jit3A_1185 = arith.constant 1 : i32
    %select_n3A_1186 = arith.select %eq3A_1184, %jit3A_1185, %jit3A_1182 : i32
    %rem3A_1187 = arith.remsi %add3A_1181, %select_n3A_1186 : i32
    %ne3A_1188 = arith.constant 0 : i32
    %ne3A_1189 = arith.cmpi ne, %rem3A_1187, %ne3A_1188 : i32
    %lt3A_1190 = arith.constant 0 : i32
    %lt3A_1191 = arith.cmpi slt, %rem3A_1187, %lt3A_1190 : i32
    %lt3A_1192 = arith.constant 0 : i32
    %lt3A_1193 = arith.cmpi slt, %select_n3A_1186, %lt3A_1192 : i32
    %ne3A_1194 = arith.xori %lt3A_1191, %lt3A_1193 : i1
    %and3A_1195 = arith.andi %ne3A_1194, %ne3A_1189 : i1
    %add3A_1196 = arith.addi %rem3A_1187, %select_n3A_1186 : i32
    %select_n3A_1197 = arith.select %and3A_1195, %add3A_1196, %rem3A_1187 : i32
    %add3A_1198 = vector.broadcast %select_n3A_1197 : i32 to vector<1x128xi32>
    %add3A_1199 = arith.addi %add3A_1198, %iota3A_0 : vector<1x128xi32>
    %le3A_1200 = vector.broadcast %convert_element_type3A_15 : vector<64x1xi32> to vector<64x128xi32>
    %le3A_1201 = vector.broadcast %add3A_1199 : vector<1x128xi32> to vector<64x128xi32>
    %le3A_1202 = arith.cmpi sle, %le3A_1200, %le3A_1201 : vector<64x128xi32>
    %convert_element_type3A_1203 = arith.extui %le3A_1202 : vector<64x128xi1> to vector<64x128xi32>
    %reduce_sum3A_1204 = arith.constant dense<0> : vector<128xi32>
    %reduce_sum3A_1205 = vector.multi_reduction <add>, %convert_element_type3A_1203, %reduce_sum3A_1204 [0] : vector<64x128xi32> to vector<128xi32>
    %broadcast_in_dim3A_1206 = vector.shape_cast %reduce_sum3A_1205 : vector<128xi32> to vector<1x128xi32>
    %add3A_1207 = arith.constant 1024 : i32
    %add3A_1208 = arith.addi %mul3A_18, %add3A_1207 : i32
    %add3A_1209 = vector.broadcast %add3A_1208 : i32 to vector<1x128xi32>
    %add3A_1210 = arith.addi %add3A_1209, %iota3A_0 : vector<1x128xi32>
    %le3A_1211 = vector.broadcast %convert_element_type3A_15 : vector<64x1xi32> to vector<64x128xi32>
    %le3A_1212 = vector.broadcast %add3A_1210 : vector<1x128xi32> to vector<64x128xi32>
    %le3A_1213 = arith.cmpi sle, %le3A_1211, %le3A_1212 : vector<64x128xi32>
    %convert_element_type3A_1214 = arith.extui %le3A_1213 : vector<64x128xi1> to vector<64x128xi32>
    %reduce_sum3A_1215 = arith.constant dense<0> : vector<128xi32>
    %reduce_sum3A_1216 = vector.multi_reduction <add>, %convert_element_type3A_1214, %reduce_sum3A_1215 [0] : vector<64x128xi32> to vector<128xi32>
    %broadcast_in_dim3A_1217 = vector.shape_cast %reduce_sum3A_1216 : vector<128xi32> to vector<1x128xi32>
    %eq3A_1218 = vector.broadcast %broadcast_in_dim3A_1179 : vector<128x1xi32> to vector<128x128xi32>
    %eq3A_1219 = vector.broadcast %broadcast_in_dim3A_1206 : vector<1x128xi32> to vector<128x128xi32>
    %eq3A_1220 = arith.cmpi eq, %eq3A_1218, %eq3A_1219 : vector<128x128xi32>
    %eq3A_1221 = vector.broadcast %broadcast_in_dim3A_1179 : vector<128x1xi32> to vector<128x128xi32>
    %eq3A_1222 = vector.broadcast %broadcast_in_dim3A_1217 : vector<1x128xi32> to vector<128x128xi32>
    %eq3A_1223 = arith.cmpi eq, %eq3A_1221, %eq3A_1222 : vector<128x128xi32>
    %jit3A_1224 = arith.constant -1.000000e+09 : f32
    %broadcast_in_dim3A_1225 = vector.broadcast %jit3A_1224 : f32 to vector<128x128xf32>
    %select_n3A_1226 = arith.select %eq3A_1220, %mul3A_1163, %broadcast_in_dim3A_1225 : vector<128x128xi1>, vector<128x128xf32>
    %jit3A_1227 = arith.constant -1.000000e+09 : f32
    %broadcast_in_dim3A_1228 = vector.broadcast %jit3A_1227 : f32 to vector<128x128xf32>
    %select_n3A_1229 = arith.select %eq3A_1223, %mul3A_1168, %broadcast_in_dim3A_1228 : vector<128x128xi1>, vector<128x128xf32>
    %concatenate3A_1230 = tpu.concatenate %select_n3A_1226, %select_n3A_1229 in 1 : vector<128x128xf32>, vector<128x128xf32> -> vector<128x256xf32>
    %reduce_max3A_1231 = arith.constant dense<0xFF800000> : vector<128xf32>
    %reduce_max3A_1232 = vector.multi_reduction <maximumf>, %concatenate3A_1230, %reduce_max3A_1231 [1] : vector<128x256xf32> to vector<128xf32>
    %broadcast_in_dim3A_1233 = vector.shape_cast %reduce_max3A_1232 : vector<128xf32> to vector<128x1xf32>
    %sub3A_1234 = vector.broadcast %broadcast_in_dim3A_1233 : vector<128x1xf32> to vector<128x256xf32>
    %sub3A_1235 = arith.subf %concatenate3A_1230, %sub3A_1234 : vector<128x256xf32>
    %exp3A_1236 = math.exp %sub3A_1235 : vector<128x256xf32>
    %reduce_sum3A_1237 = arith.constant dense<0.000000e+00> : vector<128xf32>
    %reduce_sum3A_1238 = vector.multi_reduction <add>, %exp3A_1236, %reduce_sum3A_1237 [1] : vector<128x256xf32> to vector<128xf32>
    %broadcast_in_dim3A_1239 = vector.shape_cast %reduce_sum3A_1238 : vector<128xf32> to vector<128x1xf32>
    %div3A_1240 = vector.broadcast %broadcast_in_dim3A_1239 : vector<128x1xf32> to vector<128x256xf32>
    %div3A_1241 = arith.divf %exp3A_1236, %div3A_1240 : vector<128x256xf32>
    %concatenate3A_1242 = tpu.concatenate %eq3A_1220, %eq3A_1223 in 1 : vector<128x128xi1>, vector<128x128xi1> -> vector<128x256xi1>
    %convert_element_type3A_1243 = arith.extui %concatenate3A_1242 : vector<128x256xi1> to vector<128x256xi32>
    %convert_element_type3A_1244 = arith.sitofp %convert_element_type3A_1243 : vector<128x256xi32> to vector<128x256xf32>
    %reduce_max3A_1245 = arith.constant dense<0xFF800000> : vector<128xf32>
    %reduce_max3A_1246 = vector.multi_reduction <maximumf>, %convert_element_type3A_1244, %reduce_max3A_1245 [1] : vector<128x256xf32> to vector<128xf32>
    %broadcast_in_dim3A_1247 = vector.shape_cast %reduce_max3A_1246 : vector<128xf32> to vector<128x1xf32>
    %gt3A_1248 = arith.constant 0.000000e+00 : f32
    %gt3A_1249 = vector.broadcast %gt3A_1248 : f32 to vector<128x1xf32>
    %gt3A_1250 = arith.cmpf ogt, %broadcast_in_dim3A_1247, %gt3A_1249 : vector<128x1xf32>
    %jit3A_1251 = arith.constant 0.000000e+00 : f32
    %broadcast_in_dim3A_1252 = vector.shape_cast %gt3A_1250 : vector<128x1xi1> to vector<128x1xi1>
    %broadcast_in_dim3A_1253 = vector.broadcast %broadcast_in_dim3A_1252 : vector<128x1xi1> to vector<128x256xi1>
    %broadcast_in_dim3A_1254 = vector.broadcast %jit3A_1251 : f32 to vector<128x256xf32>
    %select_n3A_1255 = arith.select %broadcast_in_dim3A_1253, %div3A_1241, %broadcast_in_dim3A_1254 : vector<128x256xi1>, vector<128x256xf32>
    %get3A_1256 = arith.constant 0 : index
    %get3A_1257 = arith.constant 7 : index
    %get3A_1258 = arith.constant 0 : index
    %get3A_1259 = arith.constant 0 : index
    %get3A_1260 = vector.load %arg6[%get3A_1256, %get3A_1257, %get3A_1258, %get3A_1259] : memref<1x16x128x64xf32, #tpu.memory_space<vmem>>, vector<1x1x128x64xf32>
    %get3A_1261 = vector.shape_cast %get3A_1260 : vector<1x1x128x64xf32> to vector<128x64xf32>
    %get3A_1262 = arith.constant 0 : index
    %get3A_1263 = arith.constant 8 : index
    %get3A_1264 = arith.constant 0 : index
    %get3A_1265 = arith.constant 0 : index
    %get3A_1266 = vector.load %arg6[%get3A_1262, %get3A_1263, %get3A_1264, %get3A_1265] : memref<1x16x128x64xf32, #tpu.memory_space<vmem>>, vector<1x1x128x64xf32>
    %get3A_1267 = vector.shape_cast %get3A_1266 : vector<1x1x128x64xf32> to vector<128x64xf32>
    %concatenate3A_1268 = tpu.concatenate %get3A_1261, %get3A_1267 in 0 : vector<128x64xf32>, vector<128x64xf32> -> vector<256x64xf32>
    %convert_element_type3A_1269 = arith.truncf %concatenate3A_1268 : vector<256x64xf32> to vector<256x64xbf16>
    %convert_element_type3A_1270 = arith.truncf %select_n3A_1255 : vector<128x256xf32> to vector<128x256xbf16>
    %dot_general3A_1271 = arith.constant dense<0.000000e+00> : vector<128x64xf32>
    %dot_general3A_1272 = tpu.matmul %convert_element_type3A_1270, %convert_element_type3A_1269, %dot_general3A_1271 {dimension_numbers = #tpu.dot_dimension_numbers<[1], [0], [0], [1], [0, 0, 1, 1], [], []>, transpose_lhs_hint = false} : vector<128x256xbf16>, vector<256x64xbf16>, vector<128x64xf32> -> vector<128x64xf32>
    %swap3A_1273 = arith.constant 0 : index
    %swap3A_1274 = arith.constant 8 : index
    %swap3A_1275 = arith.constant 0 : index
    %swap3A_1276 = arith.constant 0 : index
    %swap3A_1277 = vector.load %arg9[%swap3A_1273, %swap3A_1274, %swap3A_1275, %swap3A_1276] : memref<1x16x128x64xf32, #tpu.memory_space<vmem>>, vector<1x1x128x64xf32>
    %swap3A_1278 = vector.shape_cast %swap3A_1277 : vector<1x1x128x64xf32> to vector<128x64xf32>
    %swap3A_1279 = vector.shape_cast %dot_general3A_1272 : vector<128x64xf32> to vector<1x1x128x64xf32>
    tpu.vector_store %arg9[%swap3A_1273, %swap3A_1274, %swap3A_1275, %swap3A_1276], %swap3A_1279 {strides = array<i32>} : memref<1x16x128x64xf32, #tpu.memory_space<vmem>>, vector<1x1x128x64xf32>,
    %get3A_1280 = arith.constant 0 : index
    %get3A_1281 = arith.constant 9 : index
    %get3A_1282 = arith.constant 0 : index
    %get3A_1283 = arith.constant 0 : index
    %get3A_1284 = vector.load %arg2[%get3A_1280, %get3A_1281, %get3A_1282, %get3A_1283] : memref<1x16x128x64xf32, #tpu.memory_space<vmem>>, vector<1x1x128x64xf32>
    %get3A_1285 = vector.shape_cast %get3A_1284 : vector<1x1x128x64xf32> to vector<128x64xf32>
    %convert_element_type3A_1286 = arith.truncf %get3A_1285 : vector<128x64xf32> to vector<128x64xbf16>
    %get3A_1287 = arith.constant 0 : index
    %get3A_1288 = arith.constant 8 : index
    %get3A_1289 = arith.constant 0 : index
    %get3A_1290 = arith.constant 0 : index
    %get3A_1291 = vector.load %arg4[%get3A_1287, %get3A_1288, %get3A_1289, %get3A_1290] : memref<1x16x128x64xf32, #tpu.memory_space<vmem>>, vector<1x1x128x64xf32>
    %get3A_1292 = vector.shape_cast %get3A_1291 : vector<1x1x128x64xf32> to vector<128x64xf32>
    %convert_element_type3A_1293 = arith.truncf %get3A_1292 : vector<128x64xf32> to vector<128x64xbf16>
    %get3A_1294 = arith.constant 0 : index
    %get3A_1295 = arith.constant 9 : index
    %get3A_1296 = arith.constant 0 : index
    %get3A_1297 = arith.constant 0 : index
    %get3A_1298 = vector.load %arg4[%get3A_1294, %get3A_1295, %get3A_1296, %get3A_1297] : memref<1x16x128x64xf32, #tpu.memory_space<vmem>>, vector<1x1x128x64xf32>
    %get3A_1299 = vector.shape_cast %get3A_1298 : vector<1x1x128x64xf32> to vector<128x64xf32>
    %convert_element_type3A_1300 = arith.truncf %get3A_1299 : vector<128x64xf32> to vector<128x64xbf16>
    %dot_general3A_1301 = arith.constant dense<0.000000e+00> : vector<128x128xf32>
    %dot_general3A_1302 = tpu.matmul %convert_element_type3A_1286, %convert_element_type3A_1293, %dot_general3A_1301 {dimension_numbers = #tpu.dot_dimension_numbers<[1], [1], [0], [0], [0, 0, 1, 0], [], []>, transpose_lhs_hint = false} : vector<128x64xbf16>, vector<128x64xbf16>, vector<128x128xf32> -> vector<128x128xf32>
    %mul3A_1303 = arith.constant 1.250000e-01 : f32
    %mul3A_1304 = vector.broadcast %mul3A_1303 : f32 to vector<128x128xf32>
    %mul3A_1305 = arith.mulf %dot_general3A_1302, %mul3A_1304 : vector<128x128xf32>
    %dot_general3A_1306 = arith.constant dense<0.000000e+00> : vector<128x128xf32>
    %dot_general3A_1307 = tpu.matmul %convert_element_type3A_1286, %convert_element_type3A_1300, %dot_general3A_1306 {dimension_numbers = #tpu.dot_dimension_numbers<[1], [1], [0], [0], [0, 0, 1, 0], [], []>, transpose_lhs_hint = false} : vector<128x64xbf16>, vector<128x64xbf16>, vector<128x128xf32> -> vector<128x128xf32>
    %mul3A_1308 = arith.constant 1.250000e-01 : f32
    %mul3A_1309 = vector.broadcast %mul3A_1308 : f32 to vector<128x128xf32>
    %mul3A_1310 = arith.mulf %dot_general3A_1307, %mul3A_1309 : vector<128x128xf32>
    %add3A_1311 = arith.constant 1152 : i32
    %add3A_1312 = arith.addi %mul3A_18, %add3A_1311 : i32
    %add3A_1313 = vector.broadcast %add3A_1312 : i32 to vector<128x1xi32>
    %add3A_1314 = arith.addi %add3A_1313, %iota3A : vector<128x1xi32>
    %le3A_1315 = vector.broadcast %get3A_4 : vector<1x64xi32> to vector<128x64xi32>
    %le3A_1316 = vector.broadcast %add3A_1314 : vector<128x1xi32> to vector<128x64xi32>
    %le3A_1317 = arith.cmpi sle, %le3A_1315, %le3A_1316 : vector<128x64xi32>
    %convert_element_type3A_1318 = arith.extui %le3A_1317 : vector<128x64xi1> to vector<128x64xi32>
    %reduce_sum3A_1319 = arith.constant dense<0> : vector<128xi32>
    %reduce_sum3A_1320 = vector.multi_reduction <add>, %convert_element_type3A_1318, %reduce_sum3A_1319 [1] : vector<128x64xi32> to vector<128xi32>
    %broadcast_in_dim3A_1321 = vector.shape_cast %reduce_sum3A_1320 : vector<128xi32> to vector<128x1xi32>
    %add3A_1322 = arith.constant 1024 : i32
    %add3A_1323 = arith.addi %mul3A_18, %add3A_1322 : i32
    %jit3A_1324 = arith.constant 8192 : i32
    %eq3A_1325 = arith.constant 0 : i32
    %eq3A_1326 = arith.cmpi eq, %jit3A_1324, %eq3A_1325 : i32
    %jit3A_1327 = arith.constant 1 : i32
    %select_n3A_1328 = arith.select %eq3A_1326, %jit3A_1327, %jit3A_1324 : i32
    %rem3A_1329 = arith.remsi %add3A_1323, %select_n3A_1328 : i32
    %ne3A_1330 = arith.constant 0 : i32
    %ne3A_1331 = arith.cmpi ne, %rem3A_1329, %ne3A_1330 : i32
    %lt3A_1332 = arith.constant 0 : i32
    %lt3A_1333 = arith.cmpi slt, %rem3A_1329, %lt3A_1332 : i32
    %lt3A_1334 = arith.constant 0 : i32
    %lt3A_1335 = arith.cmpi slt, %select_n3A_1328, %lt3A_1334 : i32
    %ne3A_1336 = arith.xori %lt3A_1333, %lt3A_1335 : i1
    %and3A_1337 = arith.andi %ne3A_1336, %ne3A_1331 : i1
    %add3A_1338 = arith.addi %rem3A_1329, %select_n3A_1328 : i32
    %select_n3A_1339 = arith.select %and3A_1337, %add3A_1338, %rem3A_1329 : i32
    %add3A_1340 = vector.broadcast %select_n3A_1339 : i32 to vector<1x128xi32>
    %add3A_1341 = arith.addi %add3A_1340, %iota3A_0 : vector<1x128xi32>
    %le3A_1342 = vector.broadcast %convert_element_type3A_15 : vector<64x1xi32> to vector<64x128xi32>
    %le3A_1343 = vector.broadcast %add3A_1341 : vector<1x128xi32> to vector<64x128xi32>
    %le3A_1344 = arith.cmpi sle, %le3A_1342, %le3A_1343 : vector<64x128xi32>
    %convert_element_type3A_1345 = arith.extui %le3A_1344 : vector<64x128xi1> to vector<64x128xi32>
    %reduce_sum3A_1346 = arith.constant dense<0> : vector<128xi32>
    %reduce_sum3A_1347 = vector.multi_reduction <add>, %convert_element_type3A_1345, %reduce_sum3A_1346 [0] : vector<64x128xi32> to vector<128xi32>
    %broadcast_in_dim3A_1348 = vector.shape_cast %reduce_sum3A_1347 : vector<128xi32> to vector<1x128xi32>
    %add3A_1349 = arith.constant 1152 : i32
    %add3A_1350 = arith.addi %mul3A_18, %add3A_1349 : i32
    %add3A_1351 = vector.broadcast %add3A_1350 : i32 to vector<1x128xi32>
    %add3A_1352 = arith.addi %add3A_1351, %iota3A_0 : vector<1x128xi32>
    %le3A_1353 = vector.broadcast %convert_element_type3A_15 : vector<64x1xi32> to vector<64x128xi32>
    %le3A_1354 = vector.broadcast %add3A_1352 : vector<1x128xi32> to vector<64x128xi32>
    %le3A_1355 = arith.cmpi sle, %le3A_1353, %le3A_1354 : vector<64x128xi32>
    %convert_element_type3A_1356 = arith.extui %le3A_1355 : vector<64x128xi1> to vector<64x128xi32>
    %reduce_sum3A_1357 = arith.constant dense<0> : vector<128xi32>
    %reduce_sum3A_1358 = vector.multi_reduction <add>, %convert_element_type3A_1356, %reduce_sum3A_1357 [0] : vector<64x128xi32> to vector<128xi32>
    %broadcast_in_dim3A_1359 = vector.shape_cast %reduce_sum3A_1358 : vector<128xi32> to vector<1x128xi32>
    %eq3A_1360 = vector.broadcast %broadcast_in_dim3A_1321 : vector<128x1xi32> to vector<128x128xi32>
    %eq3A_1361 = vector.broadcast %broadcast_in_dim3A_1348 : vector<1x128xi32> to vector<128x128xi32>
    %eq3A_1362 = arith.cmpi eq, %eq3A_1360, %eq3A_1361 : vector<128x128xi32>
    %eq3A_1363 = vector.broadcast %broadcast_in_dim3A_1321 : vector<128x1xi32> to vector<128x128xi32>
    %eq3A_1364 = vector.broadcast %broadcast_in_dim3A_1359 : vector<1x128xi32> to vector<128x128xi32>
    %eq3A_1365 = arith.cmpi eq, %eq3A_1363, %eq3A_1364 : vector<128x128xi32>
    %jit3A_1366 = arith.constant -1.000000e+09 : f32
    %broadcast_in_dim3A_1367 = vector.broadcast %jit3A_1366 : f32 to vector<128x128xf32>
    %select_n3A_1368 = arith.select %eq3A_1362, %mul3A_1305, %broadcast_in_dim3A_1367 : vector<128x128xi1>, vector<128x128xf32>
    %jit3A_1369 = arith.constant -1.000000e+09 : f32
    %broadcast_in_dim3A_1370 = vector.broadcast %jit3A_1369 : f32 to vector<128x128xf32>
    %select_n3A_1371 = arith.select %eq3A_1365, %mul3A_1310, %broadcast_in_dim3A_1370 : vector<128x128xi1>, vector<128x128xf32>
    %concatenate3A_1372 = tpu.concatenate %select_n3A_1368, %select_n3A_1371 in 1 : vector<128x128xf32>, vector<128x128xf32> -> vector<128x256xf32>
    %reduce_max3A_1373 = arith.constant dense<0xFF800000> : vector<128xf32>
    %reduce_max3A_1374 = vector.multi_reduction <maximumf>, %concatenate3A_1372, %reduce_max3A_1373 [1] : vector<128x256xf32> to vector<128xf32>
    %broadcast_in_dim3A_1375 = vector.shape_cast %reduce_max3A_1374 : vector<128xf32> to vector<128x1xf32>
    %sub3A_1376 = vector.broadcast %broadcast_in_dim3A_1375 : vector<128x1xf32> to vector<128x256xf32>
    %sub3A_1377 = arith.subf %concatenate3A_1372, %sub3A_1376 : vector<128x256xf32>
    %exp3A_1378 = math.exp %sub3A_1377 : vector<128x256xf32>
    %reduce_sum3A_1379 = arith.constant dense<0.000000e+00> : vector<128xf32>
    %reduce_sum3A_1380 = vector.multi_reduction <add>, %exp3A_1378, %reduce_sum3A_1379 [1] : vector<128x256xf32> to vector<128xf32>
    %broadcast_in_dim3A_1381 = vector.shape_cast %reduce_sum3A_1380 : vector<128xf32> to vector<128x1xf32>
    %div3A_1382 = vector.broadcast %broadcast_in_dim3A_1381 : vector<128x1xf32> to vector<128x256xf32>
    %div3A_1383 = arith.divf %exp3A_1378, %div3A_1382 : vector<128x256xf32>
    %concatenate3A_1384 = tpu.concatenate %eq3A_1362, %eq3A_1365 in 1 : vector<128x128xi1>, vector<128x128xi1> -> vector<128x256xi1>
    %convert_element_type3A_1385 = arith.extui %concatenate3A_1384 : vector<128x256xi1> to vector<128x256xi32>
    %convert_element_type3A_1386 = arith.sitofp %convert_element_type3A_1385 : vector<128x256xi32> to vector<128x256xf32>
    %reduce_max3A_1387 = arith.constant dense<0xFF800000> : vector<128xf32>
    %reduce_max3A_1388 = vector.multi_reduction <maximumf>, %convert_element_type3A_1386, %reduce_max3A_1387 [1] : vector<128x256xf32> to vector<128xf32>
    %broadcast_in_dim3A_1389 = vector.shape_cast %reduce_max3A_1388 : vector<128xf32> to vector<128x1xf32>
    %gt3A_1390 = arith.constant 0.000000e+00 : f32
    %gt3A_1391 = vector.broadcast %gt3A_1390 : f32 to vector<128x1xf32>
    %gt3A_1392 = arith.cmpf ogt, %broadcast_in_dim3A_1389, %gt3A_1391 : vector<128x1xf32>
    %jit3A_1393 = arith.constant 0.000000e+00 : f32
    %broadcast_in_dim3A_1394 = vector.shape_cast %gt3A_1392 : vector<128x1xi1> to vector<128x1xi1>
    %broadcast_in_dim3A_1395 = vector.broadcast %broadcast_in_dim3A_1394 : vector<128x1xi1> to vector<128x256xi1>
    %broadcast_in_dim3A_1396 = vector.broadcast %jit3A_1393 : f32 to vector<128x256xf32>
    %select_n3A_1397 = arith.select %broadcast_in_dim3A_1395, %div3A_1383, %broadcast_in_dim3A_1396 : vector<128x256xi1>, vector<128x256xf32>
    %get3A_1398 = arith.constant 0 : index
    %get3A_1399 = arith.constant 8 : index
    %get3A_1400 = arith.constant 0 : index
    %get3A_1401 = arith.constant 0 : index
    %get3A_1402 = vector.load %arg6[%get3A_1398, %get3A_1399, %get3A_1400, %get3A_1401] : memref<1x16x128x64xf32, #tpu.memory_space<vmem>>, vector<1x1x128x64xf32>
    %get3A_1403 = vector.shape_cast %get3A_1402 : vector<1x1x128x64xf32> to vector<128x64xf32>
    %get3A_1404 = arith.constant 0 : index
    %get3A_1405 = arith.constant 9 : index
    %get3A_1406 = arith.constant 0 : index
    %get3A_1407 = arith.constant 0 : index
    %get3A_1408 = vector.load %arg6[%get3A_1404, %get3A_1405, %get3A_1406, %get3A_1407] : memref<1x16x128x64xf32, #tpu.memory_space<vmem>>, vector<1x1x128x64xf32>
    %get3A_1409 = vector.shape_cast %get3A_1408 : vector<1x1x128x64xf32> to vector<128x64xf32>
    %concatenate3A_1410 = tpu.concatenate %get3A_1403, %get3A_1409 in 0 : vector<128x64xf32>, vector<128x64xf32> -> vector<256x64xf32>
    %convert_element_type3A_1411 = arith.truncf %concatenate3A_1410 : vector<256x64xf32> to vector<256x64xbf16>
    %convert_element_type3A_1412 = arith.truncf %select_n3A_1397 : vector<128x256xf32> to vector<128x256xbf16>
    %dot_general3A_1413 = arith.constant dense<0.000000e+00> : vector<128x64xf32>
    %dot_general3A_1414 = tpu.matmul %convert_element_type3A_1412, %convert_element_type3A_1411, %dot_general3A_1413 {dimension_numbers = #tpu.dot_dimension_numbers<[1], [0], [0], [1], [0, 0, 1, 1], [], []>, transpose_lhs_hint = false} : vector<128x256xbf16>, vector<256x64xbf16>, vector<128x64xf32> -> vector<128x64xf32>
    %swap3A_1415 = arith.constant 0 : index
    %swap3A_1416 = arith.constant 9 : index
    %swap3A_1417 = arith.constant 0 : index
    %swap3A_1418 = arith.constant 0 : index
    %swap3A_1419 = vector.load %arg9[%swap3A_1415, %swap3A_1416, %swap3A_1417, %swap3A_1418] : memref<1x16x128x64xf32, #tpu.memory_space<vmem>>, vector<1x1x128x64xf32>
    %swap3A_1420 = vector.shape_cast %swap3A_1419 : vector<1x1x128x64xf32> to vector<128x64xf32>
    %swap3A_1421 = vector.shape_cast %dot_general3A_1414 : vector<128x64xf32> to vector<1x1x128x64xf32>
    tpu.vector_store %arg9[%swap3A_1415, %swap3A_1416, %swap3A_1417, %swap3A_1418], %swap3A_1421 {strides = array<i32>} : memref<1x16x128x64xf32, #tpu.memory_space<vmem>>, vector<1x1x128x64xf32>,
    %get3A_1422 = arith.constant 0 : index
    %get3A_1423 = arith.constant 10 : index
    %get3A_1424 = arith.constant 0 : index
    %get3A_1425 = arith.constant 0 : index
    %get3A_1426 = vector.load %arg2[%get3A_1422, %get3A_1423, %get3A_1424, %get3A_1425] : memref<1x16x128x64xf32, #tpu.memory_space<vmem>>, vector<1x1x128x64xf32>
    %get3A_1427 = vector.shape_cast %get3A_1426 : vector<1x1x128x64xf32> to vector<128x64xf32>
    %convert_element_type3A_1428 = arith.truncf %get3A_1427 : vector<128x64xf32> to vector<128x64xbf16>
    %get3A_1429 = arith.constant 0 : index
    %get3A_1430 = arith.constant 9 : index
    %get3A_1431 = arith.constant 0 : index
    %get3A_1432 = arith.constant 0 : index
    %get3A_1433 = vector.load %arg4[%get3A_1429, %get3A_1430, %get3A_1431, %get3A_1432] : memref<1x16x128x64xf32, #tpu.memory_space<vmem>>, vector<1x1x128x64xf32>
    %get3A_1434 = vector.shape_cast %get3A_1433 : vector<1x1x128x64xf32> to vector<128x64xf32>
    %convert_element_type3A_1435 = arith.truncf %get3A_1434 : vector<128x64xf32> to vector<128x64xbf16>
    %get3A_1436 = arith.constant 0 : index
    %get3A_1437 = arith.constant 10 : index
    %get3A_1438 = arith.constant 0 : index
    %get3A_1439 = arith.constant 0 : index
    %get3A_1440 = vector.load %arg4[%get3A_1436, %get3A_1437, %get3A_1438, %get3A_1439] : memref<1x16x128x64xf32, #tpu.memory_space<vmem>>, vector<1x1x128x64xf32>
    %get3A_1441 = vector.shape_cast %get3A_1440 : vector<1x1x128x64xf32> to vector<128x64xf32>
    %convert_element_type3A_1442 = arith.truncf %get3A_1441 : vector<128x64xf32> to vector<128x64xbf16>
    %dot_general3A_1443 = arith.constant dense<0.000000e+00> : vector<128x128xf32>
    %dot_general3A_1444 = tpu.matmul %convert_element_type3A_1428, %convert_element_type3A_1435, %dot_general3A_1443 {dimension_numbers = #tpu.dot_dimension_numbers<[1], [1], [0], [0], [0, 0, 1, 0], [], []>, transpose_lhs_hint = false} : vector<128x64xbf16>, vector<128x64xbf16>, vector<128x128xf32> -> vector<128x128xf32>
    %mul3A_1445 = arith.constant 1.250000e-01 : f32
    %mul3A_1446 = vector.broadcast %mul3A_1445 : f32 to vector<128x128xf32>
    %mul3A_1447 = arith.mulf %dot_general3A_1444, %mul3A_1446 : vector<128x128xf32>
    %dot_general3A_1448 = arith.constant dense<0.000000e+00> : vector<128x128xf32>
    %dot_general3A_1449 = tpu.matmul %convert_element_type3A_1428, %convert_element_type3A_1442, %dot_general3A_1448 {dimension_numbers = #tpu.dot_dimension_numbers<[1], [1], [0], [0], [0, 0, 1, 0], [], []>, transpose_lhs_hint = false} : vector<128x64xbf16>, vector<128x64xbf16>, vector<128x128xf32> -> vector<128x128xf32>
    %mul3A_1450 = arith.constant 1.250000e-01 : f32
    %mul3A_1451 = vector.broadcast %mul3A_1450 : f32 to vector<128x128xf32>
    %mul3A_1452 = arith.mulf %dot_general3A_1449, %mul3A_1451 : vector<128x128xf32>
    %add3A_1453 = arith.constant 1280 : i32
    %add3A_1454 = arith.addi %mul3A_18, %add3A_1453 : i32
    %add3A_1455 = vector.broadcast %add3A_1454 : i32 to vector<128x1xi32>
    %add3A_1456 = arith.addi %add3A_1455, %iota3A : vector<128x1xi32>
    %le3A_1457 = vector.broadcast %get3A_4 : vector<1x64xi32> to vector<128x64xi32>
    %le3A_1458 = vector.broadcast %add3A_1456 : vector<128x1xi32> to vector<128x64xi32>
    %le3A_1459 = arith.cmpi sle, %le3A_1457, %le3A_1458 : vector<128x64xi32>
    %convert_element_type3A_1460 = arith.extui %le3A_1459 : vector<128x64xi1> to vector<128x64xi32>
    %reduce_sum3A_1461 = arith.constant dense<0> : vector<128xi32>
    %reduce_sum3A_1462 = vector.multi_reduction <add>, %convert_element_type3A_1460, %reduce_sum3A_1461 [1] : vector<128x64xi32> to vector<128xi32>
    %broadcast_in_dim3A_1463 = vector.shape_cast %reduce_sum3A_1462 : vector<128xi32> to vector<128x1xi32>
    %add3A_1464 = arith.constant 1152 : i32
    %add3A_1465 = arith.addi %mul3A_18, %add3A_1464 : i32
    %jit3A_1466 = arith.constant 8192 : i32
    %eq3A_1467 = arith.constant 0 : i32
    %eq3A_1468 = arith.cmpi eq, %jit3A_1466, %eq3A_1467 : i32
    %jit3A_1469 = arith.constant 1 : i32
    %select_n3A_1470 = arith.select %eq3A_1468, %jit3A_1469, %jit3A_1466 : i32
    %rem3A_1471 = arith.remsi %add3A_1465, %select_n3A_1470 : i32
    %ne3A_1472 = arith.constant 0 : i32
    %ne3A_1473 = arith.cmpi ne, %rem3A_1471, %ne3A_1472 : i32
    %lt3A_1474 = arith.constant 0 : i32
    %lt3A_1475 = arith.cmpi slt, %rem3A_1471, %lt3A_1474 : i32
    %lt3A_1476 = arith.constant 0 : i32
    %lt3A_1477 = arith.cmpi slt, %select_n3A_1470, %lt3A_1476 : i32
    %ne3A_1478 = arith.xori %lt3A_1475, %lt3A_1477 : i1
    %and3A_1479 = arith.andi %ne3A_1478, %ne3A_1473 : i1
    %add3A_1480 = arith.addi %rem3A_1471, %select_n3A_1470 : i32
    %select_n3A_1481 = arith.select %and3A_1479, %add3A_1480, %rem3A_1471 : i32
    %add3A_1482 = vector.broadcast %select_n3A_1481 : i32 to vector<1x128xi32>
    %add3A_1483 = arith.addi %add3A_1482, %iota3A_0 : vector<1x128xi32>
    %le3A_1484 = vector.broadcast %convert_element_type3A_15 : vector<64x1xi32> to vector<64x128xi32>
    %le3A_1485 = vector.broadcast %add3A_1483 : vector<1x128xi32> to vector<64x128xi32>
    %le3A_1486 = arith.cmpi sle, %le3A_1484, %le3A_1485 : vector<64x128xi32>
    %convert_element_type3A_1487 = arith.extui %le3A_1486 : vector<64x128xi1> to vector<64x128xi32>
    %reduce_sum3A_1488 = arith.constant dense<0> : vector<128xi32>
    %reduce_sum3A_1489 = vector.multi_reduction <add>, %convert_element_type3A_1487, %reduce_sum3A_1488 [0] : vector<64x128xi32> to vector<128xi32>
    %broadcast_in_dim3A_1490 = vector.shape_cast %reduce_sum3A_1489 : vector<128xi32> to vector<1x128xi32>
    %add3A_1491 = arith.constant 1280 : i32
    %add3A_1492 = arith.addi %mul3A_18, %add3A_1491 : i32
    %add3A_1493 = vector.broadcast %add3A_1492 : i32 to vector<1x128xi32>
    %add3A_1494 = arith.addi %add3A_1493, %iota3A_0 : vector<1x128xi32>
    %le3A_1495 = vector.broadcast %convert_element_type3A_15 : vector<64x1xi32> to vector<64x128xi32>
    %le3A_1496 = vector.broadcast %add3A_1494 : vector<1x128xi32> to vector<64x128xi32>
    %le3A_1497 = arith.cmpi sle, %le3A_1495, %le3A_1496 : vector<64x128xi32>
    %convert_element_type3A_1498 = arith.extui %le3A_1497 : vector<64x128xi1> to vector<64x128xi32>
    %reduce_sum3A_1499 = arith.constant dense<0> : vector<128xi32>
    %reduce_sum3A_1500 = vector.multi_reduction <add>, %convert_element_type3A_1498, %reduce_sum3A_1499 [0] : vector<64x128xi32> to vector<128xi32>
    %broadcast_in_dim3A_1501 = vector.shape_cast %reduce_sum3A_1500 : vector<128xi32> to vector<1x128xi32>
    %eq3A_1502 = vector.broadcast %broadcast_in_dim3A_1463 : vector<128x1xi32> to vector<128x128xi32>
    %eq3A_1503 = vector.broadcast %broadcast_in_dim3A_1490 : vector<1x128xi32> to vector<128x128xi32>
    %eq3A_1504 = arith.cmpi eq, %eq3A_1502, %eq3A_1503 : vector<128x128xi32>
    %eq3A_1505 = vector.broadcast %broadcast_in_dim3A_1463 : vector<128x1xi32> to vector<128x128xi32>
    %eq3A_1506 = vector.broadcast %broadcast_in_dim3A_1501 : vector<1x128xi32> to vector<128x128xi32>
    %eq3A_1507 = arith.cmpi eq, %eq3A_1505, %eq3A_1506 : vector<128x128xi32>
    %jit3A_1508 = arith.constant -1.000000e+09 : f32
    %broadcast_in_dim3A_1509 = vector.broadcast %jit3A_1508 : f32 to vector<128x128xf32>
    %select_n3A_1510 = arith.select %eq3A_1504, %mul3A_1447, %broadcast_in_dim3A_1509 : vector<128x128xi1>, vector<128x128xf32>
    %jit3A_1511 = arith.constant -1.000000e+09 : f32
    %broadcast_in_dim3A_1512 = vector.broadcast %jit3A_1511 : f32 to vector<128x128xf32>
    %select_n3A_1513 = arith.select %eq3A_1507, %mul3A_1452, %broadcast_in_dim3A_1512 : vector<128x128xi1>, vector<128x128xf32>
    %concatenate3A_1514 = tpu.concatenate %select_n3A_1510, %select_n3A_1513 in 1 : vector<128x128xf32>, vector<128x128xf32> -> vector<128x256xf32>
    %reduce_max3A_1515 = arith.constant dense<0xFF800000> : vector<128xf32>
    %reduce_max3A_1516 = vector.multi_reduction <maximumf>, %concatenate3A_1514, %reduce_max3A_1515 [1] : vector<128x256xf32> to vector<128xf32>
    %broadcast_in_dim3A_1517 = vector.shape_cast %reduce_max3A_1516 : vector<128xf32> to vector<128x1xf32>
    %sub3A_1518 = vector.broadcast %broadcast_in_dim3A_1517 : vector<128x1xf32> to vector<128x256xf32>
    %sub3A_1519 = arith.subf %concatenate3A_1514, %sub3A_1518 : vector<128x256xf32>
    %exp3A_1520 = math.exp %sub3A_1519 : vector<128x256xf32>
    %reduce_sum3A_1521 = arith.constant dense<0.000000e+00> : vector<128xf32>
    %reduce_sum3A_1522 = vector.multi_reduction <add>, %exp3A_1520, %reduce_sum3A_1521 [1] : vector<128x256xf32> to vector<128xf32>
    %broadcast_in_dim3A_1523 = vector.shape_cast %reduce_sum3A_1522 : vector<128xf32> to vector<128x1xf32>
    %div3A_1524 = vector.broadcast %broadcast_in_dim3A_1523 : vector<128x1xf32> to vector<128x256xf32>
    %div3A_1525 = arith.divf %exp3A_1520, %div3A_1524 : vector<128x256xf32>
    %concatenate3A_1526 = tpu.concatenate %eq3A_1504, %eq3A_1507 in 1 : vector<128x128xi1>, vector<128x128xi1> -> vector<128x256xi1>
    %convert_element_type3A_1527 = arith.extui %concatenate3A_1526 : vector<128x256xi1> to vector<128x256xi32>
    %convert_element_type3A_1528 = arith.sitofp %convert_element_type3A_1527 : vector<128x256xi32> to vector<128x256xf32>
    %reduce_max3A_1529 = arith.constant dense<0xFF800000> : vector<128xf32>
    %reduce_max3A_1530 = vector.multi_reduction <maximumf>, %convert_element_type3A_1528, %reduce_max3A_1529 [1] : vector<128x256xf32> to vector<128xf32>
    %broadcast_in_dim3A_1531 = vector.shape_cast %reduce_max3A_1530 : vector<128xf32> to vector<128x1xf32>
    %gt3A_1532 = arith.constant 0.000000e+00 : f32
    %gt3A_1533 = vector.broadcast %gt3A_1532 : f32 to vector<128x1xf32>
    %gt3A_1534 = arith.cmpf ogt, %broadcast_in_dim3A_1531, %gt3A_1533 : vector<128x1xf32>
    %jit3A_1535 = arith.constant 0.000000e+00 : f32
    %broadcast_in_dim3A_1536 = vector.shape_cast %gt3A_1534 : vector<128x1xi1> to vector<128x1xi1>
    %broadcast_in_dim3A_1537 = vector.broadcast %broadcast_in_dim3A_1536 : vector<128x1xi1> to vector<128x256xi1>
    %broadcast_in_dim3A_1538 = vector.broadcast %jit3A_1535 : f32 to vector<128x256xf32>
    %select_n3A_1539 = arith.select %broadcast_in_dim3A_1537, %div3A_1525, %broadcast_in_dim3A_1538 : vector<128x256xi1>, vector<128x256xf32>
    %get3A_1540 = arith.constant 0 : index
    %get3A_1541 = arith.constant 9 : index
    %get3A_1542 = arith.constant 0 : index
    %get3A_1543 = arith.constant 0 : index
    %get3A_1544 = vector.load %arg6[%get3A_1540, %get3A_1541, %get3A_1542, %get3A_1543] : memref<1x16x128x64xf32, #tpu.memory_space<vmem>>, vector<1x1x128x64xf32>
    %get3A_1545 = vector.shape_cast %get3A_1544 : vector<1x1x128x64xf32> to vector<128x64xf32>
    %get3A_1546 = arith.constant 0 : index
    %get3A_1547 = arith.constant 10 : index
    %get3A_1548 = arith.constant 0 : index
    %get3A_1549 = arith.constant 0 : index
    %get3A_1550 = vector.load %arg6[%get3A_1546, %get3A_1547, %get3A_1548, %get3A_1549] : memref<1x16x128x64xf32, #tpu.memory_space<vmem>>, vector<1x1x128x64xf32>
    %get3A_1551 = vector.shape_cast %get3A_1550 : vector<1x1x128x64xf32> to vector<128x64xf32>
    %concatenate3A_1552 = tpu.concatenate %get3A_1545, %get3A_1551 in 0 : vector<128x64xf32>, vector<128x64xf32> -> vector<256x64xf32>
    %convert_element_type3A_1553 = arith.truncf %concatenate3A_1552 : vector<256x64xf32> to vector<256x64xbf16>
    %convert_element_type3A_1554 = arith.truncf %select_n3A_1539 : vector<128x256xf32> to vector<128x256xbf16>
    %dot_general3A_1555 = arith.constant dense<0.000000e+00> : vector<128x64xf32>
    %dot_general3A_1556 = tpu.matmul %convert_element_type3A_1554, %convert_element_type3A_1553, %dot_general3A_1555 {dimension_numbers = #tpu.dot_dimension_numbers<[1], [0], [0], [1], [0, 0, 1, 1], [], []>, transpose_lhs_hint = false} : vector<128x256xbf16>, vector<256x64xbf16>, vector<128x64xf32> -> vector<128x64xf32>
    %swap3A_1557 = arith.constant 0 : index
    %swap3A_1558 = arith.constant 10 : index
    %swap3A_1559 = arith.constant 0 : index
    %swap3A_1560 = arith.constant 0 : index
    %swap3A_1561 = vector.load %arg9[%swap3A_1557, %swap3A_1558, %swap3A_1559, %swap3A_1560] : memref<1x16x128x64xf32, #tpu.memory_space<vmem>>, vector<1x1x128x64xf32>
    %swap3A_1562 = vector.shape_cast %swap3A_1561 : vector<1x1x128x64xf32> to vector<128x64xf32>
    %swap3A_1563 = vector.shape_cast %dot_general3A_1556 : vector<128x64xf32> to vector<1x1x128x64xf32>
    tpu.vector_store %arg9[%swap3A_1557, %swap3A_1558, %swap3A_1559, %swap3A_1560], %swap3A_1563 {strides = array<i32>} : memref<1x16x128x64xf32, #tpu.memory_space<vmem>>, vector<1x1x128x64xf32>,
    %get3A_1564 = arith.constant 0 : index
    %get3A_1565 = arith.constant 11 : index
    %get3A_1566 = arith.constant 0 : index
    %get3A_1567 = arith.constant 0 : index
    %get3A_1568 = vector.load %arg2[%get3A_1564, %get3A_1565, %get3A_1566, %get3A_1567] : memref<1x16x128x64xf32, #tpu.memory_space<vmem>>, vector<1x1x128x64xf32>
    %get3A_1569 = vector.shape_cast %get3A_1568 : vector<1x1x128x64xf32> to vector<128x64xf32>
    %convert_element_type3A_1570 = arith.truncf %get3A_1569 : vector<128x64xf32> to vector<128x64xbf16>
    %get3A_1571 = arith.constant 0 : index
    %get3A_1572 = arith.constant 10 : index
    %get3A_1573 = arith.constant 0 : index
    %get3A_1574 = arith.constant 0 : index
    %get3A_1575 = vector.load %arg4[%get3A_1571, %get3A_1572, %get3A_1573, %get3A_1574] : memref<1x16x128x64xf32, #tpu.memory_space<vmem>>, vector<1x1x128x64xf32>
    %get3A_1576 = vector.shape_cast %get3A_1575 : vector<1x1x128x64xf32> to vector<128x64xf32>
    %convert_element_type3A_1577 = arith.truncf %get3A_1576 : vector<128x64xf32> to vector<128x64xbf16>
    %get3A_1578 = arith.constant 0 : index
    %get3A_1579 = arith.constant 11 : index
    %get3A_1580 = arith.constant 0 : index
    %get3A_1581 = arith.constant 0 : index
    %get3A_1582 = vector.load %arg4[%get3A_1578, %get3A_1579, %get3A_1580, %get3A_1581] : memref<1x16x128x64xf32, #tpu.memory_space<vmem>>, vector<1x1x128x64xf32>
    %get3A_1583 = vector.shape_cast %get3A_1582 : vector<1x1x128x64xf32> to vector<128x64xf32>
    %convert_element_type3A_1584 = arith.truncf %get3A_1583 : vector<128x64xf32> to vector<128x64xbf16>
    %dot_general3A_1585 = arith.constant dense<0.000000e+00> : vector<128x128xf32>
    %dot_general3A_1586 = tpu.matmul %convert_element_type3A_1570, %convert_element_type3A_1577, %dot_general3A_1585 {dimension_numbers = #tpu.dot_dimension_numbers<[1], [1], [0], [0], [0, 0, 1, 0], [], []>, transpose_lhs_hint = false} : vector<128x64xbf16>, vector<128x64xbf16>, vector<128x128xf32> -> vector<128x128xf32>
    %mul3A_1587 = arith.constant 1.250000e-01 : f32
    %mul3A_1588 = vector.broadcast %mul3A_1587 : f32 to vector<128x128xf32>
    %mul3A_1589 = arith.mulf %dot_general3A_1586, %mul3A_1588 : vector<128x128xf32>
    %dot_general3A_1590 = arith.constant dense<0.000000e+00> : vector<128x128xf32>
    %dot_general3A_1591 = tpu.matmul %convert_element_type3A_1570, %convert_element_type3A_1584, %dot_general3A_1590 {dimension_numbers = #tpu.dot_dimension_numbers<[1], [1], [0], [0], [0, 0, 1, 0], [], []>, transpose_lhs_hint = false} : vector<128x64xbf16>, vector<128x64xbf16>, vector<128x128xf32> -> vector<128x128xf32>
    %mul3A_1592 = arith.constant 1.250000e-01 : f32
    %mul3A_1593 = vector.broadcast %mul3A_1592 : f32 to vector<128x128xf32>
    %mul3A_1594 = arith.mulf %dot_general3A_1591, %mul3A_1593 : vector<128x128xf32>
    %add3A_1595 = arith.constant 1408 : i32
    %add3A_1596 = arith.addi %mul3A_18, %add3A_1595 : i32
    %add3A_1597 = vector.broadcast %add3A_1596 : i32 to vector<128x1xi32>
    %add3A_1598 = arith.addi %add3A_1597, %iota3A : vector<128x1xi32>
    %le3A_1599 = vector.broadcast %get3A_4 : vector<1x64xi32> to vector<128x64xi32>
    %le3A_1600 = vector.broadcast %add3A_1598 : vector<128x1xi32> to vector<128x64xi32>
    %le3A_1601 = arith.cmpi sle, %le3A_1599, %le3A_1600 : vector<128x64xi32>
    %convert_element_type3A_1602 = arith.extui %le3A_1601 : vector<128x64xi1> to vector<128x64xi32>
    %reduce_sum3A_1603 = arith.constant dense<0> : vector<128xi32>
    %reduce_sum3A_1604 = vector.multi_reduction <add>, %convert_element_type3A_1602, %reduce_sum3A_1603 [1] : vector<128x64xi32> to vector<128xi32>
    %broadcast_in_dim3A_1605 = vector.shape_cast %reduce_sum3A_1604 : vector<128xi32> to vector<128x1xi32>
    %add3A_1606 = arith.constant 1280 : i32
    %add3A_1607 = arith.addi %mul3A_18, %add3A_1606 : i32
    %jit3A_1608 = arith.constant 8192 : i32
    %eq3A_1609 = arith.constant 0 : i32
    %eq3A_1610 = arith.cmpi eq, %jit3A_1608, %eq3A_1609 : i32
    %jit3A_1611 = arith.constant 1 : i32
    %select_n3A_1612 = arith.select %eq3A_1610, %jit3A_1611, %jit3A_1608 : i32
    %rem3A_1613 = arith.remsi %add3A_1607, %select_n3A_1612 : i32
    %ne3A_1614 = arith.constant 0 : i32
    %ne3A_1615 = arith.cmpi ne, %rem3A_1613, %ne3A_1614 : i32
    %lt3A_1616 = arith.constant 0 : i32
    %lt3A_1617 = arith.cmpi slt, %rem3A_1613, %lt3A_1616 : i32
    %lt3A_1618 = arith.constant 0 : i32
    %lt3A_1619 = arith.cmpi slt, %select_n3A_1612, %lt3A_1618 : i32
    %ne3A_1620 = arith.xori %lt3A_1617, %lt3A_1619 : i1
    %and3A_1621 = arith.andi %ne3A_1620, %ne3A_1615 : i1
    %add3A_1622 = arith.addi %rem3A_1613, %select_n3A_1612 : i32
    %select_n3A_1623 = arith.select %and3A_1621, %add3A_1622, %rem3A_1613 : i32
    %add3A_1624 = vector.broadcast %select_n3A_1623 : i32 to vector<1x128xi32>
    %add3A_1625 = arith.addi %add3A_1624, %iota3A_0 : vector<1x128xi32>
    %le3A_1626 = vector.broadcast %convert_element_type3A_15 : vector<64x1xi32> to vector<64x128xi32>
    %le3A_1627 = vector.broadcast %add3A_1625 : vector<1x128xi32> to vector<64x128xi32>
    %le3A_1628 = arith.cmpi sle, %le3A_1626, %le3A_1627 : vector<64x128xi32>
    %convert_element_type3A_1629 = arith.extui %le3A_1628 : vector<64x128xi1> to vector<64x128xi32>
    %reduce_sum3A_1630 = arith.constant dense<0> : vector<128xi32>
    %reduce_sum3A_1631 = vector.multi_reduction <add>, %convert_element_type3A_1629, %reduce_sum3A_1630 [0] : vector<64x128xi32> to vector<128xi32>
    %broadcast_in_dim3A_1632 = vector.shape_cast %reduce_sum3A_1631 : vector<128xi32> to vector<1x128xi32>
    %add3A_1633 = arith.constant 1408 : i32
    %add3A_1634 = arith.addi %mul3A_18, %add3A_1633 : i32
    %add3A_1635 = vector.broadcast %add3A_1634 : i32 to vector<1x128xi32>
    %add3A_1636 = arith.addi %add3A_1635, %iota3A_0 : vector<1x128xi32>
    %le3A_1637 = vector.broadcast %convert_element_type3A_15 : vector<64x1xi32> to vector<64x128xi32>
    %le3A_1638 = vector.broadcast %add3A_1636 : vector<1x128xi32> to vector<64x128xi32>
    %le3A_1639 = arith.cmpi sle, %le3A_1637, %le3A_1638 : vector<64x128xi32>
    %convert_element_type3A_1640 = arith.extui %le3A_1639 : vector<64x128xi1> to vector<64x128xi32>
    %reduce_sum3A_1641 = arith.constant dense<0> : vector<128xi32>
    %reduce_sum3A_1642 = vector.multi_reduction <add>, %convert_element_type3A_1640, %reduce_sum3A_1641 [0] : vector<64x128xi32> to vector<128xi32>
    %broadcast_in_dim3A_1643 = vector.shape_cast %reduce_sum3A_1642 : vector<128xi32> to vector<1x128xi32>
    %eq3A_1644 = vector.broadcast %broadcast_in_dim3A_1605 : vector<128x1xi32> to vector<128x128xi32>
    %eq3A_1645 = vector.broadcast %broadcast_in_dim3A_1632 : vector<1x128xi32> to vector<128x128xi32>
    %eq3A_1646 = arith.cmpi eq, %eq3A_1644, %eq3A_1645 : vector<128x128xi32>
    %eq3A_1647 = vector.broadcast %broadcast_in_dim3A_1605 : vector<128x1xi32> to vector<128x128xi32>
    %eq3A_1648 = vector.broadcast %broadcast_in_dim3A_1643 : vector<1x128xi32> to vector<128x128xi32>
    %eq3A_1649 = arith.cmpi eq, %eq3A_1647, %eq3A_1648 : vector<128x128xi32>
    %jit3A_1650 = arith.constant -1.000000e+09 : f32
    %broadcast_in_dim3A_1651 = vector.broadcast %jit3A_1650 : f32 to vector<128x128xf32>
    %select_n3A_1652 = arith.select %eq3A_1646, %mul3A_1589, %broadcast_in_dim3A_1651 : vector<128x128xi1>, vector<128x128xf32>
    %jit3A_1653 = arith.constant -1.000000e+09 : f32
    %broadcast_in_dim3A_1654 = vector.broadcast %jit3A_1653 : f32 to vector<128x128xf32>
    %select_n3A_1655 = arith.select %eq3A_1649, %mul3A_1594, %broadcast_in_dim3A_1654 : vector<128x128xi1>, vector<128x128xf32>
    %concatenate3A_1656 = tpu.concatenate %select_n3A_1652, %select_n3A_1655 in 1 : vector<128x128xf32>, vector<128x128xf32> -> vector<128x256xf32>
    %reduce_max3A_1657 = arith.constant dense<0xFF800000> : vector<128xf32>
    %reduce_max3A_1658 = vector.multi_reduction <maximumf>, %concatenate3A_1656, %reduce_max3A_1657 [1] : vector<128x256xf32> to vector<128xf32>
    %broadcast_in_dim3A_1659 = vector.shape_cast %reduce_max3A_1658 : vector<128xf32> to vector<128x1xf32>
    %sub3A_1660 = vector.broadcast %broadcast_in_dim3A_1659 : vector<128x1xf32> to vector<128x256xf32>
    %sub3A_1661 = arith.subf %concatenate3A_1656, %sub3A_1660 : vector<128x256xf32>
    %exp3A_1662 = math.exp %sub3A_1661 : vector<128x256xf32>
    %reduce_sum3A_1663 = arith.constant dense<0.000000e+00> : vector<128xf32>
    %reduce_sum3A_1664 = vector.multi_reduction <add>, %exp3A_1662, %reduce_sum3A_1663 [1] : vector<128x256xf32> to vector<128xf32>
    %broadcast_in_dim3A_1665 = vector.shape_cast %reduce_sum3A_1664 : vector<128xf32> to vector<128x1xf32>
    %div3A_1666 = vector.broadcast %broadcast_in_dim3A_1665 : vector<128x1xf32> to vector<128x256xf32>
    %div3A_1667 = arith.divf %exp3A_1662, %div3A_1666 : vector<128x256xf32>
    %concatenate3A_1668 = tpu.concatenate %eq3A_1646, %eq3A_1649 in 1 : vector<128x128xi1>, vector<128x128xi1> -> vector<128x256xi1>
    %convert_element_type3A_1669 = arith.extui %concatenate3A_1668 : vector<128x256xi1> to vector<128x256xi32>
    %convert_element_type3A_1670 = arith.sitofp %convert_element_type3A_1669 : vector<128x256xi32> to vector<128x256xf32>
    %reduce_max3A_1671 = arith.constant dense<0xFF800000> : vector<128xf32>
    %reduce_max3A_1672 = vector.multi_reduction <maximumf>, %convert_element_type3A_1670, %reduce_max3A_1671 [1] : vector<128x256xf32> to vector<128xf32>
    %broadcast_in_dim3A_1673 = vector.shape_cast %reduce_max3A_1672 : vector<128xf32> to vector<128x1xf32>
    %gt3A_1674 = arith.constant 0.000000e+00 : f32
    %gt3A_1675 = vector.broadcast %gt3A_1674 : f32 to vector<128x1xf32>
    %gt3A_1676 = arith.cmpf ogt, %broadcast_in_dim3A_1673, %gt3A_1675 : vector<128x1xf32>
    %jit3A_1677 = arith.constant 0.000000e+00 : f32
    %broadcast_in_dim3A_1678 = vector.shape_cast %gt3A_1676 : vector<128x1xi1> to vector<128x1xi1>
    %broadcast_in_dim3A_1679 = vector.broadcast %broadcast_in_dim3A_1678 : vector<128x1xi1> to vector<128x256xi1>
    %broadcast_in_dim3A_1680 = vector.broadcast %jit3A_1677 : f32 to vector<128x256xf32>
    %select_n3A_1681 = arith.select %broadcast_in_dim3A_1679, %div3A_1667, %broadcast_in_dim3A_1680 : vector<128x256xi1>, vector<128x256xf32>
    %get3A_1682 = arith.constant 0 : index
    %get3A_1683 = arith.constant 10 : index
    %get3A_1684 = arith.constant 0 : index
    %get3A_1685 = arith.constant 0 : index
    %get3A_1686 = vector.load %arg6[%get3A_1682, %get3A_1683, %get3A_1684, %get3A_1685] : memref<1x16x128x64xf32, #tpu.memory_space<vmem>>, vector<1x1x128x64xf32>
    %get3A_1687 = vector.shape_cast %get3A_1686 : vector<1x1x128x64xf32> to vector<128x64xf32>
    %get3A_1688 = arith.constant 0 : index
    %get3A_1689 = arith.constant 11 : index
    %get3A_1690 = arith.constant 0 : index
    %get3A_1691 = arith.constant 0 : index
    %get3A_1692 = vector.load %arg6[%get3A_1688, %get3A_1689, %get3A_1690, %get3A_1691] : memref<1x16x128x64xf32, #tpu.memory_space<vmem>>, vector<1x1x128x64xf32>
    %get3A_1693 = vector.shape_cast %get3A_1692 : vector<1x1x128x64xf32> to vector<128x64xf32>
    %concatenate3A_1694 = tpu.concatenate %get3A_1687, %get3A_1693 in 0 : vector<128x64xf32>, vector<128x64xf32> -> vector<256x64xf32>
    %convert_element_type3A_1695 = arith.truncf %concatenate3A_1694 : vector<256x64xf32> to vector<256x64xbf16>
    %convert_element_type3A_1696 = arith.truncf %select_n3A_1681 : vector<128x256xf32> to vector<128x256xbf16>
    %dot_general3A_1697 = arith.constant dense<0.000000e+00> : vector<128x64xf32>
    %dot_general3A_1698 = tpu.matmul %convert_element_type3A_1696, %convert_element_type3A_1695, %dot_general3A_1697 {dimension_numbers = #tpu.dot_dimension_numbers<[1], [0], [0], [1], [0, 0, 1, 1], [], []>, transpose_lhs_hint = false} : vector<128x256xbf16>, vector<256x64xbf16>, vector<128x64xf32> -> vector<128x64xf32>
    %swap3A_1699 = arith.constant 0 : index
    %swap3A_1700 = arith.constant 11 : index
    %swap3A_1701 = arith.constant 0 : index
    %swap3A_1702 = arith.constant 0 : index
    %swap3A_1703 = vector.load %arg9[%swap3A_1699, %swap3A_1700, %swap3A_1701, %swap3A_1702] : memref<1x16x128x64xf32, #tpu.memory_space<vmem>>, vector<1x1x128x64xf32>
    %swap3A_1704 = vector.shape_cast %swap3A_1703 : vector<1x1x128x64xf32> to vector<128x64xf32>
    %swap3A_1705 = vector.shape_cast %dot_general3A_1698 : vector<128x64xf32> to vector<1x1x128x64xf32>
    tpu.vector_store %arg9[%swap3A_1699, %swap3A_1700, %swap3A_1701, %swap3A_1702], %swap3A_1705 {strides = array<i32>} : memref<1x16x128x64xf32, #tpu.memory_space<vmem>>, vector<1x1x128x64xf32>,
    %get3A_1706 = arith.constant 0 : index
    %get3A_1707 = arith.constant 12 : index
    %get3A_1708 = arith.constant 0 : index
    %get3A_1709 = arith.constant 0 : index
    %get3A_1710 = vector.load %arg2[%get3A_1706, %get3A_1707, %get3A_1708, %get3A_1709] : memref<1x16x128x64xf32, #tpu.memory_space<vmem>>, vector<1x1x128x64xf32>
    %get3A_1711 = vector.shape_cast %get3A_1710 : vector<1x1x128x64xf32> to vector<128x64xf32>
    %convert_element_type3A_1712 = arith.truncf %get3A_1711 : vector<128x64xf32> to vector<128x64xbf16>
    %get3A_1713 = arith.constant 0 : index
    %get3A_1714 = arith.constant 11 : index
    %get3A_1715 = arith.constant 0 : index
    %get3A_1716 = arith.constant 0 : index
    %get3A_1717 = vector.load %arg4[%get3A_1713, %get3A_1714, %get3A_1715, %get3A_1716] : memref<1x16x128x64xf32, #tpu.memory_space<vmem>>, vector<1x1x128x64xf32>
    %get3A_1718 = vector.shape_cast %get3A_1717 : vector<1x1x128x64xf32> to vector<128x64xf32>
    %convert_element_type3A_1719 = arith.truncf %get3A_1718 : vector<128x64xf32> to vector<128x64xbf16>
    %get3A_1720 = arith.constant 0 : index
    %get3A_1721 = arith.constant 12 : index
    %get3A_1722 = arith.constant 0 : index
    %get3A_1723 = arith.constant 0 : index
    %get3A_1724 = vector.load %arg4[%get3A_1720, %get3A_1721, %get3A_1722, %get3A_1723] : memref<1x16x128x64xf32, #tpu.memory_space<vmem>>, vector<1x1x128x64xf32>
    %get3A_1725 = vector.shape_cast %get3A_1724 : vector<1x1x128x64xf32> to vector<128x64xf32>
    %convert_element_type3A_1726 = arith.truncf %get3A_1725 : vector<128x64xf32> to vector<128x64xbf16>
    %dot_general3A_1727 = arith.constant dense<0.000000e+00> : vector<128x128xf32>
    %dot_general3A_1728 = tpu.matmul %convert_element_type3A_1712, %convert_element_type3A_1719, %dot_general3A_1727 {dimension_numbers = #tpu.dot_dimension_numbers<[1], [1], [0], [0], [0, 0, 1, 0], [], []>, transpose_lhs_hint = false} : vector<128x64xbf16>, vector<128x64xbf16>, vector<128x128xf32> -> vector<128x128xf32>
    %mul3A_1729 = arith.constant 1.250000e-01 : f32
    %mul3A_1730 = vector.broadcast %mul3A_1729 : f32 to vector<128x128xf32>
    %mul3A_1731 = arith.mulf %dot_general3A_1728, %mul3A_1730 : vector<128x128xf32>
    %dot_general3A_1732 = arith.constant dense<0.000000e+00> : vector<128x128xf32>
    %dot_general3A_1733 = tpu.matmul %convert_element_type3A_1712, %convert_element_type3A_1726, %dot_general3A_1732 {dimension_numbers = #tpu.dot_dimension_numbers<[1], [1], [0], [0], [0, 0, 1, 0], [], []>, transpose_lhs_hint = false} : vector<128x64xbf16>, vector<128x64xbf16>, vector<128x128xf32> -> vector<128x128xf32>
    %mul3A_1734 = arith.constant 1.250000e-01 : f32
    %mul3A_1735 = vector.broadcast %mul3A_1734 : f32 to vector<128x128xf32>
    %mul3A_1736 = arith.mulf %dot_general3A_1733, %mul3A_1735 : vector<128x128xf32>
    %add3A_1737 = arith.constant 1536 : i32
    %add3A_1738 = arith.addi %mul3A_18, %add3A_1737 : i32
    %add3A_1739 = vector.broadcast %add3A_1738 : i32 to vector<128x1xi32>
    %add3A_1740 = arith.addi %add3A_1739, %iota3A : vector<128x1xi32>
    %le3A_1741 = vector.broadcast %get3A_4 : vector<1x64xi32> to vector<128x64xi32>
    %le3A_1742 = vector.broadcast %add3A_1740 : vector<128x1xi32> to vector<128x64xi32>
    %le3A_1743 = arith.cmpi sle, %le3A_1741, %le3A_1742 : vector<128x64xi32>
    %convert_element_type3A_1744 = arith.extui %le3A_1743 : vector<128x64xi1> to vector<128x64xi32>
    %reduce_sum3A_1745 = arith.constant dense<0> : vector<128xi32>
    %reduce_sum3A_1746 = vector.multi_reduction <add>, %convert_element_type3A_1744, %reduce_sum3A_1745 [1] : vector<128x64xi32> to vector<128xi32>
    %broadcast_in_dim3A_1747 = vector.shape_cast %reduce_sum3A_1746 : vector<128xi32> to vector<128x1xi32>
    %add3A_1748 = arith.constant 1408 : i32
    %add3A_1749 = arith.addi %mul3A_18, %add3A_1748 : i32
    %jit3A_1750 = arith.constant 8192 : i32
    %eq3A_1751 = arith.constant 0 : i32
    %eq3A_1752 = arith.cmpi eq, %jit3A_1750, %eq3A_1751 : i32
    %jit3A_1753 = arith.constant 1 : i32
    %select_n3A_1754 = arith.select %eq3A_1752, %jit3A_1753, %jit3A_1750 : i32
    %rem3A_1755 = arith.remsi %add3A_1749, %select_n3A_1754 : i32
    %ne3A_1756 = arith.constant 0 : i32
    %ne3A_1757 = arith.cmpi ne, %rem3A_1755, %ne3A_1756 : i32
    %lt3A_1758 = arith.constant 0 : i32
    %lt3A_1759 = arith.cmpi slt, %rem3A_1755, %lt3A_1758 : i32
    %lt3A_1760 = arith.constant 0 : i32
    %lt3A_1761 = arith.cmpi slt, %select_n3A_1754, %lt3A_1760 : i32
    %ne3A_1762 = arith.xori %lt3A_1759, %lt3A_1761 : i1
    %and3A_1763 = arith.andi %ne3A_1762, %ne3A_1757 : i1
    %add3A_1764 = arith.addi %rem3A_1755, %select_n3A_1754 : i32
    %select_n3A_1765 = arith.select %and3A_1763, %add3A_1764, %rem3A_1755 : i32
    %add3A_1766 = vector.broadcast %select_n3A_1765 : i32 to vector<1x128xi32>
    %add3A_1767 = arith.addi %add3A_1766, %iota3A_0 : vector<1x128xi32>
    %le3A_1768 = vector.broadcast %convert_element_type3A_15 : vector<64x1xi32> to vector<64x128xi32>
    %le3A_1769 = vector.broadcast %add3A_1767 : vector<1x128xi32> to vector<64x128xi32>
    %le3A_1770 = arith.cmpi sle, %le3A_1768, %le3A_1769 : vector<64x128xi32>
    %convert_element_type3A_1771 = arith.extui %le3A_1770 : vector<64x128xi1> to vector<64x128xi32>
    %reduce_sum3A_1772 = arith.constant dense<0> : vector<128xi32>
    %reduce_sum3A_1773 = vector.multi_reduction <add>, %convert_element_type3A_1771, %reduce_sum3A_1772 [0] : vector<64x128xi32> to vector<128xi32>
    %broadcast_in_dim3A_1774 = vector.shape_cast %reduce_sum3A_1773 : vector<128xi32> to vector<1x128xi32>
    %add3A_1775 = arith.constant 1536 : i32
    %add3A_1776 = arith.addi %mul3A_18, %add3A_1775 : i32
    %add3A_1777 = vector.broadcast %add3A_1776 : i32 to vector<1x128xi32>
    %add3A_1778 = arith.addi %add3A_1777, %iota3A_0 : vector<1x128xi32>
    %le3A_1779 = vector.broadcast %convert_element_type3A_15 : vector<64x1xi32> to vector<64x128xi32>
    %le3A_1780 = vector.broadcast %add3A_1778 : vector<1x128xi32> to vector<64x128xi32>
    %le3A_1781 = arith.cmpi sle, %le3A_1779, %le3A_1780 : vector<64x128xi32>
    %convert_element_type3A_1782 = arith.extui %le3A_1781 : vector<64x128xi1> to vector<64x128xi32>
    %reduce_sum3A_1783 = arith.constant dense<0> : vector<128xi32>
    %reduce_sum3A_1784 = vector.multi_reduction <add>, %convert_element_type3A_1782, %reduce_sum3A_1783 [0] : vector<64x128xi32> to vector<128xi32>
    %broadcast_in_dim3A_1785 = vector.shape_cast %reduce_sum3A_1784 : vector<128xi32> to vector<1x128xi32>
    %eq3A_1786 = vector.broadcast %broadcast_in_dim3A_1747 : vector<128x1xi32> to vector<128x128xi32>
    %eq3A_1787 = vector.broadcast %broadcast_in_dim3A_1774 : vector<1x128xi32> to vector<128x128xi32>
    %eq3A_1788 = arith.cmpi eq, %eq3A_1786, %eq3A_1787 : vector<128x128xi32>
    %eq3A_1789 = vector.broadcast %broadcast_in_dim3A_1747 : vector<128x1xi32> to vector<128x128xi32>
    %eq3A_1790 = vector.broadcast %broadcast_in_dim3A_1785 : vector<1x128xi32> to vector<128x128xi32>
    %eq3A_1791 = arith.cmpi eq, %eq3A_1789, %eq3A_1790 : vector<128x128xi32>
    %jit3A_1792 = arith.constant -1.000000e+09 : f32
    %broadcast_in_dim3A_1793 = vector.broadcast %jit3A_1792 : f32 to vector<128x128xf32>
    %select_n3A_1794 = arith.select %eq3A_1788, %mul3A_1731, %broadcast_in_dim3A_1793 : vector<128x128xi1>, vector<128x128xf32>
    %jit3A_1795 = arith.constant -1.000000e+09 : f32
    %broadcast_in_dim3A_1796 = vector.broadcast %jit3A_1795 : f32 to vector<128x128xf32>
    %select_n3A_1797 = arith.select %eq3A_1791, %mul3A_1736, %broadcast_in_dim3A_1796 : vector<128x128xi1>, vector<128x128xf32>
    %concatenate3A_1798 = tpu.concatenate %select_n3A_1794, %select_n3A_1797 in 1 : vector<128x128xf32>, vector<128x128xf32> -> vector<128x256xf32>
    %reduce_max3A_1799 = arith.constant dense<0xFF800000> : vector<128xf32>
    %reduce_max3A_1800 = vector.multi_reduction <maximumf>, %concatenate3A_1798, %reduce_max3A_1799 [1] : vector<128x256xf32> to vector<128xf32>
    %broadcast_in_dim3A_1801 = vector.shape_cast %reduce_max3A_1800 : vector<128xf32> to vector<128x1xf32>
    %sub3A_1802 = vector.broadcast %broadcast_in_dim3A_1801 : vector<128x1xf32> to vector<128x256xf32>
    %sub3A_1803 = arith.subf %concatenate3A_1798, %sub3A_1802 : vector<128x256xf32>
    %exp3A_1804 = math.exp %sub3A_1803 : vector<128x256xf32>
    %reduce_sum3A_1805 = arith.constant dense<0.000000e+00> : vector<128xf32>
    %reduce_sum3A_1806 = vector.multi_reduction <add>, %exp3A_1804, %reduce_sum3A_1805 [1] : vector<128x256xf32> to vector<128xf32>
    %broadcast_in_dim3A_1807 = vector.shape_cast %reduce_sum3A_1806 : vector<128xf32> to vector<128x1xf32>
    %div3A_1808 = vector.broadcast %broadcast_in_dim3A_1807 : vector<128x1xf32> to vector<128x256xf32>
    %div3A_1809 = arith.divf %exp3A_1804, %div3A_1808 : vector<128x256xf32>
    %concatenate3A_1810 = tpu.concatenate %eq3A_1788, %eq3A_1791 in 1 : vector<128x128xi1>, vector<128x128xi1> -> vector<128x256xi1>
    %convert_element_type3A_1811 = arith.extui %concatenate3A_1810 : vector<128x256xi1> to vector<128x256xi32>
    %convert_element_type3A_1812 = arith.sitofp %convert_element_type3A_1811 : vector<128x256xi32> to vector<128x256xf32>
    %reduce_max3A_1813 = arith.constant dense<0xFF800000> : vector<128xf32>
    %reduce_max3A_1814 = vector.multi_reduction <maximumf>, %convert_element_type3A_1812, %reduce_max3A_1813 [1] : vector<128x256xf32> to vector<128xf32>
    %broadcast_in_dim3A_1815 = vector.shape_cast %reduce_max3A_1814 : vector<128xf32> to vector<128x1xf32>
    %gt3A_1816 = arith.constant 0.000000e+00 : f32
    %gt3A_1817 = vector.broadcast %gt3A_1816 : f32 to vector<128x1xf32>
    %gt3A_1818 = arith.cmpf ogt, %broadcast_in_dim3A_1815, %gt3A_1817 : vector<128x1xf32>
    %jit3A_1819 = arith.constant 0.000000e+00 : f32
    %broadcast_in_dim3A_1820 = vector.shape_cast %gt3A_1818 : vector<128x1xi1> to vector<128x1xi1>
    %broadcast_in_dim3A_1821 = vector.broadcast %broadcast_in_dim3A_1820 : vector<128x1xi1> to vector<128x256xi1>
    %broadcast_in_dim3A_1822 = vector.broadcast %jit3A_1819 : f32 to vector<128x256xf32>
    %select_n3A_1823 = arith.select %broadcast_in_dim3A_1821, %div3A_1809, %broadcast_in_dim3A_1822 : vector<128x256xi1>, vector<128x256xf32>
    %get3A_1824 = arith.constant 0 : index
    %get3A_1825 = arith.constant 11 : index
    %get3A_1826 = arith.constant 0 : index
    %get3A_1827 = arith.constant 0 : index
    %get3A_1828 = vector.load %arg6[%get3A_1824, %get3A_1825, %get3A_1826, %get3A_1827] : memref<1x16x128x64xf32, #tpu.memory_space<vmem>>, vector<1x1x128x64xf32>
    %get3A_1829 = vector.shape_cast %get3A_1828 : vector<1x1x128x64xf32> to vector<128x64xf32>
    %get3A_1830 = arith.constant 0 : index
    %get3A_1831 = arith.constant 12 : index
    %get3A_1832 = arith.constant 0 : index
    %get3A_1833 = arith.constant 0 : index
    %get3A_1834 = vector.load %arg6[%get3A_1830, %get3A_1831, %get3A_1832, %get3A_1833] : memref<1x16x128x64xf32, #tpu.memory_space<vmem>>, vector<1x1x128x64xf32>
    %get3A_1835 = vector.shape_cast %get3A_1834 : vector<1x1x128x64xf32> to vector<128x64xf32>
    %concatenate3A_1836 = tpu.concatenate %get3A_1829, %get3A_1835 in 0 : vector<128x64xf32>, vector<128x64xf32> -> vector<256x64xf32>
    %convert_element_type3A_1837 = arith.truncf %concatenate3A_1836 : vector<256x64xf32> to vector<256x64xbf16>
    %convert_element_type3A_1838 = arith.truncf %select_n3A_1823 : vector<128x256xf32> to vector<128x256xbf16>
    %dot_general3A_1839 = arith.constant dense<0.000000e+00> : vector<128x64xf32>
    %dot_general3A_1840 = tpu.matmul %convert_element_type3A_1838, %convert_element_type3A_1837, %dot_general3A_1839 {dimension_numbers = #tpu.dot_dimension_numbers<[1], [0], [0], [1], [0, 0, 1, 1], [], []>, transpose_lhs_hint = false} : vector<128x256xbf16>, vector<256x64xbf16>, vector<128x64xf32> -> vector<128x64xf32>
    %swap3A_1841 = arith.constant 0 : index
    %swap3A_1842 = arith.constant 12 : index
    %swap3A_1843 = arith.constant 0 : index
    %swap3A_1844 = arith.constant 0 : index
    %swap3A_1845 = vector.load %arg9[%swap3A_1841, %swap3A_1842, %swap3A_1843, %swap3A_1844] : memref<1x16x128x64xf32, #tpu.memory_space<vmem>>, vector<1x1x128x64xf32>
    %swap3A_1846 = vector.shape_cast %swap3A_1845 : vector<1x1x128x64xf32> to vector<128x64xf32>
    %swap3A_1847 = vector.shape_cast %dot_general3A_1840 : vector<128x64xf32> to vector<1x1x128x64xf32>
    tpu.vector_store %arg9[%swap3A_1841, %swap3A_1842, %swap3A_1843, %swap3A_1844], %swap3A_1847 {strides = array<i32>} : memref<1x16x128x64xf32, #tpu.memory_space<vmem>>, vector<1x1x128x64xf32>,
    %get3A_1848 = arith.constant 0 : index
    %get3A_1849 = arith.constant 13 : index
    %get3A_1850 = arith.constant 0 : index
    %get3A_1851 = arith.constant 0 : index
    %get3A_1852 = vector.load %arg2[%get3A_1848, %get3A_1849, %get3A_1850, %get3A_1851] : memref<1x16x128x64xf32, #tpu.memory_space<vmem>>, vector<1x1x128x64xf32>
    %get3A_1853 = vector.shape_cast %get3A_1852 : vector<1x1x128x64xf32> to vector<128x64xf32>
    %convert_element_type3A_1854 = arith.truncf %get3A_1853 : vector<128x64xf32> to vector<128x64xbf16>
    %get3A_1855 = arith.constant 0 : index
    %get3A_1856 = arith.constant 12 : index
    %get3A_1857 = arith.constant 0 : index
    %get3A_1858 = arith.constant 0 : index
    %get3A_1859 = vector.load %arg4[%get3A_1855, %get3A_1856, %get3A_1857, %get3A_1858] : memref<1x16x128x64xf32, #tpu.memory_space<vmem>>, vector<1x1x128x64xf32>
    %get3A_1860 = vector.shape_cast %get3A_1859 : vector<1x1x128x64xf32> to vector<128x64xf32>
    %convert_element_type3A_1861 = arith.truncf %get3A_1860 : vector<128x64xf32> to vector<128x64xbf16>
    %get3A_1862 = arith.constant 0 : index
    %get3A_1863 = arith.constant 13 : index
    %get3A_1864 = arith.constant 0 : index
    %get3A_1865 = arith.constant 0 : index
    %get3A_1866 = vector.load %arg4[%get3A_1862, %get3A_1863, %get3A_1864, %get3A_1865] : memref<1x16x128x64xf32, #tpu.memory_space<vmem>>, vector<1x1x128x64xf32>
    %get3A_1867 = vector.shape_cast %get3A_1866 : vector<1x1x128x64xf32> to vector<128x64xf32>
    %convert_element_type3A_1868 = arith.truncf %get3A_1867 : vector<128x64xf32> to vector<128x64xbf16>
    %dot_general3A_1869 = arith.constant dense<0.000000e+00> : vector<128x128xf32>
    %dot_general3A_1870 = tpu.matmul %convert_element_type3A_1854, %convert_element_type3A_1861, %dot_general3A_1869 {dimension_numbers = #tpu.dot_dimension_numbers<[1], [1], [0], [0], [0, 0, 1, 0], [], []>, transpose_lhs_hint = false} : vector<128x64xbf16>, vector<128x64xbf16>, vector<128x128xf32> -> vector<128x128xf32>
    %mul3A_1871 = arith.constant 1.250000e-01 : f32
    %mul3A_1872 = vector.broadcast %mul3A_1871 : f32 to vector<128x128xf32>
    %mul3A_1873 = arith.mulf %dot_general3A_1870, %mul3A_1872 : vector<128x128xf32>
    %dot_general3A_1874 = arith.constant dense<0.000000e+00> : vector<128x128xf32>
    %dot_general3A_1875 = tpu.matmul %convert_element_type3A_1854, %convert_element_type3A_1868, %dot_general3A_1874 {dimension_numbers = #tpu.dot_dimension_numbers<[1], [1], [0], [0], [0, 0, 1, 0], [], []>, transpose_lhs_hint = false} : vector<128x64xbf16>, vector<128x64xbf16>, vector<128x128xf32> -> vector<128x128xf32>
    %mul3A_1876 = arith.constant 1.250000e-01 : f32
    %mul3A_1877 = vector.broadcast %mul3A_1876 : f32 to vector<128x128xf32>
    %mul3A_1878 = arith.mulf %dot_general3A_1875, %mul3A_1877 : vector<128x128xf32>
    %add3A_1879 = arith.constant 1664 : i32
    %add3A_1880 = arith.addi %mul3A_18, %add3A_1879 : i32
    %add3A_1881 = vector.broadcast %add3A_1880 : i32 to vector<128x1xi32>
    %add3A_1882 = arith.addi %add3A_1881, %iota3A : vector<128x1xi32>
    %le3A_1883 = vector.broadcast %get3A_4 : vector<1x64xi32> to vector<128x64xi32>
    %le3A_1884 = vector.broadcast %add3A_1882 : vector<128x1xi32> to vector<128x64xi32>
    %le3A_1885 = arith.cmpi sle, %le3A_1883, %le3A_1884 : vector<128x64xi32>
    %convert_element_type3A_1886 = arith.extui %le3A_1885 : vector<128x64xi1> to vector<128x64xi32>
    %reduce_sum3A_1887 = arith.constant dense<0> : vector<128xi32>
    %reduce_sum3A_1888 = vector.multi_reduction <add>, %convert_element_type3A_1886, %reduce_sum3A_1887 [1] : vector<128x64xi32> to vector<128xi32>
    %broadcast_in_dim3A_1889 = vector.shape_cast %reduce_sum3A_1888 : vector<128xi32> to vector<128x1xi32>
    %add3A_1890 = arith.constant 1536 : i32
    %add3A_1891 = arith.addi %mul3A_18, %add3A_1890 : i32
    %jit3A_1892 = arith.constant 8192 : i32
    %eq3A_1893 = arith.constant 0 : i32
    %eq3A_1894 = arith.cmpi eq, %jit3A_1892, %eq3A_1893 : i32
    %jit3A_1895 = arith.constant 1 : i32
    %select_n3A_1896 = arith.select %eq3A_1894, %jit3A_1895, %jit3A_1892 : i32
    %rem3A_1897 = arith.remsi %add3A_1891, %select_n3A_1896 : i32
    %ne3A_1898 = arith.constant 0 : i32
    %ne3A_1899 = arith.cmpi ne, %rem3A_1897, %ne3A_1898 : i32
    %lt3A_1900 = arith.constant 0 : i32
    %lt3A_1901 = arith.cmpi slt, %rem3A_1897, %lt3A_1900 : i32
    %lt3A_1902 = arith.constant 0 : i32
    %lt3A_1903 = arith.cmpi slt, %select_n3A_1896, %lt3A_1902 : i32
    %ne3A_1904 = arith.xori %lt3A_1901, %lt3A_1903 : i1
    %and3A_1905 = arith.andi %ne3A_1904, %ne3A_1899 : i1
    %add3A_1906 = arith.addi %rem3A_1897, %select_n3A_1896 : i32
    %select_n3A_1907 = arith.select %and3A_1905, %add3A_1906, %rem3A_1897 : i32
    %add3A_1908 = vector.broadcast %select_n3A_1907 : i32 to vector<1x128xi32>
    %add3A_1909 = arith.addi %add3A_1908, %iota3A_0 : vector<1x128xi32>
    %le3A_1910 = vector.broadcast %convert_element_type3A_15 : vector<64x1xi32> to vector<64x128xi32>
    %le3A_1911 = vector.broadcast %add3A_1909 : vector<1x128xi32> to vector<64x128xi32>
    %le3A_1912 = arith.cmpi sle, %le3A_1910, %le3A_1911 : vector<64x128xi32>
    %convert_element_type3A_1913 = arith.extui %le3A_1912 : vector<64x128xi1> to vector<64x128xi32>
    %reduce_sum3A_1914 = arith.constant dense<0> : vector<128xi32>
    %reduce_sum3A_1915 = vector.multi_reduction <add>, %convert_element_type3A_1913, %reduce_sum3A_1914 [0] : vector<64x128xi32> to vector<128xi32>
    %broadcast_in_dim3A_1916 = vector.shape_cast %reduce_sum3A_1915 : vector<128xi32> to vector<1x128xi32>
    %add3A_1917 = arith.constant 1664 : i32
    %add3A_1918 = arith.addi %mul3A_18, %add3A_1917 : i32
    %add3A_1919 = vector.broadcast %add3A_1918 : i32 to vector<1x128xi32>
    %add3A_1920 = arith.addi %add3A_1919, %iota3A_0 : vector<1x128xi32>
    %le3A_1921 = vector.broadcast %convert_element_type3A_15 : vector<64x1xi32> to vector<64x128xi32>
    %le3A_1922 = vector.broadcast %add3A_1920 : vector<1x128xi32> to vector<64x128xi32>
    %le3A_1923 = arith.cmpi sle, %le3A_1921, %le3A_1922 : vector<64x128xi32>
    %convert_element_type3A_1924 = arith.extui %le3A_1923 : vector<64x128xi1> to vector<64x128xi32>
    %reduce_sum3A_1925 = arith.constant dense<0> : vector<128xi32>
    %reduce_sum3A_1926 = vector.multi_reduction <add>, %convert_element_type3A_1924, %reduce_sum3A_1925 [0] : vector<64x128xi32> to vector<128xi32>
    %broadcast_in_dim3A_1927 = vector.shape_cast %reduce_sum3A_1926 : vector<128xi32> to vector<1x128xi32>
    %eq3A_1928 = vector.broadcast %broadcast_in_dim3A_1889 : vector<128x1xi32> to vector<128x128xi32>
    %eq3A_1929 = vector.broadcast %broadcast_in_dim3A_1916 : vector<1x128xi32> to vector<128x128xi32>
    %eq3A_1930 = arith.cmpi eq, %eq3A_1928, %eq3A_1929 : vector<128x128xi32>
    %eq3A_1931 = vector.broadcast %broadcast_in_dim3A_1889 : vector<128x1xi32> to vector<128x128xi32>
    %eq3A_1932 = vector.broadcast %broadcast_in_dim3A_1927 : vector<1x128xi32> to vector<128x128xi32>
    %eq3A_1933 = arith.cmpi eq, %eq3A_1931, %eq3A_1932 : vector<128x128xi32>
    %jit3A_1934 = arith.constant -1.000000e+09 : f32
    %broadcast_in_dim3A_1935 = vector.broadcast %jit3A_1934 : f32 to vector<128x128xf32>
    %select_n3A_1936 = arith.select %eq3A_1930, %mul3A_1873, %broadcast_in_dim3A_1935 : vector<128x128xi1>, vector<128x128xf32>
    %jit3A_1937 = arith.constant -1.000000e+09 : f32
    %broadcast_in_dim3A_1938 = vector.broadcast %jit3A_1937 : f32 to vector<128x128xf32>
    %select_n3A_1939 = arith.select %eq3A_1933, %mul3A_1878, %broadcast_in_dim3A_1938 : vector<128x128xi1>, vector<128x128xf32>
    %concatenate3A_1940 = tpu.concatenate %select_n3A_1936, %select_n3A_1939 in 1 : vector<128x128xf32>, vector<128x128xf32> -> vector<128x256xf32>
    %reduce_max3A_1941 = arith.constant dense<0xFF800000> : vector<128xf32>
    %reduce_max3A_1942 = vector.multi_reduction <maximumf>, %concatenate3A_1940, %reduce_max3A_1941 [1] : vector<128x256xf32> to vector<128xf32>
    %broadcast_in_dim3A_1943 = vector.shape_cast %reduce_max3A_1942 : vector<128xf32> to vector<128x1xf32>
    %sub3A_1944 = vector.broadcast %broadcast_in_dim3A_1943 : vector<128x1xf32> to vector<128x256xf32>
    %sub3A_1945 = arith.subf %concatenate3A_1940, %sub3A_1944 : vector<128x256xf32>
    %exp3A_1946 = math.exp %sub3A_1945 : vector<128x256xf32>
    %reduce_sum3A_1947 = arith.constant dense<0.000000e+00> : vector<128xf32>
    %reduce_sum3A_1948 = vector.multi_reduction <add>, %exp3A_1946, %reduce_sum3A_1947 [1] : vector<128x256xf32> to vector<128xf32>
    %broadcast_in_dim3A_1949 = vector.shape_cast %reduce_sum3A_1948 : vector<128xf32> to vector<128x1xf32>
    %div3A_1950 = vector.broadcast %broadcast_in_dim3A_1949 : vector<128x1xf32> to vector<128x256xf32>
    %div3A_1951 = arith.divf %exp3A_1946, %div3A_1950 : vector<128x256xf32>
    %concatenate3A_1952 = tpu.concatenate %eq3A_1930, %eq3A_1933 in 1 : vector<128x128xi1>, vector<128x128xi1> -> vector<128x256xi1>
    %convert_element_type3A_1953 = arith.extui %concatenate3A_1952 : vector<128x256xi1> to vector<128x256xi32>
    %convert_element_type3A_1954 = arith.sitofp %convert_element_type3A_1953 : vector<128x256xi32> to vector<128x256xf32>
    %reduce_max3A_1955 = arith.constant dense<0xFF800000> : vector<128xf32>
    %reduce_max3A_1956 = vector.multi_reduction <maximumf>, %convert_element_type3A_1954, %reduce_max3A_1955 [1] : vector<128x256xf32> to vector<128xf32>
    %broadcast_in_dim3A_1957 = vector.shape_cast %reduce_max3A_1956 : vector<128xf32> to vector<128x1xf32>
    %gt3A_1958 = arith.constant 0.000000e+00 : f32
    %gt3A_1959 = vector.broadcast %gt3A_1958 : f32 to vector<128x1xf32>
    %gt3A_1960 = arith.cmpf ogt, %broadcast_in_dim3A_1957, %gt3A_1959 : vector<128x1xf32>
    %jit3A_1961 = arith.constant 0.000000e+00 : f32
    %broadcast_in_dim3A_1962 = vector.shape_cast %gt3A_1960 : vector<128x1xi1> to vector<128x1xi1>
    %broadcast_in_dim3A_1963 = vector.broadcast %broadcast_in_dim3A_1962 : vector<128x1xi1> to vector<128x256xi1>
    %broadcast_in_dim3A_1964 = vector.broadcast %jit3A_1961 : f32 to vector<128x256xf32>
    %select_n3A_1965 = arith.select %broadcast_in_dim3A_1963, %div3A_1951, %broadcast_in_dim3A_1964 : vector<128x256xi1>, vector<128x256xf32>
    %get3A_1966 = arith.constant 0 : index
    %get3A_1967 = arith.constant 12 : index
    %get3A_1968 = arith.constant 0 : index
    %get3A_1969 = arith.constant 0 : index
    %get3A_1970 = vector.load %arg6[%get3A_1966, %get3A_1967, %get3A_1968, %get3A_1969] : memref<1x16x128x64xf32, #tpu.memory_space<vmem>>, vector<1x1x128x64xf32>
    %get3A_1971 = vector.shape_cast %get3A_1970 : vector<1x1x128x64xf32> to vector<128x64xf32>
    %get3A_1972 = arith.constant 0 : index
    %get3A_1973 = arith.constant 13 : index
    %get3A_1974 = arith.constant 0 : index
    %get3A_1975 = arith.constant 0 : index
    %get3A_1976 = vector.load %arg6[%get3A_1972, %get3A_1973, %get3A_1974, %get3A_1975] : memref<1x16x128x64xf32, #tpu.memory_space<vmem>>, vector<1x1x128x64xf32>
    %get3A_1977 = vector.shape_cast %get3A_1976 : vector<1x1x128x64xf32> to vector<128x64xf32>
    %concatenate3A_1978 = tpu.concatenate %get3A_1971, %get3A_1977 in 0 : vector<128x64xf32>, vector<128x64xf32> -> vector<256x64xf32>
    %convert_element_type3A_1979 = arith.truncf %concatenate3A_1978 : vector<256x64xf32> to vector<256x64xbf16>
    %convert_element_type3A_1980 = arith.truncf %select_n3A_1965 : vector<128x256xf32> to vector<128x256xbf16>
    %dot_general3A_1981 = arith.constant dense<0.000000e+00> : vector<128x64xf32>
    %dot_general3A_1982 = tpu.matmul %convert_element_type3A_1980, %convert_element_type3A_1979, %dot_general3A_1981 {dimension_numbers = #tpu.dot_dimension_numbers<[1], [0], [0], [1], [0, 0, 1, 1], [], []>, transpose_lhs_hint = false} : vector<128x256xbf16>, vector<256x64xbf16>, vector<128x64xf32> -> vector<128x64xf32>
    %swap3A_1983 = arith.constant 0 : index
    %swap3A_1984 = arith.constant 13 : index
    %swap3A_1985 = arith.constant 0 : index
    %swap3A_1986 = arith.constant 0 : index
    %swap3A_1987 = vector.load %arg9[%swap3A_1983, %swap3A_1984, %swap3A_1985, %swap3A_1986] : memref<1x16x128x64xf32, #tpu.memory_space<vmem>>, vector<1x1x128x64xf32>
    %swap3A_1988 = vector.shape_cast %swap3A_1987 : vector<1x1x128x64xf32> to vector<128x64xf32>
    %swap3A_1989 = vector.shape_cast %dot_general3A_1982 : vector<128x64xf32> to vector<1x1x128x64xf32>
    tpu.vector_store %arg9[%swap3A_1983, %swap3A_1984, %swap3A_1985, %swap3A_1986], %swap3A_1989 {strides = array<i32>} : memref<1x16x128x64xf32, #tpu.memory_space<vmem>>, vector<1x1x128x64xf32>,
    %get3A_1990 = arith.constant 0 : index
    %get3A_1991 = arith.constant 14 : index
    %get3A_1992 = arith.constant 0 : index
    %get3A_1993 = arith.constant 0 : index
    %get3A_1994 = vector.load %arg2[%get3A_1990, %get3A_1991, %get3A_1992, %get3A_1993] : memref<1x16x128x64xf32, #tpu.memory_space<vmem>>, vector<1x1x128x64xf32>
    %get3A_1995 = vector.shape_cast %get3A_1994 : vector<1x1x128x64xf32> to vector<128x64xf32>
    %convert_element_type3A_1996 = arith.truncf %get3A_1995 : vector<128x64xf32> to vector<128x64xbf16>
    %get3A_1997 = arith.constant 0 : index
    %get3A_1998 = arith.constant 13 : index
    %get3A_1999 = arith.constant 0 : index
    %get3A_2000 = arith.constant 0 : index
    %get3A_2001 = vector.load %arg4[%get3A_1997, %get3A_1998, %get3A_1999, %get3A_2000] : memref<1x16x128x64xf32, #tpu.memory_space<vmem>>, vector<1x1x128x64xf32>
    %get3A_2002 = vector.shape_cast %get3A_2001 : vector<1x1x128x64xf32> to vector<128x64xf32>
    %convert_element_type3A_2003 = arith.truncf %get3A_2002 : vector<128x64xf32> to vector<128x64xbf16>
    %get3A_2004 = arith.constant 0 : index
    %get3A_2005 = arith.constant 14 : index
    %get3A_2006 = arith.constant 0 : index
    %get3A_2007 = arith.constant 0 : index
    %get3A_2008 = vector.load %arg4[%get3A_2004, %get3A_2005, %get3A_2006, %get3A_2007] : memref<1x16x128x64xf32, #tpu.memory_space<vmem>>, vector<1x1x128x64xf32>
    %get3A_2009 = vector.shape_cast %get3A_2008 : vector<1x1x128x64xf32> to vector<128x64xf32>
    %convert_element_type3A_2010 = arith.truncf %get3A_2009 : vector<128x64xf32> to vector<128x64xbf16>
    %dot_general3A_2011 = arith.constant dense<0.000000e+00> : vector<128x128xf32>
    %dot_general3A_2012 = tpu.matmul %convert_element_type3A_1996, %convert_element_type3A_2003, %dot_general3A_2011 {dimension_numbers = #tpu.dot_dimension_numbers<[1], [1], [0], [0], [0, 0, 1, 0], [], []>, transpose_lhs_hint = false} : vector<128x64xbf16>, vector<128x64xbf16>, vector<128x128xf32> -> vector<128x128xf32>
    %mul3A_2013 = arith.constant 1.250000e-01 : f32
    %mul3A_2014 = vector.broadcast %mul3A_2013 : f32 to vector<128x128xf32>
    %mul3A_2015 = arith.mulf %dot_general3A_2012, %mul3A_2014 : vector<128x128xf32>
    %dot_general3A_2016 = arith.constant dense<0.000000e+00> : vector<128x128xf32>
    %dot_general3A_2017 = tpu.matmul %convert_element_type3A_1996, %convert_element_type3A_2010, %dot_general3A_2016 {dimension_numbers = #tpu.dot_dimension_numbers<[1], [1], [0], [0], [0, 0, 1, 0], [], []>, transpose_lhs_hint = false} : vector<128x64xbf16>, vector<128x64xbf16>, vector<128x128xf32> -> vector<128x128xf32>
    %mul3A_2018 = arith.constant 1.250000e-01 : f32
    %mul3A_2019 = vector.broadcast %mul3A_2018 : f32 to vector<128x128xf32>
    %mul3A_2020 = arith.mulf %dot_general3A_2017, %mul3A_2019 : vector<128x128xf32>
    %add3A_2021 = arith.constant 1792 : i32
    %add3A_2022 = arith.addi %mul3A_18, %add3A_2021 : i32
    %add3A_2023 = vector.broadcast %add3A_2022 : i32 to vector<128x1xi32>
    %add3A_2024 = arith.addi %add3A_2023, %iota3A : vector<128x1xi32>
    %le3A_2025 = vector.broadcast %get3A_4 : vector<1x64xi32> to vector<128x64xi32>
    %le3A_2026 = vector.broadcast %add3A_2024 : vector<128x1xi32> to vector<128x64xi32>
    %le3A_2027 = arith.cmpi sle, %le3A_2025, %le3A_2026 : vector<128x64xi32>
    %convert_element_type3A_2028 = arith.extui %le3A_2027 : vector<128x64xi1> to vector<128x64xi32>
    %reduce_sum3A_2029 = arith.constant dense<0> : vector<128xi32>
    %reduce_sum3A_2030 = vector.multi_reduction <add>, %convert_element_type3A_2028, %reduce_sum3A_2029 [1] : vector<128x64xi32> to vector<128xi32>
    %broadcast_in_dim3A_2031 = vector.shape_cast %reduce_sum3A_2030 : vector<128xi32> to vector<128x1xi32>
    %add3A_2032 = arith.constant 1664 : i32
    %add3A_2033 = arith.addi %mul3A_18, %add3A_2032 : i32
    %jit3A_2034 = arith.constant 8192 : i32
    %eq3A_2035 = arith.constant 0 : i32
    %eq3A_2036 = arith.cmpi eq, %jit3A_2034, %eq3A_2035 : i32
    %jit3A_2037 = arith.constant 1 : i32
    %select_n3A_2038 = arith.select %eq3A_2036, %jit3A_2037, %jit3A_2034 : i32
    %rem3A_2039 = arith.remsi %add3A_2033, %select_n3A_2038 : i32
    %ne3A_2040 = arith.constant 0 : i32
    %ne3A_2041 = arith.cmpi ne, %rem3A_2039, %ne3A_2040 : i32
    %lt3A_2042 = arith.constant 0 : i32
    %lt3A_2043 = arith.cmpi slt, %rem3A_2039, %lt3A_2042 : i32
    %lt3A_2044 = arith.constant 0 : i32
    %lt3A_2045 = arith.cmpi slt, %select_n3A_2038, %lt3A_2044 : i32
    %ne3A_2046 = arith.xori %lt3A_2043, %lt3A_2045 : i1
    %and3A_2047 = arith.andi %ne3A_2046, %ne3A_2041 : i1
    %add3A_2048 = arith.addi %rem3A_2039, %select_n3A_2038 : i32
    %select_n3A_2049 = arith.select %and3A_2047, %add3A_2048, %rem3A_2039 : i32
    %add3A_2050 = vector.broadcast %select_n3A_2049 : i32 to vector<1x128xi32>
    %add3A_2051 = arith.addi %add3A_2050, %iota3A_0 : vector<1x128xi32>
    %le3A_2052 = vector.broadcast %convert_element_type3A_15 : vector<64x1xi32> to vector<64x128xi32>
    %le3A_2053 = vector.broadcast %add3A_2051 : vector<1x128xi32> to vector<64x128xi32>
    %le3A_2054 = arith.cmpi sle, %le3A_2052, %le3A_2053 : vector<64x128xi32>
    %convert_element_type3A_2055 = arith.extui %le3A_2054 : vector<64x128xi1> to vector<64x128xi32>
    %reduce_sum3A_2056 = arith.constant dense<0> : vector<128xi32>
    %reduce_sum3A_2057 = vector.multi_reduction <add>, %convert_element_type3A_2055, %reduce_sum3A_2056 [0] : vector<64x128xi32> to vector<128xi32>
    %broadcast_in_dim3A_2058 = vector.shape_cast %reduce_sum3A_2057 : vector<128xi32> to vector<1x128xi32>
    %add3A_2059 = arith.constant 1792 : i32
    %add3A_2060 = arith.addi %mul3A_18, %add3A_2059 : i32
    %add3A_2061 = vector.broadcast %add3A_2060 : i32 to vector<1x128xi32>
    %add3A_2062 = arith.addi %add3A_2061, %iota3A_0 : vector<1x128xi32>
    %le3A_2063 = vector.broadcast %convert_element_type3A_15 : vector<64x1xi32> to vector<64x128xi32>
    %le3A_2064 = vector.broadcast %add3A_2062 : vector<1x128xi32> to vector<64x128xi32>
    %le3A_2065 = arith.cmpi sle, %le3A_2063, %le3A_2064 : vector<64x128xi32>
    %convert_element_type3A_2066 = arith.extui %le3A_2065 : vector<64x128xi1> to vector<64x128xi32>
    %reduce_sum3A_2067 = arith.constant dense<0> : vector<128xi32>
    %reduce_sum3A_2068 = vector.multi_reduction <add>, %convert_element_type3A_2066, %reduce_sum3A_2067 [0] : vector<64x128xi32> to vector<128xi32>
    %broadcast_in_dim3A_2069 = vector.shape_cast %reduce_sum3A_2068 : vector<128xi32> to vector<1x128xi32>
    %eq3A_2070 = vector.broadcast %broadcast_in_dim3A_2031 : vector<128x1xi32> to vector<128x128xi32>
    %eq3A_2071 = vector.broadcast %broadcast_in_dim3A_2058 : vector<1x128xi32> to vector<128x128xi32>
    %eq3A_2072 = arith.cmpi eq, %eq3A_2070, %eq3A_2071 : vector<128x128xi32>
    %eq3A_2073 = vector.broadcast %broadcast_in_dim3A_2031 : vector<128x1xi32> to vector<128x128xi32>
    %eq3A_2074 = vector.broadcast %broadcast_in_dim3A_2069 : vector<1x128xi32> to vector<128x128xi32>
    %eq3A_2075 = arith.cmpi eq, %eq3A_2073, %eq3A_2074 : vector<128x128xi32>
    %jit3A_2076 = arith.constant -1.000000e+09 : f32
    %broadcast_in_dim3A_2077 = vector.broadcast %jit3A_2076 : f32 to vector<128x128xf32>
    %select_n3A_2078 = arith.select %eq3A_2072, %mul3A_2015, %broadcast_in_dim3A_2077 : vector<128x128xi1>, vector<128x128xf32>
    %jit3A_2079 = arith.constant -1.000000e+09 : f32
    %broadcast_in_dim3A_2080 = vector.broadcast %jit3A_2079 : f32 to vector<128x128xf32>
    %select_n3A_2081 = arith.select %eq3A_2075, %mul3A_2020, %broadcast_in_dim3A_2080 : vector<128x128xi1>, vector<128x128xf32>
    %concatenate3A_2082 = tpu.concatenate %select_n3A_2078, %select_n3A_2081 in 1 : vector<128x128xf32>, vector<128x128xf32> -> vector<128x256xf32>
    %reduce_max3A_2083 = arith.constant dense<0xFF800000> : vector<128xf32>
    %reduce_max3A_2084 = vector.multi_reduction <maximumf>, %concatenate3A_2082, %reduce_max3A_2083 [1] : vector<128x256xf32> to vector<128xf32>
    %broadcast_in_dim3A_2085 = vector.shape_cast %reduce_max3A_2084 : vector<128xf32> to vector<128x1xf32>
    %sub3A_2086 = vector.broadcast %broadcast_in_dim3A_2085 : vector<128x1xf32> to vector<128x256xf32>
    %sub3A_2087 = arith.subf %concatenate3A_2082, %sub3A_2086 : vector<128x256xf32>
    %exp3A_2088 = math.exp %sub3A_2087 : vector<128x256xf32>
    %reduce_sum3A_2089 = arith.constant dense<0.000000e+00> : vector<128xf32>
    %reduce_sum3A_2090 = vector.multi_reduction <add>, %exp3A_2088, %reduce_sum3A_2089 [1] : vector<128x256xf32> to vector<128xf32>
    %broadcast_in_dim3A_2091 = vector.shape_cast %reduce_sum3A_2090 : vector<128xf32> to vector<128x1xf32>
    %div3A_2092 = vector.broadcast %broadcast_in_dim3A_2091 : vector<128x1xf32> to vector<128x256xf32>
    %div3A_2093 = arith.divf %exp3A_2088, %div3A_2092 : vector<128x256xf32>
    %concatenate3A_2094 = tpu.concatenate %eq3A_2072, %eq3A_2075 in 1 : vector<128x128xi1>, vector<128x128xi1> -> vector<128x256xi1>
    %convert_element_type3A_2095 = arith.extui %concatenate3A_2094 : vector<128x256xi1> to vector<128x256xi32>
    %convert_element_type3A_2096 = arith.sitofp %convert_element_type3A_2095 : vector<128x256xi32> to vector<128x256xf32>
    %reduce_max3A_2097 = arith.constant dense<0xFF800000> : vector<128xf32>
    %reduce_max3A_2098 = vector.multi_reduction <maximumf>, %convert_element_type3A_2096, %reduce_max3A_2097 [1] : vector<128x256xf32> to vector<128xf32>
    %broadcast_in_dim3A_2099 = vector.shape_cast %reduce_max3A_2098 : vector<128xf32> to vector<128x1xf32>
    %gt3A_2100 = arith.constant 0.000000e+00 : f32
    %gt3A_2101 = vector.broadcast %gt3A_2100 : f32 to vector<128x1xf32>
    %gt3A_2102 = arith.cmpf ogt, %broadcast_in_dim3A_2099, %gt3A_2101 : vector<128x1xf32>
    %jit3A_2103 = arith.constant 0.000000e+00 : f32
    %broadcast_in_dim3A_2104 = vector.shape_cast %gt3A_2102 : vector<128x1xi1> to vector<128x1xi1>
    %broadcast_in_dim3A_2105 = vector.broadcast %broadcast_in_dim3A_2104 : vector<128x1xi1> to vector<128x256xi1>
    %broadcast_in_dim3A_2106 = vector.broadcast %jit3A_2103 : f32 to vector<128x256xf32>
    %select_n3A_2107 = arith.select %broadcast_in_dim3A_2105, %div3A_2093, %broadcast_in_dim3A_2106 : vector<128x256xi1>, vector<128x256xf32>
    %get3A_2108 = arith.constant 0 : index
    %get3A_2109 = arith.constant 13 : index
    %get3A_2110 = arith.constant 0 : index
    %get3A_2111 = arith.constant 0 : index
    %get3A_2112 = vector.load %arg6[%get3A_2108, %get3A_2109, %get3A_2110, %get3A_2111] : memref<1x16x128x64xf32, #tpu.memory_space<vmem>>, vector<1x1x128x64xf32>
    %get3A_2113 = vector.shape_cast %get3A_2112 : vector<1x1x128x64xf32> to vector<128x64xf32>
    %get3A_2114 = arith.constant 0 : index
    %get3A_2115 = arith.constant 14 : index
    %get3A_2116 = arith.constant 0 : index
    %get3A_2117 = arith.constant 0 : index
    %get3A_2118 = vector.load %arg6[%get3A_2114, %get3A_2115, %get3A_2116, %get3A_2117] : memref<1x16x128x64xf32, #tpu.memory_space<vmem>>, vector<1x1x128x64xf32>
    %get3A_2119 = vector.shape_cast %get3A_2118 : vector<1x1x128x64xf32> to vector<128x64xf32>
    %concatenate3A_2120 = tpu.concatenate %get3A_2113, %get3A_2119 in 0 : vector<128x64xf32>, vector<128x64xf32> -> vector<256x64xf32>
    %convert_element_type3A_2121 = arith.truncf %concatenate3A_2120 : vector<256x64xf32> to vector<256x64xbf16>
    %convert_element_type3A_2122 = arith.truncf %select_n3A_2107 : vector<128x256xf32> to vector<128x256xbf16>
    %dot_general3A_2123 = arith.constant dense<0.000000e+00> : vector<128x64xf32>
    %dot_general3A_2124 = tpu.matmul %convert_element_type3A_2122, %convert_element_type3A_2121, %dot_general3A_2123 {dimension_numbers = #tpu.dot_dimension_numbers<[1], [0], [0], [1], [0, 0, 1, 1], [], []>, transpose_lhs_hint = false} : vector<128x256xbf16>, vector<256x64xbf16>, vector<128x64xf32> -> vector<128x64xf32>
    %swap3A_2125 = arith.constant 0 : index
    %swap3A_2126 = arith.constant 14 : index
    %swap3A_2127 = arith.constant 0 : index
    %swap3A_2128 = arith.constant 0 : index
    %swap3A_2129 = vector.load %arg9[%swap3A_2125, %swap3A_2126, %swap3A_2127, %swap3A_2128] : memref<1x16x128x64xf32, #tpu.memory_space<vmem>>, vector<1x1x128x64xf32>
    %swap3A_2130 = vector.shape_cast %swap3A_2129 : vector<1x1x128x64xf32> to vector<128x64xf32>
    %swap3A_2131 = vector.shape_cast %dot_general3A_2124 : vector<128x64xf32> to vector<1x1x128x64xf32>
    tpu.vector_store %arg9[%swap3A_2125, %swap3A_2126, %swap3A_2127, %swap3A_2128], %swap3A_2131 {strides = array<i32>} : memref<1x16x128x64xf32, #tpu.memory_space<vmem>>, vector<1x1x128x64xf32>,
    %get3A_2132 = arith.constant 0 : index
    %get3A_2133 = arith.constant 15 : index
    %get3A_2134 = arith.constant 0 : index
    %get3A_2135 = arith.constant 0 : index
    %get3A_2136 = vector.load %arg2[%get3A_2132, %get3A_2133, %get3A_2134, %get3A_2135] : memref<1x16x128x64xf32, #tpu.memory_space<vmem>>, vector<1x1x128x64xf32>
    %get3A_2137 = vector.shape_cast %get3A_2136 : vector<1x1x128x64xf32> to vector<128x64xf32>
    %convert_element_type3A_2138 = arith.truncf %get3A_2137 : vector<128x64xf32> to vector<128x64xbf16>
    %get3A_2139 = arith.constant 0 : index
    %get3A_2140 = arith.constant 14 : index
    %get3A_2141 = arith.constant 0 : index
    %get3A_2142 = arith.constant 0 : index
    %get3A_2143 = vector.load %arg4[%get3A_2139, %get3A_2140, %get3A_2141, %get3A_2142] : memref<1x16x128x64xf32, #tpu.memory_space<vmem>>, vector<1x1x128x64xf32>
    %get3A_2144 = vector.shape_cast %get3A_2143 : vector<1x1x128x64xf32> to vector<128x64xf32>
    %convert_element_type3A_2145 = arith.truncf %get3A_2144 : vector<128x64xf32> to vector<128x64xbf16>
    %get3A_2146 = arith.constant 0 : index
    %get3A_2147 = arith.constant 15 : index
    %get3A_2148 = arith.constant 0 : index
    %get3A_2149 = arith.constant 0 : index
    %get3A_2150 = vector.load %arg4[%get3A_2146, %get3A_2147, %get3A_2148, %get3A_2149] : memref<1x16x128x64xf32, #tpu.memory_space<vmem>>, vector<1x1x128x64xf32>
    %get3A_2151 = vector.shape_cast %get3A_2150 : vector<1x1x128x64xf32> to vector<128x64xf32>
    %convert_element_type3A_2152 = arith.truncf %get3A_2151 : vector<128x64xf32> to vector<128x64xbf16>
    %dot_general3A_2153 = arith.constant dense<0.000000e+00> : vector<128x128xf32>
    %dot_general3A_2154 = tpu.matmul %convert_element_type3A_2138, %convert_element_type3A_2145, %dot_general3A_2153 {dimension_numbers = #tpu.dot_dimension_numbers<[1], [1], [0], [0], [0, 0, 1, 0], [], []>, transpose_lhs_hint = false} : vector<128x64xbf16>, vector<128x64xbf16>, vector<128x128xf32> -> vector<128x128xf32>
    %mul3A_2155 = arith.constant 1.250000e-01 : f32
    %mul3A_2156 = vector.broadcast %mul3A_2155 : f32 to vector<128x128xf32>
    %mul3A_2157 = arith.mulf %dot_general3A_2154, %mul3A_2156 : vector<128x128xf32>
    %dot_general3A_2158 = arith.constant dense<0.000000e+00> : vector<128x128xf32>
    %dot_general3A_2159 = tpu.matmul %convert_element_type3A_2138, %convert_element_type3A_2152, %dot_general3A_2158 {dimension_numbers = #tpu.dot_dimension_numbers<[1], [1], [0], [0], [0, 0, 1, 0], [], []>, transpose_lhs_hint = false} : vector<128x64xbf16>, vector<128x64xbf16>, vector<128x128xf32> -> vector<128x128xf32>
    %mul3A_2160 = arith.constant 1.250000e-01 : f32
    %mul3A_2161 = vector.broadcast %mul3A_2160 : f32 to vector<128x128xf32>
    %mul3A_2162 = arith.mulf %dot_general3A_2159, %mul3A_2161 : vector<128x128xf32>
    %add3A_2163 = arith.constant 1920 : i32
    %add3A_2164 = arith.addi %mul3A_18, %add3A_2163 : i32
    %add3A_2165 = vector.broadcast %add3A_2164 : i32 to vector<128x1xi32>
    %add3A_2166 = arith.addi %add3A_2165, %iota3A : vector<128x1xi32>
    %le3A_2167 = vector.broadcast %get3A_4 : vector<1x64xi32> to vector<128x64xi32>
    %le3A_2168 = vector.broadcast %add3A_2166 : vector<128x1xi32> to vector<128x64xi32>
    %le3A_2169 = arith.cmpi sle, %le3A_2167, %le3A_2168 : vector<128x64xi32>
    %convert_element_type3A_2170 = arith.extui %le3A_2169 : vector<128x64xi1> to vector<128x64xi32>
    %reduce_sum3A_2171 = arith.constant dense<0> : vector<128xi32>
    %reduce_sum3A_2172 = vector.multi_reduction <add>, %convert_element_type3A_2170, %reduce_sum3A_2171 [1] : vector<128x64xi32> to vector<128xi32>
    %broadcast_in_dim3A_2173 = vector.shape_cast %reduce_sum3A_2172 : vector<128xi32> to vector<128x1xi32>
    %add3A_2174 = arith.constant 1792 : i32
    %add3A_2175 = arith.addi %mul3A_18, %add3A_2174 : i32
    %jit3A_2176 = arith.constant 8192 : i32
    %eq3A_2177 = arith.constant 0 : i32
    %eq3A_2178 = arith.cmpi eq, %jit3A_2176, %eq3A_2177 : i32
    %jit3A_2179 = arith.constant 1 : i32
    %select_n3A_2180 = arith.select %eq3A_2178, %jit3A_2179, %jit3A_2176 : i32
    %rem3A_2181 = arith.remsi %add3A_2175, %select_n3A_2180 : i32
    %ne3A_2182 = arith.constant 0 : i32
    %ne3A_2183 = arith.cmpi ne, %rem3A_2181, %ne3A_2182 : i32
    %lt3A_2184 = arith.constant 0 : i32
    %lt3A_2185 = arith.cmpi slt, %rem3A_2181, %lt3A_2184 : i32
    %lt3A_2186 = arith.constant 0 : i32
    %lt3A_2187 = arith.cmpi slt, %select_n3A_2180, %lt3A_2186 : i32
    %ne3A_2188 = arith.xori %lt3A_2185, %lt3A_2187 : i1
    %and3A_2189 = arith.andi %ne3A_2188, %ne3A_2183 : i1
    %add3A_2190 = arith.addi %rem3A_2181, %select_n3A_2180 : i32
    %select_n3A_2191 = arith.select %and3A_2189, %add3A_2190, %rem3A_2181 : i32
    %add3A_2192 = vector.broadcast %select_n3A_2191 : i32 to vector<1x128xi32>
    %add3A_2193 = arith.addi %add3A_2192, %iota3A_0 : vector<1x128xi32>
    %le3A_2194 = vector.broadcast %convert_element_type3A_15 : vector<64x1xi32> to vector<64x128xi32>
    %le3A_2195 = vector.broadcast %add3A_2193 : vector<1x128xi32> to vector<64x128xi32>
    %le3A_2196 = arith.cmpi sle, %le3A_2194, %le3A_2195 : vector<64x128xi32>
    %convert_element_type3A_2197 = arith.extui %le3A_2196 : vector<64x128xi1> to vector<64x128xi32>
    %reduce_sum3A_2198 = arith.constant dense<0> : vector<128xi32>
    %reduce_sum3A_2199 = vector.multi_reduction <add>, %convert_element_type3A_2197, %reduce_sum3A_2198 [0] : vector<64x128xi32> to vector<128xi32>
    %broadcast_in_dim3A_2200 = vector.shape_cast %reduce_sum3A_2199 : vector<128xi32> to vector<1x128xi32>
    %add3A_2201 = arith.constant 1920 : i32
    %add3A_2202 = arith.addi %mul3A_18, %add3A_2201 : i32
    %add3A_2203 = vector.broadcast %add3A_2202 : i32 to vector<1x128xi32>
    %add3A_2204 = arith.addi %add3A_2203, %iota3A_0 : vector<1x128xi32>
    %le3A_2205 = vector.broadcast %convert_element_type3A_15 : vector<64x1xi32> to vector<64x128xi32>
    %le3A_2206 = vector.broadcast %add3A_2204 : vector<1x128xi32> to vector<64x128xi32>
    %le3A_2207 = arith.cmpi sle, %le3A_2205, %le3A_2206 : vector<64x128xi32>
    %convert_element_type3A_2208 = arith.extui %le3A_2207 : vector<64x128xi1> to vector<64x128xi32>
    %reduce_sum3A_2209 = arith.constant dense<0> : vector<128xi32>
    %reduce_sum3A_2210 = vector.multi_reduction <add>, %convert_element_type3A_2208, %reduce_sum3A_2209 [0] : vector<64x128xi32> to vector<128xi32>
    %broadcast_in_dim3A_2211 = vector.shape_cast %reduce_sum3A_2210 : vector<128xi32> to vector<1x128xi32>
    %eq3A_2212 = vector.broadcast %broadcast_in_dim3A_2173 : vector<128x1xi32> to vector<128x128xi32>
    %eq3A_2213 = vector.broadcast %broadcast_in_dim3A_2200 : vector<1x128xi32> to vector<128x128xi32>
    %eq3A_2214 = arith.cmpi eq, %eq3A_2212, %eq3A_2213 : vector<128x128xi32>
    %eq3A_2215 = vector.broadcast %broadcast_in_dim3A_2173 : vector<128x1xi32> to vector<128x128xi32>
    %eq3A_2216 = vector.broadcast %broadcast_in_dim3A_2211 : vector<1x128xi32> to vector<128x128xi32>
    %eq3A_2217 = arith.cmpi eq, %eq3A_2215, %eq3A_2216 : vector<128x128xi32>
    %jit3A_2218 = arith.constant -1.000000e+09 : f32
    %broadcast_in_dim3A_2219 = vector.broadcast %jit3A_2218 : f32 to vector<128x128xf32>
    %select_n3A_2220 = arith.select %eq3A_2214, %mul3A_2157, %broadcast_in_dim3A_2219 : vector<128x128xi1>, vector<128x128xf32>
    %jit3A_2221 = arith.constant -1.000000e+09 : f32
    %broadcast_in_dim3A_2222 = vector.broadcast %jit3A_2221 : f32 to vector<128x128xf32>
    %select_n3A_2223 = arith.select %eq3A_2217, %mul3A_2162, %broadcast_in_dim3A_2222 : vector<128x128xi1>, vector<128x128xf32>
    %concatenate3A_2224 = tpu.concatenate %select_n3A_2220, %select_n3A_2223 in 1 : vector<128x128xf32>, vector<128x128xf32> -> vector<128x256xf32>
    %reduce_max3A_2225 = arith.constant dense<0xFF800000> : vector<128xf32>
    %reduce_max3A_2226 = vector.multi_reduction <maximumf>, %concatenate3A_2224, %reduce_max3A_2225 [1] : vector<128x256xf32> to vector<128xf32>
    %broadcast_in_dim3A_2227 = vector.shape_cast %reduce_max3A_2226 : vector<128xf32> to vector<128x1xf32>
    %sub3A_2228 = vector.broadcast %broadcast_in_dim3A_2227 : vector<128x1xf32> to vector<128x256xf32>
    %sub3A_2229 = arith.subf %concatenate3A_2224, %sub3A_2228 : vector<128x256xf32>
    %exp3A_2230 = math.exp %sub3A_2229 : vector<128x256xf32>
    %reduce_sum3A_2231 = arith.constant dense<0.000000e+00> : vector<128xf32>
    %reduce_sum3A_2232 = vector.multi_reduction <add>, %exp3A_2230, %reduce_sum3A_2231 [1] : vector<128x256xf32> to vector<128xf32>
    %broadcast_in_dim3A_2233 = vector.shape_cast %reduce_sum3A_2232 : vector<128xf32> to vector<128x1xf32>
    %div3A_2234 = vector.broadcast %broadcast_in_dim3A_2233 : vector<128x1xf32> to vector<128x256xf32>
    %div3A_2235 = arith.divf %exp3A_2230, %div3A_2234 : vector<128x256xf32>
    %concatenate3A_2236 = tpu.concatenate %eq3A_2214, %eq3A_2217 in 1 : vector<128x128xi1>, vector<128x128xi1> -> vector<128x256xi1>
    %convert_element_type3A_2237 = arith.extui %concatenate3A_2236 : vector<128x256xi1> to vector<128x256xi32>
    %convert_element_type3A_2238 = arith.sitofp %convert_element_type3A_2237 : vector<128x256xi32> to vector<128x256xf32>
    %reduce_max3A_2239 = arith.constant dense<0xFF800000> : vector<128xf32>
    %reduce_max3A_2240 = vector.multi_reduction <maximumf>, %convert_element_type3A_2238, %reduce_max3A_2239 [1] : vector<128x256xf32> to vector<128xf32>
    %broadcast_in_dim3A_2241 = vector.shape_cast %reduce_max3A_2240 : vector<128xf32> to vector<128x1xf32>
    %gt3A_2242 = arith.constant 0.000000e+00 : f32
    %gt3A_2243 = vector.broadcast %gt3A_2242 : f32 to vector<128x1xf32>
    %gt3A_2244 = arith.cmpf ogt, %broadcast_in_dim3A_2241, %gt3A_2243 : vector<128x1xf32>
    %jit3A_2245 = arith.constant 0.000000e+00 : f32
    %broadcast_in_dim3A_2246 = vector.shape_cast %gt3A_2244 : vector<128x1xi1> to vector<128x1xi1>
    %broadcast_in_dim3A_2247 = vector.broadcast %broadcast_in_dim3A_2246 : vector<128x1xi1> to vector<128x256xi1>
    %broadcast_in_dim3A_2248 = vector.broadcast %jit3A_2245 : f32 to vector<128x256xf32>
    %select_n3A_2249 = arith.select %broadcast_in_dim3A_2247, %div3A_2235, %broadcast_in_dim3A_2248 : vector<128x256xi1>, vector<128x256xf32>
    %get3A_2250 = arith.constant 0 : index
    %get3A_2251 = arith.constant 14 : index
    %get3A_2252 = arith.constant 0 : index
    %get3A_2253 = arith.constant 0 : index
    %get3A_2254 = vector.load %arg6[%get3A_2250, %get3A_2251, %get3A_2252, %get3A_2253] : memref<1x16x128x64xf32, #tpu.memory_space<vmem>>, vector<1x1x128x64xf32>
    %get3A_2255 = vector.shape_cast %get3A_2254 : vector<1x1x128x64xf32> to vector<128x64xf32>
    %get3A_2256 = arith.constant 0 : index
    %get3A_2257 = arith.constant 15 : index
    %get3A_2258 = arith.constant 0 : index
    %get3A_2259 = arith.constant 0 : index
    %get3A_2260 = vector.load %arg6[%get3A_2256, %get3A_2257, %get3A_2258, %get3A_2259] : memref<1x16x128x64xf32, #tpu.memory_space<vmem>>, vector<1x1x128x64xf32>
    %get3A_2261 = vector.shape_cast %get3A_2260 : vector<1x1x128x64xf32> to vector<128x64xf32>
    %concatenate3A_2262 = tpu.concatenate %get3A_2255, %get3A_2261 in 0 : vector<128x64xf32>, vector<128x64xf32> -> vector<256x64xf32>
    %convert_element_type3A_2263 = arith.truncf %concatenate3A_2262 : vector<256x64xf32> to vector<256x64xbf16>
    %convert_element_type3A_2264 = arith.truncf %select_n3A_2249 : vector<128x256xf32> to vector<128x256xbf16>
    %dot_general3A_2265 = arith.constant dense<0.000000e+00> : vector<128x64xf32>
    %dot_general3A_2266 = tpu.matmul %convert_element_type3A_2264, %convert_element_type3A_2263, %dot_general3A_2265 {dimension_numbers = #tpu.dot_dimension_numbers<[1], [0], [0], [1], [0, 0, 1, 1], [], []>, transpose_lhs_hint = false} : vector<128x256xbf16>, vector<256x64xbf16>, vector<128x64xf32> -> vector<128x64xf32>
    %swap3A_2267 = arith.constant 0 : index
    %swap3A_2268 = arith.constant 15 : index
    %swap3A_2269 = arith.constant 0 : index
    %swap3A_2270 = arith.constant 0 : index
    %swap3A_2271 = vector.load %arg9[%swap3A_2267, %swap3A_2268, %swap3A_2269, %swap3A_2270] : memref<1x16x128x64xf32, #tpu.memory_space<vmem>>, vector<1x1x128x64xf32>
    %swap3A_2272 = vector.shape_cast %swap3A_2271 : vector<1x1x128x64xf32> to vector<128x64xf32>
    %swap3A_2273 = vector.shape_cast %dot_general3A_2266 : vector<128x64xf32> to vector<1x1x128x64xf32>
    tpu.vector_store %arg9[%swap3A_2267, %swap3A_2268, %swap3A_2269, %swap3A_2270], %swap3A_2273 {strides = array<i32>} : memref<1x16x128x64xf32, #tpu.memory_space<vmem>>, vector<1x1x128x64xf32>,
    return
  }
  func.func @transform_0(%arg0: i32, %arg1: i32) -> (i32, i32, i32, i32) {
    %c0_i32 = arith.constant 0 : i32
    %c0_i32_0 = arith.constant 0 : i32
    %c0_i32_1 = arith.constant 0 : i32
    return %arg0, %arg1, %c0_i32, %c0_i32_0 : i32, i32, i32, i32
  }
  func.func @transform_1(%arg0: i32, %arg1: i32) -> (i32, i32, i32, i32) {
    %mul3A = arith.constant 16 : i32
    %mul3A_0 = arith.muli %arg1, %mul3A : i32
    %add3A = arith.constant 64 : i32
    %add3A_1 = arith.addi %mul3A_0, %add3A : i32
    %sub3A = arith.constant 1 : i32
    %sub3A_2 = arith.subi %add3A_1, %sub3A : i32
    %jit3A = arith.constant 64 : i32
    %eq3A = arith.constant 0 : i32
    %eq3A_3 = arith.cmpi eq, %jit3A, %eq3A : i32
    %jit3A_4 = arith.constant 1 : i32
    %select_n3A = arith.select %eq3A_3, %jit3A_4, %jit3A : i32
    %rem3A = arith.remsi %sub3A_2, %select_n3A : i32
    %ne3A = arith.constant 0 : i32
    %ne3A_5 = arith.cmpi ne, %rem3A, %ne3A : i32
    %lt3A = arith.constant 0 : i32
    %lt3A_6 = arith.cmpi slt, %rem3A, %lt3A : i32
    %lt3A_7 = arith.constant 0 : i32
    %lt3A_8 = arith.cmpi slt, %select_n3A, %lt3A_7 : i32
    %ne3A_9 = arith.xori %lt3A_6, %lt3A_8 : i1
    %and3A = arith.andi %ne3A_9, %ne3A_5 : i1
    %add3A_10 = arith.addi %rem3A, %select_n3A : i32
    %select_n3A_11 = arith.select %and3A, %add3A_10, %rem3A : i32
    %c0_i32 = arith.constant 0 : i32
    %c0_i32_12 = arith.constant 0 : i32
    %c0_i32_13 = arith.constant 0 : i32
    return %arg0, %select_n3A_11, %c0_i32, %c0_i32_12 : i32, i32, i32, i32
  }
  func.func @transform_2(%arg0: i32, %arg1: i32) -> (i32, i32, i32, i32) {
    %c0_i32 = arith.constant 0 : i32
    %c0_i32_0 = arith.constant 0 : i32
    %c0_i32_1 = arith.constant 0 : i32
    return %arg0, %arg1, %c0_i32, %c0_i32_0 : i32, i32, i32, i32
  }
  func.func @transform_3(%arg0: i32, %arg1: i32) -> (i32, i32, i32, i32) {
    %mul3A = arith.constant 16 : i32
    %mul3A_0 = arith.muli %arg1, %mul3A : i32
    %add3A = arith.constant 64 : i32
    %add3A_1 = arith.addi %mul3A_0, %add3A : i32
    %sub3A = arith.constant 1 : i32
    %sub3A_2 = arith.subi %add3A_1, %sub3A : i32
    %jit3A = arith.constant 64 : i32
    %eq3A = arith.constant 0 : i32
    %eq3A_3 = arith.cmpi eq, %jit3A, %eq3A : i32
    %jit3A_4 = arith.constant 1 : i32
    %select_n3A = arith.select %eq3A_3, %jit3A_4, %jit3A : i32
    %rem3A = arith.remsi %sub3A_2, %select_n3A : i32
    %ne3A = arith.constant 0 : i32
    %ne3A_5 = arith.cmpi ne, %rem3A, %ne3A : i32
    %lt3A = arith.constant 0 : i32
    %lt3A_6 = arith.cmpi slt, %rem3A, %lt3A : i32
    %lt3A_7 = arith.constant 0 : i32
    %lt3A_8 = arith.cmpi slt, %select_n3A, %lt3A_7 : i32
    %ne3A_9 = arith.xori %lt3A_6, %lt3A_8 : i1
    %and3A = arith.andi %ne3A_9, %ne3A_5 : i1
    %add3A_10 = arith.addi %rem3A, %select_n3A : i32
    %select_n3A_11 = arith.select %and3A, %add3A_10, %rem3A : i32
    %c0_i32 = arith.constant 0 : i32
    %c0_i32_12 = arith.constant 0 : i32
    %c0_i32_13 = arith.constant 0 : i32
    return %arg0, %select_n3A_11, %c0_i32, %c0_i32_12 : i32, i32, i32, i32
  }
  func.func @transform_4(%arg0: i32, %arg1: i32) -> (i32, i32, i32, i32) {
    %c0_i32 = arith.constant 0 : i32
    %c0_i32_0 = arith.constant 0 : i32
    %c0_i32_1 = arith.constant 0 : i32
    return %arg0, %arg1, %c0_i32, %c0_i32_0 : i32, i32, i32, i32
  }
  func.func @transform_5(%arg0: i32, %arg1: i32) -> (i32, i32, i32) {
    %c0_i32 = arith.constant 0 : i32
    %c0_i32_0 = arith.constant 0 : i32
    %c0_i32_1 = arith.constant 0 : i32
    return %arg0, %c0_i32, %c0_i32_0 : i32, i32, i32
  }
  func.func @transform_6(%arg0: i32, %arg1: i32) -> (i32, i32, i32) {
    %c0_i32 = arith.constant 0 : i32
    %c0_i32_0 = arith.constant 0 : i32
    %c0_i32_1 = arith.constant 0 : i32
    return %arg0, %c0_i32, %c0_i32_0 : i32, i32, i32
  }
  func.func @transform_7(%arg0: i32, %arg1: i32) -> (i32, i32, i32, i32) {
    %c0_i32 = arith.constant 0 : i32
    %c0_i32_0 = arith.constant 0 : i32
    %c0_i32_1 = arith.constant 0 : i32
    return %arg0, %arg1, %c0_i32, %c0_i32_0 : i32, i32, i32, i32
  }
}

</mosaic_0001>

<sc_bundles>
// kernel: kernel.6.cloned.1.call-start
scs
__scs_entry_jumppad:
0x0: {  	(pc) =	sbr.rel $0x88, $3  }
0x1: {  	(tag) =	ssettag $0x0;
	lr =	simm.s32 $0x1  }
0x2: {  	[smem:$0x3F9E] =	sst lr;
	_ =	strace $0xD0000000  }
0x3: {  	_ = 	snop  }
0x4: {  	_ = 	snop  }
0x5: {  	_ = 	snop  }
0x6: {  	_ = 	snop  }
0x7: {  	_ = 	snop  }
__scs_overlays_trampoline_lowered:
0x8: {  	[smem:$0x3FAD] =	sst s0  }
0x9: {  	[smem:$0x3FAE] =	sst s1  }
0xa: {  	[smem:$0x3FAF] =	sst s2  }
0xb: {  	[smem:$0x3FB0] =	sst s3  }
0xc: {  	[smem:$0x3FB1] =	sst s4  }
0xd: {  	[smem:$0x3FB2] =	sst s5  }
0xe: {  	[smem:$0x3FB3] =	sst s6  }
0xf: {  	[smem:$0x3FB4] =	sst s7  }
0x10: {  	[smem:$0x3FB5] =	sst s8  }
0x11: {  	[smem:$0x3FB6] =	sst s9;
	s0 =	simm.s32 @!p0 $0x0  }
0x12: {  	s1 =	sld [smem:$0x3F9C];
	s0 =	simm.s32 @p0 $0x1  }
0x13: {  	[smem:$0x3FB7] =	sst s0;
	s0 =	simm.s32 @!p1 $0x0  }
0x14: {  	s2 =	sld [smem:$0x3F9B];
	s0 =	simm.s32 @p1 $0x1  }
0x15: {  	[smem:$0x3FB8] =	sst s0;
	s0 =	simm.s32 @!p2 $0x0  }
0x16: {  	s3 =	sld [smem:$0x3FDB];
	s0 =	simm.s32 @p2 $0x1  }
0x17: {  	s4 =	simm.s32 $0x1BF5;
	[smem:$0x3FBA] =	sst s0  }
0x18: {  	s0 =	sld [smem:$0x3F9D];
	_ =	swait.ge [sflag:s4], $0x0  }
0x19: {  	s7 =	sld [smem:$0x3F9E]  }
0x1a: {  	s8 =	sadd.s32 $0xFFFFE003, lr  }
0x1b: {  	s9 =	sadd.s32 $0xFFFFFEF7, lr;
	s5 =	simm.s32 $0xFFFFFFFF;
	p2 =	slt.u32 s8, $0xFFFFF086  }
0x1c: {  	p1 =	slt.u32 s9, $0xF7A;
	s5 =	simm.s32 @!p2 $0x0  }
0x1d: {  	s5 =	simm.s32 @p1 $0x1;
	p0 =	seq.s32 s7, s2  }
0x1e: {  	s7 =	smul.u32 @!p0 $0xF7A, s2;
	p2 =	seq.s32 @!p0 s5, $0x0  }
0x1f: {  	s9 =	smul.u32 $0xF7A, s1;
	s8 =	simm.s32 @!p0 $0x1BF5;
	p2 =	por !p2, p0  }
0x20: {  	[sflag:s8] =	ssyncset.s32 @!p0 $0xFFFFF086;
	s6 =	sadd.s32 @!p0 s3, s7;
	s7 =	simm.s32 @!p0 $0x108  }
0x21: {  	s3 =	sadd.s32 s3, s9;
	s6 =	sadd.s32 @!p0 $0x88, s6;
	s7 =	simm.s32 @p2 $0x1082  }
0x22: {  	[simem:s7], [sflag:s8] =	dma.local @!p0 [hbm:s6], $0xF7A  }
0x23: {  	s9 =	sor.u32 $0xD0000000, s2;
	s6 =	simm.s32 $0x108;
	_ =	swait.ge @!p0 [sflag:s8], $0x0  }
0x24: {  	s3 =	sadd.s32 $0x88, s3;
	s6 =	simm.s32 @!p1 $0x1082;
	[sflag:s4] =	ssyncset.s32 $0xFFFFF086  }
0x25: {  	[simem:s6], [sflag:s4] =	dma.local [hbm:s3], $0xF7A  }
0x26: {  	[smem:$0x3F9E] =	sst s1;
	(tag) =	ssettag s2;
	_ =	strace s9  }
0x27: {  	s1 =	sld [smem:$0x3FAE]  }
0x28: {  	s2 =	sld [smem:$0x3FAF]  }
0x29: {  	s4 =	sld [smem:$0x3FB1]  }
0x2a: {  	p0 =	seq.s32 s5, $0x0;
	s5 =	sld [smem:$0x3FB2]  }
0x2b: {  	s6 =	sld [smem:$0x3FB3]  }
0x2c: {  	s7 =	sld [smem:$0x3FB4]  }
0x2d: {  	s3 =	simm.s32 $0x108;
	s8 =	sld [smem:$0x3FB5]  }
0x2e: {  	s3 =	simm.s32 @!p0 $0x1082;
	s9 =	sld [smem:$0x3FB6]  }
0x2f: {  	lr =	sadd.s32 s0, s3;
	s0 =	sld [smem:$0x3FAD]  }
0x30: {  	s3 =	sld [smem:$0x3FB0]  }
0x31: {  	[smem:$0x3FB9] =	sst s10  }
0x32: {  	s10 =	sld [smem:$0x3FB7];
	_ =	sdelay $0x3  }
0x33: {  	p0 =	seq.s32 s10, $0x1;
	s10 =	sld [smem:$0x3FB9];
	_ =	sdelay $0x3  }
0x34: {  	[smem:$0x3FB9] =	sst s10  }
0x35: {  	s10 =	sld [smem:$0x3FB8];
	_ =	sdelay $0x3  }
0x36: {  	p1 =	seq.s32 s10, $0x1;
	s10 =	sld [smem:$0x3FB9];
	_ =	sdelay $0x3  }
0x37: {  	[smem:$0x3FB9] =	sst s10  }
0x38: {  	s10 =	sld [smem:$0x3FBA]  }
0x39: {  	_ = 	snop;
	(pc) =	sbr.ind lr, $3  }
0x3a: {  	_ = 	snop  }
0x3b: {  	_ = 	snop  }
0x3c: {  	p2 =	seq.s32 s10, $0x1;
	s10 =	sld [smem:$0x3FB9]  }
0x3d: {  	_ =	shalt  }
0x3e: {  	_ =	shalt  }
0x3f: {  	_ =	shalt  }
0x40: {  	_ =	shalt  }
0x41: {  	_ =	shalt  }
0x42: {  	_ =	shalt  }
0x43: {  	_ =	shalt  }
0x44: {  	_ =	shalt  }
0x45: {  	_ =	shalt  }
0x46: {  	_ =	shalt  }
0x47: {  	_ =	shalt  }
0x48: {  	_ =	shalt  }
0x49: {  	_ =	shalt  }
0x4a: {  	_ =	shalt  }
0x4b: {  	_ =	shalt  }
0x4c: {  	_ =	shalt  }
0x4d: {  	_ =	shalt  }
0x4e: {  	_ =	shalt  }
0x4f: {  	_ =	shalt  }
0x50: {  	_ =	shalt  }
0x51: {  	_ =	shalt  }
0x52: {  	_ =	shalt  }
0x53: {  	_ =	shalt  }
0x54: {  	_ =	shalt  }
0x55: {  	_ =	shalt  }
0x56: {  	_ =	shalt  }
0x57: {  	_ =	shalt  }
0x58: {  	_ =	shalt  }
0x59: {  	_ =	shalt  }
0x5a: {  	_ =	shalt  }
0x5b: {  	_ =	shalt  }
0x5c: {  	_ =	shalt  }
0x5d: {  	_ =	shalt  }
0x5e: {  	_ =	shalt  }
0x5f: {  	_ =	shalt  }
0x60: {  	_ =	shalt  }
0x61: {  	_ =	shalt  }
0x62: {  	_ =	shalt  }
0x63: {  	_ =	shalt  }
0x64: {  	_ =	shalt  }
0x65: {  	_ =	shalt  }
0x66: {  	_ =	shalt  }
0x67: {  	_ =	shalt  }
0x68: {  	_ =	shalt  }
0x69: {  	_ =	shalt  }
0x6a: {  	_ =	shalt  }
0x6b: {  	_ =	shalt  }
0x6c: {  	_ =	shalt  }
0x6d: {  	_ =	shalt  }
0x6e: {  	_ =	shalt  }
0x6f: {  	_ =	shalt  }
0x70: {  	_ =	shalt  }
0x71: {  	_ =	shalt  }
0x72: {  	_ =	shalt  }
0x73: {  	_ =	shalt  }
0x74: {  	_ =	shalt  }
0x75: {  	_ =	shalt  }
0x76: {  	_ =	shalt  }
0x77: {  	_ =	shalt  }
0x78: {  	_ =	shalt  }
0x79: {  	_ =	shalt  }
0x7a: {  	_ =	shalt  }
0x7b: {  	_ =	shalt  }
0x7c: {  	_ =	shalt  }
0x7d: {  	_ =	shalt  }
0x7e: {  	_ =	shalt  }
0x7f: {  	_ =	shalt  }
0x80: {  	_ =	shalt  }
0x81: {  	_ =	shalt  }
0x82: {  	_ =	shalt  }
0x83: {  	_ =	shalt  }
0x84: {  	_ =	shalt  }
0x85: {  	_ =	shalt  }
0x86: {  	_ =	shalt  }
0x87: {  	_ =	shalt  }
.Lfunc_end0:
.L_simem_size_0:
called_computation_lowered:
.L_overlay_start_0:
0x88: {  	s2 =	sld [smem:$0x3FD9]  }
0x89: {  	s3 =	sld [smem:$0x3FFE];
	_ =	sdelay $0x1  }
0x8a: {  	s1 =	srdreg.scid  }
0x8b: {  	s0 =	sand.u32 $0x1, s1  }
0x8c: {  	s17 =	sshll.u32 s0, $0xA;
	s2 =	sadd.s32 s3, s2  }
0x8d: {  	s2 =	sadd.s32 s2, s17  }
0x8e: {  	[smem:$0x3FC5] =	sst s2  }
0x8f: {  	_ = 	snop  }
0x90: {  	s2 =	sld [smem:$0x3FD0];
	(tm) =	ssettm $0x1  }
0x91: {  	s18 =	sld [smem:$0x3FFB];
	_ =	sdelay $0x3  }
0x92: {  	_ =	strace s18  }
0x93: {  	s3 =	sld [smem:$0x3FFC];
	_ =	sdelay $0x3  }
0x94: {  	_ =	strace s3  }
0x95: {  	s3 =	sld [smem:$0x3FFD];
	_ =	sdelay $0x3  }
0x96: {  	_ =	strace s3  }
0x97: {  	_ =	strace $0x8FFFFFFF  }
0x98: {  	s19 =	sld [smem:$0x3FDB];
	_ =	sdelay $0x1  }
0x99: {  	s4 =	simm.s32 $_scs_section_size  }
0x9a: {  	s5 =	simm.s32 $_size__tile_overlayer_lowered;
	s6 =	simm.s32 $_tile_overlayer_lowered  }
0x9b: {  	s22 =	simm.s32 $0x1BFF;
	s21 =	sshll.u32 s6, $0x1;
	s3 =	sadd.s32 s4, s19  }
0x9c: {  	s7 =	simm.s32 $0x0;
	s20 =	sshll.u32 s5, $0x1;
	s5 =	sadd.s32 s21, s3  }
0x9d: {  	[timem:s7], [sflag:s22] =	dma.local [hbm:s5], s20  }
0x9e: {  	_ =	swait.ge [sflag:s22], s20  }
0x9f: {  	s4 =	ssub.s32 $0x0, s20;
	[sflag:s22] =	ssyncset.done $0x0  }
0xa0: {  	[sflag:s22] =	ssyncadd.s32 s4;
	_ =	sdelay $0x1  }
0xa1: {  	s23 =	simm.s32 $0x1B8B  }
0xa2: {  	_ =	swait.ge [sflag:s23], $0x1  }
0xa3: {  	[sflag:s23] =	ssyncset.done $0x0  }
0xa4: {  	s25 =	simm.s32 $0x1B8E;
	s24 =	sld [smem:$0x3FFE];
	[sflag:s23] =	ssyncadd.s32 $0xFFFFFFFF  }
0xa5: {  	s26 =	simm.s32 $execute0_lowered;
	[smem:$0x3FD2] =	sst s25  }
0xa6: {  	s5 =	sshll.u32 s26, $0x1;
	_ =	strace $0x80000046;
	[dreg:$0x1] =	wrdreg $0xFFFFFFFF  }
0xa7: {  	s28 =	simm.s32 $_size_execute0_lowered;
	s3 =	sadd.s32 s3, s5;
	[dreg:$0x0] =	wrdreg $0x0  }
0xa8: {  	s5 =	sshll.u32 s28, $0x1;
	[dreg:$0x2] =	wrdreg s3  }
0xa9: {  	[dreg:$0x3] =	wrdreg s5  }
0xaa: {  	[dreg:$0x4] =	wrdreg $0xC0  }
0xab: {  	_ =	task [dreg:s7], $0x5FFFF  }
0xac: {  	[dreg:$0x1] =	wrdreg $0xFFFFFFFF  }
0xad: {  	[dreg:$0x0] =	wrdreg $0x60  }
0xae: {  	[dreg:$0x2] =	wrdreg s2  }
0xaf: {  	[dreg:$0x3] =	wrdreg s24  }
0xb0: {  	[dreg:$0x4] =	wrdreg $0x9  }
0xb1: {  	_ =	task.clear_ibuf [dreg:s7], $0x5FFFF;
	_ =	strace $0x90000046  }
0xb2: {  	s29 =	simm.s32 $0x9;
	_ =	strace $0x80000048  }
0xb3: {  	_ =	swait.ge [sflag:s29], $0x1  }
0xb4: {  	[sflag:s29] =	ssyncadd.s32 $0xFFFFFFFF  }
0xb5: {  	_ =	strace $0x90000048  }
0xb6: {  	_ =	sfence  }
0xb7: {  	s30 =	sld [smem:$0x0];
	_ =	sdelay $0x2  }
0xb8: {  	s31 =	sshll.u32 s1, $0xD;
	s1 =	sshrl.u32 s1, $0x2  }
0xb9: {  	s3 =	sand.u32 $0x4000, s31;
	s1 =	sadd.s32 s1, s30  }
0xba: {  	s0 =	sor.u32 s3, s0;
	s1 =	sshll.u32 s1, $0x11  }
0xbb: {  	s0 =	sor.u32 s1, s0  }
0xbc: {  	s0 =	sadd.s32 $0x8F2B, s0  }
0xbd: {  	[sflag:s0] =	ssyncadd.remote.s32 $0x1  }
0xbe: {  	_ =	sfence.sel $0xFFFF  }
0xbf: {  	[dreg:$0x0] =	wrdreg $0xFFFFFFFF;
	(pc) =	sbr.abs _section_cstart, $3  }
0xc0: {  	[dreg:$0x1] =	wrdreg $0xFFFFFFFF  }
0xc1: {  	_ =	task.clear_ibuf [dreg:s7], $0x2FFFF;
	_ =	strace $0x9FFFFFFF  }
0xc2: {  	(tm) =	ssettm $0x7FFFFFFF  }
0xc3: {  	_ =	shalt  }
tec
execute0_lowered:
.L_overlay_start_1:
0x0: {  	(tag) =	ssettag $0x1  }
0x1: {  	s1 =	srdreg.scid;
	s0 =	stileid.u32  }
0x2: {  	s29 =	sand.u32 $0x1, s1;
	s31 =	sshll.u32 s0, $0x1  }
0x3: {  	s5 =	rddreg [dreg:$0x0];
	s6 =	sor.u32 s29, s31  }
0x4: {  	s28 =	rddreg [dreg:$0x1];
	s2 =	simm.s32 $0x0;
	s3 =	sshll.u32 s6, $0x7  }
0x5: {  	s4 =	simm.s32 $0x2;
	[smem:$0x7FF] =	sst s2;
	s23 =	sadd.s32 s3, s28  }
0x6: {  	s1 =	rddreg [dreg:$0x2];
	_ =	strace $0x80000047;
	s3 =	sadd.s32 $0x82200, s23  }
0x7: {  	[tilespmem:s2], [sflag:$0x2] =	stream.linear.gather [hbm4b:s3+s2], $0x400, $0x38;
	[tilespmem:$0x10400] =	vst v63  }
0x8: {  	_ =	swait.ge [sflag:s4], $0x400  }
0x9: {  	s24 =	sshll.u32 s6, $0xD;
	[sflag:s4] =	ssyncset.done $0x0  }
0xa: {  	s6 =	simm.s32 $0x400;
	s5 =	sadd.s32 s5, s24;
	[sflag:s4] =	ssyncadd.s32 $0xFFFFFC00  }
0xb: {  	[tilespmem:s6], [sflag:$0x2] =	stream.linear.gather [hbm4b:s5+s2], $0x10000, $0x38;
	[tilespmem:$0x10400] =	vst v63  }
0xc: {  	_ =	swait.ge [sflag:s4], $0x10000  }
0xd: {  	s9 =	simm.s32 $0x80;
	[sflag:s4] =	ssyncset.done $0x0  }
0xe: {  	s8 =	simm.s32 $0x1;
	s7 =	sadd.s32 $0xC4200, s28;
	[sflag:s4] =	ssyncadd.s32 $0xFFFF0000  }
0xf: {  	[hbm4b:s7+s9] =	stream.indirect.scatter [tilespmem:s6], [sflag:$0x1], $0x40, s2, s9, $0xb8;
	[tilespmem:$0x10400] =	vst v63  }
0x10: {  	_ =	swait.ge [sflag:s8], $0x2000  }
0x11: {  	[sflag:s8] =	ssyncset.done $0x0  }
0x12: {  	s10 =	simm.s32 $0x2400;
	[sflag:s8] =	ssyncadd.s32 $0xFFFFE000  }
0x13: {  	[hbm4b:s7+s9] =	stream.indirect.scatter [tilespmem:s10], [sflag:$0x1], $0x40, s9, s9, $0xb8;
	[tilespmem:$0x10400] =	vst v63  }
0x14: {  	_ =	swait.ge [sflag:s8], $0x2000  }
0x15: {  	[sflag:s8] =	ssyncset.done $0x0  }
0x16: {  	s11 =	simm.s32 $0x100;
	s12 =	simm.s32 $0x4400;
	[sflag:s8] =	ssyncadd.s32 $0xFFFFE000  }
0x17: {  	[hbm4b:s7+s9] =	stream.indirect.scatter [tilespmem:s12], [sflag:$0x1], $0x40, s11, s9, $0xb8;
	[tilespmem:$0x10400] =	vst v63  }
0x18: {  	_ =	swait.ge [sflag:s8], $0x2000  }
0x19: {  	[sflag:s8] =	ssyncset.done $0x0  }
0x1a: {  	s13 =	simm.s32 $0x180;
	s14 =	simm.s32 $0x6400;
	[sflag:s8] =	ssyncadd.s32 $0xFFFFE000  }
0x1b: {  	[hbm4b:s7+s9] =	stream.indirect.scatter [tilespmem:s14], [sflag:$0x1], $0x40, s13, s9, $0xb8;
	[tilespmem:$0x10400] =	vst v63  }
0x1c: {  	_ =	swait.ge [sflag:s8], $0x2000  }
0x1d: {  	[sflag:s8] =	ssyncset.done $0x0  }
0x1e: {  	s15 =	simm.s32 $0x200;
	s16 =	simm.s32 $0x8400;
	[sflag:s8] =	ssyncadd.s32 $0xFFFFE000  }
0x1f: {  	[hbm4b:s7+s9] =	stream.indirect.scatter [tilespmem:s16], [sflag:$0x1], $0x40, s15, s9, $0xb8;
	[tilespmem:$0x10400] =	vst v63  }
0x20: {  	_ =	swait.ge [sflag:s8], $0x2000  }
0x21: {  	[sflag:s8] =	ssyncset.done $0x0  }
0x22: {  	s17 =	simm.s32 $0x280;
	s18 =	simm.s32 $0xA400;
	[sflag:s8] =	ssyncadd.s32 $0xFFFFE000  }
0x23: {  	[hbm4b:s7+s9] =	stream.indirect.scatter [tilespmem:s18], [sflag:$0x1], $0x40, s17, s9, $0xb8;
	[tilespmem:$0x10400] =	vst v63  }
0x24: {  	_ =	swait.ge [sflag:s8], $0x2000  }
0x25: {  	[sflag:s8] =	ssyncset.done $0x0  }
0x26: {  	s19 =	simm.s32 $0x300;
	s20 =	simm.s32 $0xC400;
	[sflag:s8] =	ssyncadd.s32 $0xFFFFE000  }
0x27: {  	[hbm4b:s7+s9] =	stream.indirect.scatter [tilespmem:s20], [sflag:$0x1], $0x40, s19, s9, $0xb8;
	[tilespmem:$0x10400] =	vst v63  }
0x28: {  	_ =	swait.ge [sflag:s8], $0x2000  }
0x29: {  	[sflag:s8] =	ssyncset.done $0x0  }
0x2a: {  	s21 =	simm.s32 $0x380;
	s22 =	simm.s32 $0xE400;
	[sflag:s8] =	ssyncadd.s32 $0xFFFFE000  }
0x2b: {  	[hbm4b:s7+s9] =	stream.indirect.scatter [tilespmem:s22], [sflag:$0x1], $0x40, s21, s9, $0xb8;
	[tilespmem:$0x10400] =	vst v63  }
0x2c: {  	_ =	swait.ge [sflag:s8], $0x2000  }
0x2d: {  	[sflag:s8] =	ssyncset.done $0x0  }
0x2e: {  	s23 =	sadd.s32 $0x83200, s23;
	[sflag:s8] =	ssyncadd.s32 $0xFFFFE000  }
0x2f: {  	[tilespmem:s2], [sflag:$0x2] =	stream.linear.gather [hbm4b:s23+s2], $0x400, $0x38;
	[tilespmem:$0x10400] =	vst v63  }
0x30: {  	_ =	swait.ge [sflag:s4], $0x400  }
0x31: {  	s26 =	sadd.s32 s24, s28;
	[sflag:s4] =	ssyncset.done $0x0  }
0x32: {  	s24 =	sadd.s32 $0x84200, s26;
	[sflag:s4] =	ssyncadd.s32 $0xFFFFFC00  }
0x33: {  	[tilespmem:s6], [sflag:$0x2] =	stream.linear.gather [hbm4b:s24+s2], $0x10000, $0x38;
	[tilespmem:$0x10400] =	vst v63  }
0x34: {  	_ =	swait.ge [sflag:s4], $0x10000  }
0x35: {  	[sflag:s4] =	ssyncset.done $0x0  }
0x36: {  	s25 =	sadd.s32 $0x42000, s28;
	[sflag:s4] =	ssyncadd.s32 $0xFFFF0000  }
0x37: {  	[hbm4b:s25+s9] =	stream.indirect.scatter [tilespmem:s6], [sflag:$0x1], $0x40, s2, s9, $0xb8;
	[tilespmem:$0x10400] =	vst v63  }
0x38: {  	_ =	swait.ge [sflag:s8], $0x2000  }
0x39: {  	[sflag:s8] =	ssyncset.done $0x0  }
0x3a: {  	[sflag:s8] =	ssyncadd.s32 $0xFFFFE000  }
0x3b: {  	[hbm4b:s25+s9] =	stream.indirect.scatter [tilespmem:s10], [sflag:$0x1], $0x40, s9, s9, $0xb8;
	[tilespmem:$0x10400] =	vst v63  }
0x3c: {  	_ =	swait.ge [sflag:s8], $0x2000  }
0x3d: {  	[sflag:s8] =	ssyncset.done $0x0  }
0x3e: {  	[sflag:s8] =	ssyncadd.s32 $0xFFFFE000  }
0x3f: {  	[hbm4b:s25+s9] =	stream.indirect.scatter [tilespmem:s12], [sflag:$0x1], $0x40, s11, s9, $0xb8;
	[tilespmem:$0x10400] =	vst v63  }
0x40: {  	_ =	swait.ge [sflag:s8], $0x2000  }
0x41: {  	[sflag:s8] =	ssyncset.done $0x0  }
0x42: {  	[sflag:s8] =	ssyncadd.s32 $0xFFFFE000  }
0x43: {  	[hbm4b:s25+s9] =	stream.indirect.scatter [tilespmem:s14], [sflag:$0x1], $0x40, s13, s9, $0xb8;
	[tilespmem:$0x10400] =	vst v63  }
0x44: {  	_ =	swait.ge [sflag:s8], $0x2000  }
0x45: {  	[sflag:s8] =	ssyncset.done $0x0  }
0x46: {  	[sflag:s8] =	ssyncadd.s32 $0xFFFFE000  }
0x47: {  	[hbm4b:s25+s9] =	stream.indirect.scatter [tilespmem:s16], [sflag:$0x1], $0x40, s15, s9, $0xb8;
	[tilespmem:$0x10400] =	vst v63  }
0x48: {  	_ =	swait.ge [sflag:s8], $0x2000  }
0x49: {  	[sflag:s8] =	ssyncset.done $0x0  }
0x4a: {  	[sflag:s8] =	ssyncadd.s32 $0xFFFFE000  }
0x4b: {  	[hbm4b:s25+s9] =	stream.indirect.scatter [tilespmem:s18], [sflag:$0x1], $0x40, s17, s9, $0xb8;
	[tilespmem:$0x10400] =	vst v63  }
0x4c: {  	_ =	swait.ge [sflag:s8], $0x2000  }
0x4d: {  	[sflag:s8] =	ssyncset.done $0x0  }
0x4e: {  	[sflag:s8] =	ssyncadd.s32 $0xFFFFE000  }
0x4f: {  	[hbm4b:s25+s9] =	stream.indirect.scatter [tilespmem:s20], [sflag:$0x1], $0x40, s19, s9, $0xb8;
	[tilespmem:$0x10400] =	vst v63  }
0x50: {  	_ =	swait.ge [sflag:s8], $0x2000  }
0x51: {  	[sflag:s8] =	ssyncset.done $0x0  }
0x52: {  	[sflag:s8] =	ssyncadd.s32 $0xFFFFE000  }
0x53: {  	[hbm4b:s25+s9] =	stream.indirect.scatter [tilespmem:s22], [sflag:$0x1], $0x40, s21, s9, $0xb8;
	[tilespmem:$0x10400] =	vst v63  }
0x54: {  	_ =	swait.ge [sflag:s8], $0x2000  }
0x55: {  	[sflag:s8] =	ssyncset.done $0x0  }
0x56: {  	s26 =	sadd.s32 $0x2000, s26;
	[sflag:s8] =	ssyncadd.s32 $0xFFFFE000  }
0x57: {  	[tilespmem:s6], [sflag:$0x2] =	stream.linear.gather [hbm4b:s26+s2], $0x10000, $0x38;
	[tilespmem:$0x10400] =	vst v63  }
0x58: {  	_ =	swait.ge [sflag:s4], $0x10000  }
0x59: {  	[sflag:s4] =	ssyncset.done $0x0  }
0x5a: {  	s28 =	sadd.s32 $0x104200, s28;
	[sflag:s4] =	ssyncadd.s32 $0xFFFF0000  }
0x5b: {  	[hbm4b:s28+s9] =	stream.indirect.scatter [tilespmem:s6], [sflag:$0x1], $0x40, s2, s9, $0xb8;
	[tilespmem:$0x10400] =	vst v63  }
0x5c: {  	_ =	swait.ge [sflag:s8], $0x2000  }
0x5d: {  	[sflag:s8] =	ssyncset.done $0x0  }
0x5e: {  	[sflag:s8] =	ssyncadd.s32 $0xFFFFE000  }
0x5f: {  	[hbm4b:s28+s9] =	stream.indirect.scatter [tilespmem:s10], [sflag:$0x1], $0x40, s9, s9, $0xb8;
	[tilespmem:$0x10400] =	vst v63  }
0x60: {  	_ =	swait.ge [sflag:s8], $0x2000  }
0x61: {  	[sflag:s8] =	ssyncset.done $0x0  }
0x62: {  	[sflag:s8] =	ssyncadd.s32 $0xFFFFE000  }
0x63: {  	[hbm4b:s28+s9] =	stream.indirect.scatter [tilespmem:s12], [sflag:$0x1], $0x40, s11, s9, $0xb8;
	[tilespmem:$0x10400] =	vst v63  }
0x64: {  	_ =	swait.ge [sflag:s8], $0x2000  }
0x65: {  	[sflag:s8] =	ssyncset.done $0x0  }
0x66: {  	[sflag:s8] =	ssyncadd.s32 $0xFFFFE000  }
0x67: {  	[hbm4b:s28+s9] =	stream.indirect.scatter [tilespmem:s14], [sflag:$0x1], $0x40, s13, s9, $0xb8;
	[tilespmem:$0x10400] =	vst v63  }
0x68: {  	_ =	swait.ge [sflag:s8], $0x2000  }
0x69: {  	[sflag:s8] =	ssyncset.done $0x0  }
0x6a: {  	[sflag:s8] =	ssyncadd.s32 $0xFFFFE000  }
0x6b: {  	[hbm4b:s28+s9] =	stream.indirect.scatter [tilespmem:s16], [sflag:$0x1], $0x40, s15, s9, $0xb8;
	[tilespmem:$0x10400] =	vst v63  }
0x6c: {  	_ =	swait.ge [sflag:s8], $0x2000  }
0x6d: {  	[sflag:s8] =	ssyncset.done $0x0  }
0x6e: {  	s29 =	ssub.s32 $0x2, s29;
	[sflag:s8] =	ssyncadd.s32 $0xFFFFE000  }
0x6f: {  	[hbm4b:s28+s9] =	stream.indirect.scatter [tilespmem:s18], [sflag:$0x1], $0x40, s17, s9, $0xb8;
	[tilespmem:$0x10400] =	vst v63  }
0x70: {  	s30 =	sshrl.u32 s29, $0x1;
	_ =	swait.ge [sflag:s8], $0x2000  }
0x71: {  	s29 =	ssub.s32 s29, s30;
	[sflag:s8] =	ssyncset.done $0x0  }
0x72: {  	s29 =	smax.u32 s29, $0x1;
	[sflag:s8] =	ssyncadd.s32 $0xFFFFE000  }
0x73: {  	[hbm4b:s28+s9] =	stream.indirect.scatter [tilespmem:s20], [sflag:$0x1], $0x40, s19, s9, $0xb8;
	[tilespmem:$0x10400] =	vst v63  }
0x74: {  	p0 =	sne.s32 s29, $0x1;
	_ =	swait.ge [sflag:s8], $0x2000  }
.Ltmp0:
0x75: {  	[sflag:s8] =	ssyncset.done $0x0;
	(pc) =	sbr.rel @!p0 .LBB2_2-.Ltmp0, $4  }
0x76: {  	[sflag:s8] =	ssyncadd.s32 $0xFFFFE000  }
0x77: {  	[hbm4b:s28+s9] =	stream.indirect.scatter [tilespmem:s22], [sflag:$0x1], $0x40, s21, s9, $0xb8;
	[tilespmem:$0x10400] =	vst v63  }
0x78: {  	_ =	swait.ge [sflag:s8], $0x2000  }
0x79: {  	s29 =	sadd.s32 $0xFFFFFFFF, s29;
	[sflag:s8] =	ssyncset.done $0x0  }
.LBB2_1:
0x7a: {  	p0 =	sne.s32 s29, $0x1;
	s29 =	sadd.s32 $0xFFFFFFFF, s29;
	[sflag:s8] =	ssyncadd.s32 $0xFFFFE000  }
0x7b: {  	[tilespmem:s2], [sflag:$0x2] =	stream.linear.gather [hbm4b:s3+s2], $0x400, $0x38;
	[tilespmem:$0x10400] =	vst v63  }
0x7c: {  	_ =	swait.ge [sflag:s4], $0x400  }
0x7d: {  	[sflag:s4] =	ssyncset.done $0x0  }
0x7e: {  	[sflag:s4] =	ssyncadd.s32 $0xFFFFFC00  }
0x7f: {  	[tilespmem:s6], [sflag:$0x2] =	stream.linear.gather [hbm4b:s5+s2], $0x10000, $0x38;
	[tilespmem:$0x10400] =	vst v63  }
0x80: {  	_ =	swait.ge [sflag:s4], $0x10000  }
0x81: {  	[sflag:s4] =	ssyncset.done $0x0  }
0x82: {  	[sflag:s4] =	ssyncadd.s32 $0xFFFF0000  }
0x83: {  	[hbm4b:s7+s9] =	stream.indirect.scatter [tilespmem:s6], [sflag:$0x1], $0x40, s2, s9, $0xb8;
	[tilespmem:$0x10400] =	vst v63  }
0x84: {  	_ =	swait.ge [sflag:s8], $0x2000  }
0x85: {  	[sflag:s8] =	ssyncset.done $0x0  }
0x86: {  	[sflag:s8] =	ssyncadd.s32 $0xFFFFE000  }
0x87: {  	[hbm4b:s7+s9] =	stream.indirect.scatter [tilespmem:s10], [sflag:$0x1], $0x40, s9, s9, $0xb8;
	[tilespmem:$0x10400] =	vst v63  }
0x88: {  	_ =	swait.ge [sflag:s8], $0x2000  }
0x89: {  	[sflag:s8] =	ssyncset.done $0x0  }
0x8a: {  	[sflag:s8] =	ssyncadd.s32 $0xFFFFE000  }
0x8b: {  	[hbm4b:s7+s9] =	stream.indirect.scatter [tilespmem:s12], [sflag:$0x1], $0x40, s11, s9, $0xb8;
	[tilespmem:$0x10400] =	vst v63  }
0x8c: {  	_ =	swait.ge [sflag:s8], $0x2000  }
0x8d: {  	[sflag:s8] =	ssyncset.done $0x0  }
0x8e: {  	[sflag:s8] =	ssyncadd.s32 $0xFFFFE000  }
0x8f: {  	[hbm4b:s7+s9] =	stream.indirect.scatter [tilespmem:s14], [sflag:$0x1], $0x40, s13, s9, $0xb8;
	[tilespmem:$0x10400] =	vst v63  }
0x90: {  	_ =	swait.ge [sflag:s8], $0x2000  }
0x91: {  	[sflag:s8] =	ssyncset.done $0x0  }
0x92: {  	[sflag:s8] =	ssyncadd.s32 $0xFFFFE000  }
0x93: {  	[hbm4b:s7+s9] =	stream.indirect.scatter [tilespmem:s16], [sflag:$0x1], $0x40, s15, s9, $0xb8;
	[tilespmem:$0x10400] =	vst v63  }
0x94: {  	_ =	swait.ge [sflag:s8], $0x2000  }
0x95: {  	[sflag:s8] =	ssyncset.done $0x0  }
0x96: {  	[sflag:s8] =	ssyncadd.s32 $0xFFFFE000  }
0x97: {  	[hbm4b:s7+s9] =	stream.indirect.scatter [tilespmem:s18], [sflag:$0x1], $0x40, s17, s9, $0xb8;
	[tilespmem:$0x10400] =	vst v63  }
0x98: {  	_ =	swait.ge [sflag:s8], $0x2000  }
0x99: {  	[sflag:s8] =	ssyncset.done $0x0  }
0x9a: {  	[sflag:s8] =	ssyncadd.s32 $0xFFFFE000  }
0x9b: {  	[hbm4b:s7+s9] =	stream.indirect.scatter [tilespmem:s20], [sflag:$0x1], $0x40, s19, s9, $0xb8;
	[tilespmem:$0x10400] =	vst v63  }
0x9c: {  	_ =	swait.ge [sflag:s8], $0x2000  }
0x9d: {  	[sflag:s8] =	ssyncset.done $0x0  }
0x9e: {  	[sflag:s8] =	ssyncadd.s32 $0xFFFFE000  }
0x9f: {  	[hbm4b:s7+s9] =	stream.indirect.scatter [tilespmem:s22], [sflag:$0x1], $0x40, s21, s9, $0xb8;
	[tilespmem:$0x10400] =	vst v63  }
0xa0: {  	_ =	swait.ge [sflag:s8], $0x2000  }
0xa1: {  	[sflag:s8] =	ssyncset.done $0x0  }
0xa2: {  	[sflag:s8] =	ssyncadd.s32 $0xFFFFE000  }
0xa3: {  	[tilespmem:s2], [sflag:$0x2] =	stream.linear.gather [hbm4b:s23+s2], $0x400, $0x38;
	[tilespmem:$0x10400] =	vst v63  }
0xa4: {  	_ =	swait.ge [sflag:s4], $0x400  }
0xa5: {  	[sflag:s4] =	ssyncset.done $0x0  }
0xa6: {  	[sflag:s4] =	ssyncadd.s32 $0xFFFFFC00  }
0xa7: {  	[tilespmem:s6], [sflag:$0x2] =	stream.linear.gather [hbm4b:s24+s2], $0x10000, $0x38;
	[tilespmem:$0x10400] =	vst v63  }
0xa8: {  	_ =	swait.ge [sflag:s4], $0x10000  }
0xa9: {  	[sflag:s4] =	ssyncset.done $0x0  }
0xaa: {  	[sflag:s4] =	ssyncadd.s32 $0xFFFF0000  }
0xab: {  	[hbm4b:s25+s9] =	stream.indirect.scatter [tilespmem:s6], [sflag:$0x1], $0x40, s2, s9, $0xb8;
	[tilespmem:$0x10400] =	vst v63  }
0xac: {  	_ =	swait.ge [sflag:s8], $0x2000  }
0xad: {  	[sflag:s8] =	ssyncset.done $0x0  }
0xae: {  	[sflag:s8] =	ssyncadd.s32 $0xFFFFE000  }
0xaf: {  	[hbm4b:s25+s9] =	stream.indirect.scatter [tilespmem:s10], [sflag:$0x1], $0x40, s9, s9, $0xb8;
	[tilespmem:$0x10400] =	vst v63  }
0xb0: {  	_ =	swait.ge [sflag:s8], $0x2000  }
0xb1: {  	[sflag:s8] =	ssyncset.done $0x0  }
0xb2: {  	[sflag:s8] =	ssyncadd.s32 $0xFFFFE000  }
0xb3: {  	[hbm4b:s25+s9] =	stream.indirect.scatter [tilespmem:s12], [sflag:$0x1], $0x40, s11, s9, $0xb8;
	[tilespmem:$0x10400] =	vst v63  }
0xb4: {  	_ =	swait.ge [sflag:s8], $0x2000  }
0xb5: {  	[sflag:s8] =	ssyncset.done $0x0  }
0xb6: {  	[sflag:s8] =	ssyncadd.s32 $0xFFFFE000  }
0xb7: {  	[hbm4b:s25+s9] =	stream.indirect.scatter [tilespmem:s14], [sflag:$0x1], $0x40, s13, s9, $0xb8;
	[tilespmem:$0x10400] =	vst v63  }
0xb8: {  	_ =	swait.ge [sflag:s8], $0x2000  }
0xb9: {  	[sflag:s8] =	ssyncset.done $0x0  }
0xba: {  	[sflag:s8] =	ssyncadd.s32 $0xFFFFE000  }
0xbb: {  	[hbm4b:s25+s9] =	stream.indirect.scatter [tilespmem:s16], [sflag:$0x1], $0x40, s15, s9, $0xb8;
	[tilespmem:$0x10400] =	vst v63  }
0xbc: {  	_ =	swait.ge [sflag:s8], $0x2000  }
0xbd: {  	[sflag:s8] =	ssyncset.done $0x0  }
0xbe: {  	[sflag:s8] =	ssyncadd.s32 $0xFFFFE000  }
0xbf: {  	[hbm4b:s25+s9] =	stream.indirect.scatter [tilespmem:s18], [sflag:$0x1], $0x40, s17, s9, $0xb8;
	[tilespmem:$0x10400] =	vst v63  }
0xc0: {  	_ =	swait.ge [sflag:s8], $0x2000  }
0xc1: {  	[sflag:s8] =	ssyncset.done $0x0  }
0xc2: {  	[sflag:s8] =	ssyncadd.s32 $0xFFFFE000  }
0xc3: {  	[hbm4b:s25+s9] =	stream.indirect.scatter [tilespmem:s20], [sflag:$0x1], $0x40, s19, s9, $0xb8;
	[tilespmem:$0x10400] =	vst v63  }
0xc4: {  	_ =	swait.ge [sflag:s8], $0x2000  }
0xc5: {  	[sflag:s8] =	ssyncset.done $0x0  }
0xc6: {  	[sflag:s8] =	ssyncadd.s32 $0xFFFFE000  }
0xc7: {  	[hbm4b:s25+s9] =	stream.indirect.scatter [tilespmem:s22], [sflag:$0x1], $0x40, s21, s9, $0xb8;
	[tilespmem:$0x10400] =	vst v63  }
0xc8: {  	_ =	swait.ge [sflag:s8], $0x2000  }
0xc9: {  	[sflag:s8] =	ssyncset.done $0x0  }
0xca: {  	[sflag:s8] =	ssyncadd.s32 $0xFFFFE000  }
0xcb: {  	[tilespmem:s6], [sflag:$0x2] =	stream.linear.gather [hbm4b:s26+s2], $0x10000, $0x38;
	[tilespmem:$0x10400] =	vst v63  }
0xcc: {  	_ =	swait.ge [sflag:s4], $0x10000  }
0xcd: {  	[sflag:s4] =	ssyncset.done $0x0  }
0xce: {  	[sflag:s4] =	ssyncadd.s32 $0xFFFF0000  }
0xcf: {  	[hbm4b:s28+s9] =	stream.indirect.scatter [tilespmem:s6], [sflag:$0x1], $0x40, s2, s9, $0xb8;
	[tilespmem:$0x10400] =	vst v63  }
0xd0: {  	_ =	swait.ge [sflag:s8], $0x2000  }
0xd1: {  	[sflag:s8] =	ssyncset.done $0x0  }
0xd2: {  	[sflag:s8] =	ssyncadd.s32 $0xFFFFE000  }
0xd3: {  	[hbm4b:s28+s9] =	stream.indirect.scatter [tilespmem:s10], [sflag:$0x1], $0x40, s9, s9, $0xb8;
	[tilespmem:$0x10400] =	vst v63  }
0xd4: {  	_ =	swait.ge [sflag:s8], $0x2000  }
0xd5: {  	[sflag:s8] =	ssyncset.done $0x0  }
0xd6: {  	[sflag:s8] =	ssyncadd.s32 $0xFFFFE000  }
0xd7: {  	[hbm4b:s28+s9] =	stream.indirect.scatter [tilespmem:s12], [sflag:$0x1], $0x40, s11, s9, $0xb8;
	[tilespmem:$0x10400] =	vst v63  }
0xd8: {  	_ =	swait.ge [sflag:s8], $0x2000  }
0xd9: {  	[sflag:s8] =	ssyncset.done $0x0  }
0xda: {  	[sflag:s8] =	ssyncadd.s32 $0xFFFFE000  }
0xdb: {  	[hbm4b:s28+s9] =	stream.indirect.scatter [tilespmem:s14], [sflag:$0x1], $0x40, s13, s9, $0xb8;
	[tilespmem:$0x10400] =	vst v63  }
0xdc: {  	_ =	swait.ge [sflag:s8], $0x2000  }
0xdd: {  	[sflag:s8] =	ssyncset.done $0x0  }
0xde: {  	[sflag:s8] =	ssyncadd.s32 $0xFFFFE000  }
0xdf: {  	[hbm4b:s28+s9] =	stream.indirect.scatter [tilespmem:s16], [sflag:$0x1], $0x40, s15, s9, $0xb8;
	[tilespmem:$0x10400] =	vst v63  }
0xe0: {  	_ =	swait.ge [sflag:s8], $0x2000  }
0xe1: {  	[sflag:s8] =	ssyncset.done $0x0  }
0xe2: {  	[sflag:s8] =	ssyncadd.s32 $0xFFFFE000  }
0xe3: {  	[hbm4b:s28+s9] =	stream.indirect.scatter [tilespmem:s18], [sflag:$0x1], $0x40, s17, s9, $0xb8;
	[tilespmem:$0x10400] =	vst v63  }
0xe4: {  	_ =	swait.ge [sflag:s8], $0x2000  }
0xe5: {  	[sflag:s8] =	ssyncset.done $0x0  }
0xe6: {  	[sflag:s8] =	ssyncadd.s32 $0xFFFFE000  }
0xe7: {  	[hbm4b:s28+s9] =	stream.indirect.scatter [tilespmem:s20], [sflag:$0x1], $0x40, s19, s9, $0xb8;
	[tilespmem:$0x10400] =	vst v63  }
0xe8: {  	_ =	swait.ge [sflag:s8], $0x2000  }
.Ltmp1:
0xe9: {  	[sflag:s8] =	ssyncset.done $0x0;
	(pc) =	sbr.rel @p0 .LBB2_1-.Ltmp1, $4  }
0xea: {  	[sflag:s8] =	ssyncadd.s32 $0xFFFFE000  }
0xeb: {  	[hbm4b:s28+s9] =	stream.indirect.scatter [tilespmem:s22], [sflag:$0x1], $0x40, s21, s9, $0xb8;
	[tilespmem:$0x10400] =	vst v63  }
0xec: {  	_ =	swait.ge [sflag:s8], $0x2000  }
0xed: {  	[sflag:s8] =	ssyncset.done $0x0  }
.LBB2_2:
0xee: {  	[sflag:s8] =	ssyncadd.s32 $0xFFFFE000  }
0xef: {  	_ =	sfence.sel $0x180000  }
0xf0: {  	[bflag:$0x0] =	sbarrier.arrive $0xFFFF  }
0xf1: {  	p0 =	sne.s32 s0, $0x0;
	_ =	strace $0x90000047  }
0xf2: {  	s0 =	sadd.s32 @!p0 $0x100000, s1;
	[bflag:$0x2] =	sbarrier.arrive $0xFFFF  }
0xf3: {  	[sflag:s0] =	ssyncadd.tile.s32 @!p0 $0x1;
	_ =	shalt  }
.Lfunc_end2:
_tile_overlayer_lowered:
.L_overlay_start_2:
0xf4: {  	(tag) =	ssettag $0x2  }
0xf5: {  	s0 =	rddreg [dreg:$0x0];
	s2 =	stileid.u32  }
0xf6: {  	s1 =	rddreg [dreg:$0x1];
	p0 =	sne.s32 s2, $0x0  }
0xf7: {  	s3 =	rddreg [dreg:$0x2];
	[bflag:$0x3] =	sbarrier.arrive $0xFFFF;
	s2 =	simm.s32 @!p0 $0x1C02  }
0xf8: {  	[timem:s3], [sflag:s2] =	dma.local @!p0 [hbm:s0], s1  }
0xf9: {  	s0 =	simm.s32 @!p0 $0x2  }
0xfa: {  	_ =	swait.ge @!p0 [sflag:s0], s1  }
0xfb: {  	s1 =	ssub.s32 @!p0 $0x0, s1;
	[sflag:s0] =	ssyncset.done @!p0 $0x0  }
0xfc: {  	[sflag:s0] =	ssyncadd.s32 @!p0 s1  }
0xfd: {  	[bflag:$0x3] =	sbarrier.arrive $0xFFFF  }
0xfe: {  	_ =	shalt  }

// kernel: kernel.9.cloned.1.call-start
scs
__scs_entry_jumppad:
0x0: {  	(pc) =	sbr.rel $0x88, $3  }
0x1: {  	(tag) =	ssettag $0x0;
	lr =	simm.s32 $0x1  }
0x2: {  	[smem:$0x3F9E] =	sst lr;
	_ =	strace $0xD0000000  }
0x3: {  	_ = 	snop  }
0x4: {  	_ = 	snop  }
0x5: {  	_ = 	snop  }
0x6: {  	_ = 	snop  }
0x7: {  	_ = 	snop  }
__scs_overlays_trampoline_lowered:
0x8: {  	[smem:$0x3FAD] =	sst s0  }
0x9: {  	[smem:$0x3FAE] =	sst s1  }
0xa: {  	[smem:$0x3FAF] =	sst s2  }
0xb: {  	[smem:$0x3FB0] =	sst s3  }
0xc: {  	[smem:$0x3FB1] =	sst s4  }
0xd: {  	[smem:$0x3FB2] =	sst s5  }
0xe: {  	[smem:$0x3FB3] =	sst s6  }
0xf: {  	[smem:$0x3FB4] =	sst s7  }
0x10: {  	[smem:$0x3FB5] =	sst s8  }
0x11: {  	[smem:$0x3FB6] =	sst s9;
	s0 =	simm.s32 @!p0 $0x0  }
0x12: {  	s1 =	sld [smem:$0x3F9C];
	s0 =	simm.s32 @p0 $0x1  }
0x13: {  	[smem:$0x3FB7] =	sst s0;
	s0 =	simm.s32 @!p1 $0x0  }
0x14: {  	s2 =	sld [smem:$0x3F9B];
	s0 =	simm.s32 @p1 $0x1  }
0x15: {  	[smem:$0x3FB8] =	sst s0;
	s0 =	simm.s32 @!p2 $0x0  }
0x16: {  	s3 =	sld [smem:$0x3FDB];
	s0 =	simm.s32 @p2 $0x1  }
0x17: {  	s4 =	simm.s32 $0x1BF5;
	[smem:$0x3FBA] =	sst s0  }
0x18: {  	s0 =	sld [smem:$0x3F9D];
	_ =	swait.ge [sflag:s4], $0x0  }
0x19: {  	s7 =	sld [smem:$0x3F9E]  }
0x1a: {  	s8 =	sadd.s32 $0xFFFFE003, lr  }
0x1b: {  	s9 =	sadd.s32 $0xFFFFFEF7, lr;
	s5 =	simm.s32 $0xFFFFFFFF;
	p2 =	slt.u32 s8, $0xFFFFF086  }
0x1c: {  	p1 =	slt.u32 s9, $0xF7A;
	s5 =	simm.s32 @!p2 $0x0  }
0x1d: {  	s5 =	simm.s32 @p1 $0x1;
	p0 =	seq.s32 s7, s2  }
0x1e: {  	s7 =	smul.u32 @!p0 $0xF7A, s2;
	p2 =	seq.s32 @!p0 s5, $0x0  }
0x1f: {  	s9 =	smul.u32 $0xF7A, s1;
	s8 =	simm.s32 @!p0 $0x1BF5;
	p2 =	por !p2, p0  }
0x20: {  	[sflag:s8] =	ssyncset.s32 @!p0 $0xFFFFF086;
	s6 =	sadd.s32 @!p0 s3, s7;
	s7 =	simm.s32 @!p0 $0x108  }
0x21: {  	s3 =	sadd.s32 s3, s9;
	s6 =	sadd.s32 @!p0 $0x88, s6;
	s7 =	simm.s32 @p2 $0x1082  }
0x22: {  	[simem:s7], [sflag:s8] =	dma.local @!p0 [hbm:s6], $0xF7A  }
0x23: {  	s9 =	sor.u32 $0xD0000000, s2;
	s6 =	simm.s32 $0x108;
	_ =	swait.ge @!p0 [sflag:s8], $0x0  }
0x24: {  	s3 =	sadd.s32 $0x88, s3;
	s6 =	simm.s32 @!p1 $0x1082;
	[sflag:s4] =	ssyncset.s32 $0xFFFFF086  }
0x25: {  	[simem:s6], [sflag:s4] =	dma.local [hbm:s3], $0xF7A  }
0x26: {  	[smem:$0x3F9E] =	sst s1;
	(tag) =	ssettag s2;
	_ =	strace s9  }
0x27: {  	s1 =	sld [smem:$0x3FAE]  }
0x28: {  	s2 =	sld [smem:$0x3FAF]  }
0x29: {  	s4 =	sld [smem:$0x3FB1]  }
0x2a: {  	p0 =	seq.s32 s5, $0x0;
	s5 =	sld [smem:$0x3FB2]  }
0x2b: {  	s6 =	sld [smem:$0x3FB3]  }
0x2c: {  	s7 =	sld [smem:$0x3FB4]  }
0x2d: {  	s3 =	simm.s32 $0x108;
	s8 =	sld [smem:$0x3FB5]  }
0x2e: {  	s3 =	simm.s32 @!p0 $0x1082;
	s9 =	sld [smem:$0x3FB6]  }
0x2f: {  	lr =	sadd.s32 s0, s3;
	s0 =	sld [smem:$0x3FAD]  }
0x30: {  	s3 =	sld [smem:$0x3FB0]  }
0x31: {  	[smem:$0x3FB9] =	sst s10  }
0x32: {  	s10 =	sld [smem:$0x3FB7];
	_ =	sdelay $0x3  }
0x33: {  	p0 =	seq.s32 s10, $0x1;
	s10 =	sld [smem:$0x3FB9];
	_ =	sdelay $0x3  }
0x34: {  	[smem:$0x3FB9] =	sst s10  }
0x35: {  	s10 =	sld [smem:$0x3FB8];
	_ =	sdelay $0x3  }
0x36: {  	p1 =	seq.s32 s10, $0x1;
	s10 =	sld [smem:$0x3FB9];
	_ =	sdelay $0x3  }
0x37: {  	[smem:$0x3FB9] =	sst s10  }
0x38: {  	s10 =	sld [smem:$0x3FBA]  }
0x39: {  	_ = 	snop;
	(pc) =	sbr.ind lr, $3  }
0x3a: {  	_ = 	snop  }
0x3b: {  	_ = 	snop  }
0x3c: {  	p2 =	seq.s32 s10, $0x1;
	s10 =	sld [smem:$0x3FB9]  }
0x3d: {  	_ =	shalt  }
0x3e: {  	_ =	shalt  }
0x3f: {  	_ =	shalt  }
0x40: {  	_ =	shalt  }
0x41: {  	_ =	shalt  }
0x42: {  	_ =	shalt  }
0x43: {  	_ =	shalt  }
0x44: {  	_ =	shalt  }
0x45: {  	_ =	shalt  }
0x46: {  	_ =	shalt  }
0x47: {  	_ =	shalt  }
0x48: {  	_ =	shalt  }
0x49: {  	_ =	shalt  }
0x4a: {  	_ =	shalt  }
0x4b: {  	_ =	shalt  }
0x4c: {  	_ =	shalt  }
0x4d: {  	_ =	shalt  }
0x4e: {  	_ =	shalt  }
0x4f: {  	_ =	shalt  }
0x50: {  	_ =	shalt  }
0x51: {  	_ =	shalt  }
0x52: {  	_ =	shalt  }
0x53: {  	_ =	shalt  }
0x54: {  	_ =	shalt  }
0x55: {  	_ =	shalt  }
0x56: {  	_ =	shalt  }
0x57: {  	_ =	shalt  }
0x58: {  	_ =	shalt  }
0x59: {  	_ =	shalt  }
0x5a: {  	_ =	shalt  }
0x5b: {  	_ =	shalt  }
0x5c: {  	_ =	shalt  }
0x5d: {  	_ =	shalt  }
0x5e: {  	_ =	shalt  }
0x5f: {  	_ =	shalt  }
0x60: {  	_ =	shalt  }
0x61: {  	_ =	shalt  }
0x62: {  	_ =	shalt  }
0x63: {  	_ =	shalt  }
0x64: {  	_ =	shalt  }
0x65: {  	_ =	shalt  }
0x66: {  	_ =	shalt  }
0x67: {  	_ =	shalt  }
0x68: {  	_ =	shalt  }
0x69: {  	_ =	shalt  }
0x6a: {  	_ =	shalt  }
0x6b: {  	_ =	shalt  }
0x6c: {  	_ =	shalt  }
0x6d: {  	_ =	shalt  }
0x6e: {  	_ =	shalt  }
0x6f: {  	_ =	shalt  }
0x70: {  	_ =	shalt  }
0x71: {  	_ =	shalt  }
0x72: {  	_ =	shalt  }
0x73: {  	_ =	shalt  }
0x74: {  	_ =	shalt  }
0x75: {  	_ =	shalt  }
0x76: {  	_ =	shalt  }
0x77: {  	_ =	shalt  }
0x78: {  	_ =	shalt  }
0x79: {  	_ =	shalt  }
0x7a: {  	_ =	shalt  }
0x7b: {  	_ =	shalt  }
0x7c: {  	_ =	shalt  }
0x7d: {  	_ =	shalt  }
0x7e: {  	_ =	shalt  }
0x7f: {  	_ =	shalt  }
0x80: {  	_ =	shalt  }
0x81: {  	_ =	shalt  }
0x82: {  	_ =	shalt  }
0x83: {  	_ =	shalt  }
0x84: {  	_ =	shalt  }
0x85: {  	_ =	shalt  }
0x86: {  	_ =	shalt  }
0x87: {  	_ =	shalt  }
.Lfunc_end0:
.L_simem_size_0:
called_computation.1_lowered:
.L_overlay_start_0:
0x88: {  	s2 =	sld [smem:$0x3FD9]  }
0x89: {  	s3 =	sld [smem:$0x3FFE];
	_ =	sdelay $0x1  }
0x8a: {  	s1 =	srdreg.scid  }
0x8b: {  	s0 =	sand.u32 $0x1, s1  }
0x8c: {  	s17 =	sshll.u32 s0, $0xA;
	s2 =	sadd.s32 s3, s2  }
0x8d: {  	s2 =	sadd.s32 s2, s17  }
0x8e: {  	[smem:$0x3FC5] =	sst s2  }
0x8f: {  	_ = 	snop  }
0x90: {  	s2 =	sld [smem:$0x3FD0];
	(tm) =	ssettm $0x1  }
0x91: {  	s18 =	sld [smem:$0x3FFB];
	_ =	sdelay $0x3  }
0x92: {  	_ =	strace s18  }
0x93: {  	s3 =	sld [smem:$0x3FFC];
	_ =	sdelay $0x3  }
0x94: {  	_ =	strace s3  }
0x95: {  	s3 =	sld [smem:$0x3FFD];
	_ =	sdelay $0x3  }
0x96: {  	_ =	strace s3  }
0x97: {  	_ =	strace $0x8FFFFFFF  }
0x98: {  	s19 =	sld [smem:$0x3FDB];
	_ =	sdelay $0x1  }
0x99: {  	s4 =	simm.s32 $_scs_section_size  }
0x9a: {  	s5 =	simm.s32 $_size__tile_overlayer_lowered;
	s6 =	simm.s32 $_tile_overlayer_lowered  }
0x9b: {  	s22 =	simm.s32 $0x1BFF;
	s21 =	sshll.u32 s6, $0x1;
	s3 =	sadd.s32 s4, s19  }
0x9c: {  	s7 =	simm.s32 $0x0;
	s20 =	sshll.u32 s5, $0x1;
	s5 =	sadd.s32 s21, s3  }
0x9d: {  	[timem:s7], [sflag:s22] =	dma.local [hbm:s5], s20  }
0x9e: {  	_ =	swait.ge [sflag:s22], s20  }
0x9f: {  	s4 =	ssub.s32 $0x0, s20;
	[sflag:s22] =	ssyncset.done $0x0  }
0xa0: {  	[sflag:s22] =	ssyncadd.s32 s4;
	_ =	sdelay $0x1  }
0xa1: {  	s23 =	simm.s32 $0x1B8B  }
0xa2: {  	_ =	swait.ge [sflag:s23], $0x1  }
0xa3: {  	[sflag:s23] =	ssyncset.done $0x0  }
0xa4: {  	s25 =	simm.s32 $0x1B8E;
	s24 =	sld [smem:$0x3FFE];
	[sflag:s23] =	ssyncadd.s32 $0xFFFFFFFF  }
0xa5: {  	s26 =	simm.s32 $execute0_lowered;
	[smem:$0x3FD2] =	sst s25  }
0xa6: {  	s5 =	sshll.u32 s26, $0x1;
	_ =	strace $0x80000049;
	[dreg:$0x1] =	wrdreg $0xFFFFFFFF  }
0xa7: {  	s28 =	simm.s32 $_size_execute0_lowered;
	s3 =	sadd.s32 s3, s5;
	[dreg:$0x0] =	wrdreg $0x0  }
0xa8: {  	s5 =	sshll.u32 s28, $0x1;
	[dreg:$0x2] =	wrdreg s3  }
0xa9: {  	[dreg:$0x3] =	wrdreg s5  }
0xaa: {  	[dreg:$0x4] =	wrdreg $0xC0  }
0xab: {  	_ =	task [dreg:s7], $0x5FFFF  }
0xac: {  	[dreg:$0x1] =	wrdreg $0xFFFFFFFF  }
0xad: {  	[dreg:$0x0] =	wrdreg $0x60  }
0xae: {  	[dreg:$0x2] =	wrdreg s2  }
0xaf: {  	[dreg:$0x3] =	wrdreg s24  }
0xb0: {  	[dreg:$0x4] =	wrdreg $0x9  }
0xb1: {  	_ =	task.clear_ibuf [dreg:s7], $0x5FFFF;
	_ =	strace $0x90000049  }
0xb2: {  	s29 =	simm.s32 $0x9;
	_ =	strace $0x8000004B  }
0xb3: {  	_ =	swait.ge [sflag:s29], $0x1  }
0xb4: {  	[sflag:s29] =	ssyncadd.s32 $0xFFFFFFFF  }
0xb5: {  	_ =	strace $0x9000004B  }
0xb6: {  	_ =	sfence  }
0xb7: {  	s30 =	sld [smem:$0x0];
	_ =	sdelay $0x2  }
0xb8: {  	s31 =	sshll.u32 s1, $0xD;
	s1 =	sshrl.u32 s1, $0x2  }
0xb9: {  	s3 =	sand.u32 $0x4000, s31;
	s1 =	sadd.s32 s1, s30  }
0xba: {  	s0 =	sor.u32 s3, s0;
	s1 =	sshll.u32 s1, $0x11  }
0xbb: {  	s0 =	sor.u32 s1, s0  }
0xbc: {  	s0 =	sadd.s32 $0x8F2B, s0  }
0xbd: {  	[sflag:s0] =	ssyncadd.remote.s32 $0x1  }
0xbe: {  	_ =	sfence.sel $0xFFFF  }
0xbf: {  	[dreg:$0x0] =	wrdreg $0xFFFFFFFF;
	(pc) =	sbr.abs _section_cstart, $3  }
0xc0: {  	[dreg:$0x1] =	wrdreg $0xFFFFFFFF  }
0xc1: {  	_ =	task.clear_ibuf [dreg:s7], $0x2FFFF;
	_ =	strace $0x9FFFFFFF  }
0xc2: {  	(tm) =	ssettm $0x7FFFFFFF  }
0xc3: {  	_ =	shalt  }
tec
execute0_lowered:
.L_overlay_start_1:
0x0: {  	(tag) =	ssettag $0x1  }
0x1: {  	s1 =	srdreg.scid;
	s0 =	stileid.u32  }
0x2: {  	s2 =	rddreg [dreg:$0x0];
	s20 =	sand.u32 $0x1, s1;
	s30 =	sshll.u32 s0, $0x1  }
0x3: {  	s22 =	rddreg [dreg:$0x1];
	s23 =	sor.u32 s20, s30  }
0x4: {  	s3 =	simm.s32 $0x0;
	s1 =	rddreg [dreg:$0x2];
	s4 =	sshll.u32 s23, $0x7  }
0x5: {  	[smem:$0x7FF] =	sst s3;
	s4 =	sadd.s32 s4, s22  }
0x6: {  	_ =	strace $0x8000004A;
	s5 =	sadd.s32 $0x82200, s4;
	s4 =	simm.s32 $0x2  }
0x7: {  	[tilespmem:s3], [sflag:$0x2] =	stream.linear.gather [hbm4b:s5+s3], $0x400, $0x38;
	[tilespmem:$0x10400] =	vst v63  }
0x8: {  	_ =	swait.ge [sflag:s4], $0x400  }
0x9: {  	s6 =	simm.s32 $0x80;
	[sflag:s4] =	ssyncset.done $0x0  }
0xa: {  	s7 =	simm.s32 $0x400;
	s8 =	simm.s32 $0x1;
	[sflag:s4] =	ssyncadd.s32 $0xFFFFFC00  }
0xb: {  	[tilespmem:s7], [sflag:$0x1] =	stream.indirect.gather [hbm4b:s2+s6], $0x40, s3, s6, $0xb8;
	[tilespmem:$0x10400] =	vst v63  }
0xc: {  	_ =	swait.ge [sflag:s8], $0x2000  }
0xd: {  	[sflag:s8] =	ssyncset.done $0x0  }
0xe: {  	s9 =	simm.s32 $0x2400;
	[sflag:s8] =	ssyncadd.s32 $0xFFFFE000  }
0xf: {  	[tilespmem:s9], [sflag:$0x1] =	stream.indirect.gather [hbm4b:s2+s6], $0x40, s6, s6, $0xb8;
	[tilespmem:$0x10400] =	vst v63  }
0x10: {  	_ =	swait.ge [sflag:s8], $0x2000  }
0x11: {  	[sflag:s8] =	ssyncset.done $0x0  }
0x12: {  	s10 =	simm.s32 $0x100;
	s11 =	simm.s32 $0x4400;
	[sflag:s8] =	ssyncadd.s32 $0xFFFFE000  }
0x13: {  	[tilespmem:s11], [sflag:$0x1] =	stream.indirect.gather [hbm4b:s2+s6], $0x40, s10, s6, $0xb8;
	[tilespmem:$0x10400] =	vst v63  }
0x14: {  	_ =	swait.ge [sflag:s8], $0x2000  }
0x15: {  	[sflag:s8] =	ssyncset.done $0x0  }
0x16: {  	s12 =	simm.s32 $0x180;
	s13 =	simm.s32 $0x6400;
	[sflag:s8] =	ssyncadd.s32 $0xFFFFE000  }
0x17: {  	[tilespmem:s13], [sflag:$0x1] =	stream.indirect.gather [hbm4b:s2+s6], $0x40, s12, s6, $0xb8;
	[tilespmem:$0x10400] =	vst v63  }
0x18: {  	_ =	swait.ge [sflag:s8], $0x2000  }
0x19: {  	[sflag:s8] =	ssyncset.done $0x0  }
0x1a: {  	s14 =	simm.s32 $0x200;
	s15 =	simm.s32 $0x8400;
	[sflag:s8] =	ssyncadd.s32 $0xFFFFE000  }
0x1b: {  	[tilespmem:s15], [sflag:$0x1] =	stream.indirect.gather [hbm4b:s2+s6], $0x40, s14, s6, $0xb8;
	[tilespmem:$0x10400] =	vst v63  }
0x1c: {  	_ =	swait.ge [sflag:s8], $0x2000  }
0x1d: {  	[sflag:s8] =	ssyncset.done $0x0  }
0x1e: {  	s16 =	simm.s32 $0x280;
	s17 =	simm.s32 $0xA400;
	[sflag:s8] =	ssyncadd.s32 $0xFFFFE000  }
0x1f: {  	[tilespmem:s17], [sflag:$0x1] =	stream.indirect.gather [hbm4b:s2+s6], $0x40, s16, s6, $0xb8;
	[tilespmem:$0x10400] =	vst v63  }
0x20: {  	_ =	swait.ge [sflag:s8], $0x2000  }
0x21: {  	s18 =	simm.s32 $0x300;
	s19 =	simm.s32 $0xC400;
	[sflag:s8] =	ssyncset.done $0x0  }
0x22: {  	s21 =	simm.s32 $0xE400;
	s24 =	ssub.s32 $0x2, s20;
	[sflag:s8] =	ssyncadd.s32 $0xFFFFE000  }
0x23: {  	[tilespmem:s19], [sflag:$0x1] =	stream.indirect.gather [hbm4b:s2+s6], $0x40, s18, s6, $0xb8;
	[tilespmem:$0x10400] =	vst v63  }
0x24: {  	s20 =	simm.s32 $0x380;
	s25 =	sshrl.u32 s24, $0x1;
	_ =	swait.ge [sflag:s8], $0x2000  }
0x25: {  	s23 =	sshll.u32 s23, $0xD;
	s31 =	ssub.s32 s24, s25;
	[sflag:s8] =	ssyncset.done $0x0  }
0x26: {  	s22 =	sadd.s32 s23, s22;
	s23 =	smax.u32 s31, $0x1;
	[sflag:s8] =	ssyncadd.s32 $0xFFFFE000  }
0x27: {  	[tilespmem:s21], [sflag:$0x1] =	stream.indirect.gather [hbm4b:s2+s6], $0x40, s20, s6, $0xb8;
	[tilespmem:$0x10400] =	vst v63  }
0x28: {  	p0 =	sne.s32 s23, $0x1;
	_ =	swait.ge [sflag:s8], $0x2000  }
.Ltmp0:
0x29: {  	[sflag:s8] =	ssyncset.done $0x0;
	(pc) =	sbr.rel @!p0 .LBB2_2-.Ltmp0, $4  }
0x2a: {  	s22 =	sadd.s32 $0x2000, s22;
	[sflag:s8] =	ssyncadd.s32 $0xFFFFE000  }
0x2b: {  	[hbm4b:s22+s3] =	stream.linear.scatter [tilespmem:s7], [sflag:$0x2], $0x10000, $0x38;
	[tilespmem:$0x10400] =	vst v63  }
0x2c: {  	_ =	swait.ge [sflag:s4], $0x10000  }
0x2d: {  	s23 =	sadd.s32 $0xFFFFFFFF, s23;
	[sflag:s4] =	ssyncset.done $0x0  }
.LBB2_1:
0x2e: {  	p0 =	sne.s32 s23, $0x1;
	s23 =	sadd.s32 $0xFFFFFFFF, s23;
	[sflag:s4] =	ssyncadd.s32 $0xFFFF0000  }
0x2f: {  	[tilespmem:s3], [sflag:$0x2] =	stream.linear.gather [hbm4b:s5+s3], $0x400, $0x38;
	[tilespmem:$0x10400] =	vst v63  }
0x30: {  	_ =	swait.ge [sflag:s4], $0x400  }
0x31: {  	[sflag:s4] =	ssyncset.done $0x0  }
0x32: {  	[sflag:s4] =	ssyncadd.s32 $0xFFFFFC00  }
0x33: {  	[tilespmem:s7], [sflag:$0x1] =	stream.indirect.gather [hbm4b:s2+s6], $0x40, s3, s6, $0xb8;
	[tilespmem:$0x10400] =	vst v63  }
0x34: {  	_ =	swait.ge [sflag:s8], $0x2000  }
0x35: {  	[sflag:s8] =	ssyncset.done $0x0  }
0x36: {  	[sflag:s8] =	ssyncadd.s32 $0xFFFFE000  }
0x37: {  	[tilespmem:s9], [sflag:$0x1] =	stream.indirect.gather [hbm4b:s2+s6], $0x40, s6, s6, $0xb8;
	[tilespmem:$0x10400] =	vst v63  }
0x38: {  	_ =	swait.ge [sflag:s8], $0x2000  }
0x39: {  	[sflag:s8] =	ssyncset.done $0x0  }
0x3a: {  	[sflag:s8] =	ssyncadd.s32 $0xFFFFE000  }
0x3b: {  	[tilespmem:s11], [sflag:$0x1] =	stream.indirect.gather [hbm4b:s2+s6], $0x40, s10, s6, $0xb8;
	[tilespmem:$0x10400] =	vst v63  }
0x3c: {  	_ =	swait.ge [sflag:s8], $0x2000  }
0x3d: {  	[sflag:s8] =	ssyncset.done $0x0  }
0x3e: {  	[sflag:s8] =	ssyncadd.s32 $0xFFFFE000  }
0x3f: {  	[tilespmem:s13], [sflag:$0x1] =	stream.indirect.gather [hbm4b:s2+s6], $0x40, s12, s6, $0xb8;
	[tilespmem:$0x10400] =	vst v63  }
0x40: {  	_ =	swait.ge [sflag:s8], $0x2000  }
0x41: {  	[sflag:s8] =	ssyncset.done $0x0  }
0x42: {  	[sflag:s8] =	ssyncadd.s32 $0xFFFFE000  }
0x43: {  	[tilespmem:s15], [sflag:$0x1] =	stream.indirect.gather [hbm4b:s2+s6], $0x40, s14, s6, $0xb8;
	[tilespmem:$0x10400] =	vst v63  }
0x44: {  	_ =	swait.ge [sflag:s8], $0x2000  }
0x45: {  	[sflag:s8] =	ssyncset.done $0x0  }
0x46: {  	[sflag:s8] =	ssyncadd.s32 $0xFFFFE000  }
0x47: {  	[tilespmem:s17], [sflag:$0x1] =	stream.indirect.gather [hbm4b:s2+s6], $0x40, s16, s6, $0xb8;
	[tilespmem:$0x10400] =	vst v63  }
0x48: {  	_ =	swait.ge [sflag:s8], $0x2000  }
0x49: {  	[sflag:s8] =	ssyncset.done $0x0  }
0x4a: {  	[sflag:s8] =	ssyncadd.s32 $0xFFFFE000  }
0x4b: {  	[tilespmem:s19], [sflag:$0x1] =	stream.indirect.gather [hbm4b:s2+s6], $0x40, s18, s6, $0xb8;
	[tilespmem:$0x10400] =	vst v63  }
0x4c: {  	_ =	swait.ge [sflag:s8], $0x2000  }
0x4d: {  	[sflag:s8] =	ssyncset.done $0x0  }
0x4e: {  	[sflag:s8] =	ssyncadd.s32 $0xFFFFE000  }
0x4f: {  	[tilespmem:s21], [sflag:$0x1] =	stream.indirect.gather [hbm4b:s2+s6], $0x40, s20, s6, $0xb8;
	[tilespmem:$0x10400] =	vst v63  }
0x50: {  	_ =	swait.ge [sflag:s8], $0x2000  }
.Ltmp1:
0x51: {  	[sflag:s8] =	ssyncset.done $0x0;
	(pc) =	sbr.rel @p0 .LBB2_1-.Ltmp1, $4  }
0x52: {  	[sflag:s8] =	ssyncadd.s32 $0xFFFFE000  }
0x53: {  	[hbm4b:s22+s3] =	stream.linear.scatter [tilespmem:s7], [sflag:$0x2], $0x10000, $0x38;
	[tilespmem:$0x10400] =	vst v63  }
0x54: {  	_ =	swait.ge [sflag:s4], $0x10000  }
0x55: {  	[sflag:s4] =	ssyncset.done $0x0  }
.LBB2_2:
0x56: {  	[sflag:s4] =	ssyncadd.s32 $0xFFFF0000  }
0x57: {  	_ =	sfence.sel $0x180000  }
0x58: {  	[bflag:$0x0] =	sbarrier.arrive $0xFFFF  }
0x59: {  	p0 =	sne.s32 s0, $0x0;
	_ =	strace $0x9000004A  }
0x5a: {  	s0 =	sadd.s32 @!p0 $0x100000, s1;
	[bflag:$0x2] =	sbarrier.arrive $0xFFFF  }
0x5b: {  	[sflag:s0] =	ssyncadd.tile.s32 @!p0 $0x1;
	_ =	shalt  }
.Lfunc_end2:
_tile_overlayer_lowered:
.L_overlay_start_2:
0x5c: {  	(tag) =	ssettag $0x2  }
0x5d: {  	s0 =	rddreg [dreg:$0x0];
	s2 =	stileid.u32  }
0x5e: {  	s1 =	rddreg [dreg:$0x1];
	p0 =	sne.s32 s2, $0x0  }
0x5f: {  	s3 =	rddreg [dreg:$0x2];
	[bflag:$0x3] =	sbarrier.arrive $0xFFFF;
	s2 =	simm.s32 @!p0 $0x1C02  }
0x60: {  	[timem:s3], [sflag:s2] =	dma.local @!p0 [hbm:s0], s1  }
0x61: {  	s0 =	simm.s32 @!p0 $0x2  }
0x62: {  	_ =	swait.ge @!p0 [sflag:s0], s1  }
0x63: {  	s1 =	ssub.s32 @!p0 $0x0, s1;
	[sflag:s0] =	ssyncset.done @!p0 $0x0  }
0x64: {  	[sflag:s0] =	ssyncadd.s32 @!p0 s1  }
0x65: {  	[bflag:$0x3] =	sbarrier.arrive $0xFFFF  }
0x66: {  	_ =	shalt  }

</sc_bundles>
